<compile_context>
chip_gen: v7x
topology: tpu7x:2x2x1
jax: 0.10.2.dev20260603
libtpu: 0.0.44.dev20260713+nightly
codegen_flags: <defaults>
</compile_context>

<pallas_src>
import functools

import jax
import jax.numpy as jnp
from jax import lax
from jax.experimental import pallas as pl
from jax.experimental.pallas import tpu as pltpu
from jax.experimental.pallas import tpu_sc as plsc

NC = 2
NS = 16
NW = NC * NS
CH = 112
DEPTH = 2


def _sc_gather_body(n_ch, idxl_hbm, idxr_hbm, h_hbm, c_hbm,
                    hl_out, hr_out, cl_out, cr_out,
                    idxl_v, idxr_v, *bufs_and_sems):
    wid = lax.axis_index("s") * NC + lax.axis_index("c")
    base = wid * (n_ch * CH)
    pltpu.sync_copy(idxl_hbm.at[pl.ds(base, n_ch * CH)], idxl_v)
    pltpu.sync_copy(idxr_hbm.at[pl.ds(base, n_ch * CH)], idxr_v)
    slots = [bufs_and_sems[5 * d:5 * d + 5] for d in range(DEPTH)]
    g_desc = [None] * DEPTH
    w_desc = [None] * DEPTH

    def gather(j):
        bhl, bhr, bcl, bcr, sem = slots[j % DEPTH]
        il = idxl_v.at[pl.ds(j * CH, CH)]
        ir = idxr_v.at[pl.ds(j * CH, CH)]
        g_desc[j % DEPTH] = [
            pltpu.async_copy(h_hbm.at[il], bhl, sem),
            pltpu.async_copy(h_hbm.at[ir], bhr, sem),
            pltpu.async_copy(c_hbm.at[il], bcl, sem),
            pltpu.async_copy(c_hbm.at[ir], bcr, sem),
        ]

    def issue_writeback(j):
        bhl, bhr, bcl, bcr, sem = slots[j % DEPTH]
        off = base + j * CH
        w_desc[j % DEPTH] = [
            pltpu.async_copy(bhl, hl_out.at[pl.ds(off, CH)], sem),
            pltpu.async_copy(bhr, hr_out.at[pl.ds(off, CH)], sem),
            pltpu.async_copy(bcl, cl_out.at[pl.ds(off, CH)], sem),
            pltpu.async_copy(bcr, cr_out.at[pl.ds(off, CH)], sem),
        ]

    def wait_w(j):
        for d in w_desc[j % DEPTH]:
            d.wait()

    gather(0)
    for j in range(n_ch):
        if j + 1 < n_ch:
            if j >= 1:
                wait_w(j - 1)
            gather(j + 1)
        for d in g_desc[j % DEPTH]:
            d.wait()
        issue_writeback(j)
    for k in range(max(0, n_ch - DEPTH), n_ch):
        wait_w(k)


def _sc_gather(idxl, idxr, h, c, n_ch):
    Hs = h.shape[1]
    P_pad = idxl.shape[0]
    out = jax.ShapeDtypeStruct((P_pad, Hs), jnp.float32)
    mesh = plsc.VectorSubcoreMesh(core_axis_name="c", subcore_axis_name="s")
    idxs = pltpu.VMEM((n_ch * CH,), jnp.int32)
    row = pltpu.VMEM((CH, Hs), jnp.float32)
    scratch = [idxs, idxs]
    for _ in range(DEPTH):
        scratch.extend([row, row, row, row, pltpu.SemaphoreType.DMA])
    fn = pl.kernel(
        functools.partial(_sc_gather_body, n_ch),
        out_type=(out, out, out, out),
        mesh=mesh,
        scratch_types=scratch,
    )
    return fn(idxl, idxr, h, c)


def _tc_body(Hs, hl_ref, hr_ref, cl_ref, cr_ref, W_ref, b_ref, ho_ref, co_ref):
    hl = hl_ref[...]
    hr = hr_ref[...]
    z = (jnp.dot(hl, W_ref[:Hs, :], preferred_element_type=jnp.float32)
         + jnp.dot(hr, W_ref[Hs:, :], preferred_element_type=jnp.float32)
         + b_ref[...])
    f = jax.nn.sigmoid(z[:, :2 * Hs])
    c_sum = f[:, :Hs] * cl_ref[...] + f[:, Hs:] * cr_ref[...]
    i = jax.nn.sigmoid(z[:, 2 * Hs:3 * Hs])
    o = jax.nn.sigmoid(z[:, 3 * Hs:4 * Hs])
    u = jnp.tanh(z[:, 4 * Hs:])
    c_out = i * u + c_sum
    co_ref[...] = c_out
    ho_ref[...] = o * jnp.tanh(c_out)


def _tc_dense(hl, hr, cl, cr, W, b, P, bp):
    Hs = hl.shape[1]
    grid = P // bp
    blk = pl.BlockSpec((bp, Hs), lambda i: (i, 0))
    wblk = pl.BlockSpec(W.shape, lambda i: (0, 0))
    bblk = pl.BlockSpec(b.shape, lambda i: (0, 0))
    out = jax.ShapeDtypeStruct((P, Hs), jnp.float32)
    return pl.pallas_call(
        functools.partial(_tc_body, Hs),
        grid=(grid,),
        in_specs=[blk, blk, blk, blk, wblk, bblk],
        out_specs=[blk, blk],
        out_shape=(out, out),
    )(hl, hr, cl, cr, W, b)


def kernel(h, c, child_idx, U_f, b_f, U_iou, b_iou):
    P = child_idx.shape[0]
    idx = child_idx.astype(jnp.int32)
    step = NW * CH
    P_pad = ((P + step - 1) // step) * step
    n_ch = P_pad // step
    pad = P_pad - P
    idxl = jnp.pad(idx[:, 0], (0, pad))
    idxr = jnp.pad(idx[:, 1], (0, pad))

    hl, hr, cl, cr = _sc_gather(idxl, idxr, h, c, n_ch)

    W = jnp.concatenate([U_f, U_iou], axis=1)
    b = jnp.concatenate([b_f, b_iou.reshape(-1)]).reshape(1, -1)
    bp = 2000
    while P % bp != 0:
        bp //= 2
    return _tc_dense(hl, hr, cl, cr, W, b, P, bp)

# --- scband reference (transcript-rebuilt; emitter-appended) ---
"""Pipeline reference for scband-tree-lstmdp-80229989089609 (READ-ONLY COPY).

The authoritative reference and input builder live on the scoring server;
editing this copy changes nothing except your own understanding.
"""

import jax, jax.numpy as jnp
import numpy as np

N = 100000
H = 128
P = 50000

def setup_inputs(seed: int = 0) -> dict:
    key = jax.random.key(seed)
    ks = jax.random.split(key, 8)
    h = jax.random.normal(ks[0], (N, H), dtype=jnp.float32)
    c = jax.random.normal(ks[1], (N, H), dtype=jnp.float32)
    child_idx = jax.random.randint(ks[2], (P, 2), 0, N, dtype=jnp.int64) if jax.config.jax_enable_x64 else jax.random.randint(ks[2], (P, 2), 0, N, dtype=jnp.int32)
    # learned parameters of TreeLSTMCellDP (nary, 2 children):
    U_f = jax.random.normal(ks[3], (2 * H, 2 * H), dtype=jnp.float32) * (1.0 / np.sqrt(2 * H))
    b_f = jnp.zeros((2 * H,), dtype=jnp.float32)
    U_iou = jax.random.normal(ks[4], (2 * H, 3 * H), dtype=jnp.float32) * (1.0 / np.sqrt(2 * H))
    b_iou = jnp.zeros((1, 3 * H), dtype=jnp.float32)
    return {"h": h, "c": c, "child_idx": child_idx, "U_f": U_f, "b_f": b_f, "U_iou": U_iou, "b_iou": b_iou}

def reference(h, c, child_idx, U_f, b_f, U_iou, b_iou):
    # One propagation step of the n-ary TreeLSTM cell (message_func + reduce_func + apply_node_func):
    # each parent gathers (h, c) from its 2 children, computes per-child forget gates,
    # sums gated child cells, computes iou gates, and produces new (h, c).
    Hs = h.shape[1]
    h_l = jnp.take(h, child_idx[:, 0], axis=0)
    h_r = jnp.take(h, child_idx[:, 1], axis=0)
    c_l = jnp.take(c, child_idx[:, 0], axis=0)
    c_r = jnp.take(c, child_idx[:, 1], axis=0)
    h_cat = jnp.concatenate([h_l, h_r], axis=-1)  # mailbox['h'].view(B, -1)
    f = jax.nn.sigmoid(h_cat @ U_f + b_f)          # th.sigmoid(self.U_f(h_cat))
    c_sum = f[:, :Hs] * c_l + f[:, Hs:] * c_r      # th.sum(f * mailbox['c'], 1)
    iou = h_cat @ U_iou + b_iou                    # self.U_iou(h_cat) + self.b_iou
    i, o, u = jnp.split(iou, 3, axis=1)
    i = jax.nn.sigmoid(i)
    o = jax.nn.sigmoid(o)
    u = jnp.tanh(u)
    c_out = i * u + c_sum
    h_out = o * jnp.tanh(c_out)
    return h_out, c_out

if __name__ == "__main__":
    import jax
    _d = setup_inputs()
    print(jax.jit(kernel)(*tuple(_d.values())))

</pallas_src>

<mosaic_0001>
#map = affine_map<(d0, d1) -> (0)>
#map1 = affine_map<(d0, d1) -> (0, 0)>
module attributes {stable_mosaic.version = 14 : i64} {
  func.func @_sc_gather_body(%arg0: i32, %arg1: i32, %arg2: memref<50176xi32, #tpu.memory_space<hbm>>, %arg3: memref<50176xi32, #tpu.memory_space<hbm>>, %arg4: memref<100000x128xf32, #tpu.memory_space<hbm>>, %arg5: memref<100000x128xf32, #tpu.memory_space<hbm>>, %arg6: memref<50176x128xf32, #tpu.memory_space<hbm>>, %arg7: memref<50176x128xf32, #tpu.memory_space<hbm>>, %arg8: memref<50176x128xf32, #tpu.memory_space<hbm>>, %arg9: memref<50176x128xf32, #tpu.memory_space<hbm>>, %arg10: memref<1568xi32, #tpu.memory_space<vmem>>, %arg11: memref<1568xi32, #tpu.memory_space<vmem>>, %arg12: memref<112x128xf32, #tpu.memory_space<vmem>>, %arg13: memref<112x128xf32, #tpu.memory_space<vmem>>, %arg14: memref<112x128xf32, #tpu.memory_space<vmem>>, %arg15: memref<112x128xf32, #tpu.memory_space<vmem>>, %arg16: memref<!tpu.dma_semaphore, #tpu.memory_space<semaphore_mem>>, %arg17: memref<112x128xf32, #tpu.memory_space<vmem>>, %arg18: memref<112x128xf32, #tpu.memory_space<vmem>>, %arg19: memref<112x128xf32, #tpu.memory_space<vmem>>, %arg20: memref<112x128xf32, #tpu.memory_space<vmem>>, %arg21: memref<!tpu.dma_semaphore, #tpu.memory_space<semaphore_mem>>) attributes {dimension_semantics = [#tpu.dimension_semantics<core_parallel>, #tpu.dimension_semantics<subcore_parallel>], iteration_bounds = array<i64: 2, 16>, scalar_prefetch = 0 : i64, scratch_operands = 12 : i64, tpu.core_type = #tpu.core_type<sc_vector_subcore>, window_params = [{transform_indices = #map}, {transform_indices = #map}, {transform_indices = #map1}, {transform_indices = #map1}, {transform_indices = #map1}, {transform_indices = #map1}, {transform_indices = #map1}, {transform_indices = #map1}]} {
    %mul3A = arith.constant 2 : i32
    %mul3A_0 = arith.muli %arg1, %mul3A : i32
    %add3A = arith.addi %mul3A_0, %arg0 : i32
    %mul3A_1 = arith.constant 1568 : i32
    %mul3A_2 = arith.muli %add3A, %mul3A_1 : i32
    "tpu.region"() ({
      %run_scoped3A = tpu.sem_alloc : memref<!tpu.dma_semaphore, #tpu.memory_space<semaphore_mem>>
      %dma_start3A_1037 = tpu.memref_slice %arg2[%mul3A_2] : memref<50176xi32, #tpu.memory_space<hbm>> -> memref<1568xi32, #tpu.memory_space<hbm>>
      %dma_start3A_1038 = tpu.memref_slice %arg2[%mul3A_2] : memref<50176xi32, #tpu.memory_space<hbm>> -> memref<1568xi32, #tpu.memory_space<hbm>>
      tpu.enqueue_dma source(%dma_start3A_1038 : memref<1568xi32, #tpu.memory_space<hbm>>) target(%arg10 : memref<1568xi32, #tpu.memory_space<vmem>>) target_semaphore(%run_scoped3A : memref<!tpu.dma_semaphore, #tpu.memory_space<semaphore_mem>>)
      %dma_wait3A_1039 = tpu.memref_slice %arg2[%mul3A_2] : memref<50176xi32, #tpu.memory_space<hbm>> -> memref<1568xi32, #tpu.memory_space<hbm>>
      %dma_wait3A_1040 = tpu.memref_slice %arg2[%mul3A_2] : memref<50176xi32, #tpu.memory_space<hbm>> -> memref<1568xi32, #tpu.memory_space<hbm>>
      tpu.wait_dma2 semaphore(%run_scoped3A : memref<!tpu.dma_semaphore, #tpu.memory_space<semaphore_mem>>) src(%dma_wait3A_1040 : memref<1568xi32, #tpu.memory_space<hbm>>) dst(%arg10 : memref<1568xi32, #tpu.memory_space<vmem>>)
      tpu.yield
    }) : () -> ()
    "tpu.region"() ({
      %run_scoped3A = tpu.sem_alloc : memref<!tpu.dma_semaphore, #tpu.memory_space<semaphore_mem>>
      %dma_start3A_1037 = tpu.memref_slice %arg3[%mul3A_2] : memref<50176xi32, #tpu.memory_space<hbm>> -> memref<1568xi32, #tpu.memory_space<hbm>>
      %dma_start3A_1038 = tpu.memref_slice %arg3[%mul3A_2] : memref<50176xi32, #tpu.memory_space<hbm>> -> memref<1568xi32, #tpu.memory_space<hbm>>
      tpu.enqueue_dma source(%dma_start3A_1038 : memref<1568xi32, #tpu.memory_space<hbm>>) target(%arg11 : memref<1568xi32, #tpu.memory_space<vmem>>) target_semaphore(%run_scoped3A : memref<!tpu.dma_semaphore, #tpu.memory_space<semaphore_mem>>)
      %dma_wait3A_1039 = tpu.memref_slice %arg3[%mul3A_2] : memref<50176xi32, #tpu.memory_space<hbm>> -> memref<1568xi32, #tpu.memory_space<hbm>>
      %dma_wait3A_1040 = tpu.memref_slice %arg3[%mul3A_2] : memref<50176xi32, #tpu.memory_space<hbm>> -> memref<1568xi32, #tpu.memory_space<hbm>>
      tpu.wait_dma2 semaphore(%run_scoped3A : memref<!tpu.dma_semaphore, #tpu.memory_space<semaphore_mem>>) src(%dma_wait3A_1040 : memref<1568xi32, #tpu.memory_space<hbm>>) dst(%arg11 : memref<1568xi32, #tpu.memory_space<vmem>>)
      tpu.yield
    }) : () -> ()
    %dma_start3A = arith.constant 0 : i32
    %dma_start3A_3 = tpu.memref_slice %arg10[%dma_start3A] : memref<1568xi32, #tpu.memory_space<vmem>> -> memref<112xi32, #tpu.memory_space<vmem>>
    %dma_start3A_4 = arith.constant 0 : i32
    %dma_start3A_5 = arith.constant 0 : i32
    %dma_start3A_6 = tpu.memref_slice %arg4[%dma_start3A_4, %dma_start3A_5] : memref<100000x128xf32, #tpu.memory_space<hbm>> -> memref<100000x128xf32, #tpu.memory_space<hbm>>
    tpu.enqueue_indirect_dma source(%dma_start3A_6 : memref<100000x128xf32, #tpu.memory_space<hbm>>) target(%arg12 : memref<112x128xf32, #tpu.memory_space<vmem>>) offsets(%dma_start3A_3 : memref<112xi32, #tpu.memory_space<vmem>>) semaphore(%arg16 : memref<!tpu.dma_semaphore, #tpu.memory_space<semaphore_mem>>)
    %dma_start3A_7 = arith.constant 0 : i32
    %dma_start3A_8 = tpu.memref_slice %arg11[%dma_start3A_7] : memref<1568xi32, #tpu.memory_space<vmem>> -> memref<112xi32, #tpu.memory_space<vmem>>
    %dma_start3A_9 = arith.constant 0 : i32
    %dma_start3A_10 = arith.constant 0 : i32
    %dma_start3A_11 = tpu.memref_slice %arg4[%dma_start3A_9, %dma_start3A_10] : memref<100000x128xf32, #tpu.memory_space<hbm>> -> memref<100000x128xf32, #tpu.memory_space<hbm>>
    tpu.enqueue_indirect_dma source(%dma_start3A_11 : memref<100000x128xf32, #tpu.memory_space<hbm>>) target(%arg13 : memref<112x128xf32, #tpu.memory_space<vmem>>) offsets(%dma_start3A_8 : memref<112xi32, #tpu.memory_space<vmem>>) semaphore(%arg16 : memref<!tpu.dma_semaphore, #tpu.memory_space<semaphore_mem>>)
    %dma_start3A_12 = arith.constant 0 : i32
    %dma_start3A_13 = tpu.memref_slice %arg10[%dma_start3A_12] : memref<1568xi32, #tpu.memory_space<vmem>> -> memref<112xi32, #tpu.memory_space<vmem>>
    %dma_start3A_14 = arith.constant 0 : i32
    %dma_start3A_15 = arith.constant 0 : i32
    %dma_start3A_16 = tpu.memref_slice %arg5[%dma_start3A_14, %dma_start3A_15] : memref<100000x128xf32, #tpu.memory_space<hbm>> -> memref<100000x128xf32, #tpu.memory_space<hbm>>
    tpu.enqueue_indirect_dma source(%dma_start3A_16 : memref<100000x128xf32, #tpu.memory_space<hbm>>) target(%arg14 : memref<112x128xf32, #tpu.memory_space<vmem>>) offsets(%dma_start3A_13 : memref<112xi32, #tpu.memory_space<vmem>>) semaphore(%arg16 : memref<!tpu.dma_semaphore, #tpu.memory_space<semaphore_mem>>)
    %dma_start3A_17 = arith.constant 0 : i32
    %dma_start3A_18 = tpu.memref_slice %arg11[%dma_start3A_17] : memref<1568xi32, #tpu.memory_space<vmem>> -> memref<112xi32, #tpu.memory_space<vmem>>
    %dma_start3A_19 = arith.constant 0 : i32
    %dma_start3A_20 = arith.constant 0 : i32
    %dma_start3A_21 = tpu.memref_slice %arg5[%dma_start3A_19, %dma_start3A_20] : memref<100000x128xf32, #tpu.memory_space<hbm>> -> memref<100000x128xf32, #tpu.memory_space<hbm>>
    tpu.enqueue_indirect_dma source(%dma_start3A_21 : memref<100000x128xf32, #tpu.memory_space<hbm>>) target(%arg15 : memref<112x128xf32, #tpu.memory_space<vmem>>) offsets(%dma_start3A_18 : memref<112xi32, #tpu.memory_space<vmem>>) semaphore(%arg16 : memref<!tpu.dma_semaphore, #tpu.memory_space<semaphore_mem>>)
    %dma_start3A_22 = arith.constant 112 : i32
    %dma_start3A_23 = tpu.memref_slice %arg10[%dma_start3A_22] : memref<1568xi32, #tpu.memory_space<vmem>> -> memref<112xi32, #tpu.memory_space<vmem>>
    %dma_start3A_24 = arith.constant 0 : i32
    %dma_start3A_25 = arith.constant 0 : i32
    %dma_start3A_26 = tpu.memref_slice %arg4[%dma_start3A_24, %dma_start3A_25] : memref<100000x128xf32, #tpu.memory_space<hbm>> -> memref<100000x128xf32, #tpu.memory_space<hbm>>
    tpu.enqueue_indirect_dma source(%dma_start3A_26 : memref<100000x128xf32, #tpu.memory_space<hbm>>) target(%arg17 : memref<112x128xf32, #tpu.memory_space<vmem>>) offsets(%dma_start3A_23 : memref<112xi32, #tpu.memory_space<vmem>>) semaphore(%arg21 : memref<!tpu.dma_semaphore, #tpu.memory_space<semaphore_mem>>)
    %dma_start3A_27 = arith.constant 112 : i32
    %dma_start3A_28 = tpu.memref_slice %arg11[%dma_start3A_27] : memref<1568xi32, #tpu.memory_space<vmem>> -> memref<112xi32, #tpu.memory_space<vmem>>
    %dma_start3A_29 = arith.constant 0 : i32
    %dma_start3A_30 = arith.constant 0 : i32
    %dma_start3A_31 = tpu.memref_slice %arg4[%dma_start3A_29, %dma_start3A_30] : memref<100000x128xf32, #tpu.memory_space<hbm>> -> memref<100000x128xf32, #tpu.memory_space<hbm>>
    tpu.enqueue_indirect_dma source(%dma_start3A_31 : memref<100000x128xf32, #tpu.memory_space<hbm>>) target(%arg18 : memref<112x128xf32, #tpu.memory_space<vmem>>) offsets(%dma_start3A_28 : memref<112xi32, #tpu.memory_space<vmem>>) semaphore(%arg21 : memref<!tpu.dma_semaphore, #tpu.memory_space<semaphore_mem>>)
    %dma_start3A_32 = arith.constant 112 : i32
    %dma_start3A_33 = tpu.memref_slice %arg10[%dma_start3A_32] : memref<1568xi32, #tpu.memory_space<vmem>> -> memref<112xi32, #tpu.memory_space<vmem>>
    %dma_start3A_34 = arith.constant 0 : i32
    %dma_start3A_35 = arith.constant 0 : i32
    %dma_start3A_36 = tpu.memref_slice %arg5[%dma_start3A_34, %dma_start3A_35] : memref<100000x128xf32, #tpu.memory_space<hbm>> -> memref<100000x128xf32, #tpu.memory_space<hbm>>
    tpu.enqueue_indirect_dma source(%dma_start3A_36 : memref<100000x128xf32, #tpu.memory_space<hbm>>) target(%arg19 : memref<112x128xf32, #tpu.memory_space<vmem>>) offsets(%dma_start3A_33 : memref<112xi32, #tpu.memory_space<vmem>>) semaphore(%arg21 : memref<!tpu.dma_semaphore, #tpu.memory_space<semaphore_mem>>)
    %dma_start3A_37 = arith.constant 112 : i32
    %dma_start3A_38 = tpu.memref_slice %arg11[%dma_start3A_37] : memref<1568xi32, #tpu.memory_space<vmem>> -> memref<112xi32, #tpu.memory_space<vmem>>
    %dma_start3A_39 = arith.constant 0 : i32
    %dma_start3A_40 = arith.constant 0 : i32
    %dma_start3A_41 = tpu.memref_slice %arg5[%dma_start3A_39, %dma_start3A_40] : memref<100000x128xf32, #tpu.memory_space<hbm>> -> memref<100000x128xf32, #tpu.memory_space<hbm>>
    tpu.enqueue_indirect_dma source(%dma_start3A_41 : memref<100000x128xf32, #tpu.memory_space<hbm>>) target(%arg20 : memref<112x128xf32, #tpu.memory_space<vmem>>) offsets(%dma_start3A_38 : memref<112xi32, #tpu.memory_space<vmem>>) semaphore(%arg21 : memref<!tpu.dma_semaphore, #tpu.memory_space<semaphore_mem>>)
    %dma_wait3A = arith.constant 0 : i32
    %dma_wait3A_42 = tpu.memref_slice %arg10[%dma_wait3A] : memref<1568xi32, #tpu.memory_space<vmem>> -> memref<112xi32, #tpu.memory_space<vmem>>
    %dma_wait3A_43 = arith.constant 0 : i32
    %dma_wait3A_44 = arith.constant 0 : i32
    %dma_wait3A_45 = tpu.memref_slice %arg4[%dma_wait3A_43, %dma_wait3A_44] : memref<100000x128xf32, #tpu.memory_space<hbm>> -> memref<100000x128xf32, #tpu.memory_space<hbm>>
    tpu.wait_indirect_dma semaphore(%arg16 : memref<!tpu.dma_semaphore, #tpu.memory_space<semaphore_mem>>) src(%dma_wait3A_45 : memref<100000x128xf32, #tpu.memory_space<hbm>>) dst(%arg12 : memref<112x128xf32, #tpu.memory_space<vmem>>)
    %dma_wait3A_46 = arith.constant 0 : i32
    %dma_wait3A_47 = tpu.memref_slice %arg11[%dma_wait3A_46] : memref<1568xi32, #tpu.memory_space<vmem>> -> memref<112xi32, #tpu.memory_space<vmem>>
    %dma_wait3A_48 = arith.constant 0 : i32
    %dma_wait3A_49 = arith.constant 0 : i32
    %dma_wait3A_50 = tpu.memref_slice %arg4[%dma_wait3A_48, %dma_wait3A_49] : memref<100000x128xf32, #tpu.memory_space<hbm>> -> memref<100000x128xf32, #tpu.memory_space<hbm>>
    tpu.wait_indirect_dma semaphore(%arg16 : memref<!tpu.dma_semaphore, #tpu.memory_space<semaphore_mem>>) src(%dma_wait3A_50 : memref<100000x128xf32, #tpu.memory_space<hbm>>) dst(%arg13 : memref<112x128xf32, #tpu.memory_space<vmem>>)
    %dma_wait3A_51 = arith.constant 0 : i32
    %dma_wait3A_52 = tpu.memref_slice %arg10[%dma_wait3A_51] : memref<1568xi32, #tpu.memory_space<vmem>> -> memref<112xi32, #tpu.memory_space<vmem>>
    %dma_wait3A_53 = arith.constant 0 : i32
    %dma_wait3A_54 = arith.constant 0 : i32
    %dma_wait3A_55 = tpu.memref_slice %arg5[%dma_wait3A_53, %dma_wait3A_54] : memref<100000x128xf32, #tpu.memory_space<hbm>> -> memref<100000x128xf32, #tpu.memory_space<hbm>>
    tpu.wait_indirect_dma semaphore(%arg16 : memref<!tpu.dma_semaphore, #tpu.memory_space<semaphore_mem>>) src(%dma_wait3A_55 : memref<100000x128xf32, #tpu.memory_space<hbm>>) dst(%arg14 : memref<112x128xf32, #tpu.memory_space<vmem>>)
    %dma_wait3A_56 = arith.constant 0 : i32
    %dma_wait3A_57 = tpu.memref_slice %arg11[%dma_wait3A_56] : memref<1568xi32, #tpu.memory_space<vmem>> -> memref<112xi32, #tpu.memory_space<vmem>>
    %dma_wait3A_58 = arith.constant 0 : i32
    %dma_wait3A_59 = arith.constant 0 : i32
    %dma_wait3A_60 = tpu.memref_slice %arg5[%dma_wait3A_58, %dma_wait3A_59] : memref<100000x128xf32, #tpu.memory_space<hbm>> -> memref<100000x128xf32, #tpu.memory_space<hbm>>
    tpu.wait_indirect_dma semaphore(%arg16 : memref<!tpu.dma_semaphore, #tpu.memory_space<semaphore_mem>>) src(%dma_wait3A_60 : memref<100000x128xf32, #tpu.memory_space<hbm>>) dst(%arg15 : memref<112x128xf32, #tpu.memory_space<vmem>>)
    %add3A_61 = arith.constant 0 : i32
    %add3A_62 = arith.addi %mul3A_2, %add3A_61 : i32
    %dma_start3A_63 = arith.constant 0 : i32
    %dma_start3A_64 = tpu.memref_slice %arg6[%add3A_62, %dma_start3A_63] : memref<50176x128xf32, #tpu.memory_space<hbm>> -> memref<112x128xf32, #tpu.memory_space<hbm>>
    %dma_start3A_65 = arith.constant 0 : i32
    %dma_start3A_66 = tpu.memref_slice %arg6[%add3A_62, %dma_start3A_65] : memref<50176x128xf32, #tpu.memory_space<hbm>> -> memref<112x128xf32, #tpu.memory_space<hbm>>
    tpu.enqueue_dma source(%arg12 : memref<112x128xf32, #tpu.memory_space<vmem>>) target(%dma_start3A_66 : memref<112x128xf32, #tpu.memory_space<hbm>>) target_semaphore(%arg16 : memref<!tpu.dma_semaphore, #tpu.memory_space<semaphore_mem>>)
    %dma_start3A_67 = arith.constant 0 : i32
    %dma_start3A_68 = tpu.memref_slice %arg7[%add3A_62, %dma_start3A_67] : memref<50176x128xf32, #tpu.memory_space<hbm>> -> memref<112x128xf32, #tpu.memory_space<hbm>>
    %dma_start3A_69 = arith.constant 0 : i32
    %dma_start3A_70 = tpu.memref_slice %arg7[%add3A_62, %dma_start3A_69] : memref<50176x128xf32, #tpu.memory_space<hbm>> -> memref<112x128xf32, #tpu.memory_space<hbm>>
    tpu.enqueue_dma source(%arg13 : memref<112x128xf32, #tpu.memory_space<vmem>>) target(%dma_start3A_70 : memref<112x128xf32, #tpu.memory_space<hbm>>) target_semaphore(%arg16 : memref<!tpu.dma_semaphore, #tpu.memory_space<semaphore_mem>>)
    %dma_start3A_71 = arith.constant 0 : i32
    %dma_start3A_72 = tpu.memref_slice %arg8[%add3A_62, %dma_start3A_71] : memref<50176x128xf32, #tpu.memory_space<hbm>> -> memref<112x128xf32, #tpu.memory_space<hbm>>
    %dma_start3A_73 = arith.constant 0 : i32
    %dma_start3A_74 = tpu.memref_slice %arg8[%add3A_62, %dma_start3A_73] : memref<50176x128xf32, #tpu.memory_space<hbm>> -> memref<112x128xf32, #tpu.memory_space<hbm>>
    tpu.enqueue_dma source(%arg14 : memref<112x128xf32, #tpu.memory_space<vmem>>) target(%dma_start3A_74 : memref<112x128xf32, #tpu.memory_space<hbm>>) target_semaphore(%arg16 : memref<!tpu.dma_semaphore, #tpu.memory_space<semaphore_mem>>)
    %dma_start3A_75 = arith.constant 0 : i32
    %dma_start3A_76 = tpu.memref_slice %arg9[%add3A_62, %dma_start3A_75] : memref<50176x128xf32, #tpu.memory_space<hbm>> -> memref<112x128xf32, #tpu.memory_space<hbm>>
    %dma_start3A_77 = arith.constant 0 : i32
    %dma_start3A_78 = tpu.memref_slice %arg9[%add3A_62, %dma_start3A_77] : memref<50176x128xf32, #tpu.memory_space<hbm>> -> memref<112x128xf32, #tpu.memory_space<hbm>>
    tpu.enqueue_dma source(%arg15 : memref<112x128xf32, #tpu.memory_space<vmem>>) target(%dma_start3A_78 : memref<112x128xf32, #tpu.memory_space<hbm>>) target_semaphore(%arg16 : memref<!tpu.dma_semaphore, #tpu.memory_space<semaphore_mem>>)
    %dma_wait3A_79 = arith.constant 0 : i32
    %dma_wait3A_80 = tpu.memref_slice %arg6[%add3A_62, %dma_wait3A_79] : memref<50176x128xf32, #tpu.memory_space<hbm>> -> memref<112x128xf32, #tpu.memory_space<hbm>>
    %dma_wait3A_81 = arith.constant 0 : i32
    %dma_wait3A_82 = tpu.memref_slice %arg6[%add3A_62, %dma_wait3A_81] : memref<50176x128xf32, #tpu.memory_space<hbm>> -> memref<112x128xf32, #tpu.memory_space<hbm>>
    tpu.wait_dma2 semaphore(%arg16 : memref<!tpu.dma_semaphore, #tpu.memory_space<semaphore_mem>>) src(%arg12 : memref<112x128xf32, #tpu.memory_space<vmem>>) dst(%dma_wait3A_82 : memref<112x128xf32, #tpu.memory_space<hbm>>)
    %dma_wait3A_83 = arith.constant 0 : i32
    %dma_wait3A_84 = tpu.memref_slice %arg7[%add3A_62, %dma_wait3A_83] : memref<50176x128xf32, #tpu.memory_space<hbm>> -> memref<112x128xf32, #tpu.memory_space<hbm>>
    %dma_wait3A_85 = arith.constant 0 : i32
    %dma_wait3A_86 = tpu.memref_slice %arg7[%add3A_62, %dma_wait3A_85] : memref<50176x128xf32, #tpu.memory_space<hbm>> -> memref<112x128xf32, #tpu.memory_space<hbm>>
    tpu.wait_dma2 semaphore(%arg16 : memref<!tpu.dma_semaphore, #tpu.memory_space<semaphore_mem>>) src(%arg13 : memref<112x128xf32, #tpu.memory_space<vmem>>) dst(%dma_wait3A_86 : memref<112x128xf32, #tpu.memory_space<hbm>>)
    %dma_wait3A_87 = arith.constant 0 : i32
    %dma_wait3A_88 = tpu.memref_slice %arg8[%add3A_62, %dma_wait3A_87] : memref<50176x128xf32, #tpu.memory_space<hbm>> -> memref<112x128xf32, #tpu.memory_space<hbm>>
    %dma_wait3A_89 = arith.constant 0 : i32
    %dma_wait3A_90 = tpu.memref_slice %arg8[%add3A_62, %dma_wait3A_89] : memref<50176x128xf32, #tpu.memory_space<hbm>> -> memref<112x128xf32, #tpu.memory_space<hbm>>
    tpu.wait_dma2 semaphore(%arg16 : memref<!tpu.dma_semaphore, #tpu.memory_space<semaphore_mem>>) src(%arg14 : memref<112x128xf32, #tpu.memory_space<vmem>>) dst(%dma_wait3A_90 : memref<112x128xf32, #tpu.memory_space<hbm>>)
    %dma_wait3A_91 = arith.constant 0 : i32
    %dma_wait3A_92 = tpu.memref_slice %arg9[%add3A_62, %dma_wait3A_91] : memref<50176x128xf32, #tpu.memory_space<hbm>> -> memref<112x128xf32, #tpu.memory_space<hbm>>
    %dma_wait3A_93 = arith.constant 0 : i32
    %dma_wait3A_94 = tpu.memref_slice %arg9[%add3A_62, %dma_wait3A_93] : memref<50176x128xf32, #tpu.memory_space<hbm>> -> memref<112x128xf32, #tpu.memory_space<hbm>>
    tpu.wait_dma2 semaphore(%arg16 : memref<!tpu.dma_semaphore, #tpu.memory_space<semaphore_mem>>) src(%arg15 : memref<112x128xf32, #tpu.memory_space<vmem>>) dst(%dma_wait3A_94 : memref<112x128xf32, #tpu.memory_space<hbm>>)
    %dma_start3A_95 = arith.constant 224 : i32
    %dma_start3A_96 = tpu.memref_slice %arg10[%dma_start3A_95] : memref<1568xi32, #tpu.memory_space<vmem>> -> memref<112xi32, #tpu.memory_space<vmem>>
    %dma_start3A_97 = arith.constant 0 : i32
    %dma_start3A_98 = arith.constant 0 : i32
    %dma_start3A_99 = tpu.memref_slice %arg4[%dma_start3A_97, %dma_start3A_98] : memref<100000x128xf32, #tpu.memory_space<hbm>> -> memref<100000x128xf32, #tpu.memory_space<hbm>>
    tpu.enqueue_indirect_dma source(%dma_start3A_99 : memref<100000x128xf32, #tpu.memory_space<hbm>>) target(%arg12 : memref<112x128xf32, #tpu.memory_space<vmem>>) offsets(%dma_start3A_96 : memref<112xi32, #tpu.memory_space<vmem>>) semaphore(%arg16 : memref<!tpu.dma_semaphore, #tpu.memory_space<semaphore_mem>>)
    %dma_start3A_100 = arith.constant 224 : i32
    %dma_start3A_101 = tpu.memref_slice %arg11[%dma_start3A_100] : memref<1568xi32, #tpu.memory_space<vmem>> -> memref<112xi32, #tpu.memory_space<vmem>>
    %dma_start3A_102 = arith.constant 0 : i32
    %dma_start3A_103 = arith.constant 0 : i32
    %dma_start3A_104 = tpu.memref_slice %arg4[%dma_start3A_102, %dma_start3A_103] : memref<100000x128xf32, #tpu.memory_space<hbm>> -> memref<100000x128xf32, #tpu.memory_space<hbm>>
    tpu.enqueue_indirect_dma source(%dma_start3A_104 : memref<100000x128xf32, #tpu.memory_space<hbm>>) target(%arg13 : memref<112x128xf32, #tpu.memory_space<vmem>>) offsets(%dma_start3A_101 : memref<112xi32, #tpu.memory_space<vmem>>) semaphore(%arg16 : memref<!tpu.dma_semaphore, #tpu.memory_space<semaphore_mem>>)
    %dma_start3A_105 = arith.constant 224 : i32
    %dma_start3A_106 = tpu.memref_slice %arg10[%dma_start3A_105] : memref<1568xi32, #tpu.memory_space<vmem>> -> memref<112xi32, #tpu.memory_space<vmem>>
    %dma_start3A_107 = arith.constant 0 : i32
    %dma_start3A_108 = arith.constant 0 : i32
    %dma_start3A_109 = tpu.memref_slice %arg5[%dma_start3A_107, %dma_start3A_108] : memref<100000x128xf32, #tpu.memory_space<hbm>> -> memref<100000x128xf32, #tpu.memory_space<hbm>>
    tpu.enqueue_indirect_dma source(%dma_start3A_109 : memref<100000x128xf32, #tpu.memory_space<hbm>>) target(%arg14 : memref<112x128xf32, #tpu.memory_space<vmem>>) offsets(%dma_start3A_106 : memref<112xi32, #tpu.memory_space<vmem>>) semaphore(%arg16 : memref<!tpu.dma_semaphore, #tpu.memory_space<semaphore_mem>>)
    %dma_start3A_110 = arith.constant 224 : i32
    %dma_start3A_111 = tpu.memref_slice %arg11[%dma_start3A_110] : memref<1568xi32, #tpu.memory_space<vmem>> -> memref<112xi32, #tpu.memory_space<vmem>>
    %dma_start3A_112 = arith.constant 0 : i32
    %dma_start3A_113 = arith.constant 0 : i32
    %dma_start3A_114 = tpu.memref_slice %arg5[%dma_start3A_112, %dma_start3A_113] : memref<100000x128xf32, #tpu.memory_space<hbm>> -> memref<100000x128xf32, #tpu.memory_space<hbm>>
    tpu.enqueue_indirect_dma source(%dma_start3A_114 : memref<100000x128xf32, #tpu.memory_space<hbm>>) target(%arg15 : memref<112x128xf32, #tpu.memory_space<vmem>>) offsets(%dma_start3A_111 : memref<112xi32, #tpu.memory_space<vmem>>) semaphore(%arg16 : memref<!tpu.dma_semaphore, #tpu.memory_space<semaphore_mem>>)
    %dma_wait3A_115 = arith.constant 112 : i32
    %dma_wait3A_116 = tpu.memref_slice %arg10[%dma_wait3A_115] : memref<1568xi32, #tpu.memory_space<vmem>> -> memref<112xi32, #tpu.memory_space<vmem>>
    %dma_wait3A_117 = arith.constant 0 : i32
    %dma_wait3A_118 = arith.constant 0 : i32
    %dma_wait3A_119 = tpu.memref_slice %arg4[%dma_wait3A_117, %dma_wait3A_118] : memref<100000x128xf32, #tpu.memory_space<hbm>> -> memref<100000x128xf32, #tpu.memory_space<hbm>>
    tpu.wait_indirect_dma semaphore(%arg21 : memref<!tpu.dma_semaphore, #tpu.memory_space<semaphore_mem>>) src(%dma_wait3A_119 : memref<100000x128xf32, #tpu.memory_space<hbm>>) dst(%arg17 : memref<112x128xf32, #tpu.memory_space<vmem>>)
    %dma_wait3A_120 = arith.constant 112 : i32
    %dma_wait3A_121 = tpu.memref_slice %arg11[%dma_wait3A_120] : memref<1568xi32, #tpu.memory_space<vmem>> -> memref<112xi32, #tpu.memory_space<vmem>>
    %dma_wait3A_122 = arith.constant 0 : i32
    %dma_wait3A_123 = arith.constant 0 : i32
    %dma_wait3A_124 = tpu.memref_slice %arg4[%dma_wait3A_122, %dma_wait3A_123] : memref<100000x128xf32, #tpu.memory_space<hbm>> -> memref<100000x128xf32, #tpu.memory_space<hbm>>
    tpu.wait_indirect_dma semaphore(%arg21 : memref<!tpu.dma_semaphore, #tpu.memory_space<semaphore_mem>>) src(%dma_wait3A_124 : memref<100000x128xf32, #tpu.memory_space<hbm>>) dst(%arg18 : memref<112x128xf32, #tpu.memory_space<vmem>>)
    %dma_wait3A_125 = arith.constant 112 : i32
    %dma_wait3A_126 = tpu.memref_slice %arg10[%dma_wait3A_125] : memref<1568xi32, #tpu.memory_space<vmem>> -> memref<112xi32, #tpu.memory_space<vmem>>
    %dma_wait3A_127 = arith.constant 0 : i32
    %dma_wait3A_128 = arith.constant 0 : i32
    %dma_wait3A_129 = tpu.memref_slice %arg5[%dma_wait3A_127, %dma_wait3A_128] : memref<100000x128xf32, #tpu.memory_space<hbm>> -> memref<100000x128xf32, #tpu.memory_space<hbm>>
    tpu.wait_indirect_dma semaphore(%arg21 : memref<!tpu.dma_semaphore, #tpu.memory_space<semaphore_mem>>) src(%dma_wait3A_129 : memref<100000x128xf32, #tpu.memory_space<hbm>>) dst(%arg19 : memref<112x128xf32, #tpu.memory_space<vmem>>)
    %dma_wait3A_130 = arith.constant 112 : i32
    %dma_wait3A_131 = tpu.memref_slice %arg11[%dma_wait3A_130] : memref<1568xi32, #tpu.memory_space<vmem>> -> memref<112xi32, #tpu.memory_space<vmem>>
    %dma_wait3A_132 = arith.constant 0 : i32
    %dma_wait3A_133 = arith.constant 0 : i32
    %dma_wait3A_134 = tpu.memref_slice %arg5[%dma_wait3A_132, %dma_wait3A_133] : memref<100000x128xf32, #tpu.memory_space<hbm>> -> memref<100000x128xf32, #tpu.memory_space<hbm>>
    tpu.wait_indirect_dma semaphore(%arg21 : memref<!tpu.dma_semaphore, #tpu.memory_space<semaphore_mem>>) src(%dma_wait3A_134 : memref<100000x128xf32, #tpu.memory_space<hbm>>) dst(%arg20 : memref<112x128xf32, #tpu.memory_space<vmem>>)
    %add3A_135 = arith.constant 112 : i32
    %add3A_136 = arith.addi %mul3A_2, %add3A_135 : i32
    %dma_start3A_137 = arith.constant 0 : i32
    %dma_start3A_138 = tpu.memref_slice %arg6[%add3A_136, %dma_start3A_137] : memref<50176x128xf32, #tpu.memory_space<hbm>> -> memref<112x128xf32, #tpu.memory_space<hbm>>
    %dma_start3A_139 = arith.constant 0 : i32
    %dma_start3A_140 = tpu.memref_slice %arg6[%add3A_136, %dma_start3A_139] : memref<50176x128xf32, #tpu.memory_space<hbm>> -> memref<112x128xf32, #tpu.memory_space<hbm>>
    tpu.enqueue_dma source(%arg17 : memref<112x128xf32, #tpu.memory_space<vmem>>) target(%dma_start3A_140 : memref<112x128xf32, #tpu.memory_space<hbm>>) target_semaphore(%arg21 : memref<!tpu.dma_semaphore, #tpu.memory_space<semaphore_mem>>)
    %dma_start3A_141 = arith.constant 0 : i32
    %dma_start3A_142 = tpu.memref_slice %arg7[%add3A_136, %dma_start3A_141] : memref<50176x128xf32, #tpu.memory_space<hbm>> -> memref<112x128xf32, #tpu.memory_space<hbm>>
    %dma_start3A_143 = arith.constant 0 : i32
    %dma_start3A_144 = tpu.memref_slice %arg7[%add3A_136, %dma_start3A_143] : memref<50176x128xf32, #tpu.memory_space<hbm>> -> memref<112x128xf32, #tpu.memory_space<hbm>>
    tpu.enqueue_dma source(%arg18 : memref<112x128xf32, #tpu.memory_space<vmem>>) target(%dma_start3A_144 : memref<112x128xf32, #tpu.memory_space<hbm>>) target_semaphore(%arg21 : memref<!tpu.dma_semaphore, #tpu.memory_space<semaphore_mem>>)
    %dma_start3A_145 = arith.constant 0 : i32
    %dma_start3A_146 = tpu.memref_slice %arg8[%add3A_136, %dma_start3A_145] : memref<50176x128xf32, #tpu.memory_space<hbm>> -> memref<112x128xf32, #tpu.memory_space<hbm>>
    %dma_start3A_147 = arith.constant 0 : i32
    %dma_start3A_148 = tpu.memref_slice %arg8[%add3A_136, %dma_start3A_147] : memref<50176x128xf32, #tpu.memory_space<hbm>> -> memref<112x128xf32, #tpu.memory_space<hbm>>
    tpu.enqueue_dma source(%arg19 : memref<112x128xf32, #tpu.memory_space<vmem>>) target(%dma_start3A_148 : memref<112x128xf32, #tpu.memory_space<hbm>>) target_semaphore(%arg21 : memref<!tpu.dma_semaphore, #tpu.memory_space<semaphore_mem>>)
    %dma_start3A_149 = arith.constant 0 : i32
    %dma_start3A_150 = tpu.memref_slice %arg9[%add3A_136, %dma_start3A_149] : memref<50176x128xf32, #tpu.memory_space<hbm>> -> memref<112x128xf32, #tpu.memory_space<hbm>>
    %dma_start3A_151 = arith.constant 0 : i32
    %dma_start3A_152 = tpu.memref_slice %arg9[%add3A_136, %dma_start3A_151] : memref<50176x128xf32, #tpu.memory_space<hbm>> -> memref<112x128xf32, #tpu.memory_space<hbm>>
    tpu.enqueue_dma source(%arg20 : memref<112x128xf32, #tpu.memory_space<vmem>>) target(%dma_start3A_152 : memref<112x128xf32, #tpu.memory_space<hbm>>) target_semaphore(%arg21 : memref<!tpu.dma_semaphore, #tpu.memory_space<semaphore_mem>>)
    %dma_wait3A_153 = arith.constant 0 : i32
    %dma_wait3A_154 = tpu.memref_slice %arg6[%add3A_136, %dma_wait3A_153] : memref<50176x128xf32, #tpu.memory_space<hbm>> -> memref<112x128xf32, #tpu.memory_space<hbm>>
    %dma_wait3A_155 = arith.constant 0 : i32
    %dma_wait3A_156 = tpu.memref_slice %arg6[%add3A_136, %dma_wait3A_155] : memref<50176x128xf32, #tpu.memory_space<hbm>> -> memref<112x128xf32, #tpu.memory_space<hbm>>
    tpu.wait_dma2 semaphore(%arg21 : memref<!tpu.dma_semaphore, #tpu.memory_space<semaphore_mem>>) src(%arg17 : memref<112x128xf32, #tpu.memory_space<vmem>>) dst(%dma_wait3A_156 : memref<112x128xf32, #tpu.memory_space<hbm>>)
    %dma_wait3A_157 = arith.constant 0 : i32
    %dma_wait3A_158 = tpu.memref_slice %arg7[%add3A_136, %dma_wait3A_157] : memref<50176x128xf32, #tpu.memory_space<hbm>> -> memref<112x128xf32, #tpu.memory_space<hbm>>
    %dma_wait3A_159 = arith.constant 0 : i32
    %dma_wait3A_160 = tpu.memref_slice %arg7[%add3A_136, %dma_wait3A_159] : memref<50176x128xf32, #tpu.memory_space<hbm>> -> memref<112x128xf32, #tpu.memory_space<hbm>>
    tpu.wait_dma2 semaphore(%arg21 : memref<!tpu.dma_semaphore, #tpu.memory_space<semaphore_mem>>) src(%arg18 : memref<112x128xf32, #tpu.memory_space<vmem>>) dst(%dma_wait3A_160 : memref<112x128xf32, #tpu.memory_space<hbm>>)
    %dma_wait3A_161 = arith.constant 0 : i32
    %dma_wait3A_162 = tpu.memref_slice %arg8[%add3A_136, %dma_wait3A_161] : memref<50176x128xf32, #tpu.memory_space<hbm>> -> memref<112x128xf32, #tpu.memory_space<hbm>>
    %dma_wait3A_163 = arith.constant 0 : i32
    %dma_wait3A_164 = tpu.memref_slice %arg8[%add3A_136, %dma_wait3A_163] : memref<50176x128xf32, #tpu.memory_space<hbm>> -> memref<112x128xf32, #tpu.memory_space<hbm>>
    tpu.wait_dma2 semaphore(%arg21 : memref<!tpu.dma_semaphore, #tpu.memory_space<semaphore_mem>>) src(%arg19 : memref<112x128xf32, #tpu.memory_space<vmem>>) dst(%dma_wait3A_164 : memref<112x128xf32, #tpu.memory_space<hbm>>)
    %dma_wait3A_165 = arith.constant 0 : i32
    %dma_wait3A_166 = tpu.memref_slice %arg9[%add3A_136, %dma_wait3A_165] : memref<50176x128xf32, #tpu.memory_space<hbm>> -> memref<112x128xf32, #tpu.memory_space<hbm>>
    %dma_wait3A_167 = arith.constant 0 : i32
    %dma_wait3A_168 = tpu.memref_slice %arg9[%add3A_136, %dma_wait3A_167] : memref<50176x128xf32, #tpu.memory_space<hbm>> -> memref<112x128xf32, #tpu.memory_space<hbm>>
    tpu.wait_dma2 semaphore(%arg21 : memref<!tpu.dma_semaphore, #tpu.memory_space<semaphore_mem>>) src(%arg20 : memref<112x128xf32, #tpu.memory_space<vmem>>) dst(%dma_wait3A_168 : memref<112x128xf32, #tpu.memory_space<hbm>>)
    %dma_start3A_169 = arith.constant 336 : i32
    %dma_start3A_170 = tpu.memref_slice %arg10[%dma_start3A_169] : memref<1568xi32, #tpu.memory_space<vmem>> -> memref<112xi32, #tpu.memory_space<vmem>>
    %dma_start3A_171 = arith.constant 0 : i32
    %dma_start3A_172 = arith.constant 0 : i32
    %dma_start3A_173 = tpu.memref_slice %arg4[%dma_start3A_171, %dma_start3A_172] : memref<100000x128xf32, #tpu.memory_space<hbm>> -> memref<100000x128xf32, #tpu.memory_space<hbm>>
    tpu.enqueue_indirect_dma source(%dma_start3A_173 : memref<100000x128xf32, #tpu.memory_space<hbm>>) target(%arg17 : memref<112x128xf32, #tpu.memory_space<vmem>>) offsets(%dma_start3A_170 : memref<112xi32, #tpu.memory_space<vmem>>) semaphore(%arg21 : memref<!tpu.dma_semaphore, #tpu.memory_space<semaphore_mem>>)
    %dma_start3A_174 = arith.constant 336 : i32
    %dma_start3A_175 = tpu.memref_slice %arg11[%dma_start3A_174] : memref<1568xi32, #tpu.memory_space<vmem>> -> memref<112xi32, #tpu.memory_space<vmem>>
    %dma_start3A_176 = arith.constant 0 : i32
    %dma_start3A_177 = arith.constant 0 : i32
    %dma_start3A_178 = tpu.memref_slice %arg4[%dma_start3A_176, %dma_start3A_177] : memref<100000x128xf32, #tpu.memory_space<hbm>> -> memref<100000x128xf32, #tpu.memory_space<hbm>>
    tpu.enqueue_indirect_dma source(%dma_start3A_178 : memref<100000x128xf32, #tpu.memory_space<hbm>>) target(%arg18 : memref<112x128xf32, #tpu.memory_space<vmem>>) offsets(%dma_start3A_175 : memref<112xi32, #tpu.memory_space<vmem>>) semaphore(%arg21 : memref<!tpu.dma_semaphore, #tpu.memory_space<semaphore_mem>>)
    %dma_start3A_179 = arith.constant 336 : i32
    %dma_start3A_180 = tpu.memref_slice %arg10[%dma_start3A_179] : memref<1568xi32, #tpu.memory_space<vmem>> -> memref<112xi32, #tpu.memory_space<vmem>>
    %dma_start3A_181 = arith.constant 0 : i32
    %dma_start3A_182 = arith.constant 0 : i32
    %dma_start3A_183 = tpu.memref_slice %arg5[%dma_start3A_181, %dma_start3A_182] : memref<100000x128xf32, #tpu.memory_space<hbm>> -> memref<100000x128xf32, #tpu.memory_space<hbm>>
    tpu.enqueue_indirect_dma source(%dma_start3A_183 : memref<100000x128xf32, #tpu.memory_space<hbm>>) target(%arg19 : memref<112x128xf32, #tpu.memory_space<vmem>>) offsets(%dma_start3A_180 : memref<112xi32, #tpu.memory_space<vmem>>) semaphore(%arg21 : memref<!tpu.dma_semaphore, #tpu.memory_space<semaphore_mem>>)
    %dma_start3A_184 = arith.constant 336 : i32
    %dma_start3A_185 = tpu.memref_slice %arg11[%dma_start3A_184] : memref<1568xi32, #tpu.memory_space<vmem>> -> memref<112xi32, #tpu.memory_space<vmem>>
    %dma_start3A_186 = arith.constant 0 : i32
    %dma_start3A_187 = arith.constant 0 : i32
    %dma_start3A_188 = tpu.memref_slice %arg5[%dma_start3A_186, %dma_start3A_187] : memref<100000x128xf32, #tpu.memory_space<hbm>> -> memref<100000x128xf32, #tpu.memory_space<hbm>>
    tpu.enqueue_indirect_dma source(%dma_start3A_188 : memref<100000x128xf32, #tpu.memory_space<hbm>>) target(%arg20 : memref<112x128xf32, #tpu.memory_space<vmem>>) offsets(%dma_start3A_185 : memref<112xi32, #tpu.memory_space<vmem>>) semaphore(%arg21 : memref<!tpu.dma_semaphore, #tpu.memory_space<semaphore_mem>>)
    %dma_wait3A_189 = arith.constant 224 : i32
    %dma_wait3A_190 = tpu.memref_slice %arg10[%dma_wait3A_189] : memref<1568xi32, #tpu.memory_space<vmem>> -> memref<112xi32, #tpu.memory_space<vmem>>
    %dma_wait3A_191 = arith.constant 0 : i32
    %dma_wait3A_192 = arith.constant 0 : i32
    %dma_wait3A_193 = tpu.memref_slice %arg4[%dma_wait3A_191, %dma_wait3A_192] : memref<100000x128xf32, #tpu.memory_space<hbm>> -> memref<100000x128xf32, #tpu.memory_space<hbm>>
    tpu.wait_indirect_dma semaphore(%arg16 : memref<!tpu.dma_semaphore, #tpu.memory_space<semaphore_mem>>) src(%dma_wait3A_193 : memref<100000x128xf32, #tpu.memory_space<hbm>>) dst(%arg12 : memref<112x128xf32, #tpu.memory_space<vmem>>)
    %dma_wait3A_194 = arith.constant 224 : i32
    %dma_wait3A_195 = tpu.memref_slice %arg11[%dma_wait3A_194] : memref<1568xi32, #tpu.memory_space<vmem>> -> memref<112xi32, #tpu.memory_space<vmem>>
    %dma_wait3A_196 = arith.constant 0 : i32
    %dma_wait3A_197 = arith.constant 0 : i32
    %dma_wait3A_198 = tpu.memref_slice %arg4[%dma_wait3A_196, %dma_wait3A_197] : memref<100000x128xf32, #tpu.memory_space<hbm>> -> memref<100000x128xf32, #tpu.memory_space<hbm>>
    tpu.wait_indirect_dma semaphore(%arg16 : memref<!tpu.dma_semaphore, #tpu.memory_space<semaphore_mem>>) src(%dma_wait3A_198 : memref<100000x128xf32, #tpu.memory_space<hbm>>) dst(%arg13 : memref<112x128xf32, #tpu.memory_space<vmem>>)
    %dma_wait3A_199 = arith.constant 224 : i32
    %dma_wait3A_200 = tpu.memref_slice %arg10[%dma_wait3A_199] : memref<1568xi32, #tpu.memory_space<vmem>> -> memref<112xi32, #tpu.memory_space<vmem>>
    %dma_wait3A_201 = arith.constant 0 : i32
    %dma_wait3A_202 = arith.constant 0 : i32
    %dma_wait3A_203 = tpu.memref_slice %arg5[%dma_wait3A_201, %dma_wait3A_202] : memref<100000x128xf32, #tpu.memory_space<hbm>> -> memref<100000x128xf32, #tpu.memory_space<hbm>>
    tpu.wait_indirect_dma semaphore(%arg16 : memref<!tpu.dma_semaphore, #tpu.memory_space<semaphore_mem>>) src(%dma_wait3A_203 : memref<100000x128xf32, #tpu.memory_space<hbm>>) dst(%arg14 : memref<112x128xf32, #tpu.memory_space<vmem>>)
    %dma_wait3A_204 = arith.constant 224 : i32
    %dma_wait3A_205 = tpu.memref_slice %arg11[%dma_wait3A_204] : memref<1568xi32, #tpu.memory_space<vmem>> -> memref<112xi32, #tpu.memory_space<vmem>>
    %dma_wait3A_206 = arith.constant 0 : i32
    %dma_wait3A_207 = arith.constant 0 : i32
    %dma_wait3A_208 = tpu.memref_slice %arg5[%dma_wait3A_206, %dma_wait3A_207] : memref<100000x128xf32, #tpu.memory_space<hbm>> -> memref<100000x128xf32, #tpu.memory_space<hbm>>
    tpu.wait_indirect_dma semaphore(%arg16 : memref<!tpu.dma_semaphore, #tpu.memory_space<semaphore_mem>>) src(%dma_wait3A_208 : memref<100000x128xf32, #tpu.memory_space<hbm>>) dst(%arg15 : memref<112x128xf32, #tpu.memory_space<vmem>>)
    %add3A_209 = arith.constant 224 : i32
    %add3A_210 = arith.addi %mul3A_2, %add3A_209 : i32
    %dma_start3A_211 = arith.constant 0 : i32
    %dma_start3A_212 = tpu.memref_slice %arg6[%add3A_210, %dma_start3A_211] : memref<50176x128xf32, #tpu.memory_space<hbm>> -> memref<112x128xf32, #tpu.memory_space<hbm>>
    %dma_start3A_213 = arith.constant 0 : i32
    %dma_start3A_214 = tpu.memref_slice %arg6[%add3A_210, %dma_start3A_213] : memref<50176x128xf32, #tpu.memory_space<hbm>> -> memref<112x128xf32, #tpu.memory_space<hbm>>
    tpu.enqueue_dma source(%arg12 : memref<112x128xf32, #tpu.memory_space<vmem>>) target(%dma_start3A_214 : memref<112x128xf32, #tpu.memory_space<hbm>>) target_semaphore(%arg16 : memref<!tpu.dma_semaphore, #tpu.memory_space<semaphore_mem>>)
    %dma_start3A_215 = arith.constant 0 : i32
    %dma_start3A_216 = tpu.memref_slice %arg7[%add3A_210, %dma_start3A_215] : memref<50176x128xf32, #tpu.memory_space<hbm>> -> memref<112x128xf32, #tpu.memory_space<hbm>>
    %dma_start3A_217 = arith.constant 0 : i32
    %dma_start3A_218 = tpu.memref_slice %arg7[%add3A_210, %dma_start3A_217] : memref<50176x128xf32, #tpu.memory_space<hbm>> -> memref<112x128xf32, #tpu.memory_space<hbm>>
    tpu.enqueue_dma source(%arg13 : memref<112x128xf32, #tpu.memory_space<vmem>>) target(%dma_start3A_218 : memref<112x128xf32, #tpu.memory_space<hbm>>) target_semaphore(%arg16 : memref<!tpu.dma_semaphore, #tpu.memory_space<semaphore_mem>>)
    %dma_start3A_219 = arith.constant 0 : i32
    %dma_start3A_220 = tpu.memref_slice %arg8[%add3A_210, %dma_start3A_219] : memref<50176x128xf32, #tpu.memory_space<hbm>> -> memref<112x128xf32, #tpu.memory_space<hbm>>
    %dma_start3A_221 = arith.constant 0 : i32
    %dma_start3A_222 = tpu.memref_slice %arg8[%add3A_210, %dma_start3A_221] : memref<50176x128xf32, #tpu.memory_space<hbm>> -> memref<112x128xf32, #tpu.memory_space<hbm>>
    tpu.enqueue_dma source(%arg14 : memref<112x128xf32, #tpu.memory_space<vmem>>) target(%dma_start3A_222 : memref<112x128xf32, #tpu.memory_space<hbm>>) target_semaphore(%arg16 : memref<!tpu.dma_semaphore, #tpu.memory_space<semaphore_mem>>)
    %dma_start3A_223 = arith.constant 0 : i32
    %dma_start3A_224 = tpu.memref_slice %arg9[%add3A_210, %dma_start3A_223] : memref<50176x128xf32, #tpu.memory_space<hbm>> -> memref<112x128xf32, #tpu.memory_space<hbm>>
    %dma_start3A_225 = arith.constant 0 : i32
    %dma_start3A_226 = tpu.memref_slice %arg9[%add3A_210, %dma_start3A_225] : memref<50176x128xf32, #tpu.memory_space<hbm>> -> memref<112x128xf32, #tpu.memory_space<hbm>>
    tpu.enqueue_dma source(%arg15 : memref<112x128xf32, #tpu.memory_space<vmem>>) target(%dma_start3A_226 : memref<112x128xf32, #tpu.memory_space<hbm>>) target_semaphore(%arg16 : memref<!tpu.dma_semaphore, #tpu.memory_space<semaphore_mem>>)
    %dma_wait3A_227 = arith.constant 0 : i32
    %dma_wait3A_228 = tpu.memref_slice %arg6[%add3A_210, %dma_wait3A_227] : memref<50176x128xf32, #tpu.memory_space<hbm>> -> memref<112x128xf32, #tpu.memory_space<hbm>>
    %dma_wait3A_229 = arith.constant 0 : i32
    %dma_wait3A_230 = tpu.memref_slice %arg6[%add3A_210, %dma_wait3A_229] : memref<50176x128xf32, #tpu.memory_space<hbm>> -> memref<112x128xf32, #tpu.memory_space<hbm>>
    tpu.wait_dma2 semaphore(%arg16 : memref<!tpu.dma_semaphore, #tpu.memory_space<semaphore_mem>>) src(%arg12 : memref<112x128xf32, #tpu.memory_space<vmem>>) dst(%dma_wait3A_230 : memref<112x128xf32, #tpu.memory_space<hbm>>)
    %dma_wait3A_231 = arith.constant 0 : i32
    %dma_wait3A_232 = tpu.memref_slice %arg7[%add3A_210, %dma_wait3A_231] : memref<50176x128xf32, #tpu.memory_space<hbm>> -> memref<112x128xf32, #tpu.memory_space<hbm>>
    %dma_wait3A_233 = arith.constant 0 : i32
    %dma_wait3A_234 = tpu.memref_slice %arg7[%add3A_210, %dma_wait3A_233] : memref<50176x128xf32, #tpu.memory_space<hbm>> -> memref<112x128xf32, #tpu.memory_space<hbm>>
    tpu.wait_dma2 semaphore(%arg16 : memref<!tpu.dma_semaphore, #tpu.memory_space<semaphore_mem>>) src(%arg13 : memref<112x128xf32, #tpu.memory_space<vmem>>) dst(%dma_wait3A_234 : memref<112x128xf32, #tpu.memory_space<hbm>>)
    %dma_wait3A_235 = arith.constant 0 : i32
    %dma_wait3A_236 = tpu.memref_slice %arg8[%add3A_210, %dma_wait3A_235] : memref<50176x128xf32, #tpu.memory_space<hbm>> -> memref<112x128xf32, #tpu.memory_space<hbm>>
    %dma_wait3A_237 = arith.constant 0 : i32
    %dma_wait3A_238 = tpu.memref_slice %arg8[%add3A_210, %dma_wait3A_237] : memref<50176x128xf32, #tpu.memory_space<hbm>> -> memref<112x128xf32, #tpu.memory_space<hbm>>
    tpu.wait_dma2 semaphore(%arg16 : memref<!tpu.dma_semaphore, #tpu.memory_space<semaphore_mem>>) src(%arg14 : memref<112x128xf32, #tpu.memory_space<vmem>>) dst(%dma_wait3A_238 : memref<112x128xf32, #tpu.memory_space<hbm>>)
    %dma_wait3A_239 = arith.constant 0 : i32
    %dma_wait3A_240 = tpu.memref_slice %arg9[%add3A_210, %dma_wait3A_239] : memref<50176x128xf32, #tpu.memory_space<hbm>> -> memref<112x128xf32, #tpu.memory_space<hbm>>
    %dma_wait3A_241 = arith.constant 0 : i32
    %dma_wait3A_242 = tpu.memref_slice %arg9[%add3A_210, %dma_wait3A_241] : memref<50176x128xf32, #tpu.memory_space<hbm>> -> memref<112x128xf32, #tpu.memory_space<hbm>>
    tpu.wait_dma2 semaphore(%arg16 : memref<!tpu.dma_semaphore, #tpu.memory_space<semaphore_mem>>) src(%arg15 : memref<112x128xf32, #tpu.memory_space<vmem>>) dst(%dma_wait3A_242 : memref<112x128xf32, #tpu.memory_space<hbm>>)
    %dma_start3A_243 = arith.constant 448 : i32
    %dma_start3A_244 = tpu.memref_slice %arg10[%dma_start3A_243] : memref<1568xi32, #tpu.memory_space<vmem>> -> memref<112xi32, #tpu.memory_space<vmem>>
    %dma_start3A_245 = arith.constant 0 : i32
    %dma_start3A_246 = arith.constant 0 : i32
    %dma_start3A_247 = tpu.memref_slice %arg4[%dma_start3A_245, %dma_start3A_246] : memref<100000x128xf32, #tpu.memory_space<hbm>> -> memref<100000x128xf32, #tpu.memory_space<hbm>>
    tpu.enqueue_indirect_dma source(%dma_start3A_247 : memref<100000x128xf32, #tpu.memory_space<hbm>>) target(%arg12 : memref<112x128xf32, #tpu.memory_space<vmem>>) offsets(%dma_start3A_244 : memref<112xi32, #tpu.memory_space<vmem>>) semaphore(%arg16 : memref<!tpu.dma_semaphore, #tpu.memory_space<semaphore_mem>>)
    %dma_start3A_248 = arith.constant 448 : i32
    %dma_start3A_249 = tpu.memref_slice %arg11[%dma_start3A_248] : memref<1568xi32, #tpu.memory_space<vmem>> -> memref<112xi32, #tpu.memory_space<vmem>>
    %dma_start3A_250 = arith.constant 0 : i32
    %dma_start3A_251 = arith.constant 0 : i32
    %dma_start3A_252 = tpu.memref_slice %arg4[%dma_start3A_250, %dma_start3A_251] : memref<100000x128xf32, #tpu.memory_space<hbm>> -> memref<100000x128xf32, #tpu.memory_space<hbm>>
    tpu.enqueue_indirect_dma source(%dma_start3A_252 : memref<100000x128xf32, #tpu.memory_space<hbm>>) target(%arg13 : memref<112x128xf32, #tpu.memory_space<vmem>>) offsets(%dma_start3A_249 : memref<112xi32, #tpu.memory_space<vmem>>) semaphore(%arg16 : memref<!tpu.dma_semaphore, #tpu.memory_space<semaphore_mem>>)
    %dma_start3A_253 = arith.constant 448 : i32
    %dma_start3A_254 = tpu.memref_slice %arg10[%dma_start3A_253] : memref<1568xi32, #tpu.memory_space<vmem>> -> memref<112xi32, #tpu.memory_space<vmem>>
    %dma_start3A_255 = arith.constant 0 : i32
    %dma_start3A_256 = arith.constant 0 : i32
    %dma_start3A_257 = tpu.memref_slice %arg5[%dma_start3A_255, %dma_start3A_256] : memref<100000x128xf32, #tpu.memory_space<hbm>> -> memref<100000x128xf32, #tpu.memory_space<hbm>>
    tpu.enqueue_indirect_dma source(%dma_start3A_257 : memref<100000x128xf32, #tpu.memory_space<hbm>>) target(%arg14 : memref<112x128xf32, #tpu.memory_space<vmem>>) offsets(%dma_start3A_254 : memref<112xi32, #tpu.memory_space<vmem>>) semaphore(%arg16 : memref<!tpu.dma_semaphore, #tpu.memory_space<semaphore_mem>>)
    %dma_start3A_258 = arith.constant 448 : i32
    %dma_start3A_259 = tpu.memref_slice %arg11[%dma_start3A_258] : memref<1568xi32, #tpu.memory_space<vmem>> -> memref<112xi32, #tpu.memory_space<vmem>>
    %dma_start3A_260 = arith.constant 0 : i32
    %dma_start3A_261 = arith.constant 0 : i32
    %dma_start3A_262 = tpu.memref_slice %arg5[%dma_start3A_260, %dma_start3A_261] : memref<100000x128xf32, #tpu.memory_space<hbm>> -> memref<100000x128xf32, #tpu.memory_space<hbm>>
    tpu.enqueue_indirect_dma source(%dma_start3A_262 : memref<100000x128xf32, #tpu.memory_space<hbm>>) target(%arg15 : memref<112x128xf32, #tpu.memory_space<vmem>>) offsets(%dma_start3A_259 : memref<112xi32, #tpu.memory_space<vmem>>) semaphore(%arg16 : memref<!tpu.dma_semaphore, #tpu.memory_space<semaphore_mem>>)
    %dma_wait3A_263 = arith.constant 336 : i32
    %dma_wait3A_264 = tpu.memref_slice %arg10[%dma_wait3A_263] : memref<1568xi32, #tpu.memory_space<vmem>> -> memref<112xi32, #tpu.memory_space<vmem>>
    %dma_wait3A_265 = arith.constant 0 : i32
    %dma_wait3A_266 = arith.constant 0 : i32
    %dma_wait3A_267 = tpu.memref_slice %arg4[%dma_wait3A_265, %dma_wait3A_266] : memref<100000x128xf32, #tpu.memory_space<hbm>> -> memref<100000x128xf32, #tpu.memory_space<hbm>>
    tpu.wait_indirect_dma semaphore(%arg21 : memref<!tpu.dma_semaphore, #tpu.memory_space<semaphore_mem>>) src(%dma_wait3A_267 : memref<100000x128xf32, #tpu.memory_space<hbm>>) dst(%arg17 : memref<112x128xf32, #tpu.memory_space<vmem>>)
    %dma_wait3A_268 = arith.constant 336 : i32
    %dma_wait3A_269 = tpu.memref_slice %arg11[%dma_wait3A_268] : memref<1568xi32, #tpu.memory_space<vmem>> -> memref<112xi32, #tpu.memory_space<vmem>>
    %dma_wait3A_270 = arith.constant 0 : i32
    %dma_wait3A_271 = arith.constant 0 : i32
    %dma_wait3A_272 = tpu.memref_slice %arg4[%dma_wait3A_270, %dma_wait3A_271] : memref<100000x128xf32, #tpu.memory_space<hbm>> -> memref<100000x128xf32, #tpu.memory_space<hbm>>
    tpu.wait_indirect_dma semaphore(%arg21 : memref<!tpu.dma_semaphore, #tpu.memory_space<semaphore_mem>>) src(%dma_wait3A_272 : memref<100000x128xf32, #tpu.memory_space<hbm>>) dst(%arg18 : memref<112x128xf32, #tpu.memory_space<vmem>>)
    %dma_wait3A_273 = arith.constant 336 : i32
    %dma_wait3A_274 = tpu.memref_slice %arg10[%dma_wait3A_273] : memref<1568xi32, #tpu.memory_space<vmem>> -> memref<112xi32, #tpu.memory_space<vmem>>
    %dma_wait3A_275 = arith.constant 0 : i32
    %dma_wait3A_276 = arith.constant 0 : i32
    %dma_wait3A_277 = tpu.memref_slice %arg5[%dma_wait3A_275, %dma_wait3A_276] : memref<100000x128xf32, #tpu.memory_space<hbm>> -> memref<100000x128xf32, #tpu.memory_space<hbm>>
    tpu.wait_indirect_dma semaphore(%arg21 : memref<!tpu.dma_semaphore, #tpu.memory_space<semaphore_mem>>) src(%dma_wait3A_277 : memref<100000x128xf32, #tpu.memory_space<hbm>>) dst(%arg19 : memref<112x128xf32, #tpu.memory_space<vmem>>)
    %dma_wait3A_278 = arith.constant 336 : i32
    %dma_wait3A_279 = tpu.memref_slice %arg11[%dma_wait3A_278] : memref<1568xi32, #tpu.memory_space<vmem>> -> memref<112xi32, #tpu.memory_space<vmem>>
    %dma_wait3A_280 = arith.constant 0 : i32
    %dma_wait3A_281 = arith.constant 0 : i32
    %dma_wait3A_282 = tpu.memref_slice %arg5[%dma_wait3A_280, %dma_wait3A_281] : memref<100000x128xf32, #tpu.memory_space<hbm>> -> memref<100000x128xf32, #tpu.memory_space<hbm>>
    tpu.wait_indirect_dma semaphore(%arg21 : memref<!tpu.dma_semaphore, #tpu.memory_space<semaphore_mem>>) src(%dma_wait3A_282 : memref<100000x128xf32, #tpu.memory_space<hbm>>) dst(%arg20 : memref<112x128xf32, #tpu.memory_space<vmem>>)
    %add3A_283 = arith.constant 336 : i32
    %add3A_284 = arith.addi %mul3A_2, %add3A_283 : i32
    %dma_start3A_285 = arith.constant 0 : i32
    %dma_start3A_286 = tpu.memref_slice %arg6[%add3A_284, %dma_start3A_285] : memref<50176x128xf32, #tpu.memory_space<hbm>> -> memref<112x128xf32, #tpu.memory_space<hbm>>
    %dma_start3A_287 = arith.constant 0 : i32
    %dma_start3A_288 = tpu.memref_slice %arg6[%add3A_284, %dma_start3A_287] : memref<50176x128xf32, #tpu.memory_space<hbm>> -> memref<112x128xf32, #tpu.memory_space<hbm>>
    tpu.enqueue_dma source(%arg17 : memref<112x128xf32, #tpu.memory_space<vmem>>) target(%dma_start3A_288 : memref<112x128xf32, #tpu.memory_space<hbm>>) target_semaphore(%arg21 : memref<!tpu.dma_semaphore, #tpu.memory_space<semaphore_mem>>)
    %dma_start3A_289 = arith.constant 0 : i32
    %dma_start3A_290 = tpu.memref_slice %arg7[%add3A_284, %dma_start3A_289] : memref<50176x128xf32, #tpu.memory_space<hbm>> -> memref<112x128xf32, #tpu.memory_space<hbm>>
    %dma_start3A_291 = arith.constant 0 : i32
    %dma_start3A_292 = tpu.memref_slice %arg7[%add3A_284, %dma_start3A_291] : memref<50176x128xf32, #tpu.memory_space<hbm>> -> memref<112x128xf32, #tpu.memory_space<hbm>>
    tpu.enqueue_dma source(%arg18 : memref<112x128xf32, #tpu.memory_space<vmem>>) target(%dma_start3A_292 : memref<112x128xf32, #tpu.memory_space<hbm>>) target_semaphore(%arg21 : memref<!tpu.dma_semaphore, #tpu.memory_space<semaphore_mem>>)
    %dma_start3A_293 = arith.constant 0 : i32
    %dma_start3A_294 = tpu.memref_slice %arg8[%add3A_284, %dma_start3A_293] : memref<50176x128xf32, #tpu.memory_space<hbm>> -> memref<112x128xf32, #tpu.memory_space<hbm>>
    %dma_start3A_295 = arith.constant 0 : i32
    %dma_start3A_296 = tpu.memref_slice %arg8[%add3A_284, %dma_start3A_295] : memref<50176x128xf32, #tpu.memory_space<hbm>> -> memref<112x128xf32, #tpu.memory_space<hbm>>
    tpu.enqueue_dma source(%arg19 : memref<112x128xf32, #tpu.memory_space<vmem>>) target(%dma_start3A_296 : memref<112x128xf32, #tpu.memory_space<hbm>>) target_semaphore(%arg21 : memref<!tpu.dma_semaphore, #tpu.memory_space<semaphore_mem>>)
    %dma_start3A_297 = arith.constant 0 : i32
    %dma_start3A_298 = tpu.memref_slice %arg9[%add3A_284, %dma_start3A_297] : memref<50176x128xf32, #tpu.memory_space<hbm>> -> memref<112x128xf32, #tpu.memory_space<hbm>>
    %dma_start3A_299 = arith.constant 0 : i32
    %dma_start3A_300 = tpu.memref_slice %arg9[%add3A_284, %dma_start3A_299] : memref<50176x128xf32, #tpu.memory_space<hbm>> -> memref<112x128xf32, #tpu.memory_space<hbm>>
    tpu.enqueue_dma source(%arg20 : memref<112x128xf32, #tpu.memory_space<vmem>>) target(%dma_start3A_300 : memref<112x128xf32, #tpu.memory_space<hbm>>) target_semaphore(%arg21 : memref<!tpu.dma_semaphore, #tpu.memory_space<semaphore_mem>>)
    %dma_wait3A_301 = arith.constant 0 : i32
    %dma_wait3A_302 = tpu.memref_slice %arg6[%add3A_284, %dma_wait3A_301] : memref<50176x128xf32, #tpu.memory_space<hbm>> -> memref<112x128xf32, #tpu.memory_space<hbm>>
    %dma_wait3A_303 = arith.constant 0 : i32
    %dma_wait3A_304 = tpu.memref_slice %arg6[%add3A_284, %dma_wait3A_303] : memref<50176x128xf32, #tpu.memory_space<hbm>> -> memref<112x128xf32, #tpu.memory_space<hbm>>
    tpu.wait_dma2 semaphore(%arg21 : memref<!tpu.dma_semaphore, #tpu.memory_space<semaphore_mem>>) src(%arg17 : memref<112x128xf32, #tpu.memory_space<vmem>>) dst(%dma_wait3A_304 : memref<112x128xf32, #tpu.memory_space<hbm>>)
    %dma_wait3A_305 = arith.constant 0 : i32
    %dma_wait3A_306 = tpu.memref_slice %arg7[%add3A_284, %dma_wait3A_305] : memref<50176x128xf32, #tpu.memory_space<hbm>> -> memref<112x128xf32, #tpu.memory_space<hbm>>
    %dma_wait3A_307 = arith.constant 0 : i32
    %dma_wait3A_308 = tpu.memref_slice %arg7[%add3A_284, %dma_wait3A_307] : memref<50176x128xf32, #tpu.memory_space<hbm>> -> memref<112x128xf32, #tpu.memory_space<hbm>>
    tpu.wait_dma2 semaphore(%arg21 : memref<!tpu.dma_semaphore, #tpu.memory_space<semaphore_mem>>) src(%arg18 : memref<112x128xf32, #tpu.memory_space<vmem>>) dst(%dma_wait3A_308 : memref<112x128xf32, #tpu.memory_space<hbm>>)
    %dma_wait3A_309 = arith.constant 0 : i32
    %dma_wait3A_310 = tpu.memref_slice %arg8[%add3A_284, %dma_wait3A_309] : memref<50176x128xf32, #tpu.memory_space<hbm>> -> memref<112x128xf32, #tpu.memory_space<hbm>>
    %dma_wait3A_311 = arith.constant 0 : i32
    %dma_wait3A_312 = tpu.memref_slice %arg8[%add3A_284, %dma_wait3A_311] : memref<50176x128xf32, #tpu.memory_space<hbm>> -> memref<112x128xf32, #tpu.memory_space<hbm>>
    tpu.wait_dma2 semaphore(%arg21 : memref<!tpu.dma_semaphore, #tpu.memory_space<semaphore_mem>>) src(%arg19 : memref<112x128xf32, #tpu.memory_space<vmem>>) dst(%dma_wait3A_312 : memref<112x128xf32, #tpu.memory_space<hbm>>)
    %dma_wait3A_313 = arith.constant 0 : i32
    %dma_wait3A_314 = tpu.memref_slice %arg9[%add3A_284, %dma_wait3A_313] : memref<50176x128xf32, #tpu.memory_space<hbm>> -> memref<112x128xf32, #tpu.memory_space<hbm>>
    %dma_wait3A_315 = arith.constant 0 : i32
    %dma_wait3A_316 = tpu.memref_slice %arg9[%add3A_284, %dma_wait3A_315] : memref<50176x128xf32, #tpu.memory_space<hbm>> -> memref<112x128xf32, #tpu.memory_space<hbm>>
    tpu.wait_dma2 semaphore(%arg21 : memref<!tpu.dma_semaphore, #tpu.memory_space<semaphore_mem>>) src(%arg20 : memref<112x128xf32, #tpu.memory_space<vmem>>) dst(%dma_wait3A_316 : memref<112x128xf32, #tpu.memory_space<hbm>>)
    %dma_start3A_317 = arith.constant 560 : i32
    %dma_start3A_318 = tpu.memref_slice %arg10[%dma_start3A_317] : memref<1568xi32, #tpu.memory_space<vmem>> -> memref<112xi32, #tpu.memory_space<vmem>>
    %dma_start3A_319 = arith.constant 0 : i32
    %dma_start3A_320 = arith.constant 0 : i32
    %dma_start3A_321 = tpu.memref_slice %arg4[%dma_start3A_319, %dma_start3A_320] : memref<100000x128xf32, #tpu.memory_space<hbm>> -> memref<100000x128xf32, #tpu.memory_space<hbm>>
    tpu.enqueue_indirect_dma source(%dma_start3A_321 : memref<100000x128xf32, #tpu.memory_space<hbm>>) target(%arg17 : memref<112x128xf32, #tpu.memory_space<vmem>>) offsets(%dma_start3A_318 : memref<112xi32, #tpu.memory_space<vmem>>) semaphore(%arg21 : memref<!tpu.dma_semaphore, #tpu.memory_space<semaphore_mem>>)
    %dma_start3A_322 = arith.constant 560 : i32
    %dma_start3A_323 = tpu.memref_slice %arg11[%dma_start3A_322] : memref<1568xi32, #tpu.memory_space<vmem>> -> memref<112xi32, #tpu.memory_space<vmem>>
    %dma_start3A_324 = arith.constant 0 : i32
    %dma_start3A_325 = arith.constant 0 : i32
    %dma_start3A_326 = tpu.memref_slice %arg4[%dma_start3A_324, %dma_start3A_325] : memref<100000x128xf32, #tpu.memory_space<hbm>> -> memref<100000x128xf32, #tpu.memory_space<hbm>>
    tpu.enqueue_indirect_dma source(%dma_start3A_326 : memref<100000x128xf32, #tpu.memory_space<hbm>>) target(%arg18 : memref<112x128xf32, #tpu.memory_space<vmem>>) offsets(%dma_start3A_323 : memref<112xi32, #tpu.memory_space<vmem>>) semaphore(%arg21 : memref<!tpu.dma_semaphore, #tpu.memory_space<semaphore_mem>>)
    %dma_start3A_327 = arith.constant 560 : i32
    %dma_start3A_328 = tpu.memref_slice %arg10[%dma_start3A_327] : memref<1568xi32, #tpu.memory_space<vmem>> -> memref<112xi32, #tpu.memory_space<vmem>>
    %dma_start3A_329 = arith.constant 0 : i32
    %dma_start3A_330 = arith.constant 0 : i32
    %dma_start3A_331 = tpu.memref_slice %arg5[%dma_start3A_329, %dma_start3A_330] : memref<100000x128xf32, #tpu.memory_space<hbm>> -> memref<100000x128xf32, #tpu.memory_space<hbm>>
    tpu.enqueue_indirect_dma source(%dma_start3A_331 : memref<100000x128xf32, #tpu.memory_space<hbm>>) target(%arg19 : memref<112x128xf32, #tpu.memory_space<vmem>>) offsets(%dma_start3A_328 : memref<112xi32, #tpu.memory_space<vmem>>) semaphore(%arg21 : memref<!tpu.dma_semaphore, #tpu.memory_space<semaphore_mem>>)
    %dma_start3A_332 = arith.constant 560 : i32
    %dma_start3A_333 = tpu.memref_slice %arg11[%dma_start3A_332] : memref<1568xi32, #tpu.memory_space<vmem>> -> memref<112xi32, #tpu.memory_space<vmem>>
    %dma_start3A_334 = arith.constant 0 : i32
    %dma_start3A_335 = arith.constant 0 : i32
    %dma_start3A_336 = tpu.memref_slice %arg5[%dma_start3A_334, %dma_start3A_335] : memref<100000x128xf32, #tpu.memory_space<hbm>> -> memref<100000x128xf32, #tpu.memory_space<hbm>>
    tpu.enqueue_indirect_dma source(%dma_start3A_336 : memref<100000x128xf32, #tpu.memory_space<hbm>>) target(%arg20 : memref<112x128xf32, #tpu.memory_space<vmem>>) offsets(%dma_start3A_333 : memref<112xi32, #tpu.memory_space<vmem>>) semaphore(%arg21 : memref<!tpu.dma_semaphore, #tpu.memory_space<semaphore_mem>>)
    %dma_wait3A_337 = arith.constant 448 : i32
    %dma_wait3A_338 = tpu.memref_slice %arg10[%dma_wait3A_337] : memref<1568xi32, #tpu.memory_space<vmem>> -> memref<112xi32, #tpu.memory_space<vmem>>
    %dma_wait3A_339 = arith.constant 0 : i32
    %dma_wait3A_340 = arith.constant 0 : i32
    %dma_wait3A_341 = tpu.memref_slice %arg4[%dma_wait3A_339, %dma_wait3A_340] : memref<100000x128xf32, #tpu.memory_space<hbm>> -> memref<100000x128xf32, #tpu.memory_space<hbm>>
    tpu.wait_indirect_dma semaphore(%arg16 : memref<!tpu.dma_semaphore, #tpu.memory_space<semaphore_mem>>) src(%dma_wait3A_341 : memref<100000x128xf32, #tpu.memory_space<hbm>>) dst(%arg12 : memref<112x128xf32, #tpu.memory_space<vmem>>)
    %dma_wait3A_342 = arith.constant 448 : i32
    %dma_wait3A_343 = tpu.memref_slice %arg11[%dma_wait3A_342] : memref<1568xi32, #tpu.memory_space<vmem>> -> memref<112xi32, #tpu.memory_space<vmem>>
    %dma_wait3A_344 = arith.constant 0 : i32
    %dma_wait3A_345 = arith.constant 0 : i32
    %dma_wait3A_346 = tpu.memref_slice %arg4[%dma_wait3A_344, %dma_wait3A_345] : memref<100000x128xf32, #tpu.memory_space<hbm>> -> memref<100000x128xf32, #tpu.memory_space<hbm>>
    tpu.wait_indirect_dma semaphore(%arg16 : memref<!tpu.dma_semaphore, #tpu.memory_space<semaphore_mem>>) src(%dma_wait3A_346 : memref<100000x128xf32, #tpu.memory_space<hbm>>) dst(%arg13 : memref<112x128xf32, #tpu.memory_space<vmem>>)
    %dma_wait3A_347 = arith.constant 448 : i32
    %dma_wait3A_348 = tpu.memref_slice %arg10[%dma_wait3A_347] : memref<1568xi32, #tpu.memory_space<vmem>> -> memref<112xi32, #tpu.memory_space<vmem>>
    %dma_wait3A_349 = arith.constant 0 : i32
    %dma_wait3A_350 = arith.constant 0 : i32
    %dma_wait3A_351 = tpu.memref_slice %arg5[%dma_wait3A_349, %dma_wait3A_350] : memref<100000x128xf32, #tpu.memory_space<hbm>> -> memref<100000x128xf32, #tpu.memory_space<hbm>>
    tpu.wait_indirect_dma semaphore(%arg16 : memref<!tpu.dma_semaphore, #tpu.memory_space<semaphore_mem>>) src(%dma_wait3A_351 : memref<100000x128xf32, #tpu.memory_space<hbm>>) dst(%arg14 : memref<112x128xf32, #tpu.memory_space<vmem>>)
    %dma_wait3A_352 = arith.constant 448 : i32
    %dma_wait3A_353 = tpu.memref_slice %arg11[%dma_wait3A_352] : memref<1568xi32, #tpu.memory_space<vmem>> -> memref<112xi32, #tpu.memory_space<vmem>>
    %dma_wait3A_354 = arith.constant 0 : i32
    %dma_wait3A_355 = arith.constant 0 : i32
    %dma_wait3A_356 = tpu.memref_slice %arg5[%dma_wait3A_354, %dma_wait3A_355] : memref<100000x128xf32, #tpu.memory_space<hbm>> -> memref<100000x128xf32, #tpu.memory_space<hbm>>
    tpu.wait_indirect_dma semaphore(%arg16 : memref<!tpu.dma_semaphore, #tpu.memory_space<semaphore_mem>>) src(%dma_wait3A_356 : memref<100000x128xf32, #tpu.memory_space<hbm>>) dst(%arg15 : memref<112x128xf32, #tpu.memory_space<vmem>>)
    %add3A_357 = arith.constant 448 : i32
    %add3A_358 = arith.addi %mul3A_2, %add3A_357 : i32
    %dma_start3A_359 = arith.constant 0 : i32
    %dma_start3A_360 = tpu.memref_slice %arg6[%add3A_358, %dma_start3A_359] : memref<50176x128xf32, #tpu.memory_space<hbm>> -> memref<112x128xf32, #tpu.memory_space<hbm>>
    %dma_start3A_361 = arith.constant 0 : i32
    %dma_start3A_362 = tpu.memref_slice %arg6[%add3A_358, %dma_start3A_361] : memref<50176x128xf32, #tpu.memory_space<hbm>> -> memref<112x128xf32, #tpu.memory_space<hbm>>
    tpu.enqueue_dma source(%arg12 : memref<112x128xf32, #tpu.memory_space<vmem>>) target(%dma_start3A_362 : memref<112x128xf32, #tpu.memory_space<hbm>>) target_semaphore(%arg16 : memref<!tpu.dma_semaphore, #tpu.memory_space<semaphore_mem>>)
    %dma_start3A_363 = arith.constant 0 : i32
    %dma_start3A_364 = tpu.memref_slice %arg7[%add3A_358, %dma_start3A_363] : memref<50176x128xf32, #tpu.memory_space<hbm>> -> memref<112x128xf32, #tpu.memory_space<hbm>>
    %dma_start3A_365 = arith.constant 0 : i32
    %dma_start3A_366 = tpu.memref_slice %arg7[%add3A_358, %dma_start3A_365] : memref<50176x128xf32, #tpu.memory_space<hbm>> -> memref<112x128xf32, #tpu.memory_space<hbm>>
    tpu.enqueue_dma source(%arg13 : memref<112x128xf32, #tpu.memory_space<vmem>>) target(%dma_start3A_366 : memref<112x128xf32, #tpu.memory_space<hbm>>) target_semaphore(%arg16 : memref<!tpu.dma_semaphore, #tpu.memory_space<semaphore_mem>>)
    %dma_start3A_367 = arith.constant 0 : i32
    %dma_start3A_368 = tpu.memref_slice %arg8[%add3A_358, %dma_start3A_367] : memref<50176x128xf32, #tpu.memory_space<hbm>> -> memref<112x128xf32, #tpu.memory_space<hbm>>
    %dma_start3A_369 = arith.constant 0 : i32
    %dma_start3A_370 = tpu.memref_slice %arg8[%add3A_358, %dma_start3A_369] : memref<50176x128xf32, #tpu.memory_space<hbm>> -> memref<112x128xf32, #tpu.memory_space<hbm>>
    tpu.enqueue_dma source(%arg14 : memref<112x128xf32, #tpu.memory_space<vmem>>) target(%dma_start3A_370 : memref<112x128xf32, #tpu.memory_space<hbm>>) target_semaphore(%arg16 : memref<!tpu.dma_semaphore, #tpu.memory_space<semaphore_mem>>)
    %dma_start3A_371 = arith.constant 0 : i32
    %dma_start3A_372 = tpu.memref_slice %arg9[%add3A_358, %dma_start3A_371] : memref<50176x128xf32, #tpu.memory_space<hbm>> -> memref<112x128xf32, #tpu.memory_space<hbm>>
    %dma_start3A_373 = arith.constant 0 : i32
    %dma_start3A_374 = tpu.memref_slice %arg9[%add3A_358, %dma_start3A_373] : memref<50176x128xf32, #tpu.memory_space<hbm>> -> memref<112x128xf32, #tpu.memory_space<hbm>>
    tpu.enqueue_dma source(%arg15 : memref<112x128xf32, #tpu.memory_space<vmem>>) target(%dma_start3A_374 : memref<112x128xf32, #tpu.memory_space<hbm>>) target_semaphore(%arg16 : memref<!tpu.dma_semaphore, #tpu.memory_space<semaphore_mem>>)
    %dma_wait3A_375 = arith.constant 0 : i32
    %dma_wait3A_376 = tpu.memref_slice %arg6[%add3A_358, %dma_wait3A_375] : memref<50176x128xf32, #tpu.memory_space<hbm>> -> memref<112x128xf32, #tpu.memory_space<hbm>>
    %dma_wait3A_377 = arith.constant 0 : i32
    %dma_wait3A_378 = tpu.memref_slice %arg6[%add3A_358, %dma_wait3A_377] : memref<50176x128xf32, #tpu.memory_space<hbm>> -> memref<112x128xf32, #tpu.memory_space<hbm>>
    tpu.wait_dma2 semaphore(%arg16 : memref<!tpu.dma_semaphore, #tpu.memory_space<semaphore_mem>>) src(%arg12 : memref<112x128xf32, #tpu.memory_space<vmem>>) dst(%dma_wait3A_378 : memref<112x128xf32, #tpu.memory_space<hbm>>)
    %dma_wait3A_379 = arith.constant 0 : i32
    %dma_wait3A_380 = tpu.memref_slice %arg7[%add3A_358, %dma_wait3A_379] : memref<50176x128xf32, #tpu.memory_space<hbm>> -> memref<112x128xf32, #tpu.memory_space<hbm>>
    %dma_wait3A_381 = arith.constant 0 : i32
    %dma_wait3A_382 = tpu.memref_slice %arg7[%add3A_358, %dma_wait3A_381] : memref<50176x128xf32, #tpu.memory_space<hbm>> -> memref<112x128xf32, #tpu.memory_space<hbm>>
    tpu.wait_dma2 semaphore(%arg16 : memref<!tpu.dma_semaphore, #tpu.memory_space<semaphore_mem>>) src(%arg13 : memref<112x128xf32, #tpu.memory_space<vmem>>) dst(%dma_wait3A_382 : memref<112x128xf32, #tpu.memory_space<hbm>>)
    %dma_wait3A_383 = arith.constant 0 : i32
    %dma_wait3A_384 = tpu.memref_slice %arg8[%add3A_358, %dma_wait3A_383] : memref<50176x128xf32, #tpu.memory_space<hbm>> -> memref<112x128xf32, #tpu.memory_space<hbm>>
    %dma_wait3A_385 = arith.constant 0 : i32
    %dma_wait3A_386 = tpu.memref_slice %arg8[%add3A_358, %dma_wait3A_385] : memref<50176x128xf32, #tpu.memory_space<hbm>> -> memref<112x128xf32, #tpu.memory_space<hbm>>
    tpu.wait_dma2 semaphore(%arg16 : memref<!tpu.dma_semaphore, #tpu.memory_space<semaphore_mem>>) src(%arg14 : memref<112x128xf32, #tpu.memory_space<vmem>>) dst(%dma_wait3A_386 : memref<112x128xf32, #tpu.memory_space<hbm>>)
    %dma_wait3A_387 = arith.constant 0 : i32
    %dma_wait3A_388 = tpu.memref_slice %arg9[%add3A_358, %dma_wait3A_387] : memref<50176x128xf32, #tpu.memory_space<hbm>> -> memref<112x128xf32, #tpu.memory_space<hbm>>
    %dma_wait3A_389 = arith.constant 0 : i32
    %dma_wait3A_390 = tpu.memref_slice %arg9[%add3A_358, %dma_wait3A_389] : memref<50176x128xf32, #tpu.memory_space<hbm>> -> memref<112x128xf32, #tpu.memory_space<hbm>>
    tpu.wait_dma2 semaphore(%arg16 : memref<!tpu.dma_semaphore, #tpu.memory_space<semaphore_mem>>) src(%arg15 : memref<112x128xf32, #tpu.memory_space<vmem>>) dst(%dma_wait3A_390 : memref<112x128xf32, #tpu.memory_space<hbm>>)
    %dma_start3A_391 = arith.constant 672 : i32
    %dma_start3A_392 = tpu.memref_slice %arg10[%dma_start3A_391] : memref<1568xi32, #tpu.memory_space<vmem>> -> memref<112xi32, #tpu.memory_space<vmem>>
    %dma_start3A_393 = arith.constant 0 : i32
    %dma_start3A_394 = arith.constant 0 : i32
    %dma_start3A_395 = tpu.memref_slice %arg4[%dma_start3A_393, %dma_start3A_394] : memref<100000x128xf32, #tpu.memory_space<hbm>> -> memref<100000x128xf32, #tpu.memory_space<hbm>>
    tpu.enqueue_indirect_dma source(%dma_start3A_395 : memref<100000x128xf32, #tpu.memory_space<hbm>>) target(%arg12 : memref<112x128xf32, #tpu.memory_space<vmem>>) offsets(%dma_start3A_392 : memref<112xi32, #tpu.memory_space<vmem>>) semaphore(%arg16 : memref<!tpu.dma_semaphore, #tpu.memory_space<semaphore_mem>>)
    %dma_start3A_396 = arith.constant 672 : i32
    %dma_start3A_397 = tpu.memref_slice %arg11[%dma_start3A_396] : memref<1568xi32, #tpu.memory_space<vmem>> -> memref<112xi32, #tpu.memory_space<vmem>>
    %dma_start3A_398 = arith.constant 0 : i32
    %dma_start3A_399 = arith.constant 0 : i32
    %dma_start3A_400 = tpu.memref_slice %arg4[%dma_start3A_398, %dma_start3A_399] : memref<100000x128xf32, #tpu.memory_space<hbm>> -> memref<100000x128xf32, #tpu.memory_space<hbm>>
    tpu.enqueue_indirect_dma source(%dma_start3A_400 : memref<100000x128xf32, #tpu.memory_space<hbm>>) target(%arg13 : memref<112x128xf32, #tpu.memory_space<vmem>>) offsets(%dma_start3A_397 : memref<112xi32, #tpu.memory_space<vmem>>) semaphore(%arg16 : memref<!tpu.dma_semaphore, #tpu.memory_space<semaphore_mem>>)
    %dma_start3A_401 = arith.constant 672 : i32
    %dma_start3A_402 = tpu.memref_slice %arg10[%dma_start3A_401] : memref<1568xi32, #tpu.memory_space<vmem>> -> memref<112xi32, #tpu.memory_space<vmem>>
    %dma_start3A_403 = arith.constant 0 : i32
    %dma_start3A_404 = arith.constant 0 : i32
    %dma_start3A_405 = tpu.memref_slice %arg5[%dma_start3A_403, %dma_start3A_404] : memref<100000x128xf32, #tpu.memory_space<hbm>> -> memref<100000x128xf32, #tpu.memory_space<hbm>>
    tpu.enqueue_indirect_dma source(%dma_start3A_405 : memref<100000x128xf32, #tpu.memory_space<hbm>>) target(%arg14 : memref<112x128xf32, #tpu.memory_space<vmem>>) offsets(%dma_start3A_402 : memref<112xi32, #tpu.memory_space<vmem>>) semaphore(%arg16 : memref<!tpu.dma_semaphore, #tpu.memory_space<semaphore_mem>>)
    %dma_start3A_406 = arith.constant 672 : i32
    %dma_start3A_407 = tpu.memref_slice %arg11[%dma_start3A_406] : memref<1568xi32, #tpu.memory_space<vmem>> -> memref<112xi32, #tpu.memory_space<vmem>>
    %dma_start3A_408 = arith.constant 0 : i32
    %dma_start3A_409 = arith.constant 0 : i32
    %dma_start3A_410 = tpu.memref_slice %arg5[%dma_start3A_408, %dma_start3A_409] : memref<100000x128xf32, #tpu.memory_space<hbm>> -> memref<100000x128xf32, #tpu.memory_space<hbm>>
    tpu.enqueue_indirect_dma source(%dma_start3A_410 : memref<100000x128xf32, #tpu.memory_space<hbm>>) target(%arg15 : memref<112x128xf32, #tpu.memory_space<vmem>>) offsets(%dma_start3A_407 : memref<112xi32, #tpu.memory_space<vmem>>) semaphore(%arg16 : memref<!tpu.dma_semaphore, #tpu.memory_space<semaphore_mem>>)
    %dma_wait3A_411 = arith.constant 560 : i32
    %dma_wait3A_412 = tpu.memref_slice %arg10[%dma_wait3A_411] : memref<1568xi32, #tpu.memory_space<vmem>> -> memref<112xi32, #tpu.memory_space<vmem>>
    %dma_wait3A_413 = arith.constant 0 : i32
    %dma_wait3A_414 = arith.constant 0 : i32
    %dma_wait3A_415 = tpu.memref_slice %arg4[%dma_wait3A_413, %dma_wait3A_414] : memref<100000x128xf32, #tpu.memory_space<hbm>> -> memref<100000x128xf32, #tpu.memory_space<hbm>>
    tpu.wait_indirect_dma semaphore(%arg21 : memref<!tpu.dma_semaphore, #tpu.memory_space<semaphore_mem>>) src(%dma_wait3A_415 : memref<100000x128xf32, #tpu.memory_space<hbm>>) dst(%arg17 : memref<112x128xf32, #tpu.memory_space<vmem>>)
    %dma_wait3A_416 = arith.constant 560 : i32
    %dma_wait3A_417 = tpu.memref_slice %arg11[%dma_wait3A_416] : memref<1568xi32, #tpu.memory_space<vmem>> -> memref<112xi32, #tpu.memory_space<vmem>>
    %dma_wait3A_418 = arith.constant 0 : i32
    %dma_wait3A_419 = arith.constant 0 : i32
    %dma_wait3A_420 = tpu.memref_slice %arg4[%dma_wait3A_418, %dma_wait3A_419] : memref<100000x128xf32, #tpu.memory_space<hbm>> -> memref<100000x128xf32, #tpu.memory_space<hbm>>
    tpu.wait_indirect_dma semaphore(%arg21 : memref<!tpu.dma_semaphore, #tpu.memory_space<semaphore_mem>>) src(%dma_wait3A_420 : memref<100000x128xf32, #tpu.memory_space<hbm>>) dst(%arg18 : memref<112x128xf32, #tpu.memory_space<vmem>>)
    %dma_wait3A_421 = arith.constant 560 : i32
    %dma_wait3A_422 = tpu.memref_slice %arg10[%dma_wait3A_421] : memref<1568xi32, #tpu.memory_space<vmem>> -> memref<112xi32, #tpu.memory_space<vmem>>
    %dma_wait3A_423 = arith.constant 0 : i32
    %dma_wait3A_424 = arith.constant 0 : i32
    %dma_wait3A_425 = tpu.memref_slice %arg5[%dma_wait3A_423, %dma_wait3A_424] : memref<100000x128xf32, #tpu.memory_space<hbm>> -> memref<100000x128xf32, #tpu.memory_space<hbm>>
    tpu.wait_indirect_dma semaphore(%arg21 : memref<!tpu.dma_semaphore, #tpu.memory_space<semaphore_mem>>) src(%dma_wait3A_425 : memref<100000x128xf32, #tpu.memory_space<hbm>>) dst(%arg19 : memref<112x128xf32, #tpu.memory_space<vmem>>)
    %dma_wait3A_426 = arith.constant 560 : i32
    %dma_wait3A_427 = tpu.memref_slice %arg11[%dma_wait3A_426] : memref<1568xi32, #tpu.memory_space<vmem>> -> memref<112xi32, #tpu.memory_space<vmem>>
    %dma_wait3A_428 = arith.constant 0 : i32
    %dma_wait3A_429 = arith.constant 0 : i32
    %dma_wait3A_430 = tpu.memref_slice %arg5[%dma_wait3A_428, %dma_wait3A_429] : memref<100000x128xf32, #tpu.memory_space<hbm>> -> memref<100000x128xf32, #tpu.memory_space<hbm>>
    tpu.wait_indirect_dma semaphore(%arg21 : memref<!tpu.dma_semaphore, #tpu.memory_space<semaphore_mem>>) src(%dma_wait3A_430 : memref<100000x128xf32, #tpu.memory_space<hbm>>) dst(%arg20 : memref<112x128xf32, #tpu.memory_space<vmem>>)
    %add3A_431 = arith.constant 560 : i32
    %add3A_432 = arith.addi %mul3A_2, %add3A_431 : i32
    %dma_start3A_433 = arith.constant 0 : i32
    %dma_start3A_434 = tpu.memref_slice %arg6[%add3A_432, %dma_start3A_433] : memref<50176x128xf32, #tpu.memory_space<hbm>> -> memref<112x128xf32, #tpu.memory_space<hbm>>
    %dma_start3A_435 = arith.constant 0 : i32
    %dma_start3A_436 = tpu.memref_slice %arg6[%add3A_432, %dma_start3A_435] : memref<50176x128xf32, #tpu.memory_space<hbm>> -> memref<112x128xf32, #tpu.memory_space<hbm>>
    tpu.enqueue_dma source(%arg17 : memref<112x128xf32, #tpu.memory_space<vmem>>) target(%dma_start3A_436 : memref<112x128xf32, #tpu.memory_space<hbm>>) target_semaphore(%arg21 : memref<!tpu.dma_semaphore, #tpu.memory_space<semaphore_mem>>)
    %dma_start3A_437 = arith.constant 0 : i32
    %dma_start3A_438 = tpu.memref_slice %arg7[%add3A_432, %dma_start3A_437] : memref<50176x128xf32, #tpu.memory_space<hbm>> -> memref<112x128xf32, #tpu.memory_space<hbm>>
    %dma_start3A_439 = arith.constant 0 : i32
    %dma_start3A_440 = tpu.memref_slice %arg7[%add3A_432, %dma_start3A_439] : memref<50176x128xf32, #tpu.memory_space<hbm>> -> memref<112x128xf32, #tpu.memory_space<hbm>>
    tpu.enqueue_dma source(%arg18 : memref<112x128xf32, #tpu.memory_space<vmem>>) target(%dma_start3A_440 : memref<112x128xf32, #tpu.memory_space<hbm>>) target_semaphore(%arg21 : memref<!tpu.dma_semaphore, #tpu.memory_space<semaphore_mem>>)
    %dma_start3A_441 = arith.constant 0 : i32
    %dma_start3A_442 = tpu.memref_slice %arg8[%add3A_432, %dma_start3A_441] : memref<50176x128xf32, #tpu.memory_space<hbm>> -> memref<112x128xf32, #tpu.memory_space<hbm>>
    %dma_start3A_443 = arith.constant 0 : i32
    %dma_start3A_444 = tpu.memref_slice %arg8[%add3A_432, %dma_start3A_443] : memref<50176x128xf32, #tpu.memory_space<hbm>> -> memref<112x128xf32, #tpu.memory_space<hbm>>
    tpu.enqueue_dma source(%arg19 : memref<112x128xf32, #tpu.memory_space<vmem>>) target(%dma_start3A_444 : memref<112x128xf32, #tpu.memory_space<hbm>>) target_semaphore(%arg21 : memref<!tpu.dma_semaphore, #tpu.memory_space<semaphore_mem>>)
    %dma_start3A_445 = arith.constant 0 : i32
    %dma_start3A_446 = tpu.memref_slice %arg9[%add3A_432, %dma_start3A_445] : memref<50176x128xf32, #tpu.memory_space<hbm>> -> memref<112x128xf32, #tpu.memory_space<hbm>>
    %dma_start3A_447 = arith.constant 0 : i32
    %dma_start3A_448 = tpu.memref_slice %arg9[%add3A_432, %dma_start3A_447] : memref<50176x128xf32, #tpu.memory_space<hbm>> -> memref<112x128xf32, #tpu.memory_space<hbm>>
    tpu.enqueue_dma source(%arg20 : memref<112x128xf32, #tpu.memory_space<vmem>>) target(%dma_start3A_448 : memref<112x128xf32, #tpu.memory_space<hbm>>) target_semaphore(%arg21 : memref<!tpu.dma_semaphore, #tpu.memory_space<semaphore_mem>>)
    %dma_wait3A_449 = arith.constant 0 : i32
    %dma_wait3A_450 = tpu.memref_slice %arg6[%add3A_432, %dma_wait3A_449] : memref<50176x128xf32, #tpu.memory_space<hbm>> -> memref<112x128xf32, #tpu.memory_space<hbm>>
    %dma_wait3A_451 = arith.constant 0 : i32
    %dma_wait3A_452 = tpu.memref_slice %arg6[%add3A_432, %dma_wait3A_451] : memref<50176x128xf32, #tpu.memory_space<hbm>> -> memref<112x128xf32, #tpu.memory_space<hbm>>
    tpu.wait_dma2 semaphore(%arg21 : memref<!tpu.dma_semaphore, #tpu.memory_space<semaphore_mem>>) src(%arg17 : memref<112x128xf32, #tpu.memory_space<vmem>>) dst(%dma_wait3A_452 : memref<112x128xf32, #tpu.memory_space<hbm>>)
    %dma_wait3A_453 = arith.constant 0 : i32
    %dma_wait3A_454 = tpu.memref_slice %arg7[%add3A_432, %dma_wait3A_453] : memref<50176x128xf32, #tpu.memory_space<hbm>> -> memref<112x128xf32, #tpu.memory_space<hbm>>
    %dma_wait3A_455 = arith.constant 0 : i32
    %dma_wait3A_456 = tpu.memref_slice %arg7[%add3A_432, %dma_wait3A_455] : memref<50176x128xf32, #tpu.memory_space<hbm>> -> memref<112x128xf32, #tpu.memory_space<hbm>>
    tpu.wait_dma2 semaphore(%arg21 : memref<!tpu.dma_semaphore, #tpu.memory_space<semaphore_mem>>) src(%arg18 : memref<112x128xf32, #tpu.memory_space<vmem>>) dst(%dma_wait3A_456 : memref<112x128xf32, #tpu.memory_space<hbm>>)
    %dma_wait3A_457 = arith.constant 0 : i32
    %dma_wait3A_458 = tpu.memref_slice %arg8[%add3A_432, %dma_wait3A_457] : memref<50176x128xf32, #tpu.memory_space<hbm>> -> memref<112x128xf32, #tpu.memory_space<hbm>>
    %dma_wait3A_459 = arith.constant 0 : i32
    %dma_wait3A_460 = tpu.memref_slice %arg8[%add3A_432, %dma_wait3A_459] : memref<50176x128xf32, #tpu.memory_space<hbm>> -> memref<112x128xf32, #tpu.memory_space<hbm>>
    tpu.wait_dma2 semaphore(%arg21 : memref<!tpu.dma_semaphore, #tpu.memory_space<semaphore_mem>>) src(%arg19 : memref<112x128xf32, #tpu.memory_space<vmem>>) dst(%dma_wait3A_460 : memref<112x128xf32, #tpu.memory_space<hbm>>)
    %dma_wait3A_461 = arith.constant 0 : i32
    %dma_wait3A_462 = tpu.memref_slice %arg9[%add3A_432, %dma_wait3A_461] : memref<50176x128xf32, #tpu.memory_space<hbm>> -> memref<112x128xf32, #tpu.memory_space<hbm>>
    %dma_wait3A_463 = arith.constant 0 : i32
    %dma_wait3A_464 = tpu.memref_slice %arg9[%add3A_432, %dma_wait3A_463] : memref<50176x128xf32, #tpu.memory_space<hbm>> -> memref<112x128xf32, #tpu.memory_space<hbm>>
    tpu.wait_dma2 semaphore(%arg21 : memref<!tpu.dma_semaphore, #tpu.memory_space<semaphore_mem>>) src(%arg20 : memref<112x128xf32, #tpu.memory_space<vmem>>) dst(%dma_wait3A_464 : memref<112x128xf32, #tpu.memory_space<hbm>>)
    %dma_start3A_465 = arith.constant 784 : i32
    %dma_start3A_466 = tpu.memref_slice %arg10[%dma_start3A_465] : memref<1568xi32, #tpu.memory_space<vmem>> -> memref<112xi32, #tpu.memory_space<vmem>>
    %dma_start3A_467 = arith.constant 0 : i32
    %dma_start3A_468 = arith.constant 0 : i32
    %dma_start3A_469 = tpu.memref_slice %arg4[%dma_start3A_467, %dma_start3A_468] : memref<100000x128xf32, #tpu.memory_space<hbm>> -> memref<100000x128xf32, #tpu.memory_space<hbm>>
    tpu.enqueue_indirect_dma source(%dma_start3A_469 : memref<100000x128xf32, #tpu.memory_space<hbm>>) target(%arg17 : memref<112x128xf32, #tpu.memory_space<vmem>>) offsets(%dma_start3A_466 : memref<112xi32, #tpu.memory_space<vmem>>) semaphore(%arg21 : memref<!tpu.dma_semaphore, #tpu.memory_space<semaphore_mem>>)
    %dma_start3A_470 = arith.constant 784 : i32
    %dma_start3A_471 = tpu.memref_slice %arg11[%dma_start3A_470] : memref<1568xi32, #tpu.memory_space<vmem>> -> memref<112xi32, #tpu.memory_space<vmem>>
    %dma_start3A_472 = arith.constant 0 : i32
    %dma_start3A_473 = arith.constant 0 : i32
    %dma_start3A_474 = tpu.memref_slice %arg4[%dma_start3A_472, %dma_start3A_473] : memref<100000x128xf32, #tpu.memory_space<hbm>> -> memref<100000x128xf32, #tpu.memory_space<hbm>>
    tpu.enqueue_indirect_dma source(%dma_start3A_474 : memref<100000x128xf32, #tpu.memory_space<hbm>>) target(%arg18 : memref<112x128xf32, #tpu.memory_space<vmem>>) offsets(%dma_start3A_471 : memref<112xi32, #tpu.memory_space<vmem>>) semaphore(%arg21 : memref<!tpu.dma_semaphore, #tpu.memory_space<semaphore_mem>>)
    %dma_start3A_475 = arith.constant 784 : i32
    %dma_start3A_476 = tpu.memref_slice %arg10[%dma_start3A_475] : memref<1568xi32, #tpu.memory_space<vmem>> -> memref<112xi32, #tpu.memory_space<vmem>>
    %dma_start3A_477 = arith.constant 0 : i32
    %dma_start3A_478 = arith.constant 0 : i32
    %dma_start3A_479 = tpu.memref_slice %arg5[%dma_start3A_477, %dma_start3A_478] : memref<100000x128xf32, #tpu.memory_space<hbm>> -> memref<100000x128xf32, #tpu.memory_space<hbm>>
    tpu.enqueue_indirect_dma source(%dma_start3A_479 : memref<100000x128xf32, #tpu.memory_space<hbm>>) target(%arg19 : memref<112x128xf32, #tpu.memory_space<vmem>>) offsets(%dma_start3A_476 : memref<112xi32, #tpu.memory_space<vmem>>) semaphore(%arg21 : memref<!tpu.dma_semaphore, #tpu.memory_space<semaphore_mem>>)
    %dma_start3A_480 = arith.constant 784 : i32
    %dma_start3A_481 = tpu.memref_slice %arg11[%dma_start3A_480] : memref<1568xi32, #tpu.memory_space<vmem>> -> memref<112xi32, #tpu.memory_space<vmem>>
    %dma_start3A_482 = arith.constant 0 : i32
    %dma_start3A_483 = arith.constant 0 : i32
    %dma_start3A_484 = tpu.memref_slice %arg5[%dma_start3A_482, %dma_start3A_483] : memref<100000x128xf32, #tpu.memory_space<hbm>> -> memref<100000x128xf32, #tpu.memory_space<hbm>>
    tpu.enqueue_indirect_dma source(%dma_start3A_484 : memref<100000x128xf32, #tpu.memory_space<hbm>>) target(%arg20 : memref<112x128xf32, #tpu.memory_space<vmem>>) offsets(%dma_start3A_481 : memref<112xi32, #tpu.memory_space<vmem>>) semaphore(%arg21 : memref<!tpu.dma_semaphore, #tpu.memory_space<semaphore_mem>>)
    %dma_wait3A_485 = arith.constant 672 : i32
    %dma_wait3A_486 = tpu.memref_slice %arg10[%dma_wait3A_485] : memref<1568xi32, #tpu.memory_space<vmem>> -> memref<112xi32, #tpu.memory_space<vmem>>
    %dma_wait3A_487 = arith.constant 0 : i32
    %dma_wait3A_488 = arith.constant 0 : i32
    %dma_wait3A_489 = tpu.memref_slice %arg4[%dma_wait3A_487, %dma_wait3A_488] : memref<100000x128xf32, #tpu.memory_space<hbm>> -> memref<100000x128xf32, #tpu.memory_space<hbm>>
    tpu.wait_indirect_dma semaphore(%arg16 : memref<!tpu.dma_semaphore, #tpu.memory_space<semaphore_mem>>) src(%dma_wait3A_489 : memref<100000x128xf32, #tpu.memory_space<hbm>>) dst(%arg12 : memref<112x128xf32, #tpu.memory_space<vmem>>)
    %dma_wait3A_490 = arith.constant 672 : i32
    %dma_wait3A_491 = tpu.memref_slice %arg11[%dma_wait3A_490] : memref<1568xi32, #tpu.memory_space<vmem>> -> memref<112xi32, #tpu.memory_space<vmem>>
    %dma_wait3A_492 = arith.constant 0 : i32
    %dma_wait3A_493 = arith.constant 0 : i32
    %dma_wait3A_494 = tpu.memref_slice %arg4[%dma_wait3A_492, %dma_wait3A_493] : memref<100000x128xf32, #tpu.memory_space<hbm>> -> memref<100000x128xf32, #tpu.memory_space<hbm>>
    tpu.wait_indirect_dma semaphore(%arg16 : memref<!tpu.dma_semaphore, #tpu.memory_space<semaphore_mem>>) src(%dma_wait3A_494 : memref<100000x128xf32, #tpu.memory_space<hbm>>) dst(%arg13 : memref<112x128xf32, #tpu.memory_space<vmem>>)
    %dma_wait3A_495 = arith.constant 672 : i32
    %dma_wait3A_496 = tpu.memref_slice %arg10[%dma_wait3A_495] : memref<1568xi32, #tpu.memory_space<vmem>> -> memref<112xi32, #tpu.memory_space<vmem>>
    %dma_wait3A_497 = arith.constant 0 : i32
    %dma_wait3A_498 = arith.constant 0 : i32
    %dma_wait3A_499 = tpu.memref_slice %arg5[%dma_wait3A_497, %dma_wait3A_498] : memref<100000x128xf32, #tpu.memory_space<hbm>> -> memref<100000x128xf32, #tpu.memory_space<hbm>>
    tpu.wait_indirect_dma semaphore(%arg16 : memref<!tpu.dma_semaphore, #tpu.memory_space<semaphore_mem>>) src(%dma_wait3A_499 : memref<100000x128xf32, #tpu.memory_space<hbm>>) dst(%arg14 : memref<112x128xf32, #tpu.memory_space<vmem>>)
    %dma_wait3A_500 = arith.constant 672 : i32
    %dma_wait3A_501 = tpu.memref_slice %arg11[%dma_wait3A_500] : memref<1568xi32, #tpu.memory_space<vmem>> -> memref<112xi32, #tpu.memory_space<vmem>>
    %dma_wait3A_502 = arith.constant 0 : i32
    %dma_wait3A_503 = arith.constant 0 : i32
    %dma_wait3A_504 = tpu.memref_slice %arg5[%dma_wait3A_502, %dma_wait3A_503] : memref<100000x128xf32, #tpu.memory_space<hbm>> -> memref<100000x128xf32, #tpu.memory_space<hbm>>
    tpu.wait_indirect_dma semaphore(%arg16 : memref<!tpu.dma_semaphore, #tpu.memory_space<semaphore_mem>>) src(%dma_wait3A_504 : memref<100000x128xf32, #tpu.memory_space<hbm>>) dst(%arg15 : memref<112x128xf32, #tpu.memory_space<vmem>>)
    %add3A_505 = arith.constant 672 : i32
    %add3A_506 = arith.addi %mul3A_2, %add3A_505 : i32
    %dma_start3A_507 = arith.constant 0 : i32
    %dma_start3A_508 = tpu.memref_slice %arg6[%add3A_506, %dma_start3A_507] : memref<50176x128xf32, #tpu.memory_space<hbm>> -> memref<112x128xf32, #tpu.memory_space<hbm>>
    %dma_start3A_509 = arith.constant 0 : i32
    %dma_start3A_510 = tpu.memref_slice %arg6[%add3A_506, %dma_start3A_509] : memref<50176x128xf32, #tpu.memory_space<hbm>> -> memref<112x128xf32, #tpu.memory_space<hbm>>
    tpu.enqueue_dma source(%arg12 : memref<112x128xf32, #tpu.memory_space<vmem>>) target(%dma_start3A_510 : memref<112x128xf32, #tpu.memory_space<hbm>>) target_semaphore(%arg16 : memref<!tpu.dma_semaphore, #tpu.memory_space<semaphore_mem>>)
    %dma_start3A_511 = arith.constant 0 : i32
    %dma_start3A_512 = tpu.memref_slice %arg7[%add3A_506, %dma_start3A_511] : memref<50176x128xf32, #tpu.memory_space<hbm>> -> memref<112x128xf32, #tpu.memory_space<hbm>>
    %dma_start3A_513 = arith.constant 0 : i32
    %dma_start3A_514 = tpu.memref_slice %arg7[%add3A_506, %dma_start3A_513] : memref<50176x128xf32, #tpu.memory_space<hbm>> -> memref<112x128xf32, #tpu.memory_space<hbm>>
    tpu.enqueue_dma source(%arg13 : memref<112x128xf32, #tpu.memory_space<vmem>>) target(%dma_start3A_514 : memref<112x128xf32, #tpu.memory_space<hbm>>) target_semaphore(%arg16 : memref<!tpu.dma_semaphore, #tpu.memory_space<semaphore_mem>>)
    %dma_start3A_515 = arith.constant 0 : i32
    %dma_start3A_516 = tpu.memref_slice %arg8[%add3A_506, %dma_start3A_515] : memref<50176x128xf32, #tpu.memory_space<hbm>> -> memref<112x128xf32, #tpu.memory_space<hbm>>
    %dma_start3A_517 = arith.constant 0 : i32
    %dma_start3A_518 = tpu.memref_slice %arg8[%add3A_506, %dma_start3A_517] : memref<50176x128xf32, #tpu.memory_space<hbm>> -> memref<112x128xf32, #tpu.memory_space<hbm>>
    tpu.enqueue_dma source(%arg14 : memref<112x128xf32, #tpu.memory_space<vmem>>) target(%dma_start3A_518 : memref<112x128xf32, #tpu.memory_space<hbm>>) target_semaphore(%arg16 : memref<!tpu.dma_semaphore, #tpu.memory_space<semaphore_mem>>)
    %dma_start3A_519 = arith.constant 0 : i32
    %dma_start3A_520 = tpu.memref_slice %arg9[%add3A_506, %dma_start3A_519] : memref<50176x128xf32, #tpu.memory_space<hbm>> -> memref<112x128xf32, #tpu.memory_space<hbm>>
    %dma_start3A_521 = arith.constant 0 : i32
    %dma_start3A_522 = tpu.memref_slice %arg9[%add3A_506, %dma_start3A_521] : memref<50176x128xf32, #tpu.memory_space<hbm>> -> memref<112x128xf32, #tpu.memory_space<hbm>>
    tpu.enqueue_dma source(%arg15 : memref<112x128xf32, #tpu.memory_space<vmem>>) target(%dma_start3A_522 : memref<112x128xf32, #tpu.memory_space<hbm>>) target_semaphore(%arg16 : memref<!tpu.dma_semaphore, #tpu.memory_space<semaphore_mem>>)
    %dma_wait3A_523 = arith.constant 0 : i32
    %dma_wait3A_524 = tpu.memref_slice %arg6[%add3A_506, %dma_wait3A_523] : memref<50176x128xf32, #tpu.memory_space<hbm>> -> memref<112x128xf32, #tpu.memory_space<hbm>>
    %dma_wait3A_525 = arith.constant 0 : i32
    %dma_wait3A_526 = tpu.memref_slice %arg6[%add3A_506, %dma_wait3A_525] : memref<50176x128xf32, #tpu.memory_space<hbm>> -> memref<112x128xf32, #tpu.memory_space<hbm>>
    tpu.wait_dma2 semaphore(%arg16 : memref<!tpu.dma_semaphore, #tpu.memory_space<semaphore_mem>>) src(%arg12 : memref<112x128xf32, #tpu.memory_space<vmem>>) dst(%dma_wait3A_526 : memref<112x128xf32, #tpu.memory_space<hbm>>)
    %dma_wait3A_527 = arith.constant 0 : i32
    %dma_wait3A_528 = tpu.memref_slice %arg7[%add3A_506, %dma_wait3A_527] : memref<50176x128xf32, #tpu.memory_space<hbm>> -> memref<112x128xf32, #tpu.memory_space<hbm>>
    %dma_wait3A_529 = arith.constant 0 : i32
    %dma_wait3A_530 = tpu.memref_slice %arg7[%add3A_506, %dma_wait3A_529] : memref<50176x128xf32, #tpu.memory_space<hbm>> -> memref<112x128xf32, #tpu.memory_space<hbm>>
    tpu.wait_dma2 semaphore(%arg16 : memref<!tpu.dma_semaphore, #tpu.memory_space<semaphore_mem>>) src(%arg13 : memref<112x128xf32, #tpu.memory_space<vmem>>) dst(%dma_wait3A_530 : memref<112x128xf32, #tpu.memory_space<hbm>>)
    %dma_wait3A_531 = arith.constant 0 : i32
    %dma_wait3A_532 = tpu.memref_slice %arg8[%add3A_506, %dma_wait3A_531] : memref<50176x128xf32, #tpu.memory_space<hbm>> -> memref<112x128xf32, #tpu.memory_space<hbm>>
    %dma_wait3A_533 = arith.constant 0 : i32
    %dma_wait3A_534 = tpu.memref_slice %arg8[%add3A_506, %dma_wait3A_533] : memref<50176x128xf32, #tpu.memory_space<hbm>> -> memref<112x128xf32, #tpu.memory_space<hbm>>
    tpu.wait_dma2 semaphore(%arg16 : memref<!tpu.dma_semaphore, #tpu.memory_space<semaphore_mem>>) src(%arg14 : memref<112x128xf32, #tpu.memory_space<vmem>>) dst(%dma_wait3A_534 : memref<112x128xf32, #tpu.memory_space<hbm>>)
    %dma_wait3A_535 = arith.constant 0 : i32
    %dma_wait3A_536 = tpu.memref_slice %arg9[%add3A_506, %dma_wait3A_535] : memref<50176x128xf32, #tpu.memory_space<hbm>> -> memref<112x128xf32, #tpu.memory_space<hbm>>
    %dma_wait3A_537 = arith.constant 0 : i32
    %dma_wait3A_538 = tpu.memref_slice %arg9[%add3A_506, %dma_wait3A_537] : memref<50176x128xf32, #tpu.memory_space<hbm>> -> memref<112x128xf32, #tpu.memory_space<hbm>>
    tpu.wait_dma2 semaphore(%arg16 : memref<!tpu.dma_semaphore, #tpu.memory_space<semaphore_mem>>) src(%arg15 : memref<112x128xf32, #tpu.memory_space<vmem>>) dst(%dma_wait3A_538 : memref<112x128xf32, #tpu.memory_space<hbm>>)
    %dma_start3A_539 = arith.constant 896 : i32
    %dma_start3A_540 = tpu.memref_slice %arg10[%dma_start3A_539] : memref<1568xi32, #tpu.memory_space<vmem>> -> memref<112xi32, #tpu.memory_space<vmem>>
    %dma_start3A_541 = arith.constant 0 : i32
    %dma_start3A_542 = arith.constant 0 : i32
    %dma_start3A_543 = tpu.memref_slice %arg4[%dma_start3A_541, %dma_start3A_542] : memref<100000x128xf32, #tpu.memory_space<hbm>> -> memref<100000x128xf32, #tpu.memory_space<hbm>>
    tpu.enqueue_indirect_dma source(%dma_start3A_543 : memref<100000x128xf32, #tpu.memory_space<hbm>>) target(%arg12 : memref<112x128xf32, #tpu.memory_space<vmem>>) offsets(%dma_start3A_540 : memref<112xi32, #tpu.memory_space<vmem>>) semaphore(%arg16 : memref<!tpu.dma_semaphore, #tpu.memory_space<semaphore_mem>>)
    %dma_start3A_544 = arith.constant 896 : i32
    %dma_start3A_545 = tpu.memref_slice %arg11[%dma_start3A_544] : memref<1568xi32, #tpu.memory_space<vmem>> -> memref<112xi32, #tpu.memory_space<vmem>>
    %dma_start3A_546 = arith.constant 0 : i32
    %dma_start3A_547 = arith.constant 0 : i32
    %dma_start3A_548 = tpu.memref_slice %arg4[%dma_start3A_546, %dma_start3A_547] : memref<100000x128xf32, #tpu.memory_space<hbm>> -> memref<100000x128xf32, #tpu.memory_space<hbm>>
    tpu.enqueue_indirect_dma source(%dma_start3A_548 : memref<100000x128xf32, #tpu.memory_space<hbm>>) target(%arg13 : memref<112x128xf32, #tpu.memory_space<vmem>>) offsets(%dma_start3A_545 : memref<112xi32, #tpu.memory_space<vmem>>) semaphore(%arg16 : memref<!tpu.dma_semaphore, #tpu.memory_space<semaphore_mem>>)
    %dma_start3A_549 = arith.constant 896 : i32
    %dma_start3A_550 = tpu.memref_slice %arg10[%dma_start3A_549] : memref<1568xi32, #tpu.memory_space<vmem>> -> memref<112xi32, #tpu.memory_space<vmem>>
    %dma_start3A_551 = arith.constant 0 : i32
    %dma_start3A_552 = arith.constant 0 : i32
    %dma_start3A_553 = tpu.memref_slice %arg5[%dma_start3A_551, %dma_start3A_552] : memref<100000x128xf32, #tpu.memory_space<hbm>> -> memref<100000x128xf32, #tpu.memory_space<hbm>>
    tpu.enqueue_indirect_dma source(%dma_start3A_553 : memref<100000x128xf32, #tpu.memory_space<hbm>>) target(%arg14 : memref<112x128xf32, #tpu.memory_space<vmem>>) offsets(%dma_start3A_550 : memref<112xi32, #tpu.memory_space<vmem>>) semaphore(%arg16 : memref<!tpu.dma_semaphore, #tpu.memory_space<semaphore_mem>>)
    %dma_start3A_554 = arith.constant 896 : i32
    %dma_start3A_555 = tpu.memref_slice %arg11[%dma_start3A_554] : memref<1568xi32, #tpu.memory_space<vmem>> -> memref<112xi32, #tpu.memory_space<vmem>>
    %dma_start3A_556 = arith.constant 0 : i32
    %dma_start3A_557 = arith.constant 0 : i32
    %dma_start3A_558 = tpu.memref_slice %arg5[%dma_start3A_556, %dma_start3A_557] : memref<100000x128xf32, #tpu.memory_space<hbm>> -> memref<100000x128xf32, #tpu.memory_space<hbm>>
    tpu.enqueue_indirect_dma source(%dma_start3A_558 : memref<100000x128xf32, #tpu.memory_space<hbm>>) target(%arg15 : memref<112x128xf32, #tpu.memory_space<vmem>>) offsets(%dma_start3A_555 : memref<112xi32, #tpu.memory_space<vmem>>) semaphore(%arg16 : memref<!tpu.dma_semaphore, #tpu.memory_space<semaphore_mem>>)
    %dma_wait3A_559 = arith.constant 784 : i32
    %dma_wait3A_560 = tpu.memref_slice %arg10[%dma_wait3A_559] : memref<1568xi32, #tpu.memory_space<vmem>> -> memref<112xi32, #tpu.memory_space<vmem>>
    %dma_wait3A_561 = arith.constant 0 : i32
    %dma_wait3A_562 = arith.constant 0 : i32
    %dma_wait3A_563 = tpu.memref_slice %arg4[%dma_wait3A_561, %dma_wait3A_562] : memref<100000x128xf32, #tpu.memory_space<hbm>> -> memref<100000x128xf32, #tpu.memory_space<hbm>>
    tpu.wait_indirect_dma semaphore(%arg21 : memref<!tpu.dma_semaphore, #tpu.memory_space<semaphore_mem>>) src(%dma_wait3A_563 : memref<100000x128xf32, #tpu.memory_space<hbm>>) dst(%arg17 : memref<112x128xf32, #tpu.memory_space<vmem>>)
    %dma_wait3A_564 = arith.constant 784 : i32
    %dma_wait3A_565 = tpu.memref_slice %arg11[%dma_wait3A_564] : memref<1568xi32, #tpu.memory_space<vmem>> -> memref<112xi32, #tpu.memory_space<vmem>>
    %dma_wait3A_566 = arith.constant 0 : i32
    %dma_wait3A_567 = arith.constant 0 : i32
    %dma_wait3A_568 = tpu.memref_slice %arg4[%dma_wait3A_566, %dma_wait3A_567] : memref<100000x128xf32, #tpu.memory_space<hbm>> -> memref<100000x128xf32, #tpu.memory_space<hbm>>
    tpu.wait_indirect_dma semaphore(%arg21 : memref<!tpu.dma_semaphore, #tpu.memory_space<semaphore_mem>>) src(%dma_wait3A_568 : memref<100000x128xf32, #tpu.memory_space<hbm>>) dst(%arg18 : memref<112x128xf32, #tpu.memory_space<vmem>>)
    %dma_wait3A_569 = arith.constant 784 : i32
    %dma_wait3A_570 = tpu.memref_slice %arg10[%dma_wait3A_569] : memref<1568xi32, #tpu.memory_space<vmem>> -> memref<112xi32, #tpu.memory_space<vmem>>
    %dma_wait3A_571 = arith.constant 0 : i32
    %dma_wait3A_572 = arith.constant 0 : i32
    %dma_wait3A_573 = tpu.memref_slice %arg5[%dma_wait3A_571, %dma_wait3A_572] : memref<100000x128xf32, #tpu.memory_space<hbm>> -> memref<100000x128xf32, #tpu.memory_space<hbm>>
    tpu.wait_indirect_dma semaphore(%arg21 : memref<!tpu.dma_semaphore, #tpu.memory_space<semaphore_mem>>) src(%dma_wait3A_573 : memref<100000x128xf32, #tpu.memory_space<hbm>>) dst(%arg19 : memref<112x128xf32, #tpu.memory_space<vmem>>)
    %dma_wait3A_574 = arith.constant 784 : i32
    %dma_wait3A_575 = tpu.memref_slice %arg11[%dma_wait3A_574] : memref<1568xi32, #tpu.memory_space<vmem>> -> memref<112xi32, #tpu.memory_space<vmem>>
    %dma_wait3A_576 = arith.constant 0 : i32
    %dma_wait3A_577 = arith.constant 0 : i32
    %dma_wait3A_578 = tpu.memref_slice %arg5[%dma_wait3A_576, %dma_wait3A_577] : memref<100000x128xf32, #tpu.memory_space<hbm>> -> memref<100000x128xf32, #tpu.memory_space<hbm>>
    tpu.wait_indirect_dma semaphore(%arg21 : memref<!tpu.dma_semaphore, #tpu.memory_space<semaphore_mem>>) src(%dma_wait3A_578 : memref<100000x128xf32, #tpu.memory_space<hbm>>) dst(%arg20 : memref<112x128xf32, #tpu.memory_space<vmem>>)
    %add3A_579 = arith.constant 784 : i32
    %add3A_580 = arith.addi %mul3A_2, %add3A_579 : i32
    %dma_start3A_581 = arith.constant 0 : i32
    %dma_start3A_582 = tpu.memref_slice %arg6[%add3A_580, %dma_start3A_581] : memref<50176x128xf32, #tpu.memory_space<hbm>> -> memref<112x128xf32, #tpu.memory_space<hbm>>
    %dma_start3A_583 = arith.constant 0 : i32
    %dma_start3A_584 = tpu.memref_slice %arg6[%add3A_580, %dma_start3A_583] : memref<50176x128xf32, #tpu.memory_space<hbm>> -> memref<112x128xf32, #tpu.memory_space<hbm>>
    tpu.enqueue_dma source(%arg17 : memref<112x128xf32, #tpu.memory_space<vmem>>) target(%dma_start3A_584 : memref<112x128xf32, #tpu.memory_space<hbm>>) target_semaphore(%arg21 : memref<!tpu.dma_semaphore, #tpu.memory_space<semaphore_mem>>)
    %dma_start3A_585 = arith.constant 0 : i32
    %dma_start3A_586 = tpu.memref_slice %arg7[%add3A_580, %dma_start3A_585] : memref<50176x128xf32, #tpu.memory_space<hbm>> -> memref<112x128xf32, #tpu.memory_space<hbm>>
    %dma_start3A_587 = arith.constant 0 : i32
    %dma_start3A_588 = tpu.memref_slice %arg7[%add3A_580, %dma_start3A_587] : memref<50176x128xf32, #tpu.memory_space<hbm>> -> memref<112x128xf32, #tpu.memory_space<hbm>>
    tpu.enqueue_dma source(%arg18 : memref<112x128xf32, #tpu.memory_space<vmem>>) target(%dma_start3A_588 : memref<112x128xf32, #tpu.memory_space<hbm>>) target_semaphore(%arg21 : memref<!tpu.dma_semaphore, #tpu.memory_space<semaphore_mem>>)
    %dma_start3A_589 = arith.constant 0 : i32
    %dma_start3A_590 = tpu.memref_slice %arg8[%add3A_580, %dma_start3A_589] : memref<50176x128xf32, #tpu.memory_space<hbm>> -> memref<112x128xf32, #tpu.memory_space<hbm>>
    %dma_start3A_591 = arith.constant 0 : i32
    %dma_start3A_592 = tpu.memref_slice %arg8[%add3A_580, %dma_start3A_591] : memref<50176x128xf32, #tpu.memory_space<hbm>> -> memref<112x128xf32, #tpu.memory_space<hbm>>
    tpu.enqueue_dma source(%arg19 : memref<112x128xf32, #tpu.memory_space<vmem>>) target(%dma_start3A_592 : memref<112x128xf32, #tpu.memory_space<hbm>>) target_semaphore(%arg21 : memref<!tpu.dma_semaphore, #tpu.memory_space<semaphore_mem>>)
    %dma_start3A_593 = arith.constant 0 : i32
    %dma_start3A_594 = tpu.memref_slice %arg9[%add3A_580, %dma_start3A_593] : memref<50176x128xf32, #tpu.memory_space<hbm>> -> memref<112x128xf32, #tpu.memory_space<hbm>>
    %dma_start3A_595 = arith.constant 0 : i32
    %dma_start3A_596 = tpu.memref_slice %arg9[%add3A_580, %dma_start3A_595] : memref<50176x128xf32, #tpu.memory_space<hbm>> -> memref<112x128xf32, #tpu.memory_space<hbm>>
    tpu.enqueue_dma source(%arg20 : memref<112x128xf32, #tpu.memory_space<vmem>>) target(%dma_start3A_596 : memref<112x128xf32, #tpu.memory_space<hbm>>) target_semaphore(%arg21 : memref<!tpu.dma_semaphore, #tpu.memory_space<semaphore_mem>>)
    %dma_wait3A_597 = arith.constant 0 : i32
    %dma_wait3A_598 = tpu.memref_slice %arg6[%add3A_580, %dma_wait3A_597] : memref<50176x128xf32, #tpu.memory_space<hbm>> -> memref<112x128xf32, #tpu.memory_space<hbm>>
    %dma_wait3A_599 = arith.constant 0 : i32
    %dma_wait3A_600 = tpu.memref_slice %arg6[%add3A_580, %dma_wait3A_599] : memref<50176x128xf32, #tpu.memory_space<hbm>> -> memref<112x128xf32, #tpu.memory_space<hbm>>
    tpu.wait_dma2 semaphore(%arg21 : memref<!tpu.dma_semaphore, #tpu.memory_space<semaphore_mem>>) src(%arg17 : memref<112x128xf32, #tpu.memory_space<vmem>>) dst(%dma_wait3A_600 : memref<112x128xf32, #tpu.memory_space<hbm>>)
    %dma_wait3A_601 = arith.constant 0 : i32
    %dma_wait3A_602 = tpu.memref_slice %arg7[%add3A_580, %dma_wait3A_601] : memref<50176x128xf32, #tpu.memory_space<hbm>> -> memref<112x128xf32, #tpu.memory_space<hbm>>
    %dma_wait3A_603 = arith.constant 0 : i32
    %dma_wait3A_604 = tpu.memref_slice %arg7[%add3A_580, %dma_wait3A_603] : memref<50176x128xf32, #tpu.memory_space<hbm>> -> memref<112x128xf32, #tpu.memory_space<hbm>>
    tpu.wait_dma2 semaphore(%arg21 : memref<!tpu.dma_semaphore, #tpu.memory_space<semaphore_mem>>) src(%arg18 : memref<112x128xf32, #tpu.memory_space<vmem>>) dst(%dma_wait3A_604 : memref<112x128xf32, #tpu.memory_space<hbm>>)
    %dma_wait3A_605 = arith.constant 0 : i32
    %dma_wait3A_606 = tpu.memref_slice %arg8[%add3A_580, %dma_wait3A_605] : memref<50176x128xf32, #tpu.memory_space<hbm>> -> memref<112x128xf32, #tpu.memory_space<hbm>>
    %dma_wait3A_607 = arith.constant 0 : i32
    %dma_wait3A_608 = tpu.memref_slice %arg8[%add3A_580, %dma_wait3A_607] : memref<50176x128xf32, #tpu.memory_space<hbm>> -> memref<112x128xf32, #tpu.memory_space<hbm>>
    tpu.wait_dma2 semaphore(%arg21 : memref<!tpu.dma_semaphore, #tpu.memory_space<semaphore_mem>>) src(%arg19 : memref<112x128xf32, #tpu.memory_space<vmem>>) dst(%dma_wait3A_608 : memref<112x128xf32, #tpu.memory_space<hbm>>)
    %dma_wait3A_609 = arith.constant 0 : i32
    %dma_wait3A_610 = tpu.memref_slice %arg9[%add3A_580, %dma_wait3A_609] : memref<50176x128xf32, #tpu.memory_space<hbm>> -> memref<112x128xf32, #tpu.memory_space<hbm>>
    %dma_wait3A_611 = arith.constant 0 : i32
    %dma_wait3A_612 = tpu.memref_slice %arg9[%add3A_580, %dma_wait3A_611] : memref<50176x128xf32, #tpu.memory_space<hbm>> -> memref<112x128xf32, #tpu.memory_space<hbm>>
    tpu.wait_dma2 semaphore(%arg21 : memref<!tpu.dma_semaphore, #tpu.memory_space<semaphore_mem>>) src(%arg20 : memref<112x128xf32, #tpu.memory_space<vmem>>) dst(%dma_wait3A_612 : memref<112x128xf32, #tpu.memory_space<hbm>>)
    %dma_start3A_613 = arith.constant 1008 : i32
    %dma_start3A_614 = tpu.memref_slice %arg10[%dma_start3A_613] : memref<1568xi32, #tpu.memory_space<vmem>> -> memref<112xi32, #tpu.memory_space<vmem>>
    %dma_start3A_615 = arith.constant 0 : i32
    %dma_start3A_616 = arith.constant 0 : i32
    %dma_start3A_617 = tpu.memref_slice %arg4[%dma_start3A_615, %dma_start3A_616] : memref<100000x128xf32, #tpu.memory_space<hbm>> -> memref<100000x128xf32, #tpu.memory_space<hbm>>
    tpu.enqueue_indirect_dma source(%dma_start3A_617 : memref<100000x128xf32, #tpu.memory_space<hbm>>) target(%arg17 : memref<112x128xf32, #tpu.memory_space<vmem>>) offsets(%dma_start3A_614 : memref<112xi32, #tpu.memory_space<vmem>>) semaphore(%arg21 : memref<!tpu.dma_semaphore, #tpu.memory_space<semaphore_mem>>)
    %dma_start3A_618 = arith.constant 1008 : i32
    %dma_start3A_619 = tpu.memref_slice %arg11[%dma_start3A_618] : memref<1568xi32, #tpu.memory_space<vmem>> -> memref<112xi32, #tpu.memory_space<vmem>>
    %dma_start3A_620 = arith.constant 0 : i32
    %dma_start3A_621 = arith.constant 0 : i32
    %dma_start3A_622 = tpu.memref_slice %arg4[%dma_start3A_620, %dma_start3A_621] : memref<100000x128xf32, #tpu.memory_space<hbm>> -> memref<100000x128xf32, #tpu.memory_space<hbm>>
    tpu.enqueue_indirect_dma source(%dma_start3A_622 : memref<100000x128xf32, #tpu.memory_space<hbm>>) target(%arg18 : memref<112x128xf32, #tpu.memory_space<vmem>>) offsets(%dma_start3A_619 : memref<112xi32, #tpu.memory_space<vmem>>) semaphore(%arg21 : memref<!tpu.dma_semaphore, #tpu.memory_space<semaphore_mem>>)
    %dma_start3A_623 = arith.constant 1008 : i32
    %dma_start3A_624 = tpu.memref_slice %arg10[%dma_start3A_623] : memref<1568xi32, #tpu.memory_space<vmem>> -> memref<112xi32, #tpu.memory_space<vmem>>
    %dma_start3A_625 = arith.constant 0 : i32
    %dma_start3A_626 = arith.constant 0 : i32
    %dma_start3A_627 = tpu.memref_slice %arg5[%dma_start3A_625, %dma_start3A_626] : memref<100000x128xf32, #tpu.memory_space<hbm>> -> memref<100000x128xf32, #tpu.memory_space<hbm>>
    tpu.enqueue_indirect_dma source(%dma_start3A_627 : memref<100000x128xf32, #tpu.memory_space<hbm>>) target(%arg19 : memref<112x128xf32, #tpu.memory_space<vmem>>) offsets(%dma_start3A_624 : memref<112xi32, #tpu.memory_space<vmem>>) semaphore(%arg21 : memref<!tpu.dma_semaphore, #tpu.memory_space<semaphore_mem>>)
    %dma_start3A_628 = arith.constant 1008 : i32
    %dma_start3A_629 = tpu.memref_slice %arg11[%dma_start3A_628] : memref<1568xi32, #tpu.memory_space<vmem>> -> memref<112xi32, #tpu.memory_space<vmem>>
    %dma_start3A_630 = arith.constant 0 : i32
    %dma_start3A_631 = arith.constant 0 : i32
    %dma_start3A_632 = tpu.memref_slice %arg5[%dma_start3A_630, %dma_start3A_631] : memref<100000x128xf32, #tpu.memory_space<hbm>> -> memref<100000x128xf32, #tpu.memory_space<hbm>>
    tpu.enqueue_indirect_dma source(%dma_start3A_632 : memref<100000x128xf32, #tpu.memory_space<hbm>>) target(%arg20 : memref<112x128xf32, #tpu.memory_space<vmem>>) offsets(%dma_start3A_629 : memref<112xi32, #tpu.memory_space<vmem>>) semaphore(%arg21 : memref<!tpu.dma_semaphore, #tpu.memory_space<semaphore_mem>>)
    %dma_wait3A_633 = arith.constant 896 : i32
    %dma_wait3A_634 = tpu.memref_slice %arg10[%dma_wait3A_633] : memref<1568xi32, #tpu.memory_space<vmem>> -> memref<112xi32, #tpu.memory_space<vmem>>
    %dma_wait3A_635 = arith.constant 0 : i32
    %dma_wait3A_636 = arith.constant 0 : i32
    %dma_wait3A_637 = tpu.memref_slice %arg4[%dma_wait3A_635, %dma_wait3A_636] : memref<100000x128xf32, #tpu.memory_space<hbm>> -> memref<100000x128xf32, #tpu.memory_space<hbm>>
    tpu.wait_indirect_dma semaphore(%arg16 : memref<!tpu.dma_semaphore, #tpu.memory_space<semaphore_mem>>) src(%dma_wait3A_637 : memref<100000x128xf32, #tpu.memory_space<hbm>>) dst(%arg12 : memref<112x128xf32, #tpu.memory_space<vmem>>)
    %dma_wait3A_638 = arith.constant 896 : i32
    %dma_wait3A_639 = tpu.memref_slice %arg11[%dma_wait3A_638] : memref<1568xi32, #tpu.memory_space<vmem>> -> memref<112xi32, #tpu.memory_space<vmem>>
    %dma_wait3A_640 = arith.constant 0 : i32
    %dma_wait3A_641 = arith.constant 0 : i32
    %dma_wait3A_642 = tpu.memref_slice %arg4[%dma_wait3A_640, %dma_wait3A_641] : memref<100000x128xf32, #tpu.memory_space<hbm>> -> memref<100000x128xf32, #tpu.memory_space<hbm>>
    tpu.wait_indirect_dma semaphore(%arg16 : memref<!tpu.dma_semaphore, #tpu.memory_space<semaphore_mem>>) src(%dma_wait3A_642 : memref<100000x128xf32, #tpu.memory_space<hbm>>) dst(%arg13 : memref<112x128xf32, #tpu.memory_space<vmem>>)
    %dma_wait3A_643 = arith.constant 896 : i32
    %dma_wait3A_644 = tpu.memref_slice %arg10[%dma_wait3A_643] : memref<1568xi32, #tpu.memory_space<vmem>> -> memref<112xi32, #tpu.memory_space<vmem>>
    %dma_wait3A_645 = arith.constant 0 : i32
    %dma_wait3A_646 = arith.constant 0 : i32
    %dma_wait3A_647 = tpu.memref_slice %arg5[%dma_wait3A_645, %dma_wait3A_646] : memref<100000x128xf32, #tpu.memory_space<hbm>> -> memref<100000x128xf32, #tpu.memory_space<hbm>>
    tpu.wait_indirect_dma semaphore(%arg16 : memref<!tpu.dma_semaphore, #tpu.memory_space<semaphore_mem>>) src(%dma_wait3A_647 : memref<100000x128xf32, #tpu.memory_space<hbm>>) dst(%arg14 : memref<112x128xf32, #tpu.memory_space<vmem>>)
    %dma_wait3A_648 = arith.constant 896 : i32
    %dma_wait3A_649 = tpu.memref_slice %arg11[%dma_wait3A_648] : memref<1568xi32, #tpu.memory_space<vmem>> -> memref<112xi32, #tpu.memory_space<vmem>>
    %dma_wait3A_650 = arith.constant 0 : i32
    %dma_wait3A_651 = arith.constant 0 : i32
    %dma_wait3A_652 = tpu.memref_slice %arg5[%dma_wait3A_650, %dma_wait3A_651] : memref<100000x128xf32, #tpu.memory_space<hbm>> -> memref<100000x128xf32, #tpu.memory_space<hbm>>
    tpu.wait_indirect_dma semaphore(%arg16 : memref<!tpu.dma_semaphore, #tpu.memory_space<semaphore_mem>>) src(%dma_wait3A_652 : memref<100000x128xf32, #tpu.memory_space<hbm>>) dst(%arg15 : memref<112x128xf32, #tpu.memory_space<vmem>>)
    %add3A_653 = arith.constant 896 : i32
    %add3A_654 = arith.addi %mul3A_2, %add3A_653 : i32
    %dma_start3A_655 = arith.constant 0 : i32
    %dma_start3A_656 = tpu.memref_slice %arg6[%add3A_654, %dma_start3A_655] : memref<50176x128xf32, #tpu.memory_space<hbm>> -> memref<112x128xf32, #tpu.memory_space<hbm>>
    %dma_start3A_657 = arith.constant 0 : i32
    %dma_start3A_658 = tpu.memref_slice %arg6[%add3A_654, %dma_start3A_657] : memref<50176x128xf32, #tpu.memory_space<hbm>> -> memref<112x128xf32, #tpu.memory_space<hbm>>
    tpu.enqueue_dma source(%arg12 : memref<112x128xf32, #tpu.memory_space<vmem>>) target(%dma_start3A_658 : memref<112x128xf32, #tpu.memory_space<hbm>>) target_semaphore(%arg16 : memref<!tpu.dma_semaphore, #tpu.memory_space<semaphore_mem>>)
    %dma_start3A_659 = arith.constant 0 : i32
    %dma_start3A_660 = tpu.memref_slice %arg7[%add3A_654, %dma_start3A_659] : memref<50176x128xf32, #tpu.memory_space<hbm>> -> memref<112x128xf32, #tpu.memory_space<hbm>>
    %dma_start3A_661 = arith.constant 0 : i32
    %dma_start3A_662 = tpu.memref_slice %arg7[%add3A_654, %dma_start3A_661] : memref<50176x128xf32, #tpu.memory_space<hbm>> -> memref<112x128xf32, #tpu.memory_space<hbm>>
    tpu.enqueue_dma source(%arg13 : memref<112x128xf32, #tpu.memory_space<vmem>>) target(%dma_start3A_662 : memref<112x128xf32, #tpu.memory_space<hbm>>) target_semaphore(%arg16 : memref<!tpu.dma_semaphore, #tpu.memory_space<semaphore_mem>>)
    %dma_start3A_663 = arith.constant 0 : i32
    %dma_start3A_664 = tpu.memref_slice %arg8[%add3A_654, %dma_start3A_663] : memref<50176x128xf32, #tpu.memory_space<hbm>> -> memref<112x128xf32, #tpu.memory_space<hbm>>
    %dma_start3A_665 = arith.constant 0 : i32
    %dma_start3A_666 = tpu.memref_slice %arg8[%add3A_654, %dma_start3A_665] : memref<50176x128xf32, #tpu.memory_space<hbm>> -> memref<112x128xf32, #tpu.memory_space<hbm>>
    tpu.enqueue_dma source(%arg14 : memref<112x128xf32, #tpu.memory_space<vmem>>) target(%dma_start3A_666 : memref<112x128xf32, #tpu.memory_space<hbm>>) target_semaphore(%arg16 : memref<!tpu.dma_semaphore, #tpu.memory_space<semaphore_mem>>)
    %dma_start3A_667 = arith.constant 0 : i32
    %dma_start3A_668 = tpu.memref_slice %arg9[%add3A_654, %dma_start3A_667] : memref<50176x128xf32, #tpu.memory_space<hbm>> -> memref<112x128xf32, #tpu.memory_space<hbm>>
    %dma_start3A_669 = arith.constant 0 : i32
    %dma_start3A_670 = tpu.memref_slice %arg9[%add3A_654, %dma_start3A_669] : memref<50176x128xf32, #tpu.memory_space<hbm>> -> memref<112x128xf32, #tpu.memory_space<hbm>>
    tpu.enqueue_dma source(%arg15 : memref<112x128xf32, #tpu.memory_space<vmem>>) target(%dma_start3A_670 : memref<112x128xf32, #tpu.memory_space<hbm>>) target_semaphore(%arg16 : memref<!tpu.dma_semaphore, #tpu.memory_space<semaphore_mem>>)
    %dma_wait3A_671 = arith.constant 0 : i32
    %dma_wait3A_672 = tpu.memref_slice %arg6[%add3A_654, %dma_wait3A_671] : memref<50176x128xf32, #tpu.memory_space<hbm>> -> memref<112x128xf32, #tpu.memory_space<hbm>>
    %dma_wait3A_673 = arith.constant 0 : i32
    %dma_wait3A_674 = tpu.memref_slice %arg6[%add3A_654, %dma_wait3A_673] : memref<50176x128xf32, #tpu.memory_space<hbm>> -> memref<112x128xf32, #tpu.memory_space<hbm>>
    tpu.wait_dma2 semaphore(%arg16 : memref<!tpu.dma_semaphore, #tpu.memory_space<semaphore_mem>>) src(%arg12 : memref<112x128xf32, #tpu.memory_space<vmem>>) dst(%dma_wait3A_674 : memref<112x128xf32, #tpu.memory_space<hbm>>)
    %dma_wait3A_675 = arith.constant 0 : i32
    %dma_wait3A_676 = tpu.memref_slice %arg7[%add3A_654, %dma_wait3A_675] : memref<50176x128xf32, #tpu.memory_space<hbm>> -> memref<112x128xf32, #tpu.memory_space<hbm>>
    %dma_wait3A_677 = arith.constant 0 : i32
    %dma_wait3A_678 = tpu.memref_slice %arg7[%add3A_654, %dma_wait3A_677] : memref<50176x128xf32, #tpu.memory_space<hbm>> -> memref<112x128xf32, #tpu.memory_space<hbm>>
    tpu.wait_dma2 semaphore(%arg16 : memref<!tpu.dma_semaphore, #tpu.memory_space<semaphore_mem>>) src(%arg13 : memref<112x128xf32, #tpu.memory_space<vmem>>) dst(%dma_wait3A_678 : memref<112x128xf32, #tpu.memory_space<hbm>>)
    %dma_wait3A_679 = arith.constant 0 : i32
    %dma_wait3A_680 = tpu.memref_slice %arg8[%add3A_654, %dma_wait3A_679] : memref<50176x128xf32, #tpu.memory_space<hbm>> -> memref<112x128xf32, #tpu.memory_space<hbm>>
    %dma_wait3A_681 = arith.constant 0 : i32
    %dma_wait3A_682 = tpu.memref_slice %arg8[%add3A_654, %dma_wait3A_681] : memref<50176x128xf32, #tpu.memory_space<hbm>> -> memref<112x128xf32, #tpu.memory_space<hbm>>
    tpu.wait_dma2 semaphore(%arg16 : memref<!tpu.dma_semaphore, #tpu.memory_space<semaphore_mem>>) src(%arg14 : memref<112x128xf32, #tpu.memory_space<vmem>>) dst(%dma_wait3A_682 : memref<112x128xf32, #tpu.memory_space<hbm>>)
    %dma_wait3A_683 = arith.constant 0 : i32
    %dma_wait3A_684 = tpu.memref_slice %arg9[%add3A_654, %dma_wait3A_683] : memref<50176x128xf32, #tpu.memory_space<hbm>> -> memref<112x128xf32, #tpu.memory_space<hbm>>
    %dma_wait3A_685 = arith.constant 0 : i32
    %dma_wait3A_686 = tpu.memref_slice %arg9[%add3A_654, %dma_wait3A_685] : memref<50176x128xf32, #tpu.memory_space<hbm>> -> memref<112x128xf32, #tpu.memory_space<hbm>>
    tpu.wait_dma2 semaphore(%arg16 : memref<!tpu.dma_semaphore, #tpu.memory_space<semaphore_mem>>) src(%arg15 : memref<112x128xf32, #tpu.memory_space<vmem>>) dst(%dma_wait3A_686 : memref<112x128xf32, #tpu.memory_space<hbm>>)
    %dma_start3A_687 = arith.constant 1120 : i32
    %dma_start3A_688 = tpu.memref_slice %arg10[%dma_start3A_687] : memref<1568xi32, #tpu.memory_space<vmem>> -> memref<112xi32, #tpu.memory_space<vmem>>
    %dma_start3A_689 = arith.constant 0 : i32
    %dma_start3A_690 = arith.constant 0 : i32
    %dma_start3A_691 = tpu.memref_slice %arg4[%dma_start3A_689, %dma_start3A_690] : memref<100000x128xf32, #tpu.memory_space<hbm>> -> memref<100000x128xf32, #tpu.memory_space<hbm>>
    tpu.enqueue_indirect_dma source(%dma_start3A_691 : memref<100000x128xf32, #tpu.memory_space<hbm>>) target(%arg12 : memref<112x128xf32, #tpu.memory_space<vmem>>) offsets(%dma_start3A_688 : memref<112xi32, #tpu.memory_space<vmem>>) semaphore(%arg16 : memref<!tpu.dma_semaphore, #tpu.memory_space<semaphore_mem>>)
    %dma_start3A_692 = arith.constant 1120 : i32
    %dma_start3A_693 = tpu.memref_slice %arg11[%dma_start3A_692] : memref<1568xi32, #tpu.memory_space<vmem>> -> memref<112xi32, #tpu.memory_space<vmem>>
    %dma_start3A_694 = arith.constant 0 : i32
    %dma_start3A_695 = arith.constant 0 : i32
    %dma_start3A_696 = tpu.memref_slice %arg4[%dma_start3A_694, %dma_start3A_695] : memref<100000x128xf32, #tpu.memory_space<hbm>> -> memref<100000x128xf32, #tpu.memory_space<hbm>>
    tpu.enqueue_indirect_dma source(%dma_start3A_696 : memref<100000x128xf32, #tpu.memory_space<hbm>>) target(%arg13 : memref<112x128xf32, #tpu.memory_space<vmem>>) offsets(%dma_start3A_693 : memref<112xi32, #tpu.memory_space<vmem>>) semaphore(%arg16 : memref<!tpu.dma_semaphore, #tpu.memory_space<semaphore_mem>>)
    %dma_start3A_697 = arith.constant 1120 : i32
    %dma_start3A_698 = tpu.memref_slice %arg10[%dma_start3A_697] : memref<1568xi32, #tpu.memory_space<vmem>> -> memref<112xi32, #tpu.memory_space<vmem>>
    %dma_start3A_699 = arith.constant 0 : i32
    %dma_start3A_700 = arith.constant 0 : i32
    %dma_start3A_701 = tpu.memref_slice %arg5[%dma_start3A_699, %dma_start3A_700] : memref<100000x128xf32, #tpu.memory_space<hbm>> -> memref<100000x128xf32, #tpu.memory_space<hbm>>
    tpu.enqueue_indirect_dma source(%dma_start3A_701 : memref<100000x128xf32, #tpu.memory_space<hbm>>) target(%arg14 : memref<112x128xf32, #tpu.memory_space<vmem>>) offsets(%dma_start3A_698 : memref<112xi32, #tpu.memory_space<vmem>>) semaphore(%arg16 : memref<!tpu.dma_semaphore, #tpu.memory_space<semaphore_mem>>)
    %dma_start3A_702 = arith.constant 1120 : i32
    %dma_start3A_703 = tpu.memref_slice %arg11[%dma_start3A_702] : memref<1568xi32, #tpu.memory_space<vmem>> -> memref<112xi32, #tpu.memory_space<vmem>>
    %dma_start3A_704 = arith.constant 0 : i32
    %dma_start3A_705 = arith.constant 0 : i32
    %dma_start3A_706 = tpu.memref_slice %arg5[%dma_start3A_704, %dma_start3A_705] : memref<100000x128xf32, #tpu.memory_space<hbm>> -> memref<100000x128xf32, #tpu.memory_space<hbm>>
    tpu.enqueue_indirect_dma source(%dma_start3A_706 : memref<100000x128xf32, #tpu.memory_space<hbm>>) target(%arg15 : memref<112x128xf32, #tpu.memory_space<vmem>>) offsets(%dma_start3A_703 : memref<112xi32, #tpu.memory_space<vmem>>) semaphore(%arg16 : memref<!tpu.dma_semaphore, #tpu.memory_space<semaphore_mem>>)
    %dma_wait3A_707 = arith.constant 1008 : i32
    %dma_wait3A_708 = tpu.memref_slice %arg10[%dma_wait3A_707] : memref<1568xi32, #tpu.memory_space<vmem>> -> memref<112xi32, #tpu.memory_space<vmem>>
    %dma_wait3A_709 = arith.constant 0 : i32
    %dma_wait3A_710 = arith.constant 0 : i32
    %dma_wait3A_711 = tpu.memref_slice %arg4[%dma_wait3A_709, %dma_wait3A_710] : memref<100000x128xf32, #tpu.memory_space<hbm>> -> memref<100000x128xf32, #tpu.memory_space<hbm>>
    tpu.wait_indirect_dma semaphore(%arg21 : memref<!tpu.dma_semaphore, #tpu.memory_space<semaphore_mem>>) src(%dma_wait3A_711 : memref<100000x128xf32, #tpu.memory_space<hbm>>) dst(%arg17 : memref<112x128xf32, #tpu.memory_space<vmem>>)
    %dma_wait3A_712 = arith.constant 1008 : i32
    %dma_wait3A_713 = tpu.memref_slice %arg11[%dma_wait3A_712] : memref<1568xi32, #tpu.memory_space<vmem>> -> memref<112xi32, #tpu.memory_space<vmem>>
    %dma_wait3A_714 = arith.constant 0 : i32
    %dma_wait3A_715 = arith.constant 0 : i32
    %dma_wait3A_716 = tpu.memref_slice %arg4[%dma_wait3A_714, %dma_wait3A_715] : memref<100000x128xf32, #tpu.memory_space<hbm>> -> memref<100000x128xf32, #tpu.memory_space<hbm>>
    tpu.wait_indirect_dma semaphore(%arg21 : memref<!tpu.dma_semaphore, #tpu.memory_space<semaphore_mem>>) src(%dma_wait3A_716 : memref<100000x128xf32, #tpu.memory_space<hbm>>) dst(%arg18 : memref<112x128xf32, #tpu.memory_space<vmem>>)
    %dma_wait3A_717 = arith.constant 1008 : i32
    %dma_wait3A_718 = tpu.memref_slice %arg10[%dma_wait3A_717] : memref<1568xi32, #tpu.memory_space<vmem>> -> memref<112xi32, #tpu.memory_space<vmem>>
    %dma_wait3A_719 = arith.constant 0 : i32
    %dma_wait3A_720 = arith.constant 0 : i32
    %dma_wait3A_721 = tpu.memref_slice %arg5[%dma_wait3A_719, %dma_wait3A_720] : memref<100000x128xf32, #tpu.memory_space<hbm>> -> memref<100000x128xf32, #tpu.memory_space<hbm>>
    tpu.wait_indirect_dma semaphore(%arg21 : memref<!tpu.dma_semaphore, #tpu.memory_space<semaphore_mem>>) src(%dma_wait3A_721 : memref<100000x128xf32, #tpu.memory_space<hbm>>) dst(%arg19 : memref<112x128xf32, #tpu.memory_space<vmem>>)
    %dma_wait3A_722 = arith.constant 1008 : i32
    %dma_wait3A_723 = tpu.memref_slice %arg11[%dma_wait3A_722] : memref<1568xi32, #tpu.memory_space<vmem>> -> memref<112xi32, #tpu.memory_space<vmem>>
    %dma_wait3A_724 = arith.constant 0 : i32
    %dma_wait3A_725 = arith.constant 0 : i32
    %dma_wait3A_726 = tpu.memref_slice %arg5[%dma_wait3A_724, %dma_wait3A_725] : memref<100000x128xf32, #tpu.memory_space<hbm>> -> memref<100000x128xf32, #tpu.memory_space<hbm>>
    tpu.wait_indirect_dma semaphore(%arg21 : memref<!tpu.dma_semaphore, #tpu.memory_space<semaphore_mem>>) src(%dma_wait3A_726 : memref<100000x128xf32, #tpu.memory_space<hbm>>) dst(%arg20 : memref<112x128xf32, #tpu.memory_space<vmem>>)
    %add3A_727 = arith.constant 1008 : i32
    %add3A_728 = arith.addi %mul3A_2, %add3A_727 : i32
    %dma_start3A_729 = arith.constant 0 : i32
    %dma_start3A_730 = tpu.memref_slice %arg6[%add3A_728, %dma_start3A_729] : memref<50176x128xf32, #tpu.memory_space<hbm>> -> memref<112x128xf32, #tpu.memory_space<hbm>>
    %dma_start3A_731 = arith.constant 0 : i32
    %dma_start3A_732 = tpu.memref_slice %arg6[%add3A_728, %dma_start3A_731] : memref<50176x128xf32, #tpu.memory_space<hbm>> -> memref<112x128xf32, #tpu.memory_space<hbm>>
    tpu.enqueue_dma source(%arg17 : memref<112x128xf32, #tpu.memory_space<vmem>>) target(%dma_start3A_732 : memref<112x128xf32, #tpu.memory_space<hbm>>) target_semaphore(%arg21 : memref<!tpu.dma_semaphore, #tpu.memory_space<semaphore_mem>>)
    %dma_start3A_733 = arith.constant 0 : i32
    %dma_start3A_734 = tpu.memref_slice %arg7[%add3A_728, %dma_start3A_733] : memref<50176x128xf32, #tpu.memory_space<hbm>> -> memref<112x128xf32, #tpu.memory_space<hbm>>
    %dma_start3A_735 = arith.constant 0 : i32
    %dma_start3A_736 = tpu.memref_slice %arg7[%add3A_728, %dma_start3A_735] : memref<50176x128xf32, #tpu.memory_space<hbm>> -> memref<112x128xf32, #tpu.memory_space<hbm>>
    tpu.enqueue_dma source(%arg18 : memref<112x128xf32, #tpu.memory_space<vmem>>) target(%dma_start3A_736 : memref<112x128xf32, #tpu.memory_space<hbm>>) target_semaphore(%arg21 : memref<!tpu.dma_semaphore, #tpu.memory_space<semaphore_mem>>)
    %dma_start3A_737 = arith.constant 0 : i32
    %dma_start3A_738 = tpu.memref_slice %arg8[%add3A_728, %dma_start3A_737] : memref<50176x128xf32, #tpu.memory_space<hbm>> -> memref<112x128xf32, #tpu.memory_space<hbm>>
    %dma_start3A_739 = arith.constant 0 : i32
    %dma_start3A_740 = tpu.memref_slice %arg8[%add3A_728, %dma_start3A_739] : memref<50176x128xf32, #tpu.memory_space<hbm>> -> memref<112x128xf32, #tpu.memory_space<hbm>>
    tpu.enqueue_dma source(%arg19 : memref<112x128xf32, #tpu.memory_space<vmem>>) target(%dma_start3A_740 : memref<112x128xf32, #tpu.memory_space<hbm>>) target_semaphore(%arg21 : memref<!tpu.dma_semaphore, #tpu.memory_space<semaphore_mem>>)
    %dma_start3A_741 = arith.constant 0 : i32
    %dma_start3A_742 = tpu.memref_slice %arg9[%add3A_728, %dma_start3A_741] : memref<50176x128xf32, #tpu.memory_space<hbm>> -> memref<112x128xf32, #tpu.memory_space<hbm>>
    %dma_start3A_743 = arith.constant 0 : i32
    %dma_start3A_744 = tpu.memref_slice %arg9[%add3A_728, %dma_start3A_743] : memref<50176x128xf32, #tpu.memory_space<hbm>> -> memref<112x128xf32, #tpu.memory_space<hbm>>
    tpu.enqueue_dma source(%arg20 : memref<112x128xf32, #tpu.memory_space<vmem>>) target(%dma_start3A_744 : memref<112x128xf32, #tpu.memory_space<hbm>>) target_semaphore(%arg21 : memref<!tpu.dma_semaphore, #tpu.memory_space<semaphore_mem>>)
    %dma_wait3A_745 = arith.constant 0 : i32
    %dma_wait3A_746 = tpu.memref_slice %arg6[%add3A_728, %dma_wait3A_745] : memref<50176x128xf32, #tpu.memory_space<hbm>> -> memref<112x128xf32, #tpu.memory_space<hbm>>
    %dma_wait3A_747 = arith.constant 0 : i32
    %dma_wait3A_748 = tpu.memref_slice %arg6[%add3A_728, %dma_wait3A_747] : memref<50176x128xf32, #tpu.memory_space<hbm>> -> memref<112x128xf32, #tpu.memory_space<hbm>>
    tpu.wait_dma2 semaphore(%arg21 : memref<!tpu.dma_semaphore, #tpu.memory_space<semaphore_mem>>) src(%arg17 : memref<112x128xf32, #tpu.memory_space<vmem>>) dst(%dma_wait3A_748 : memref<112x128xf32, #tpu.memory_space<hbm>>)
    %dma_wait3A_749 = arith.constant 0 : i32
    %dma_wait3A_750 = tpu.memref_slice %arg7[%add3A_728, %dma_wait3A_749] : memref<50176x128xf32, #tpu.memory_space<hbm>> -> memref<112x128xf32, #tpu.memory_space<hbm>>
    %dma_wait3A_751 = arith.constant 0 : i32
    %dma_wait3A_752 = tpu.memref_slice %arg7[%add3A_728, %dma_wait3A_751] : memref<50176x128xf32, #tpu.memory_space<hbm>> -> memref<112x128xf32, #tpu.memory_space<hbm>>
    tpu.wait_dma2 semaphore(%arg21 : memref<!tpu.dma_semaphore, #tpu.memory_space<semaphore_mem>>) src(%arg18 : memref<112x128xf32, #tpu.memory_space<vmem>>) dst(%dma_wait3A_752 : memref<112x128xf32, #tpu.memory_space<hbm>>)
    %dma_wait3A_753 = arith.constant 0 : i32
    %dma_wait3A_754 = tpu.memref_slice %arg8[%add3A_728, %dma_wait3A_753] : memref<50176x128xf32, #tpu.memory_space<hbm>> -> memref<112x128xf32, #tpu.memory_space<hbm>>
    %dma_wait3A_755 = arith.constant 0 : i32
    %dma_wait3A_756 = tpu.memref_slice %arg8[%add3A_728, %dma_wait3A_755] : memref<50176x128xf32, #tpu.memory_space<hbm>> -> memref<112x128xf32, #tpu.memory_space<hbm>>
    tpu.wait_dma2 semaphore(%arg21 : memref<!tpu.dma_semaphore, #tpu.memory_space<semaphore_mem>>) src(%arg19 : memref<112x128xf32, #tpu.memory_space<vmem>>) dst(%dma_wait3A_756 : memref<112x128xf32, #tpu.memory_space<hbm>>)
    %dma_wait3A_757 = arith.constant 0 : i32
    %dma_wait3A_758 = tpu.memref_slice %arg9[%add3A_728, %dma_wait3A_757] : memref<50176x128xf32, #tpu.memory_space<hbm>> -> memref<112x128xf32, #tpu.memory_space<hbm>>
    %dma_wait3A_759 = arith.constant 0 : i32
    %dma_wait3A_760 = tpu.memref_slice %arg9[%add3A_728, %dma_wait3A_759] : memref<50176x128xf32, #tpu.memory_space<hbm>> -> memref<112x128xf32, #tpu.memory_space<hbm>>
    tpu.wait_dma2 semaphore(%arg21 : memref<!tpu.dma_semaphore, #tpu.memory_space<semaphore_mem>>) src(%arg20 : memref<112x128xf32, #tpu.memory_space<vmem>>) dst(%dma_wait3A_760 : memref<112x128xf32, #tpu.memory_space<hbm>>)
    %dma_start3A_761 = arith.constant 1232 : i32
    %dma_start3A_762 = tpu.memref_slice %arg10[%dma_start3A_761] : memref<1568xi32, #tpu.memory_space<vmem>> -> memref<112xi32, #tpu.memory_space<vmem>>
    %dma_start3A_763 = arith.constant 0 : i32
    %dma_start3A_764 = arith.constant 0 : i32
    %dma_start3A_765 = tpu.memref_slice %arg4[%dma_start3A_763, %dma_start3A_764] : memref<100000x128xf32, #tpu.memory_space<hbm>> -> memref<100000x128xf32, #tpu.memory_space<hbm>>
    tpu.enqueue_indirect_dma source(%dma_start3A_765 : memref<100000x128xf32, #tpu.memory_space<hbm>>) target(%arg17 : memref<112x128xf32, #tpu.memory_space<vmem>>) offsets(%dma_start3A_762 : memref<112xi32, #tpu.memory_space<vmem>>) semaphore(%arg21 : memref<!tpu.dma_semaphore, #tpu.memory_space<semaphore_mem>>)
    %dma_start3A_766 = arith.constant 1232 : i32
    %dma_start3A_767 = tpu.memref_slice %arg11[%dma_start3A_766] : memref<1568xi32, #tpu.memory_space<vmem>> -> memref<112xi32, #tpu.memory_space<vmem>>
    %dma_start3A_768 = arith.constant 0 : i32
    %dma_start3A_769 = arith.constant 0 : i32
    %dma_start3A_770 = tpu.memref_slice %arg4[%dma_start3A_768, %dma_start3A_769] : memref<100000x128xf32, #tpu.memory_space<hbm>> -> memref<100000x128xf32, #tpu.memory_space<hbm>>
    tpu.enqueue_indirect_dma source(%dma_start3A_770 : memref<100000x128xf32, #tpu.memory_space<hbm>>) target(%arg18 : memref<112x128xf32, #tpu.memory_space<vmem>>) offsets(%dma_start3A_767 : memref<112xi32, #tpu.memory_space<vmem>>) semaphore(%arg21 : memref<!tpu.dma_semaphore, #tpu.memory_space<semaphore_mem>>)
    %dma_start3A_771 = arith.constant 1232 : i32
    %dma_start3A_772 = tpu.memref_slice %arg10[%dma_start3A_771] : memref<1568xi32, #tpu.memory_space<vmem>> -> memref<112xi32, #tpu.memory_space<vmem>>
    %dma_start3A_773 = arith.constant 0 : i32
    %dma_start3A_774 = arith.constant 0 : i32
    %dma_start3A_775 = tpu.memref_slice %arg5[%dma_start3A_773, %dma_start3A_774] : memref<100000x128xf32, #tpu.memory_space<hbm>> -> memref<100000x128xf32, #tpu.memory_space<hbm>>
    tpu.enqueue_indirect_dma source(%dma_start3A_775 : memref<100000x128xf32, #tpu.memory_space<hbm>>) target(%arg19 : memref<112x128xf32, #tpu.memory_space<vmem>>) offsets(%dma_start3A_772 : memref<112xi32, #tpu.memory_space<vmem>>) semaphore(%arg21 : memref<!tpu.dma_semaphore, #tpu.memory_space<semaphore_mem>>)
    %dma_start3A_776 = arith.constant 1232 : i32
    %dma_start3A_777 = tpu.memref_slice %arg11[%dma_start3A_776] : memref<1568xi32, #tpu.memory_space<vmem>> -> memref<112xi32, #tpu.memory_space<vmem>>
    %dma_start3A_778 = arith.constant 0 : i32
    %dma_start3A_779 = arith.constant 0 : i32
    %dma_start3A_780 = tpu.memref_slice %arg5[%dma_start3A_778, %dma_start3A_779] : memref<100000x128xf32, #tpu.memory_space<hbm>> -> memref<100000x128xf32, #tpu.memory_space<hbm>>
    tpu.enqueue_indirect_dma source(%dma_start3A_780 : memref<100000x128xf32, #tpu.memory_space<hbm>>) target(%arg20 : memref<112x128xf32, #tpu.memory_space<vmem>>) offsets(%dma_start3A_777 : memref<112xi32, #tpu.memory_space<vmem>>) semaphore(%arg21 : memref<!tpu.dma_semaphore, #tpu.memory_space<semaphore_mem>>)
    %dma_wait3A_781 = arith.constant 1120 : i32
    %dma_wait3A_782 = tpu.memref_slice %arg10[%dma_wait3A_781] : memref<1568xi32, #tpu.memory_space<vmem>> -> memref<112xi32, #tpu.memory_space<vmem>>
    %dma_wait3A_783 = arith.constant 0 : i32
    %dma_wait3A_784 = arith.constant 0 : i32
    %dma_wait3A_785 = tpu.memref_slice %arg4[%dma_wait3A_783, %dma_wait3A_784] : memref<100000x128xf32, #tpu.memory_space<hbm>> -> memref<100000x128xf32, #tpu.memory_space<hbm>>
    tpu.wait_indirect_dma semaphore(%arg16 : memref<!tpu.dma_semaphore, #tpu.memory_space<semaphore_mem>>) src(%dma_wait3A_785 : memref<100000x128xf32, #tpu.memory_space<hbm>>) dst(%arg12 : memref<112x128xf32, #tpu.memory_space<vmem>>)
    %dma_wait3A_786 = arith.constant 1120 : i32
    %dma_wait3A_787 = tpu.memref_slice %arg11[%dma_wait3A_786] : memref<1568xi32, #tpu.memory_space<vmem>> -> memref<112xi32, #tpu.memory_space<vmem>>
    %dma_wait3A_788 = arith.constant 0 : i32
    %dma_wait3A_789 = arith.constant 0 : i32
    %dma_wait3A_790 = tpu.memref_slice %arg4[%dma_wait3A_788, %dma_wait3A_789] : memref<100000x128xf32, #tpu.memory_space<hbm>> -> memref<100000x128xf32, #tpu.memory_space<hbm>>
    tpu.wait_indirect_dma semaphore(%arg16 : memref<!tpu.dma_semaphore, #tpu.memory_space<semaphore_mem>>) src(%dma_wait3A_790 : memref<100000x128xf32, #tpu.memory_space<hbm>>) dst(%arg13 : memref<112x128xf32, #tpu.memory_space<vmem>>)
    %dma_wait3A_791 = arith.constant 1120 : i32
    %dma_wait3A_792 = tpu.memref_slice %arg10[%dma_wait3A_791] : memref<1568xi32, #tpu.memory_space<vmem>> -> memref<112xi32, #tpu.memory_space<vmem>>
    %dma_wait3A_793 = arith.constant 0 : i32
    %dma_wait3A_794 = arith.constant 0 : i32
    %dma_wait3A_795 = tpu.memref_slice %arg5[%dma_wait3A_793, %dma_wait3A_794] : memref<100000x128xf32, #tpu.memory_space<hbm>> -> memref<100000x128xf32, #tpu.memory_space<hbm>>
    tpu.wait_indirect_dma semaphore(%arg16 : memref<!tpu.dma_semaphore, #tpu.memory_space<semaphore_mem>>) src(%dma_wait3A_795 : memref<100000x128xf32, #tpu.memory_space<hbm>>) dst(%arg14 : memref<112x128xf32, #tpu.memory_space<vmem>>)
    %dma_wait3A_796 = arith.constant 1120 : i32
    %dma_wait3A_797 = tpu.memref_slice %arg11[%dma_wait3A_796] : memref<1568xi32, #tpu.memory_space<vmem>> -> memref<112xi32, #tpu.memory_space<vmem>>
    %dma_wait3A_798 = arith.constant 0 : i32
    %dma_wait3A_799 = arith.constant 0 : i32
    %dma_wait3A_800 = tpu.memref_slice %arg5[%dma_wait3A_798, %dma_wait3A_799] : memref<100000x128xf32, #tpu.memory_space<hbm>> -> memref<100000x128xf32, #tpu.memory_space<hbm>>
    tpu.wait_indirect_dma semaphore(%arg16 : memref<!tpu.dma_semaphore, #tpu.memory_space<semaphore_mem>>) src(%dma_wait3A_800 : memref<100000x128xf32, #tpu.memory_space<hbm>>) dst(%arg15 : memref<112x128xf32, #tpu.memory_space<vmem>>)
    %add3A_801 = arith.constant 1120 : i32
    %add3A_802 = arith.addi %mul3A_2, %add3A_801 : i32
    %dma_start3A_803 = arith.constant 0 : i32
    %dma_start3A_804 = tpu.memref_slice %arg6[%add3A_802, %dma_start3A_803] : memref<50176x128xf32, #tpu.memory_space<hbm>> -> memref<112x128xf32, #tpu.memory_space<hbm>>
    %dma_start3A_805 = arith.constant 0 : i32
    %dma_start3A_806 = tpu.memref_slice %arg6[%add3A_802, %dma_start3A_805] : memref<50176x128xf32, #tpu.memory_space<hbm>> -> memref<112x128xf32, #tpu.memory_space<hbm>>
    tpu.enqueue_dma source(%arg12 : memref<112x128xf32, #tpu.memory_space<vmem>>) target(%dma_start3A_806 : memref<112x128xf32, #tpu.memory_space<hbm>>) target_semaphore(%arg16 : memref<!tpu.dma_semaphore, #tpu.memory_space<semaphore_mem>>)
    %dma_start3A_807 = arith.constant 0 : i32
    %dma_start3A_808 = tpu.memref_slice %arg7[%add3A_802, %dma_start3A_807] : memref<50176x128xf32, #tpu.memory_space<hbm>> -> memref<112x128xf32, #tpu.memory_space<hbm>>
    %dma_start3A_809 = arith.constant 0 : i32
    %dma_start3A_810 = tpu.memref_slice %arg7[%add3A_802, %dma_start3A_809] : memref<50176x128xf32, #tpu.memory_space<hbm>> -> memref<112x128xf32, #tpu.memory_space<hbm>>
    tpu.enqueue_dma source(%arg13 : memref<112x128xf32, #tpu.memory_space<vmem>>) target(%dma_start3A_810 : memref<112x128xf32, #tpu.memory_space<hbm>>) target_semaphore(%arg16 : memref<!tpu.dma_semaphore, #tpu.memory_space<semaphore_mem>>)
    %dma_start3A_811 = arith.constant 0 : i32
    %dma_start3A_812 = tpu.memref_slice %arg8[%add3A_802, %dma_start3A_811] : memref<50176x128xf32, #tpu.memory_space<hbm>> -> memref<112x128xf32, #tpu.memory_space<hbm>>
    %dma_start3A_813 = arith.constant 0 : i32
    %dma_start3A_814 = tpu.memref_slice %arg8[%add3A_802, %dma_start3A_813] : memref<50176x128xf32, #tpu.memory_space<hbm>> -> memref<112x128xf32, #tpu.memory_space<hbm>>
    tpu.enqueue_dma source(%arg14 : memref<112x128xf32, #tpu.memory_space<vmem>>) target(%dma_start3A_814 : memref<112x128xf32, #tpu.memory_space<hbm>>) target_semaphore(%arg16 : memref<!tpu.dma_semaphore, #tpu.memory_space<semaphore_mem>>)
    %dma_start3A_815 = arith.constant 0 : i32
    %dma_start3A_816 = tpu.memref_slice %arg9[%add3A_802, %dma_start3A_815] : memref<50176x128xf32, #tpu.memory_space<hbm>> -> memref<112x128xf32, #tpu.memory_space<hbm>>
    %dma_start3A_817 = arith.constant 0 : i32
    %dma_start3A_818 = tpu.memref_slice %arg9[%add3A_802, %dma_start3A_817] : memref<50176x128xf32, #tpu.memory_space<hbm>> -> memref<112x128xf32, #tpu.memory_space<hbm>>
    tpu.enqueue_dma source(%arg15 : memref<112x128xf32, #tpu.memory_space<vmem>>) target(%dma_start3A_818 : memref<112x128xf32, #tpu.memory_space<hbm>>) target_semaphore(%arg16 : memref<!tpu.dma_semaphore, #tpu.memory_space<semaphore_mem>>)
    %dma_wait3A_819 = arith.constant 0 : i32
    %dma_wait3A_820 = tpu.memref_slice %arg6[%add3A_802, %dma_wait3A_819] : memref<50176x128xf32, #tpu.memory_space<hbm>> -> memref<112x128xf32, #tpu.memory_space<hbm>>
    %dma_wait3A_821 = arith.constant 0 : i32
    %dma_wait3A_822 = tpu.memref_slice %arg6[%add3A_802, %dma_wait3A_821] : memref<50176x128xf32, #tpu.memory_space<hbm>> -> memref<112x128xf32, #tpu.memory_space<hbm>>
    tpu.wait_dma2 semaphore(%arg16 : memref<!tpu.dma_semaphore, #tpu.memory_space<semaphore_mem>>) src(%arg12 : memref<112x128xf32, #tpu.memory_space<vmem>>) dst(%dma_wait3A_822 : memref<112x128xf32, #tpu.memory_space<hbm>>)
    %dma_wait3A_823 = arith.constant 0 : i32
    %dma_wait3A_824 = tpu.memref_slice %arg7[%add3A_802, %dma_wait3A_823] : memref<50176x128xf32, #tpu.memory_space<hbm>> -> memref<112x128xf32, #tpu.memory_space<hbm>>
    %dma_wait3A_825 = arith.constant 0 : i32
    %dma_wait3A_826 = tpu.memref_slice %arg7[%add3A_802, %dma_wait3A_825] : memref<50176x128xf32, #tpu.memory_space<hbm>> -> memref<112x128xf32, #tpu.memory_space<hbm>>
    tpu.wait_dma2 semaphore(%arg16 : memref<!tpu.dma_semaphore, #tpu.memory_space<semaphore_mem>>) src(%arg13 : memref<112x128xf32, #tpu.memory_space<vmem>>) dst(%dma_wait3A_826 : memref<112x128xf32, #tpu.memory_space<hbm>>)
    %dma_wait3A_827 = arith.constant 0 : i32
    %dma_wait3A_828 = tpu.memref_slice %arg8[%add3A_802, %dma_wait3A_827] : memref<50176x128xf32, #tpu.memory_space<hbm>> -> memref<112x128xf32, #tpu.memory_space<hbm>>
    %dma_wait3A_829 = arith.constant 0 : i32
    %dma_wait3A_830 = tpu.memref_slice %arg8[%add3A_802, %dma_wait3A_829] : memref<50176x128xf32, #tpu.memory_space<hbm>> -> memref<112x128xf32, #tpu.memory_space<hbm>>
    tpu.wait_dma2 semaphore(%arg16 : memref<!tpu.dma_semaphore, #tpu.memory_space<semaphore_mem>>) src(%arg14 : memref<112x128xf32, #tpu.memory_space<vmem>>) dst(%dma_wait3A_830 : memref<112x128xf32, #tpu.memory_space<hbm>>)
    %dma_wait3A_831 = arith.constant 0 : i32
    %dma_wait3A_832 = tpu.memref_slice %arg9[%add3A_802, %dma_wait3A_831] : memref<50176x128xf32, #tpu.memory_space<hbm>> -> memref<112x128xf32, #tpu.memory_space<hbm>>
    %dma_wait3A_833 = arith.constant 0 : i32
    %dma_wait3A_834 = tpu.memref_slice %arg9[%add3A_802, %dma_wait3A_833] : memref<50176x128xf32, #tpu.memory_space<hbm>> -> memref<112x128xf32, #tpu.memory_space<hbm>>
    tpu.wait_dma2 semaphore(%arg16 : memref<!tpu.dma_semaphore, #tpu.memory_space<semaphore_mem>>) src(%arg15 : memref<112x128xf32, #tpu.memory_space<vmem>>) dst(%dma_wait3A_834 : memref<112x128xf32, #tpu.memory_space<hbm>>)
    %dma_start3A_835 = arith.constant 1344 : i32
    %dma_start3A_836 = tpu.memref_slice %arg10[%dma_start3A_835] : memref<1568xi32, #tpu.memory_space<vmem>> -> memref<112xi32, #tpu.memory_space<vmem>>
    %dma_start3A_837 = arith.constant 0 : i32
    %dma_start3A_838 = arith.constant 0 : i32
    %dma_start3A_839 = tpu.memref_slice %arg4[%dma_start3A_837, %dma_start3A_838] : memref<100000x128xf32, #tpu.memory_space<hbm>> -> memref<100000x128xf32, #tpu.memory_space<hbm>>
    tpu.enqueue_indirect_dma source(%dma_start3A_839 : memref<100000x128xf32, #tpu.memory_space<hbm>>) target(%arg12 : memref<112x128xf32, #tpu.memory_space<vmem>>) offsets(%dma_start3A_836 : memref<112xi32, #tpu.memory_space<vmem>>) semaphore(%arg16 : memref<!tpu.dma_semaphore, #tpu.memory_space<semaphore_mem>>)
    %dma_start3A_840 = arith.constant 1344 : i32
    %dma_start3A_841 = tpu.memref_slice %arg11[%dma_start3A_840] : memref<1568xi32, #tpu.memory_space<vmem>> -> memref<112xi32, #tpu.memory_space<vmem>>
    %dma_start3A_842 = arith.constant 0 : i32
    %dma_start3A_843 = arith.constant 0 : i32
    %dma_start3A_844 = tpu.memref_slice %arg4[%dma_start3A_842, %dma_start3A_843] : memref<100000x128xf32, #tpu.memory_space<hbm>> -> memref<100000x128xf32, #tpu.memory_space<hbm>>
    tpu.enqueue_indirect_dma source(%dma_start3A_844 : memref<100000x128xf32, #tpu.memory_space<hbm>>) target(%arg13 : memref<112x128xf32, #tpu.memory_space<vmem>>) offsets(%dma_start3A_841 : memref<112xi32, #tpu.memory_space<vmem>>) semaphore(%arg16 : memref<!tpu.dma_semaphore, #tpu.memory_space<semaphore_mem>>)
    %dma_start3A_845 = arith.constant 1344 : i32
    %dma_start3A_846 = tpu.memref_slice %arg10[%dma_start3A_845] : memref<1568xi32, #tpu.memory_space<vmem>> -> memref<112xi32, #tpu.memory_space<vmem>>
    %dma_start3A_847 = arith.constant 0 : i32
    %dma_start3A_848 = arith.constant 0 : i32
    %dma_start3A_849 = tpu.memref_slice %arg5[%dma_start3A_847, %dma_start3A_848] : memref<100000x128xf32, #tpu.memory_space<hbm>> -> memref<100000x128xf32, #tpu.memory_space<hbm>>
    tpu.enqueue_indirect_dma source(%dma_start3A_849 : memref<100000x128xf32, #tpu.memory_space<hbm>>) target(%arg14 : memref<112x128xf32, #tpu.memory_space<vmem>>) offsets(%dma_start3A_846 : memref<112xi32, #tpu.memory_space<vmem>>) semaphore(%arg16 : memref<!tpu.dma_semaphore, #tpu.memory_space<semaphore_mem>>)
    %dma_start3A_850 = arith.constant 1344 : i32
    %dma_start3A_851 = tpu.memref_slice %arg11[%dma_start3A_850] : memref<1568xi32, #tpu.memory_space<vmem>> -> memref<112xi32, #tpu.memory_space<vmem>>
    %dma_start3A_852 = arith.constant 0 : i32
    %dma_start3A_853 = arith.constant 0 : i32
    %dma_start3A_854 = tpu.memref_slice %arg5[%dma_start3A_852, %dma_start3A_853] : memref<100000x128xf32, #tpu.memory_space<hbm>> -> memref<100000x128xf32, #tpu.memory_space<hbm>>
    tpu.enqueue_indirect_dma source(%dma_start3A_854 : memref<100000x128xf32, #tpu.memory_space<hbm>>) target(%arg15 : memref<112x128xf32, #tpu.memory_space<vmem>>) offsets(%dma_start3A_851 : memref<112xi32, #tpu.memory_space<vmem>>) semaphore(%arg16 : memref<!tpu.dma_semaphore, #tpu.memory_space<semaphore_mem>>)
    %dma_wait3A_855 = arith.constant 1232 : i32
    %dma_wait3A_856 = tpu.memref_slice %arg10[%dma_wait3A_855] : memref<1568xi32, #tpu.memory_space<vmem>> -> memref<112xi32, #tpu.memory_space<vmem>>
    %dma_wait3A_857 = arith.constant 0 : i32
    %dma_wait3A_858 = arith.constant 0 : i32
    %dma_wait3A_859 = tpu.memref_slice %arg4[%dma_wait3A_857, %dma_wait3A_858] : memref<100000x128xf32, #tpu.memory_space<hbm>> -> memref<100000x128xf32, #tpu.memory_space<hbm>>
    tpu.wait_indirect_dma semaphore(%arg21 : memref<!tpu.dma_semaphore, #tpu.memory_space<semaphore_mem>>) src(%dma_wait3A_859 : memref<100000x128xf32, #tpu.memory_space<hbm>>) dst(%arg17 : memref<112x128xf32, #tpu.memory_space<vmem>>)
    %dma_wait3A_860 = arith.constant 1232 : i32
    %dma_wait3A_861 = tpu.memref_slice %arg11[%dma_wait3A_860] : memref<1568xi32, #tpu.memory_space<vmem>> -> memref<112xi32, #tpu.memory_space<vmem>>
    %dma_wait3A_862 = arith.constant 0 : i32
    %dma_wait3A_863 = arith.constant 0 : i32
    %dma_wait3A_864 = tpu.memref_slice %arg4[%dma_wait3A_862, %dma_wait3A_863] : memref<100000x128xf32, #tpu.memory_space<hbm>> -> memref<100000x128xf32, #tpu.memory_space<hbm>>
    tpu.wait_indirect_dma semaphore(%arg21 : memref<!tpu.dma_semaphore, #tpu.memory_space<semaphore_mem>>) src(%dma_wait3A_864 : memref<100000x128xf32, #tpu.memory_space<hbm>>) dst(%arg18 : memref<112x128xf32, #tpu.memory_space<vmem>>)
    %dma_wait3A_865 = arith.constant 1232 : i32
    %dma_wait3A_866 = tpu.memref_slice %arg10[%dma_wait3A_865] : memref<1568xi32, #tpu.memory_space<vmem>> -> memref<112xi32, #tpu.memory_space<vmem>>
    %dma_wait3A_867 = arith.constant 0 : i32
    %dma_wait3A_868 = arith.constant 0 : i32
    %dma_wait3A_869 = tpu.memref_slice %arg5[%dma_wait3A_867, %dma_wait3A_868] : memref<100000x128xf32, #tpu.memory_space<hbm>> -> memref<100000x128xf32, #tpu.memory_space<hbm>>
    tpu.wait_indirect_dma semaphore(%arg21 : memref<!tpu.dma_semaphore, #tpu.memory_space<semaphore_mem>>) src(%dma_wait3A_869 : memref<100000x128xf32, #tpu.memory_space<hbm>>) dst(%arg19 : memref<112x128xf32, #tpu.memory_space<vmem>>)
    %dma_wait3A_870 = arith.constant 1232 : i32
    %dma_wait3A_871 = tpu.memref_slice %arg11[%dma_wait3A_870] : memref<1568xi32, #tpu.memory_space<vmem>> -> memref<112xi32, #tpu.memory_space<vmem>>
    %dma_wait3A_872 = arith.constant 0 : i32
    %dma_wait3A_873 = arith.constant 0 : i32
    %dma_wait3A_874 = tpu.memref_slice %arg5[%dma_wait3A_872, %dma_wait3A_873] : memref<100000x128xf32, #tpu.memory_space<hbm>> -> memref<100000x128xf32, #tpu.memory_space<hbm>>
    tpu.wait_indirect_dma semaphore(%arg21 : memref<!tpu.dma_semaphore, #tpu.memory_space<semaphore_mem>>) src(%dma_wait3A_874 : memref<100000x128xf32, #tpu.memory_space<hbm>>) dst(%arg20 : memref<112x128xf32, #tpu.memory_space<vmem>>)
    %add3A_875 = arith.constant 1232 : i32
    %add3A_876 = arith.addi %mul3A_2, %add3A_875 : i32
    %dma_start3A_877 = arith.constant 0 : i32
    %dma_start3A_878 = tpu.memref_slice %arg6[%add3A_876, %dma_start3A_877] : memref<50176x128xf32, #tpu.memory_space<hbm>> -> memref<112x128xf32, #tpu.memory_space<hbm>>
    %dma_start3A_879 = arith.constant 0 : i32
    %dma_start3A_880 = tpu.memref_slice %arg6[%add3A_876, %dma_start3A_879] : memref<50176x128xf32, #tpu.memory_space<hbm>> -> memref<112x128xf32, #tpu.memory_space<hbm>>
    tpu.enqueue_dma source(%arg17 : memref<112x128xf32, #tpu.memory_space<vmem>>) target(%dma_start3A_880 : memref<112x128xf32, #tpu.memory_space<hbm>>) target_semaphore(%arg21 : memref<!tpu.dma_semaphore, #tpu.memory_space<semaphore_mem>>)
    %dma_start3A_881 = arith.constant 0 : i32
    %dma_start3A_882 = tpu.memref_slice %arg7[%add3A_876, %dma_start3A_881] : memref<50176x128xf32, #tpu.memory_space<hbm>> -> memref<112x128xf32, #tpu.memory_space<hbm>>
    %dma_start3A_883 = arith.constant 0 : i32
    %dma_start3A_884 = tpu.memref_slice %arg7[%add3A_876, %dma_start3A_883] : memref<50176x128xf32, #tpu.memory_space<hbm>> -> memref<112x128xf32, #tpu.memory_space<hbm>>
    tpu.enqueue_dma source(%arg18 : memref<112x128xf32, #tpu.memory_space<vmem>>) target(%dma_start3A_884 : memref<112x128xf32, #tpu.memory_space<hbm>>) target_semaphore(%arg21 : memref<!tpu.dma_semaphore, #tpu.memory_space<semaphore_mem>>)
    %dma_start3A_885 = arith.constant 0 : i32
    %dma_start3A_886 = tpu.memref_slice %arg8[%add3A_876, %dma_start3A_885] : memref<50176x128xf32, #tpu.memory_space<hbm>> -> memref<112x128xf32, #tpu.memory_space<hbm>>
    %dma_start3A_887 = arith.constant 0 : i32
    %dma_start3A_888 = tpu.memref_slice %arg8[%add3A_876, %dma_start3A_887] : memref<50176x128xf32, #tpu.memory_space<hbm>> -> memref<112x128xf32, #tpu.memory_space<hbm>>
    tpu.enqueue_dma source(%arg19 : memref<112x128xf32, #tpu.memory_space<vmem>>) target(%dma_start3A_888 : memref<112x128xf32, #tpu.memory_space<hbm>>) target_semaphore(%arg21 : memref<!tpu.dma_semaphore, #tpu.memory_space<semaphore_mem>>)
    %dma_start3A_889 = arith.constant 0 : i32
    %dma_start3A_890 = tpu.memref_slice %arg9[%add3A_876, %dma_start3A_889] : memref<50176x128xf32, #tpu.memory_space<hbm>> -> memref<112x128xf32, #tpu.memory_space<hbm>>
    %dma_start3A_891 = arith.constant 0 : i32
    %dma_start3A_892 = tpu.memref_slice %arg9[%add3A_876, %dma_start3A_891] : memref<50176x128xf32, #tpu.memory_space<hbm>> -> memref<112x128xf32, #tpu.memory_space<hbm>>
    tpu.enqueue_dma source(%arg20 : memref<112x128xf32, #tpu.memory_space<vmem>>) target(%dma_start3A_892 : memref<112x128xf32, #tpu.memory_space<hbm>>) target_semaphore(%arg21 : memref<!tpu.dma_semaphore, #tpu.memory_space<semaphore_mem>>)
    %dma_wait3A_893 = arith.constant 0 : i32
    %dma_wait3A_894 = tpu.memref_slice %arg6[%add3A_876, %dma_wait3A_893] : memref<50176x128xf32, #tpu.memory_space<hbm>> -> memref<112x128xf32, #tpu.memory_space<hbm>>
    %dma_wait3A_895 = arith.constant 0 : i32
    %dma_wait3A_896 = tpu.memref_slice %arg6[%add3A_876, %dma_wait3A_895] : memref<50176x128xf32, #tpu.memory_space<hbm>> -> memref<112x128xf32, #tpu.memory_space<hbm>>
    tpu.wait_dma2 semaphore(%arg21 : memref<!tpu.dma_semaphore, #tpu.memory_space<semaphore_mem>>) src(%arg17 : memref<112x128xf32, #tpu.memory_space<vmem>>) dst(%dma_wait3A_896 : memref<112x128xf32, #tpu.memory_space<hbm>>)
    %dma_wait3A_897 = arith.constant 0 : i32
    %dma_wait3A_898 = tpu.memref_slice %arg7[%add3A_876, %dma_wait3A_897] : memref<50176x128xf32, #tpu.memory_space<hbm>> -> memref<112x128xf32, #tpu.memory_space<hbm>>
    %dma_wait3A_899 = arith.constant 0 : i32
    %dma_wait3A_900 = tpu.memref_slice %arg7[%add3A_876, %dma_wait3A_899] : memref<50176x128xf32, #tpu.memory_space<hbm>> -> memref<112x128xf32, #tpu.memory_space<hbm>>
    tpu.wait_dma2 semaphore(%arg21 : memref<!tpu.dma_semaphore, #tpu.memory_space<semaphore_mem>>) src(%arg18 : memref<112x128xf32, #tpu.memory_space<vmem>>) dst(%dma_wait3A_900 : memref<112x128xf32, #tpu.memory_space<hbm>>)
    %dma_wait3A_901 = arith.constant 0 : i32
    %dma_wait3A_902 = tpu.memref_slice %arg8[%add3A_876, %dma_wait3A_901] : memref<50176x128xf32, #tpu.memory_space<hbm>> -> memref<112x128xf32, #tpu.memory_space<hbm>>
    %dma_wait3A_903 = arith.constant 0 : i32
    %dma_wait3A_904 = tpu.memref_slice %arg8[%add3A_876, %dma_wait3A_903] : memref<50176x128xf32, #tpu.memory_space<hbm>> -> memref<112x128xf32, #tpu.memory_space<hbm>>
    tpu.wait_dma2 semaphore(%arg21 : memref<!tpu.dma_semaphore, #tpu.memory_space<semaphore_mem>>) src(%arg19 : memref<112x128xf32, #tpu.memory_space<vmem>>) dst(%dma_wait3A_904 : memref<112x128xf32, #tpu.memory_space<hbm>>)
    %dma_wait3A_905 = arith.constant 0 : i32
    %dma_wait3A_906 = tpu.memref_slice %arg9[%add3A_876, %dma_wait3A_905] : memref<50176x128xf32, #tpu.memory_space<hbm>> -> memref<112x128xf32, #tpu.memory_space<hbm>>
    %dma_wait3A_907 = arith.constant 0 : i32
    %dma_wait3A_908 = tpu.memref_slice %arg9[%add3A_876, %dma_wait3A_907] : memref<50176x128xf32, #tpu.memory_space<hbm>> -> memref<112x128xf32, #tpu.memory_space<hbm>>
    tpu.wait_dma2 semaphore(%arg21 : memref<!tpu.dma_semaphore, #tpu.memory_space<semaphore_mem>>) src(%arg20 : memref<112x128xf32, #tpu.memory_space<vmem>>) dst(%dma_wait3A_908 : memref<112x128xf32, #tpu.memory_space<hbm>>)
    %dma_start3A_909 = arith.constant 1456 : i32
    %dma_start3A_910 = tpu.memref_slice %arg10[%dma_start3A_909] : memref<1568xi32, #tpu.memory_space<vmem>> -> memref<112xi32, #tpu.memory_space<vmem>>
    %dma_start3A_911 = arith.constant 0 : i32
    %dma_start3A_912 = arith.constant 0 : i32
    %dma_start3A_913 = tpu.memref_slice %arg4[%dma_start3A_911, %dma_start3A_912] : memref<100000x128xf32, #tpu.memory_space<hbm>> -> memref<100000x128xf32, #tpu.memory_space<hbm>>
    tpu.enqueue_indirect_dma source(%dma_start3A_913 : memref<100000x128xf32, #tpu.memory_space<hbm>>) target(%arg17 : memref<112x128xf32, #tpu.memory_space<vmem>>) offsets(%dma_start3A_910 : memref<112xi32, #tpu.memory_space<vmem>>) semaphore(%arg21 : memref<!tpu.dma_semaphore, #tpu.memory_space<semaphore_mem>>)
    %dma_start3A_914 = arith.constant 1456 : i32
    %dma_start3A_915 = tpu.memref_slice %arg11[%dma_start3A_914] : memref<1568xi32, #tpu.memory_space<vmem>> -> memref<112xi32, #tpu.memory_space<vmem>>
    %dma_start3A_916 = arith.constant 0 : i32
    %dma_start3A_917 = arith.constant 0 : i32
    %dma_start3A_918 = tpu.memref_slice %arg4[%dma_start3A_916, %dma_start3A_917] : memref<100000x128xf32, #tpu.memory_space<hbm>> -> memref<100000x128xf32, #tpu.memory_space<hbm>>
    tpu.enqueue_indirect_dma source(%dma_start3A_918 : memref<100000x128xf32, #tpu.memory_space<hbm>>) target(%arg18 : memref<112x128xf32, #tpu.memory_space<vmem>>) offsets(%dma_start3A_915 : memref<112xi32, #tpu.memory_space<vmem>>) semaphore(%arg21 : memref<!tpu.dma_semaphore, #tpu.memory_space<semaphore_mem>>)
    %dma_start3A_919 = arith.constant 1456 : i32
    %dma_start3A_920 = tpu.memref_slice %arg10[%dma_start3A_919] : memref<1568xi32, #tpu.memory_space<vmem>> -> memref<112xi32, #tpu.memory_space<vmem>>
    %dma_start3A_921 = arith.constant 0 : i32
    %dma_start3A_922 = arith.constant 0 : i32
    %dma_start3A_923 = tpu.memref_slice %arg5[%dma_start3A_921, %dma_start3A_922] : memref<100000x128xf32, #tpu.memory_space<hbm>> -> memref<100000x128xf32, #tpu.memory_space<hbm>>
    tpu.enqueue_indirect_dma source(%dma_start3A_923 : memref<100000x128xf32, #tpu.memory_space<hbm>>) target(%arg19 : memref<112x128xf32, #tpu.memory_space<vmem>>) offsets(%dma_start3A_920 : memref<112xi32, #tpu.memory_space<vmem>>) semaphore(%arg21 : memref<!tpu.dma_semaphore, #tpu.memory_space<semaphore_mem>>)
    %dma_start3A_924 = arith.constant 1456 : i32
    %dma_start3A_925 = tpu.memref_slice %arg11[%dma_start3A_924] : memref<1568xi32, #tpu.memory_space<vmem>> -> memref<112xi32, #tpu.memory_space<vmem>>
    %dma_start3A_926 = arith.constant 0 : i32
    %dma_start3A_927 = arith.constant 0 : i32
    %dma_start3A_928 = tpu.memref_slice %arg5[%dma_start3A_926, %dma_start3A_927] : memref<100000x128xf32, #tpu.memory_space<hbm>> -> memref<100000x128xf32, #tpu.memory_space<hbm>>
    tpu.enqueue_indirect_dma source(%dma_start3A_928 : memref<100000x128xf32, #tpu.memory_space<hbm>>) target(%arg20 : memref<112x128xf32, #tpu.memory_space<vmem>>) offsets(%dma_start3A_925 : memref<112xi32, #tpu.memory_space<vmem>>) semaphore(%arg21 : memref<!tpu.dma_semaphore, #tpu.memory_space<semaphore_mem>>)
    %dma_wait3A_929 = arith.constant 1344 : i32
    %dma_wait3A_930 = tpu.memref_slice %arg10[%dma_wait3A_929] : memref<1568xi32, #tpu.memory_space<vmem>> -> memref<112xi32, #tpu.memory_space<vmem>>
    %dma_wait3A_931 = arith.constant 0 : i32
    %dma_wait3A_932 = arith.constant 0 : i32
    %dma_wait3A_933 = tpu.memref_slice %arg4[%dma_wait3A_931, %dma_wait3A_932] : memref<100000x128xf32, #tpu.memory_space<hbm>> -> memref<100000x128xf32, #tpu.memory_space<hbm>>
    tpu.wait_indirect_dma semaphore(%arg16 : memref<!tpu.dma_semaphore, #tpu.memory_space<semaphore_mem>>) src(%dma_wait3A_933 : memref<100000x128xf32, #tpu.memory_space<hbm>>) dst(%arg12 : memref<112x128xf32, #tpu.memory_space<vmem>>)
    %dma_wait3A_934 = arith.constant 1344 : i32
    %dma_wait3A_935 = tpu.memref_slice %arg11[%dma_wait3A_934] : memref<1568xi32, #tpu.memory_space<vmem>> -> memref<112xi32, #tpu.memory_space<vmem>>
    %dma_wait3A_936 = arith.constant 0 : i32
    %dma_wait3A_937 = arith.constant 0 : i32
    %dma_wait3A_938 = tpu.memref_slice %arg4[%dma_wait3A_936, %dma_wait3A_937] : memref<100000x128xf32, #tpu.memory_space<hbm>> -> memref<100000x128xf32, #tpu.memory_space<hbm>>
    tpu.wait_indirect_dma semaphore(%arg16 : memref<!tpu.dma_semaphore, #tpu.memory_space<semaphore_mem>>) src(%dma_wait3A_938 : memref<100000x128xf32, #tpu.memory_space<hbm>>) dst(%arg13 : memref<112x128xf32, #tpu.memory_space<vmem>>)
    %dma_wait3A_939 = arith.constant 1344 : i32
    %dma_wait3A_940 = tpu.memref_slice %arg10[%dma_wait3A_939] : memref<1568xi32, #tpu.memory_space<vmem>> -> memref<112xi32, #tpu.memory_space<vmem>>
    %dma_wait3A_941 = arith.constant 0 : i32
    %dma_wait3A_942 = arith.constant 0 : i32
    %dma_wait3A_943 = tpu.memref_slice %arg5[%dma_wait3A_941, %dma_wait3A_942] : memref<100000x128xf32, #tpu.memory_space<hbm>> -> memref<100000x128xf32, #tpu.memory_space<hbm>>
    tpu.wait_indirect_dma semaphore(%arg16 : memref<!tpu.dma_semaphore, #tpu.memory_space<semaphore_mem>>) src(%dma_wait3A_943 : memref<100000x128xf32, #tpu.memory_space<hbm>>) dst(%arg14 : memref<112x128xf32, #tpu.memory_space<vmem>>)
    %dma_wait3A_944 = arith.constant 1344 : i32
    %dma_wait3A_945 = tpu.memref_slice %arg11[%dma_wait3A_944] : memref<1568xi32, #tpu.memory_space<vmem>> -> memref<112xi32, #tpu.memory_space<vmem>>
    %dma_wait3A_946 = arith.constant 0 : i32
    %dma_wait3A_947 = arith.constant 0 : i32
    %dma_wait3A_948 = tpu.memref_slice %arg5[%dma_wait3A_946, %dma_wait3A_947] : memref<100000x128xf32, #tpu.memory_space<hbm>> -> memref<100000x128xf32, #tpu.memory_space<hbm>>
    tpu.wait_indirect_dma semaphore(%arg16 : memref<!tpu.dma_semaphore, #tpu.memory_space<semaphore_mem>>) src(%dma_wait3A_948 : memref<100000x128xf32, #tpu.memory_space<hbm>>) dst(%arg15 : memref<112x128xf32, #tpu.memory_space<vmem>>)
    %add3A_949 = arith.constant 1344 : i32
    %add3A_950 = arith.addi %mul3A_2, %add3A_949 : i32
    %dma_start3A_951 = arith.constant 0 : i32
    %dma_start3A_952 = tpu.memref_slice %arg6[%add3A_950, %dma_start3A_951] : memref<50176x128xf32, #tpu.memory_space<hbm>> -> memref<112x128xf32, #tpu.memory_space<hbm>>
    %dma_start3A_953 = arith.constant 0 : i32
    %dma_start3A_954 = tpu.memref_slice %arg6[%add3A_950, %dma_start3A_953] : memref<50176x128xf32, #tpu.memory_space<hbm>> -> memref<112x128xf32, #tpu.memory_space<hbm>>
    tpu.enqueue_dma source(%arg12 : memref<112x128xf32, #tpu.memory_space<vmem>>) target(%dma_start3A_954 : memref<112x128xf32, #tpu.memory_space<hbm>>) target_semaphore(%arg16 : memref<!tpu.dma_semaphore, #tpu.memory_space<semaphore_mem>>)
    %dma_start3A_955 = arith.constant 0 : i32
    %dma_start3A_956 = tpu.memref_slice %arg7[%add3A_950, %dma_start3A_955] : memref<50176x128xf32, #tpu.memory_space<hbm>> -> memref<112x128xf32, #tpu.memory_space<hbm>>
    %dma_start3A_957 = arith.constant 0 : i32
    %dma_start3A_958 = tpu.memref_slice %arg7[%add3A_950, %dma_start3A_957] : memref<50176x128xf32, #tpu.memory_space<hbm>> -> memref<112x128xf32, #tpu.memory_space<hbm>>
    tpu.enqueue_dma source(%arg13 : memref<112x128xf32, #tpu.memory_space<vmem>>) target(%dma_start3A_958 : memref<112x128xf32, #tpu.memory_space<hbm>>) target_semaphore(%arg16 : memref<!tpu.dma_semaphore, #tpu.memory_space<semaphore_mem>>)
    %dma_start3A_959 = arith.constant 0 : i32
    %dma_start3A_960 = tpu.memref_slice %arg8[%add3A_950, %dma_start3A_959] : memref<50176x128xf32, #tpu.memory_space<hbm>> -> memref<112x128xf32, #tpu.memory_space<hbm>>
    %dma_start3A_961 = arith.constant 0 : i32
    %dma_start3A_962 = tpu.memref_slice %arg8[%add3A_950, %dma_start3A_961] : memref<50176x128xf32, #tpu.memory_space<hbm>> -> memref<112x128xf32, #tpu.memory_space<hbm>>
    tpu.enqueue_dma source(%arg14 : memref<112x128xf32, #tpu.memory_space<vmem>>) target(%dma_start3A_962 : memref<112x128xf32, #tpu.memory_space<hbm>>) target_semaphore(%arg16 : memref<!tpu.dma_semaphore, #tpu.memory_space<semaphore_mem>>)
    %dma_start3A_963 = arith.constant 0 : i32
    %dma_start3A_964 = tpu.memref_slice %arg9[%add3A_950, %dma_start3A_963] : memref<50176x128xf32, #tpu.memory_space<hbm>> -> memref<112x128xf32, #tpu.memory_space<hbm>>
    %dma_start3A_965 = arith.constant 0 : i32
    %dma_start3A_966 = tpu.memref_slice %arg9[%add3A_950, %dma_start3A_965] : memref<50176x128xf32, #tpu.memory_space<hbm>> -> memref<112x128xf32, #tpu.memory_space<hbm>>
    tpu.enqueue_dma source(%arg15 : memref<112x128xf32, #tpu.memory_space<vmem>>) target(%dma_start3A_966 : memref<112x128xf32, #tpu.memory_space<hbm>>) target_semaphore(%arg16 : memref<!tpu.dma_semaphore, #tpu.memory_space<semaphore_mem>>)
    %dma_wait3A_967 = arith.constant 1456 : i32
    %dma_wait3A_968 = tpu.memref_slice %arg10[%dma_wait3A_967] : memref<1568xi32, #tpu.memory_space<vmem>> -> memref<112xi32, #tpu.memory_space<vmem>>
    %dma_wait3A_969 = arith.constant 0 : i32
    %dma_wait3A_970 = arith.constant 0 : i32
    %dma_wait3A_971 = tpu.memref_slice %arg4[%dma_wait3A_969, %dma_wait3A_970] : memref<100000x128xf32, #tpu.memory_space<hbm>> -> memref<100000x128xf32, #tpu.memory_space<hbm>>
    tpu.wait_indirect_dma semaphore(%arg21 : memref<!tpu.dma_semaphore, #tpu.memory_space<semaphore_mem>>) src(%dma_wait3A_971 : memref<100000x128xf32, #tpu.memory_space<hbm>>) dst(%arg17 : memref<112x128xf32, #tpu.memory_space<vmem>>)
    %dma_wait3A_972 = arith.constant 1456 : i32
    %dma_wait3A_973 = tpu.memref_slice %arg11[%dma_wait3A_972] : memref<1568xi32, #tpu.memory_space<vmem>> -> memref<112xi32, #tpu.memory_space<vmem>>
    %dma_wait3A_974 = arith.constant 0 : i32
    %dma_wait3A_975 = arith.constant 0 : i32
    %dma_wait3A_976 = tpu.memref_slice %arg4[%dma_wait3A_974, %dma_wait3A_975] : memref<100000x128xf32, #tpu.memory_space<hbm>> -> memref<100000x128xf32, #tpu.memory_space<hbm>>
    tpu.wait_indirect_dma semaphore(%arg21 : memref<!tpu.dma_semaphore, #tpu.memory_space<semaphore_mem>>) src(%dma_wait3A_976 : memref<100000x128xf32, #tpu.memory_space<hbm>>) dst(%arg18 : memref<112x128xf32, #tpu.memory_space<vmem>>)
    %dma_wait3A_977 = arith.constant 1456 : i32
    %dma_wait3A_978 = tpu.memref_slice %arg10[%dma_wait3A_977] : memref<1568xi32, #tpu.memory_space<vmem>> -> memref<112xi32, #tpu.memory_space<vmem>>
    %dma_wait3A_979 = arith.constant 0 : i32
    %dma_wait3A_980 = arith.constant 0 : i32
    %dma_wait3A_981 = tpu.memref_slice %arg5[%dma_wait3A_979, %dma_wait3A_980] : memref<100000x128xf32, #tpu.memory_space<hbm>> -> memref<100000x128xf32, #tpu.memory_space<hbm>>
    tpu.wait_indirect_dma semaphore(%arg21 : memref<!tpu.dma_semaphore, #tpu.memory_space<semaphore_mem>>) src(%dma_wait3A_981 : memref<100000x128xf32, #tpu.memory_space<hbm>>) dst(%arg19 : memref<112x128xf32, #tpu.memory_space<vmem>>)
    %dma_wait3A_982 = arith.constant 1456 : i32
    %dma_wait3A_983 = tpu.memref_slice %arg11[%dma_wait3A_982] : memref<1568xi32, #tpu.memory_space<vmem>> -> memref<112xi32, #tpu.memory_space<vmem>>
    %dma_wait3A_984 = arith.constant 0 : i32
    %dma_wait3A_985 = arith.constant 0 : i32
    %dma_wait3A_986 = tpu.memref_slice %arg5[%dma_wait3A_984, %dma_wait3A_985] : memref<100000x128xf32, #tpu.memory_space<hbm>> -> memref<100000x128xf32, #tpu.memory_space<hbm>>
    tpu.wait_indirect_dma semaphore(%arg21 : memref<!tpu.dma_semaphore, #tpu.memory_space<semaphore_mem>>) src(%dma_wait3A_986 : memref<100000x128xf32, #tpu.memory_space<hbm>>) dst(%arg20 : memref<112x128xf32, #tpu.memory_space<vmem>>)
    %add3A_987 = arith.constant 1456 : i32
    %add3A_988 = arith.addi %mul3A_2, %add3A_987 : i32
    %dma_start3A_989 = arith.constant 0 : i32
    %dma_start3A_990 = tpu.memref_slice %arg6[%add3A_988, %dma_start3A_989] : memref<50176x128xf32, #tpu.memory_space<hbm>> -> memref<112x128xf32, #tpu.memory_space<hbm>>
    %dma_start3A_991 = arith.constant 0 : i32
    %dma_start3A_992 = tpu.memref_slice %arg6[%add3A_988, %dma_start3A_991] : memref<50176x128xf32, #tpu.memory_space<hbm>> -> memref<112x128xf32, #tpu.memory_space<hbm>>
    tpu.enqueue_dma source(%arg17 : memref<112x128xf32, #tpu.memory_space<vmem>>) target(%dma_start3A_992 : memref<112x128xf32, #tpu.memory_space<hbm>>) target_semaphore(%arg21 : memref<!tpu.dma_semaphore, #tpu.memory_space<semaphore_mem>>)
    %dma_start3A_993 = arith.constant 0 : i32
    %dma_start3A_994 = tpu.memref_slice %arg7[%add3A_988, %dma_start3A_993] : memref<50176x128xf32, #tpu.memory_space<hbm>> -> memref<112x128xf32, #tpu.memory_space<hbm>>
    %dma_start3A_995 = arith.constant 0 : i32
    %dma_start3A_996 = tpu.memref_slice %arg7[%add3A_988, %dma_start3A_995] : memref<50176x128xf32, #tpu.memory_space<hbm>> -> memref<112x128xf32, #tpu.memory_space<hbm>>
    tpu.enqueue_dma source(%arg18 : memref<112x128xf32, #tpu.memory_space<vmem>>) target(%dma_start3A_996 : memref<112x128xf32, #tpu.memory_space<hbm>>) target_semaphore(%arg21 : memref<!tpu.dma_semaphore, #tpu.memory_space<semaphore_mem>>)
    %dma_start3A_997 = arith.constant 0 : i32
    %dma_start3A_998 = tpu.memref_slice %arg8[%add3A_988, %dma_start3A_997] : memref<50176x128xf32, #tpu.memory_space<hbm>> -> memref<112x128xf32, #tpu.memory_space<hbm>>
    %dma_start3A_999 = arith.constant 0 : i32
    %dma_start3A_1000 = tpu.memref_slice %arg8[%add3A_988, %dma_start3A_999] : memref<50176x128xf32, #tpu.memory_space<hbm>> -> memref<112x128xf32, #tpu.memory_space<hbm>>
    tpu.enqueue_dma source(%arg19 : memref<112x128xf32, #tpu.memory_space<vmem>>) target(%dma_start3A_1000 : memref<112x128xf32, #tpu.memory_space<hbm>>) target_semaphore(%arg21 : memref<!tpu.dma_semaphore, #tpu.memory_space<semaphore_mem>>)
    %dma_start3A_1001 = arith.constant 0 : i32
    %dma_start3A_1002 = tpu.memref_slice %arg9[%add3A_988, %dma_start3A_1001] : memref<50176x128xf32, #tpu.memory_space<hbm>> -> memref<112x128xf32, #tpu.memory_space<hbm>>
    %dma_start3A_1003 = arith.constant 0 : i32
    %dma_start3A_1004 = tpu.memref_slice %arg9[%add3A_988, %dma_start3A_1003] : memref<50176x128xf32, #tpu.memory_space<hbm>> -> memref<112x128xf32, #tpu.memory_space<hbm>>
    tpu.enqueue_dma source(%arg20 : memref<112x128xf32, #tpu.memory_space<vmem>>) target(%dma_start3A_1004 : memref<112x128xf32, #tpu.memory_space<hbm>>) target_semaphore(%arg21 : memref<!tpu.dma_semaphore, #tpu.memory_space<semaphore_mem>>)
    %dma_wait3A_1005 = arith.constant 0 : i32
    %dma_wait3A_1006 = tpu.memref_slice %arg6[%add3A_950, %dma_wait3A_1005] : memref<50176x128xf32, #tpu.memory_space<hbm>> -> memref<112x128xf32, #tpu.memory_space<hbm>>
    %dma_wait3A_1007 = arith.constant 0 : i32
    %dma_wait3A_1008 = tpu.memref_slice %arg6[%add3A_950, %dma_wait3A_1007] : memref<50176x128xf32, #tpu.memory_space<hbm>> -> memref<112x128xf32, #tpu.memory_space<hbm>>
    tpu.wait_dma2 semaphore(%arg16 : memref<!tpu.dma_semaphore, #tpu.memory_space<semaphore_mem>>) src(%arg12 : memref<112x128xf32, #tpu.memory_space<vmem>>) dst(%dma_wait3A_1008 : memref<112x128xf32, #tpu.memory_space<hbm>>)
    %dma_wait3A_1009 = arith.constant 0 : i32
    %dma_wait3A_1010 = tpu.memref_slice %arg7[%add3A_950, %dma_wait3A_1009] : memref<50176x128xf32, #tpu.memory_space<hbm>> -> memref<112x128xf32, #tpu.memory_space<hbm>>
    %dma_wait3A_1011 = arith.constant 0 : i32
    %dma_wait3A_1012 = tpu.memref_slice %arg7[%add3A_950, %dma_wait3A_1011] : memref<50176x128xf32, #tpu.memory_space<hbm>> -> memref<112x128xf32, #tpu.memory_space<hbm>>
    tpu.wait_dma2 semaphore(%arg16 : memref<!tpu.dma_semaphore, #tpu.memory_space<semaphore_mem>>) src(%arg13 : memref<112x128xf32, #tpu.memory_space<vmem>>) dst(%dma_wait3A_1012 : memref<112x128xf32, #tpu.memory_space<hbm>>)
    %dma_wait3A_1013 = arith.constant 0 : i32
    %dma_wait3A_1014 = tpu.memref_slice %arg8[%add3A_950, %dma_wait3A_1013] : memref<50176x128xf32, #tpu.memory_space<hbm>> -> memref<112x128xf32, #tpu.memory_space<hbm>>
    %dma_wait3A_1015 = arith.constant 0 : i32
    %dma_wait3A_1016 = tpu.memref_slice %arg8[%add3A_950, %dma_wait3A_1015] : memref<50176x128xf32, #tpu.memory_space<hbm>> -> memref<112x128xf32, #tpu.memory_space<hbm>>
    tpu.wait_dma2 semaphore(%arg16 : memref<!tpu.dma_semaphore, #tpu.memory_space<semaphore_mem>>) src(%arg14 : memref<112x128xf32, #tpu.memory_space<vmem>>) dst(%dma_wait3A_1016 : memref<112x128xf32, #tpu.memory_space<hbm>>)
    %dma_wait3A_1017 = arith.constant 0 : i32
    %dma_wait3A_1018 = tpu.memref_slice %arg9[%add3A_950, %dma_wait3A_1017] : memref<50176x128xf32, #tpu.memory_space<hbm>> -> memref<112x128xf32, #tpu.memory_space<hbm>>
    %dma_wait3A_1019 = arith.constant 0 : i32
    %dma_wait3A_1020 = tpu.memref_slice %arg9[%add3A_950, %dma_wait3A_1019] : memref<50176x128xf32, #tpu.memory_space<hbm>> -> memref<112x128xf32, #tpu.memory_space<hbm>>
    tpu.wait_dma2 semaphore(%arg16 : memref<!tpu.dma_semaphore, #tpu.memory_space<semaphore_mem>>) src(%arg15 : memref<112x128xf32, #tpu.memory_space<vmem>>) dst(%dma_wait3A_1020 : memref<112x128xf32, #tpu.memory_space<hbm>>)
    %dma_wait3A_1021 = arith.constant 0 : i32
    %dma_wait3A_1022 = tpu.memref_slice %arg6[%add3A_988, %dma_wait3A_1021] : memref<50176x128xf32, #tpu.memory_space<hbm>> -> memref<112x128xf32, #tpu.memory_space<hbm>>
    %dma_wait3A_1023 = arith.constant 0 : i32
    %dma_wait3A_1024 = tpu.memref_slice %arg6[%add3A_988, %dma_wait3A_1023] : memref<50176x128xf32, #tpu.memory_space<hbm>> -> memref<112x128xf32, #tpu.memory_space<hbm>>
    tpu.wait_dma2 semaphore(%arg21 : memref<!tpu.dma_semaphore, #tpu.memory_space<semaphore_mem>>) src(%arg17 : memref<112x128xf32, #tpu.memory_space<vmem>>) dst(%dma_wait3A_1024 : memref<112x128xf32, #tpu.memory_space<hbm>>)
    %dma_wait3A_1025 = arith.constant 0 : i32
    %dma_wait3A_1026 = tpu.memref_slice %arg7[%add3A_988, %dma_wait3A_1025] : memref<50176x128xf32, #tpu.memory_space<hbm>> -> memref<112x128xf32, #tpu.memory_space<hbm>>
    %dma_wait3A_1027 = arith.constant 0 : i32
    %dma_wait3A_1028 = tpu.memref_slice %arg7[%add3A_988, %dma_wait3A_1027] : memref<50176x128xf32, #tpu.memory_space<hbm>> -> memref<112x128xf32, #tpu.memory_space<hbm>>
    tpu.wait_dma2 semaphore(%arg21 : memref<!tpu.dma_semaphore, #tpu.memory_space<semaphore_mem>>) src(%arg18 : memref<112x128xf32, #tpu.memory_space<vmem>>) dst(%dma_wait3A_1028 : memref<112x128xf32, #tpu.memory_space<hbm>>)
    %dma_wait3A_1029 = arith.constant 0 : i32
    %dma_wait3A_1030 = tpu.memref_slice %arg8[%add3A_988, %dma_wait3A_1029] : memref<50176x128xf32, #tpu.memory_space<hbm>> -> memref<112x128xf32, #tpu.memory_space<hbm>>
    %dma_wait3A_1031 = arith.constant 0 : i32
    %dma_wait3A_1032 = tpu.memref_slice %arg8[%add3A_988, %dma_wait3A_1031] : memref<50176x128xf32, #tpu.memory_space<hbm>> -> memref<112x128xf32, #tpu.memory_space<hbm>>
    tpu.wait_dma2 semaphore(%arg21 : memref<!tpu.dma_semaphore, #tpu.memory_space<semaphore_mem>>) src(%arg19 : memref<112x128xf32, #tpu.memory_space<vmem>>) dst(%dma_wait3A_1032 : memref<112x128xf32, #tpu.memory_space<hbm>>)
    %dma_wait3A_1033 = arith.constant 0 : i32
    %dma_wait3A_1034 = tpu.memref_slice %arg9[%add3A_988, %dma_wait3A_1033] : memref<50176x128xf32, #tpu.memory_space<hbm>> -> memref<112x128xf32, #tpu.memory_space<hbm>>
    %dma_wait3A_1035 = arith.constant 0 : i32
    %dma_wait3A_1036 = tpu.memref_slice %arg9[%add3A_988, %dma_wait3A_1035] : memref<50176x128xf32, #tpu.memory_space<hbm>> -> memref<112x128xf32, #tpu.memory_space<hbm>>
    tpu.wait_dma2 semaphore(%arg21 : memref<!tpu.dma_semaphore, #tpu.memory_space<semaphore_mem>>) src(%arg20 : memref<112x128xf32, #tpu.memory_space<vmem>>) dst(%dma_wait3A_1036 : memref<112x128xf32, #tpu.memory_space<hbm>>)
    return
  }
}

module attributes {stable_mosaic.version = 14 : i64} {
  func.func @_tc_body(%arg0: i32, %arg1: memref<2000x128xf32, #tpu.memory_space<vmem>>, %arg2: memref<2000x128xf32, #tpu.memory_space<vmem>>, %arg3: memref<2000x128xf32, #tpu.memory_space<vmem>>, %arg4: memref<2000x128xf32, #tpu.memory_space<vmem>>, %arg5: memref<256x640xf32, #tpu.memory_space<vmem>>, %arg6: memref<1x640xf32, #tpu.memory_space<vmem>>, %arg7: memref<2000x128xf32, #tpu.memory_space<vmem>>, %arg8: memref<2000x128xf32, #tpu.memory_space<vmem>>) attributes {dimension_semantics = [#tpu.dimension_semantics<arbitrary>], iteration_bounds = array<i64: 25>, scalar_prefetch = 0 : i64, scratch_operands = 0 : i64, tpu.core_type = #tpu.core_type<tc>, window_params = [{transform_indices = @transform_0, window_bounds = array<i64: 2000, 128>}, {transform_indices = @transform_1, window_bounds = array<i64: 2000, 128>}, {transform_indices = @transform_2, window_bounds = array<i64: 2000, 128>}, {transform_indices = @transform_3, window_bounds = array<i64: 2000, 128>}, {pipeline_mode = #tpu.pipeline_mode<synchronous>, transform_indices = @transform_4, window_bounds = array<i64: 256, 640>}, {pipeline_mode = #tpu.pipeline_mode<synchronous>, transform_indices = @transform_5, window_bounds = array<i64: 1, 640>}, {transform_indices = @transform_6, window_bounds = array<i64: 2000, 128>}, {transform_indices = @transform_7, window_bounds = array<i64: 2000, 128>}]} {
    %get3A = arith.constant 0 : index
    %get3A_0 = arith.constant 0 : index
    %get3A_1 = vector.load %arg1[%get3A, %get3A_0] : memref<2000x128xf32, #tpu.memory_space<vmem>>, vector<2000x128xf32>
    %get3A_2 = arith.constant 0 : index
    %get3A_3 = arith.constant 0 : index
    %get3A_4 = vector.load %arg2[%get3A_2, %get3A_3] : memref<2000x128xf32, #tpu.memory_space<vmem>>, vector<2000x128xf32>
    %get3A_5 = arith.constant 0 : index
    %get3A_6 = arith.constant 0 : index
    %get3A_7 = vector.load %arg5[%get3A_5, %get3A_6] : memref<256x640xf32, #tpu.memory_space<vmem>>, vector<128x640xf32>
    %dot_general3A = arith.constant dense<0.000000e+00> : vector<2000x640xf32>
    %dot_general3A_8 = tpu.matmul %get3A_1, %get3A_7, %dot_general3A {dimension_numbers = #tpu.dot_dimension_numbers<[1], [0], [0], [1], [0, 0, 1, 1], [], []>, transpose_lhs_hint = false} : vector<2000x128xf32>, vector<128x640xf32>, vector<2000x640xf32> -> vector<2000x640xf32>
    %get3A_9 = arith.constant 128 : index
    %get3A_10 = arith.constant 0 : index
    %get3A_11 = vector.load %arg5[%get3A_9, %get3A_10] : memref<256x640xf32, #tpu.memory_space<vmem>>, vector<128x640xf32>
    %dot_general3A_12 = arith.constant dense<0.000000e+00> : vector<2000x640xf32>
    %dot_general3A_13 = tpu.matmul %get3A_4, %get3A_11, %dot_general3A_12 {dimension_numbers = #tpu.dot_dimension_numbers<[1], [0], [0], [1], [0, 0, 1, 1], [], []>, transpose_lhs_hint = false} : vector<2000x128xf32>, vector<128x640xf32>, vector<2000x640xf32> -> vector<2000x640xf32>
    %add3A = arith.addf %dot_general3A_8, %dot_general3A_13 : vector<2000x640xf32>
    %get3A_14 = arith.constant 0 : index
    %get3A_15 = arith.constant 0 : index
    %get3A_16 = vector.load %arg6[%get3A_14, %get3A_15] : memref<1x640xf32, #tpu.memory_space<vmem>>, vector<1x640xf32>
    %add3A_17 = vector.broadcast %get3A_16 : vector<1x640xf32> to vector<2000x640xf32>
    %add3A_18 = arith.addf %add3A, %add3A_17 : vector<2000x640xf32>
    %slice3A = vector.extract_strided_slice %add3A_18 {offsets = [0, 0], sizes = [2000, 256], strides = [1, 1]} : vector<2000x640xf32> to vector<2000x256xf32>
    %logistic3A = arith.negf %slice3A : vector<2000x256xf32>
    %logistic3A_19 = math.exp %logistic3A : vector<2000x256xf32>
    %logistic3A_20 = arith.constant 1.000000e+00 : f32
    %logistic3A_21 = vector.broadcast %logistic3A_20 : f32 to vector<2000x256xf32>
    %logistic3A_22 = arith.addf %logistic3A_21, %logistic3A_19 : vector<2000x256xf32>
    %logistic3A_23 = arith.divf %logistic3A_21, %logistic3A_22 : vector<2000x256xf32>
    %slice3A_24 = vector.extract_strided_slice %logistic3A_23 {offsets = [0, 0], sizes = [2000, 128], strides = [1, 1]} : vector<2000x256xf32> to vector<2000x128xf32>
    %get3A_25 = arith.constant 0 : index
    %get3A_26 = arith.constant 0 : index
    %get3A_27 = vector.load %arg3[%get3A_25, %get3A_26] : memref<2000x128xf32, #tpu.memory_space<vmem>>, vector<2000x128xf32>
    %mul3A = arith.mulf %slice3A_24, %get3A_27 : vector<2000x128xf32>
    %slice3A_28 = vector.extract_strided_slice %logistic3A_23 {offsets = [0, 128], sizes = [2000, 128], strides = [1, 1]} : vector<2000x256xf32> to vector<2000x128xf32>
    %get3A_29 = arith.constant 0 : index
    %get3A_30 = arith.constant 0 : index
    %get3A_31 = vector.load %arg4[%get3A_29, %get3A_30] : memref<2000x128xf32, #tpu.memory_space<vmem>>, vector<2000x128xf32>
    %mul3A_32 = arith.mulf %slice3A_28, %get3A_31 : vector<2000x128xf32>
    %add3A_33 = arith.addf %mul3A, %mul3A_32 : vector<2000x128xf32>
    %slice3A_34 = vector.extract_strided_slice %add3A_18 {offsets = [0, 256], sizes = [2000, 128], strides = [1, 1]} : vector<2000x640xf32> to vector<2000x128xf32>
    %logistic3A_35 = arith.negf %slice3A_34 : vector<2000x128xf32>
    %logistic3A_36 = math.exp %logistic3A_35 : vector<2000x128xf32>
    %logistic3A_37 = arith.constant 1.000000e+00 : f32
    %logistic3A_38 = vector.broadcast %logistic3A_37 : f32 to vector<2000x128xf32>
    %logistic3A_39 = arith.addf %logistic3A_38, %logistic3A_36 : vector<2000x128xf32>
    %logistic3A_40 = arith.divf %logistic3A_38, %logistic3A_39 : vector<2000x128xf32>
    %slice3A_41 = vector.extract_strided_slice %add3A_18 {offsets = [0, 384], sizes = [2000, 128], strides = [1, 1]} : vector<2000x640xf32> to vector<2000x128xf32>
    %logistic3A_42 = arith.negf %slice3A_41 : vector<2000x128xf32>
    %logistic3A_43 = math.exp %logistic3A_42 : vector<2000x128xf32>
    %logistic3A_44 = arith.constant 1.000000e+00 : f32
    %logistic3A_45 = vector.broadcast %logistic3A_44 : f32 to vector<2000x128xf32>
    %logistic3A_46 = arith.addf %logistic3A_45, %logistic3A_43 : vector<2000x128xf32>
    %logistic3A_47 = arith.divf %logistic3A_45, %logistic3A_46 : vector<2000x128xf32>
    %slice3A_48 = vector.extract_strided_slice %add3A_18 {offsets = [0, 512], sizes = [2000, 128], strides = [1, 1]} : vector<2000x640xf32> to vector<2000x128xf32>
    %tanh3A = math.tanh %slice3A_48 : vector<2000x128xf32>
    %mul3A_49 = arith.mulf %logistic3A_40, %tanh3A : vector<2000x128xf32>
    %add3A_50 = arith.addf %mul3A_49, %add3A_33 : vector<2000x128xf32>
    %swap3A = arith.constant 0 : index
    %swap3A_51 = arith.constant 0 : index
    %swap3A_52 = vector.load %arg8[%swap3A, %swap3A_51] : memref<2000x128xf32, #tpu.memory_space<vmem>>, vector<2000x128xf32>
    tpu.vector_store %arg8[%swap3A, %swap3A_51], %add3A_50 {strides = array<i32>} : memref<2000x128xf32, #tpu.memory_space<vmem>>, vector<2000x128xf32>,
    %tanh3A_53 = math.tanh %add3A_50 : vector<2000x128xf32>
    %mul3A_54 = arith.mulf %logistic3A_47, %tanh3A_53 : vector<2000x128xf32>
    %swap3A_55 = arith.constant 0 : index
    %swap3A_56 = arith.constant 0 : index
    %swap3A_57 = vector.load %arg7[%swap3A_55, %swap3A_56] : memref<2000x128xf32, #tpu.memory_space<vmem>>, vector<2000x128xf32>
    tpu.vector_store %arg7[%swap3A_55, %swap3A_56], %mul3A_54 {strides = array<i32>} : memref<2000x128xf32, #tpu.memory_space<vmem>>, vector<2000x128xf32>,
    return
  }
  func.func @transform_0(%arg0: i32) -> (i32, i32) {
    %c0_i32 = arith.constant 0 : i32
    %c0_i32_0 = arith.constant 0 : i32
    return %arg0, %c0_i32 : i32, i32
  }
  func.func @transform_1(%arg0: i32) -> (i32, i32) {
    %c0_i32 = arith.constant 0 : i32
    %c0_i32_0 = arith.constant 0 : i32
    return %arg0, %c0_i32 : i32, i32
  }
  func.func @transform_2(%arg0: i32) -> (i32, i32) {
    %c0_i32 = arith.constant 0 : i32
    %c0_i32_0 = arith.constant 0 : i32
    return %arg0, %c0_i32 : i32, i32
  }
  func.func @transform_3(%arg0: i32) -> (i32, i32) {
    %c0_i32 = arith.constant 0 : i32
    %c0_i32_0 = arith.constant 0 : i32
    return %arg0, %c0_i32 : i32, i32
  }
  func.func @transform_4(%arg0: i32) -> (i32, i32) {
    %c0_i32 = arith.constant 0 : i32
    %c0_i32_0 = arith.constant 0 : i32
    %c0_i32_1 = arith.constant 0 : i32
    return %c0_i32, %c0_i32_0 : i32, i32
  }
  func.func @transform_5(%arg0: i32) -> (i32, i32) {
    %c0_i32 = arith.constant 0 : i32
    %c0_i32_0 = arith.constant 0 : i32
    %c0_i32_1 = arith.constant 0 : i32
    return %c0_i32, %c0_i32_0 : i32, i32
  }
  func.func @transform_6(%arg0: i32) -> (i32, i32) {
    %c0_i32 = arith.constant 0 : i32
    %c0_i32_0 = arith.constant 0 : i32
    return %arg0, %c0_i32 : i32, i32
  }
  func.func @transform_7(%arg0: i32) -> (i32, i32) {
    %c0_i32 = arith.constant 0 : i32
    %c0_i32_0 = arith.constant 0 : i32
    return %arg0, %c0_i32 : i32, i32
  }
}

</mosaic_0001>

<sc_bundles>
// kernel: kernel.4.cloned.1.call-start
scs
__scs_entry_jumppad:
0x0: {  	(pc) =	sbr.rel $0x88, $3  }
0x1: {  	(tag) =	ssettag $0x0;
	lr =	simm.s32 $0x1  }
0x2: {  	[smem:$0x3F9A] =	sst lr;
	_ =	strace $0xD0000000  }
0x3: {  	_ = 	snop  }
0x4: {  	_ = 	snop  }
0x5: {  	_ = 	snop  }
0x6: {  	_ = 	snop  }
0x7: {  	_ = 	snop  }
__scs_overlays_trampoline_lowered:
0x8: {  	[smem:$0x3FA9] =	sst s0  }
0x9: {  	[smem:$0x3FAA] =	sst s1  }
0xa: {  	[smem:$0x3FAB] =	sst s2  }
0xb: {  	[smem:$0x3FAC] =	sst s3  }
0xc: {  	[smem:$0x3FAD] =	sst s4  }
0xd: {  	[smem:$0x3FAE] =	sst s5  }
0xe: {  	[smem:$0x3FAF] =	sst s6  }
0xf: {  	[smem:$0x3FB0] =	sst s7  }
0x10: {  	[smem:$0x3FB1] =	sst s8  }
0x11: {  	[smem:$0x3FB2] =	sst s9;
	s0 =	simm.s32 @!p0 $0x0  }
0x12: {  	s1 =	sld [smem:$0x3F98];
	s0 =	simm.s32 @p0 $0x1  }
0x13: {  	[smem:$0x3FB3] =	sst s0;
	s0 =	simm.s32 @!p1 $0x0  }
0x14: {  	s2 =	sld [smem:$0x3F97];
	s0 =	simm.s32 @p1 $0x1  }
0x15: {  	[smem:$0x3FB4] =	sst s0;
	s0 =	simm.s32 @!p2 $0x0  }
0x16: {  	s3 =	sld [smem:$0x3FDB];
	s0 =	simm.s32 @p2 $0x1  }
0x17: {  	s4 =	simm.s32 $0x1BF5;
	[smem:$0x3FB6] =	sst s0  }
0x18: {  	s0 =	sld [smem:$0x3F99];
	_ =	swait.ge [sflag:s4], $0x0  }
0x19: {  	s7 =	sld [smem:$0x3F9A]  }
0x1a: {  	s8 =	sadd.s32 $0xFFFFE003, lr  }
0x1b: {  	s9 =	sadd.s32 $0xFFFFFEF7, lr;
	s5 =	simm.s32 $0xFFFFFFFF;
	p2 =	slt.u32 s8, $0xFFFFF086  }
0x1c: {  	p1 =	slt.u32 s9, $0xF7A;
	s5 =	simm.s32 @!p2 $0x0  }
0x1d: {  	s5 =	simm.s32 @p1 $0x1;
	p0 =	seq.s32 s7, s2  }
0x1e: {  	s7 =	smul.u32 @!p0 $0xF7A, s2;
	p2 =	seq.s32 @!p0 s5, $0x0  }
0x1f: {  	s9 =	smul.u32 $0xF7A, s1;
	s8 =	simm.s32 @!p0 $0x1BF5;
	p2 =	por !p2, p0  }
0x20: {  	[sflag:s8] =	ssyncset.s32 @!p0 $0xFFFFF086;
	s6 =	sadd.s32 @!p0 s3, s7;
	s7 =	simm.s32 @!p0 $0x108  }
0x21: {  	s3 =	sadd.s32 s3, s9;
	s6 =	sadd.s32 @!p0 $0x88, s6;
	s7 =	simm.s32 @p2 $0x1082  }
0x22: {  	[simem:s7], [sflag:s8] =	dma.local @!p0 [hbm:s6], $0xF7A  }
0x23: {  	s9 =	sor.u32 $0xD0000000, s2;
	s6 =	simm.s32 $0x108;
	_ =	swait.ge @!p0 [sflag:s8], $0x0  }
0x24: {  	s3 =	sadd.s32 $0x88, s3;
	s6 =	simm.s32 @!p1 $0x1082;
	[sflag:s4] =	ssyncset.s32 $0xFFFFF086  }
0x25: {  	[simem:s6], [sflag:s4] =	dma.local [hbm:s3], $0xF7A  }
0x26: {  	[smem:$0x3F9A] =	sst s1;
	(tag) =	ssettag s2;
	_ =	strace s9  }
0x27: {  	s1 =	sld [smem:$0x3FAA]  }
0x28: {  	s2 =	sld [smem:$0x3FAB]  }
0x29: {  	s4 =	sld [smem:$0x3FAD]  }
0x2a: {  	p0 =	seq.s32 s5, $0x0;
	s5 =	sld [smem:$0x3FAE]  }
0x2b: {  	s6 =	sld [smem:$0x3FAF]  }
0x2c: {  	s7 =	sld [smem:$0x3FB0]  }
0x2d: {  	s3 =	simm.s32 $0x108;
	s8 =	sld [smem:$0x3FB1]  }
0x2e: {  	s3 =	simm.s32 @!p0 $0x1082;
	s9 =	sld [smem:$0x3FB2]  }
0x2f: {  	lr =	sadd.s32 s0, s3;
	s0 =	sld [smem:$0x3FA9]  }
0x30: {  	s3 =	sld [smem:$0x3FAC]  }
0x31: {  	[smem:$0x3FB5] =	sst s10  }
0x32: {  	s10 =	sld [smem:$0x3FB3];
	_ =	sdelay $0x3  }
0x33: {  	p0 =	seq.s32 s10, $0x1;
	s10 =	sld [smem:$0x3FB5];
	_ =	sdelay $0x3  }
0x34: {  	[smem:$0x3FB5] =	sst s10  }
0x35: {  	s10 =	sld [smem:$0x3FB4];
	_ =	sdelay $0x3  }
0x36: {  	p1 =	seq.s32 s10, $0x1;
	s10 =	sld [smem:$0x3FB5];
	_ =	sdelay $0x3  }
0x37: {  	[smem:$0x3FB5] =	sst s10  }
0x38: {  	s10 =	sld [smem:$0x3FB6]  }
0x39: {  	_ = 	snop;
	(pc) =	sbr.ind lr, $3  }
0x3a: {  	_ = 	snop  }
0x3b: {  	_ = 	snop  }
0x3c: {  	p2 =	seq.s32 s10, $0x1;
	s10 =	sld [smem:$0x3FB5]  }
0x3d: {  	_ =	shalt  }
0x3e: {  	_ =	shalt  }
0x3f: {  	_ =	shalt  }
0x40: {  	_ =	shalt  }
0x41: {  	_ =	shalt  }
0x42: {  	_ =	shalt  }
0x43: {  	_ =	shalt  }
0x44: {  	_ =	shalt  }
0x45: {  	_ =	shalt  }
0x46: {  	_ =	shalt  }
0x47: {  	_ =	shalt  }
0x48: {  	_ =	shalt  }
0x49: {  	_ =	shalt  }
0x4a: {  	_ =	shalt  }
0x4b: {  	_ =	shalt  }
0x4c: {  	_ =	shalt  }
0x4d: {  	_ =	shalt  }
0x4e: {  	_ =	shalt  }
0x4f: {  	_ =	shalt  }
0x50: {  	_ =	shalt  }
0x51: {  	_ =	shalt  }
0x52: {  	_ =	shalt  }
0x53: {  	_ =	shalt  }
0x54: {  	_ =	shalt  }
0x55: {  	_ =	shalt  }
0x56: {  	_ =	shalt  }
0x57: {  	_ =	shalt  }
0x58: {  	_ =	shalt  }
0x59: {  	_ =	shalt  }
0x5a: {  	_ =	shalt  }
0x5b: {  	_ =	shalt  }
0x5c: {  	_ =	shalt  }
0x5d: {  	_ =	shalt  }
0x5e: {  	_ =	shalt  }
0x5f: {  	_ =	shalt  }
0x60: {  	_ =	shalt  }
0x61: {  	_ =	shalt  }
0x62: {  	_ =	shalt  }
0x63: {  	_ =	shalt  }
0x64: {  	_ =	shalt  }
0x65: {  	_ =	shalt  }
0x66: {  	_ =	shalt  }
0x67: {  	_ =	shalt  }
0x68: {  	_ =	shalt  }
0x69: {  	_ =	shalt  }
0x6a: {  	_ =	shalt  }
0x6b: {  	_ =	shalt  }
0x6c: {  	_ =	shalt  }
0x6d: {  	_ =	shalt  }
0x6e: {  	_ =	shalt  }
0x6f: {  	_ =	shalt  }
0x70: {  	_ =	shalt  }
0x71: {  	_ =	shalt  }
0x72: {  	_ =	shalt  }
0x73: {  	_ =	shalt  }
0x74: {  	_ =	shalt  }
0x75: {  	_ =	shalt  }
0x76: {  	_ =	shalt  }
0x77: {  	_ =	shalt  }
0x78: {  	_ =	shalt  }
0x79: {  	_ =	shalt  }
0x7a: {  	_ =	shalt  }
0x7b: {  	_ =	shalt  }
0x7c: {  	_ =	shalt  }
0x7d: {  	_ =	shalt  }
0x7e: {  	_ =	shalt  }
0x7f: {  	_ =	shalt  }
0x80: {  	_ =	shalt  }
0x81: {  	_ =	shalt  }
0x82: {  	_ =	shalt  }
0x83: {  	_ =	shalt  }
0x84: {  	_ =	shalt  }
0x85: {  	_ =	shalt  }
0x86: {  	_ =	shalt  }
0x87: {  	_ =	shalt  }
.Lfunc_end0:
.L_simem_size_0:
called_computation_lowered:
.L_overlay_start_0:
0x88: {  	s2 =	sld [smem:$0x3FD9]  }
0x89: {  	s3 =	sld [smem:$0x3FFE];
	_ =	sdelay $0x1  }
0x8a: {  	s1 =	srdreg.scid  }
0x8b: {  	s0 =	sand.u32 $0x1, s1  }
0x8c: {  	s14 =	sshll.u32 s0, $0xA;
	s2 =	sadd.s32 s3, s2  }
0x8d: {  	s2 =	sadd.s32 s2, s14  }
0x8e: {  	[smem:$0x3FC1] =	sst s2  }
0x8f: {  	_ = 	snop  }
0x90: {  	s2 =	sld [smem:$0x3FD0];
	_ =	sdelay $0x1  }
0x91: {  	s15 =	sld [smem:$0x3FC9]  }
0x92: {  	s5 =	simm.s32 $0xA;
	s6 =	simm.s32 $0x10;
	s4 =	sld [smem:$0x3FC8]  }
0x93: {  	[smem:s6], [sflag:s5] =	dma.local [hbm:s2], $0x1  }
0x94: {  	_ =	swait.eq [sflag:s5], $0x1  }
0x95: {  	[sflag:s5] =	ssyncset.done $0x0  }
0x96: {  	s16 =	sld [smem:$0x10];
	[sflag:s5] =	ssyncadd.s32 $0xFFFFFFFF  }
0x97: {  	s17 =	sld [smem:$0x11];
	(tm) =	ssettm $0x1  }
0x98: {  	s18 =	sld [smem:$0x3FFB];
	_ =	sdelay $0x3  }
0x99: {  	_ =	strace s18  }
0x9a: {  	s6 =	sld [smem:$0x3FFC];
	_ =	sdelay $0x3  }
0x9b: {  	_ =	strace s6  }
0x9c: {  	s6 =	sld [smem:$0x3FFD];
	_ =	sdelay $0x3  }
0x9d: {  	_ =	strace s6  }
0x9e: {  	_ =	strace $0x8FFFFFFF  }
0x9f: {  	s19 =	sld [smem:$0x3FDB];
	_ =	sdelay $0x1  }
0xa0: {  	s7 =	simm.s32 $_scs_section_size  }
0xa1: {  	s8 =	simm.s32 $_size__tile_overlayer_lowered;
	s9 =	simm.s32 $_tile_overlayer_lowered  }
0xa2: {  	s22 =	simm.s32 $0x1BFF;
	s21 =	sshll.u32 s9, $0x1;
	s6 =	sadd.s32 s7, s19  }
0xa3: {  	s10 =	simm.s32 $0x0;
	s20 =	sshll.u32 s8, $0x1;
	s8 =	sadd.s32 s21, s6  }
0xa4: {  	[timem:s10], [sflag:s22] =	dma.local [hbm:s8], s20  }
0xa5: {  	_ =	swait.ge [sflag:s22], s20  }
0xa6: {  	s7 =	ssub.s32 $0x0, s20;
	[sflag:s22] =	ssyncset.done $0x0  }
0xa7: {  	[sflag:s22] =	ssyncadd.s32 s7;
	_ =	sdelay $0x1  }
0xa8: {  	s23 =	simm.s32 $0x1B8B  }
0xa9: {  	_ =	swait.ge [sflag:s23], $0x1  }
0xaa: {  	[sflag:s23] =	ssyncset.done $0x0  }
0xab: {  	s25 =	simm.s32 $0x1B8E;
	s24 =	sld [smem:$0x3FFE];
	[sflag:s23] =	ssyncadd.s32 $0xFFFFFFFF  }
0xac: {  	s26 =	simm.s32 $execute0_lowered;
	[smem:$0x3FD2] =	sst s25  }
0xad: {  	s8 =	sshll.u32 s26, $0x1;
	_ =	strace $0x80000046;
	[dreg:$0x1] =	wrdreg $0xFFFFFFFF  }
0xae: {  	s28 =	simm.s32 $_size_execute0_lowered;
	s6 =	sadd.s32 s6, s8;
	[dreg:$0x0] =	wrdreg $0x0  }
0xaf: {  	s8 =	sshll.u32 s28, $0x1;
	[dreg:$0x2] =	wrdreg s6  }
0xb0: {  	[dreg:$0x3] =	wrdreg s8  }
0xb1: {  	[dreg:$0x4] =	wrdreg $0xC0  }
0xb2: {  	_ =	task [dreg:s10], $0x5FFFF  }
0xb3: {  	[dreg:$0x1] =	wrdreg $0xFFFFFFFF  }
0xb4: {  	[dreg:$0x0] =	wrdreg $0x60  }
0xb5: {  	[dreg:$0x2] =	wrdreg s17  }
0xb6: {  	[dreg:$0x3] =	wrdreg s16  }
0xb7: {  	[dreg:$0x4] =	wrdreg s15  }
0xb8: {  	[dreg:$0x5] =	wrdreg s4  }
0xb9: {  	[dreg:$0x6] =	wrdreg s24  }
0xba: {  	[dreg:$0x7] =	wrdreg $0x9  }
0xbb: {  	_ =	task.clear_ibuf [dreg:s10], $0x8FFFF;
	_ =	strace $0x90000046  }
0xbc: {  	s29 =	simm.s32 $0x9;
	_ =	strace $0x80000048  }
0xbd: {  	_ =	swait.ge [sflag:s29], $0x1  }
0xbe: {  	[sflag:s29] =	ssyncadd.s32 $0xFFFFFFFF  }
0xbf: {  	_ =	strace $0x90000048  }
0xc0: {  	_ =	sfence  }
0xc1: {  	s30 =	sld [smem:$0x0];
	_ =	sdelay $0x2  }
0xc2: {  	s31 =	sshll.u32 s1, $0xD;
	s1 =	sshrl.u32 s1, $0x2  }
0xc3: {  	s3 =	sand.u32 $0x4000, s31;
	s1 =	sadd.s32 s1, s30  }
0xc4: {  	s0 =	sor.u32 s3, s0;
	s1 =	sshll.u32 s1, $0x11  }
0xc5: {  	s0 =	sor.u32 s1, s0  }
0xc6: {  	s0 =	sadd.s32 $0x8F2B, s0  }
0xc7: {  	[sflag:s0] =	ssyncadd.remote.s32 $0x1  }
0xc8: {  	_ =	sfence.sel $0xFFFF  }
0xc9: {  	[dreg:$0x0] =	wrdreg $0xFFFFFFFF;
	(pc) =	sbr.abs _section_cstart, $3  }
0xca: {  	[dreg:$0x1] =	wrdreg $0xFFFFFFFF  }
0xcb: {  	_ =	task.clear_ibuf [dreg:s10], $0x2FFFF;
	_ =	strace $0x9FFFFFFF  }
0xcc: {  	(tm) =	ssettm $0x7FFFFFFF  }
0xcd: {  	_ =	shalt  }
tec
execute0_lowered:
.L_overlay_start_1:
0x0: {  	(tag) =	ssettag $0x1  }
0x1: {  	s5 =	rddreg [dreg:$0x0]  }
0x2: {  	s7 =	rddreg [dreg:$0x1]  }
0x3: {  	s0 =	srdreg.scid;
	s29 =	stileid.u32  }
0x4: {  	s4 =	rddreg [dreg:$0x2];
	s0 =	sand.u32 $0x1, s0;
	s1 =	sshll.u32 s29, $0x1  }
0x5: {  	s3 =	rddreg [dreg:$0x3];
	s9 =	sor.u32 s0, s1  }
0x6: {  	s8 =	rddreg [dreg:$0x4];
	s2 =	simm.s32 $0x0;
	s10 =	smul.u32 $0xC4, s9  }
0x7: {  	[smem:$0x7FF] =	sst s2;
	s6 =	sadd.s32 $0x200, s8  }
0x8: {  	_ =	strace $0x80000047;
	s12 =	smul.u32 $0x6200, s9;
	s11 =	sadd.s32 s5, s10  }
0x9: {  	s1 =	sadd.s32 $0xC4200, s8;
	s7 =	sadd.s32 s7, s10;
	[dreg:$0x6] =	wrdreg s11  }
0xa: {  	s9 =	smul.u32 $0x31000, s9;
	s26 =	sadd.s32 s6, s12;
	[dreg:$0x7] =	wrdreg s7  }
0xb: {  	s5 =	sadd.s32 $0x188200, s8;
	s10 =	sadd.s32 s1, s12;
	[dreg:$0x8] =	wrdreg s26  }
0xc: {  	[dreg:$0x9] =	wrdreg s10;
	s11 =	sadd.s32 s5, s12  }
0xd: {  	s7 =	sadd.s32 $0x24C200, s8;
	s8 =	sshrl.u32 s9, $0x3;
	[dreg:$0xa] =	wrdreg s11  }
0xe: {  	s12 =	sadd.s32 s7, s12;
	s13 =	sadd.s32 $0x700, s8;
	s28 =	rddreg [dreg:$0x6]  }
0xf: {  	[dreg:$0xb] =	wrdreg s12;
	s14 =	sadd.s32 s6, s13  }
0x10: {  	s15 =	sadd.s32 s1, s13;
	[dreg:$0xc] =	wrdreg s14  }
0x11: {  	s16 =	sadd.s32 s5, s13;
	[dreg:$0xd] =	wrdreg s15  }
0x12: {  	s18 =	sadd.s32 $0xE00, s8;
	s17 =	sadd.s32 s7, s13;
	[dreg:$0xe] =	wrdreg s16  }
0x13: {  	s19 =	sadd.s32 s6, s18;
	[dreg:$0xf] =	wrdreg s17  }
0x14: {  	s20 =	sadd.s32 s1, s18;
	[dreg:$0x10] =	wrdreg s19  }
0x15: {  	s21 =	sadd.s32 s5, s18;
	[dreg:$0x11] =	wrdreg s20  }
0x16: {  	s23 =	sadd.s32 $0x1500, s8;
	s22 =	sadd.s32 s7, s18;
	[dreg:$0x12] =	wrdreg s21  }
0x17: {  	s24 =	sadd.s32 s6, s23;
	[dreg:$0x13] =	wrdreg s22  }
0x18: {  	s25 =	sadd.s32 s1, s23;
	[dreg:$0x14] =	wrdreg s24  }
0x19: {  	s26 =	sadd.s32 s5, s23;
	[dreg:$0x15] =	wrdreg s25  }
0x1a: {  	s11 =	sadd.s32 $0x1C00, s8;
	s10 =	sadd.s32 s7, s23;
	[dreg:$0x16] =	wrdreg s26  }
0x1b: {  	s12 =	sadd.s32 s6, s11;
	[dreg:$0x17] =	wrdreg s10  }
0x1c: {  	s13 =	sadd.s32 s1, s11;
	[dreg:$0x18] =	wrdreg s12  }
0x1d: {  	[dreg:$0x19] =	wrdreg s13;
	s14 =	sadd.s32 s5, s11  }
0x1e: {  	s15 =	sadd.s32 s7, s11;
	s16 =	sadd.s32 $0x2300, s8;
	[dreg:$0x1a] =	wrdreg s14  }
0x1f: {  	[dreg:$0x1b] =	wrdreg s15;
	s17 =	sadd.s32 s6, s16  }
0x20: {  	s18 =	sadd.s32 s1, s16;
	[dreg:$0x1c] =	wrdreg s17  }
0x21: {  	s19 =	sadd.s32 s5, s16;
	[dreg:$0x1d] =	wrdreg s18  }
0x22: {  	s21 =	sadd.s32 $0x2A00, s8;
	s20 =	sadd.s32 s7, s16;
	[dreg:$0x1e] =	wrdreg s19  }
0x23: {  	s22 =	sadd.s32 s6, s21;
	[dreg:$0x1f] =	wrdreg s20  }
0x24: {  	s23 =	sadd.s32 s1, s21;
	[smem:$0x7DE] =	sst s22  }
0x25: {  	s24 =	sadd.s32 s5, s21;
	[smem:$0x7DF] =	sst s23  }
0x26: {  	s26 =	sadd.s32 $0x3100, s8;
	s25 =	sadd.s32 s7, s21;
	[smem:$0x7E0] =	sst s24  }
0x27: {  	s11 =	sadd.s32 s6, s26;
	[smem:$0x7E1] =	sst s25  }
0x28: {  	s12 =	sadd.s32 s1, s26;
	[smem:$0x7E2] =	sst s11  }
0x29: {  	s13 =	sadd.s32 s5, s26;
	[smem:$0x7E3] =	sst s12  }
0x2a: {  	s14 =	sadd.s32 s7, s26;
	s15 =	sadd.s32 $0x3800, s8;
	[smem:$0x7E4] =	sst s13  }
0x2b: {  	[smem:$0x7E5] =	sst s14;
	s16 =	sadd.s32 s6, s15  }
0x2c: {  	s17 =	sadd.s32 s1, s15;
	[smem:$0x7E6] =	sst s16  }
0x2d: {  	s18 =	sadd.s32 s5, s15;
	[smem:$0x7E7] =	sst s17  }
0x2e: {  	s19 =	sadd.s32 s7, s15;
	s20 =	sadd.s32 $0x3F00, s8;
	[smem:$0x7E8] =	sst s18  }
0x2f: {  	[smem:$0x7E9] =	sst s19;
	s21 =	sadd.s32 s6, s20  }
0x30: {  	s22 =	sadd.s32 s1, s20;
	[smem:$0x7EA] =	sst s21  }
0x31: {  	s23 =	sadd.s32 s5, s20;
	[smem:$0x7EB] =	sst s22  }
0x32: {  	s25 =	sadd.s32 $0x4600, s8;
	s24 =	sadd.s32 s7, s20;
	[smem:$0x7EC] =	sst s23  }
0x33: {  	p0 =	por $0x0, $0x0;
	s26 =	sadd.s32 s6, s25;
	[smem:$0x7ED] =	sst s24  }
0x34: {  	s31 =	simm.s32 $0x540;
	s11 =	sadd.s32 s1, s25;
	[smem:$0x7EE] =	sst s26  }
0x35: {  	s30 =	simm.s32 $0x5B0;
	s12 =	sadd.s32 s5, s25;
	[smem:$0x7EF] =	sst s11  }
0x36: {  	s14 =	sadd.s32 $0x4D00, s8;
	s13 =	sadd.s32 s7, s25;
	[smem:$0x7F0] =	sst s12  }
0x37: {  	s0 =	ssub.s32 $0x2, s0;
	s15 =	sadd.s32 s6, s14;
	[smem:$0x7F1] =	sst s13  }
0x38: {  	s9 =	simm.s32 $0xED00;
	s16 =	sadd.s32 s1, s14;
	[smem:$0x7F2] =	sst s15  }
0x39: {  	s10 =	simm.s32 $0x12500;
	s17 =	sadd.s32 s5, s14;
	[smem:$0x7F3] =	sst s16  }
0x3a: {  	s18 =	sadd.s32 s7, s14;
	s19 =	sadd.s32 $0x5400, s8;
	[smem:$0x7F4] =	sst s17  }
0x3b: {  	s8 =	sadd.s32 $0x5B00, s8;
	s14 =	simm.s32 $0xD00;
	[smem:$0x7F5] =	sst s18  }
0x3c: {  	s20 =	sadd.s32 s6, s19;
	s21 =	sadd.s32 s1, s19;
	s22 =	sadd.s32 s5, s19  }
0x3d: {  	s23 =	sadd.s32 s7, s19;
	s6 =	sadd.s32 s6, s8;
	s1 =	sadd.s32 s1, s8  }
0x3e: {  	s24 =	sshrl.u32 s0, $0x1;
	s25 =	sadd.s32 s5, s8;
	s26 =	sadd.s32 s7, s8  }
0x3f: {  	s15 =	simm.s32 $0x70;
	s13 =	simm.s32 $0x4500;
	[smem:$0x7F6] =	sst s20  }
0x40: {  	s11 =	simm.s32 $0x7D00;
	s12 =	simm.s32 $0xB500;
	[smem:$0x7F7] =	sst s21  }
0x41: {  	s7 =	simm.s32 $0x15D00;
	s8 =	simm.s32 $0x19500;
	[smem:$0x7F8] =	sst s22  }
0x42: {  	s5 =	simm.s32 $0x2;
	[smem:$0x7F9] =	sst s23;
	s0 =	ssub.s32 s0, s24  }
0x43: {  	s18 =	simm.s32 $0x920;
	[smem:$0x7FA] =	sst s6;
	s0 =	smax.u32 s0, $0x1  }
0x44: {  	s16 =	simm.s32 $0x990;
	[smem:$0x7FB] =	sst s1;
	p1 =	sne.s32 s0, $0x1  }
.Ltmp0:
0x45: {  	s19 =	simm.s32 $0xAE0;
	[smem:$0x7FC] =	sst s25;
	(pc) =	sbr.rel @!p1 .LBB2_5-.Ltmp0, $4  }
0x46: {  	s17 =	simm.s32 $0xB50;
	[smem:$0x7FD] =	sst s26;
	s24 =	simm.s32 $0x3  }
0x47: {  	s23 =	simm.s32 $0x680;
	s22 =	simm.s32 $0x6F0;
	s6 =	simm.s32 $0x1  }
0x48: {  	s20 =	simm.s32 $0x8B0;
	s25 =	simm.s32 $0xA00;
	s21 =	simm.s32 $0xA70  }
0x49: {  	s1 =	simm.s32 $0xC30;
	s26 =	sadd.s32 $0xFFFFFFFF, s0;
	s0 =	simm.s32 $0xBC0  }
0x4a: {  	[tilespmem:s2], [sflag:$0x3] =	stream.linear.gather [hbm4b:s28+s2], $0x620, $0x38;
	[tilespmem:$0x1CD00] =	vst v63  }
0x4b: {  	_ =	swait.ge [sflag:s24], $0x620  }
0x4c: {  	[sflag:s24] =	ssyncset.done $0x0  }
0x4d: {  	s28 =	rddreg [dreg:$0x7];
	[sflag:s24] =	ssyncadd.s32 $0xFFFFF9E0  }
0x4e: {  	[tilespmem:s23], [sflag:$0x3] =	stream.linear.gather [hbm4b:s28+s2], $0x620, $0x38;
	[tilespmem:$0x1CD00] =	vst v63  }
0x4f: {  	_ =	swait.ge [sflag:s24], $0x620  }
0x50: {  	[sflag:s24] =	ssyncset.done $0x0  }
0x51: {  	[sflag:s24] =	ssyncadd.s32 $0xFFFFF9E0  }
0x52: {  	[tilespmem:s14], [sflag:$0x1] =	stream.indirect.gather [hbm4b:s4+s15], $0x80, s2, s15, $0xb8;
	[tilespmem:$0x1CD00] =	vst v63  }
0x53: {  	_ = 	snop  }
0x54: {  	[tilespmem:s13], [sflag:$0x1] =	stream.indirect.gather [hbm4b:s4+s15], $0x80, s23, s15, $0xb8;
	[tilespmem:$0x1CD00] =	vst v63  }
0x55: {  	_ = 	snop  }
0x56: {  	[tilespmem:s11], [sflag:$0x1] =	stream.indirect.gather [hbm4b:s3+s15], $0x80, s2, s15, $0xb8;
	[tilespmem:$0x1CD00] =	vst v63  }
0x57: {  	_ = 	snop  }
0x58: {  	[tilespmem:s12], [sflag:$0x1] =	stream.indirect.gather [hbm4b:s3+s15], $0x80, s23, s15, $0xb8;
	[tilespmem:$0x1CD00] =	vst v63  }
0x59: {  	_ = 	snop  }
0x5a: {  	[tilespmem:s9], [sflag:$0x2] =	stream.indirect.gather [hbm4b:s4+s15], $0x80, s15, s15, $0xb8;
	[tilespmem:$0x1CD00] =	vst v63  }
0x5b: {  	_ = 	snop  }
0x5c: {  	[tilespmem:s10], [sflag:$0x2] =	stream.indirect.gather [hbm4b:s4+s15], $0x80, s22, s15, $0xb8;
	[tilespmem:$0x1CD00] =	vst v63  }
0x5d: {  	_ = 	snop  }
0x5e: {  	[tilespmem:s7], [sflag:$0x2] =	stream.indirect.gather [hbm4b:s3+s15], $0x80, s15, s15, $0xb8;
	[tilespmem:$0x1CD00] =	vst v63  }
0x5f: {  	_ = 	snop  }
0x60: {  	[tilespmem:s8], [sflag:$0x2] =	stream.indirect.gather [hbm4b:s3+s15], $0x80, s22, s15, $0xb8;
	[tilespmem:$0x1CD00] =	vst v63  }
0x61: {  	_ =	swait.ge [sflag:s6], $0x3800  }
0x62: {  	[sflag:s6] =	ssyncset.done $0x0  }
0x63: {  	[sflag:s6] =	ssyncadd.s32 $0xFFFFC800  }
0x64: {  	_ =	swait.ge [sflag:s6], $0x3800  }
0x65: {  	[sflag:s6] =	ssyncset.done $0x0  }
0x66: {  	[sflag:s6] =	ssyncadd.s32 $0xFFFFC800  }
0x67: {  	_ =	swait.ge [sflag:s6], $0x3800  }
0x68: {  	[sflag:s6] =	ssyncset.done $0x0  }
0x69: {  	[sflag:s6] =	ssyncadd.s32 $0xFFFFC800  }
0x6a: {  	_ =	swait.ge [sflag:s6], $0x3800  }
0x6b: {  	[sflag:s6] =	ssyncset.done $0x0  }
0x6c: {  	s28 =	rddreg [dreg:$0x8];
	[sflag:s6] =	ssyncadd.s32 $0xFFFFC800  }
0x6d: {  	[hbm4b:s28+s2] =	stream.linear.scatter [tilespmem:s14], [sflag:$0x1], $0x3800, $0x38;
	[tilespmem:$0x1CD00] =	vst v63  }
0x6e: {  	s29 =	smov.u32 s26;
	s26 =	rddreg [dreg:$0x9]  }
0x6f: {  	[hbm4b:s26+s2] =	stream.linear.scatter [tilespmem:s13], [sflag:$0x1], $0x3800, $0x38;
	[tilespmem:$0x1CD00] =	vst v63  }
0x70: {  	s28 =	rddreg [dreg:$0xa]  }
0x71: {  	[hbm4b:s28+s2] =	stream.linear.scatter [tilespmem:s11], [sflag:$0x1], $0x3800, $0x38;
	[tilespmem:$0x1CD00] =	vst v63  }
0x72: {  	s26 =	rddreg [dreg:$0xb]  }
0x73: {  	[hbm4b:s26+s2] =	stream.linear.scatter [tilespmem:s12], [sflag:$0x1], $0x3800, $0x38;
	[tilespmem:$0x1CD00] =	vst v63  }
0x74: {  	_ =	swait.ge [sflag:s6], $0x3800  }
0x75: {  	[sflag:s6] =	ssyncset.done $0x0  }
0x76: {  	[sflag:s6] =	ssyncadd.s32 $0xFFFFC800  }
0x77: {  	_ =	swait.ge [sflag:s6], $0x3800  }
0x78: {  	[sflag:s6] =	ssyncset.done $0x0  }
0x79: {  	[sflag:s6] =	ssyncadd.s32 $0xFFFFC800  }
0x7a: {  	_ =	swait.ge [sflag:s6], $0x3800  }
0x7b: {  	[sflag:s6] =	ssyncset.done $0x0  }
0x7c: {  	[sflag:s6] =	ssyncadd.s32 $0xFFFFC800  }
0x7d: {  	_ =	swait.ge [sflag:s6], $0x3800  }
0x7e: {  	[sflag:s6] =	ssyncset.done $0x0  }
0x7f: {  	s26 =	simm.s32 $0xE0;
	[sflag:s6] =	ssyncadd.s32 $0xFFFFC800  }
0x80: {  	[tilespmem:s14], [sflag:$0x1] =	stream.indirect.gather [hbm4b:s4+s15], $0x80, s26, s15, $0xb8;
	[tilespmem:$0x1CD00] =	vst v63  }
0x81: {  	s28 =	simm.s32 $0x760  }
0x82: {  	[tilespmem:s13], [sflag:$0x1] =	stream.indirect.gather [hbm4b:s4+s15], $0x80, s28, s15, $0xb8;
	[tilespmem:$0x1CD00] =	vst v63  }
0x83: {  	_ = 	snop  }
0x84: {  	[tilespmem:s11], [sflag:$0x1] =	stream.indirect.gather [hbm4b:s3+s15], $0x80, s26, s15, $0xb8;
	[tilespmem:$0x1CD00] =	vst v63  }
0x85: {  	_ = 	snop  }
0x86: {  	[tilespmem:s12], [sflag:$0x1] =	stream.indirect.gather [hbm4b:s3+s15], $0x80, s28, s15, $0xb8;
	[tilespmem:$0x1CD00] =	vst v63  }
0x87: {  	_ =	swait.ge [sflag:s5], $0x3800  }
0x88: {  	[sflag:s5] =	ssyncset.done $0x0  }
0x89: {  	[sflag:s5] =	ssyncadd.s32 $0xFFFFC800  }
0x8a: {  	_ =	swait.ge [sflag:s5], $0x3800  }
0x8b: {  	[sflag:s5] =	ssyncset.done $0x0  }
0x8c: {  	[sflag:s5] =	ssyncadd.s32 $0xFFFFC800  }
0x8d: {  	_ =	swait.ge [sflag:s5], $0x3800  }
0x8e: {  	[sflag:s5] =	ssyncset.done $0x0  }
0x8f: {  	[sflag:s5] =	ssyncadd.s32 $0xFFFFC800  }
0x90: {  	_ =	swait.ge [sflag:s5], $0x3800  }
0x91: {  	[sflag:s5] =	ssyncset.done $0x0  }
0x92: {  	s26 =	rddreg [dreg:$0xc];
	[sflag:s5] =	ssyncadd.s32 $0xFFFFC800  }
0x93: {  	[hbm4b:s26+s2] =	stream.linear.scatter [tilespmem:s9], [sflag:$0x2], $0x3800, $0x38;
	[tilespmem:$0x1CD00] =	vst v63  }
0x94: {  	s28 =	rddreg [dreg:$0xd]  }
0x95: {  	[hbm4b:s28+s2] =	stream.linear.scatter [tilespmem:s10], [sflag:$0x2], $0x3800, $0x38;
	[tilespmem:$0x1CD00] =	vst v63  }
0x96: {  	s26 =	rddreg [dreg:$0xe]  }
0x97: {  	[hbm4b:s26+s2] =	stream.linear.scatter [tilespmem:s7], [sflag:$0x2], $0x3800, $0x38;
	[tilespmem:$0x1CD00] =	vst v63  }
0x98: {  	s28 =	rddreg [dreg:$0xf]  }
0x99: {  	[hbm4b:s28+s2] =	stream.linear.scatter [tilespmem:s8], [sflag:$0x2], $0x3800, $0x38;
	[tilespmem:$0x1CD00] =	vst v63  }
0x9a: {  	_ =	swait.ge [sflag:s5], $0x3800  }
0x9b: {  	[sflag:s5] =	ssyncset.done $0x0  }
0x9c: {  	[sflag:s5] =	ssyncadd.s32 $0xFFFFC800  }
0x9d: {  	_ =	swait.ge [sflag:s5], $0x3800  }
0x9e: {  	[sflag:s5] =	ssyncset.done $0x0  }
0x9f: {  	[sflag:s5] =	ssyncadd.s32 $0xFFFFC800  }
0xa0: {  	_ =	swait.ge [sflag:s5], $0x3800  }
0xa1: {  	[sflag:s5] =	ssyncset.done $0x0  }
0xa2: {  	[sflag:s5] =	ssyncadd.s32 $0xFFFFC800  }
0xa3: {  	_ =	swait.ge [sflag:s5], $0x3800  }
0xa4: {  	[sflag:s5] =	ssyncset.done $0x0  }
0xa5: {  	s26 =	simm.s32 $0x150;
	[sflag:s5] =	ssyncadd.s32 $0xFFFFC800  }
0xa6: {  	[tilespmem:s9], [sflag:$0x2] =	stream.indirect.gather [hbm4b:s4+s15], $0x80, s26, s15, $0xb8;
	[tilespmem:$0x1CD00] =	vst v63  }
0xa7: {  	s28 =	simm.s32 $0x7D0  }
0xa8: {  	[tilespmem:s10], [sflag:$0x2] =	stream.indirect.gather [hbm4b:s4+s15], $0x80, s28, s15, $0xb8;
	[tilespmem:$0x1CD00] =	vst v63  }
0xa9: {  	_ = 	snop  }
0xaa: {  	[tilespmem:s7], [sflag:$0x2] =	stream.indirect.gather [hbm4b:s3+s15], $0x80, s26, s15, $0xb8;
	[tilespmem:$0x1CD00] =	vst v63  }
0xab: {  	_ = 	snop  }
0xac: {  	[tilespmem:s8], [sflag:$0x2] =	stream.indirect.gather [hbm4b:s3+s15], $0x80, s28, s15, $0xb8;
	[tilespmem:$0x1CD00] =	vst v63  }
0xad: {  	_ =	swait.ge [sflag:s6], $0x3800  }
0xae: {  	[sflag:s6] =	ssyncset.done $0x0  }
0xaf: {  	[sflag:s6] =	ssyncadd.s32 $0xFFFFC800  }
0xb0: {  	_ =	swait.ge [sflag:s6], $0x3800  }
0xb1: {  	[sflag:s6] =	ssyncset.done $0x0  }
0xb2: {  	[sflag:s6] =	ssyncadd.s32 $0xFFFFC800  }
0xb3: {  	_ =	swait.ge [sflag:s6], $0x3800  }
0xb4: {  	[sflag:s6] =	ssyncset.done $0x0  }
0xb5: {  	[sflag:s6] =	ssyncadd.s32 $0xFFFFC800  }
0xb6: {  	_ =	swait.ge [sflag:s6], $0x3800  }
0xb7: {  	[sflag:s6] =	ssyncset.done $0x0  }
0xb8: {  	s26 =	rddreg [dreg:$0x10];
	[sflag:s6] =	ssyncadd.s32 $0xFFFFC800  }
0xb9: {  	[hbm4b:s26+s2] =	stream.linear.scatter [tilespmem:s14], [sflag:$0x1], $0x3800, $0x38;
	[tilespmem:$0x1CD00] =	vst v63  }
0xba: {  	s28 =	rddreg [dreg:$0x11]  }
0xbb: {  	[hbm4b:s28+s2] =	stream.linear.scatter [tilespmem:s13], [sflag:$0x1], $0x3800, $0x38;
	[tilespmem:$0x1CD00] =	vst v63  }
0xbc: {  	s26 =	rddreg [dreg:$0x12]  }
0xbd: {  	[hbm4b:s26+s2] =	stream.linear.scatter [tilespmem:s11], [sflag:$0x1], $0x3800, $0x38;
	[tilespmem:$0x1CD00] =	vst v63  }
0xbe: {  	s28 =	rddreg [dreg:$0x13]  }
0xbf: {  	[hbm4b:s28+s2] =	stream.linear.scatter [tilespmem:s12], [sflag:$0x1], $0x3800, $0x38;
	[tilespmem:$0x1CD00] =	vst v63  }
0xc0: {  	_ =	swait.ge [sflag:s6], $0x3800  }
0xc1: {  	[sflag:s6] =	ssyncset.done $0x0  }
0xc2: {  	[sflag:s6] =	ssyncadd.s32 $0xFFFFC800  }
0xc3: {  	_ =	swait.ge [sflag:s6], $0x3800  }
0xc4: {  	[sflag:s6] =	ssyncset.done $0x0  }
0xc5: {  	[sflag:s6] =	ssyncadd.s32 $0xFFFFC800  }
0xc6: {  	_ =	swait.ge [sflag:s6], $0x3800  }
0xc7: {  	[sflag:s6] =	ssyncset.done $0x0  }
0xc8: {  	[sflag:s6] =	ssyncadd.s32 $0xFFFFC800  }
0xc9: {  	_ =	swait.ge [sflag:s6], $0x3800  }
0xca: {  	[sflag:s6] =	ssyncset.done $0x0  }
0xcb: {  	s26 =	simm.s32 $0x1C0;
	[sflag:s6] =	ssyncadd.s32 $0xFFFFC800  }
0xcc: {  	[tilespmem:s14], [sflag:$0x1] =	stream.indirect.gather [hbm4b:s4+s15], $0x80, s26, s15, $0xb8;
	[tilespmem:$0x1CD00] =	vst v63  }
0xcd: {  	s28 =	simm.s32 $0x840  }
0xce: {  	[tilespmem:s13], [sflag:$0x1] =	stream.indirect.gather [hbm4b:s4+s15], $0x80, s28, s15, $0xb8;
	[tilespmem:$0x1CD00] =	vst v63  }
0xcf: {  	_ = 	snop  }
0xd0: {  	[tilespmem:s11], [sflag:$0x1] =	stream.indirect.gather [hbm4b:s3+s15], $0x80, s26, s15, $0xb8;
	[tilespmem:$0x1CD00] =	vst v63  }
0xd1: {  	_ = 	snop  }
0xd2: {  	[tilespmem:s12], [sflag:$0x1] =	stream.indirect.gather [hbm4b:s3+s15], $0x80, s28, s15, $0xb8;
	[tilespmem:$0x1CD00] =	vst v63  }
0xd3: {  	_ =	swait.ge [sflag:s5], $0x3800  }
0xd4: {  	[sflag:s5] =	ssyncset.done $0x0  }
0xd5: {  	[sflag:s5] =	ssyncadd.s32 $0xFFFFC800  }
0xd6: {  	_ =	swait.ge [sflag:s5], $0x3800  }
0xd7: {  	[sflag:s5] =	ssyncset.done $0x0  }
0xd8: {  	[sflag:s5] =	ssyncadd.s32 $0xFFFFC800  }
0xd9: {  	_ =	swait.ge [sflag:s5], $0x3800  }
0xda: {  	[sflag:s5] =	ssyncset.done $0x0  }
0xdb: {  	[sflag:s5] =	ssyncadd.s32 $0xFFFFC800  }
0xdc: {  	_ =	swait.ge [sflag:s5], $0x3800  }
0xdd: {  	[sflag:s5] =	ssyncset.done $0x0  }
0xde: {  	s26 =	rddreg [dreg:$0x14];
	[sflag:s5] =	ssyncadd.s32 $0xFFFFC800  }
0xdf: {  	[hbm4b:s26+s2] =	stream.linear.scatter [tilespmem:s9], [sflag:$0x2], $0x3800, $0x38;
	[tilespmem:$0x1CD00] =	vst v63  }
0xe0: {  	s28 =	rddreg [dreg:$0x15]  }
0xe1: {  	[hbm4b:s28+s2] =	stream.linear.scatter [tilespmem:s10], [sflag:$0x2], $0x3800, $0x38;
	[tilespmem:$0x1CD00] =	vst v63  }
0xe2: {  	s26 =	rddreg [dreg:$0x16]  }
0xe3: {  	[hbm4b:s26+s2] =	stream.linear.scatter [tilespmem:s7], [sflag:$0x2], $0x3800, $0x38;
	[tilespmem:$0x1CD00] =	vst v63  }
0xe4: {  	s28 =	rddreg [dreg:$0x17]  }
0xe5: {  	[hbm4b:s28+s2] =	stream.linear.scatter [tilespmem:s8], [sflag:$0x2], $0x3800, $0x38;
	[tilespmem:$0x1CD00] =	vst v63  }
0xe6: {  	_ =	swait.ge [sflag:s5], $0x3800  }
0xe7: {  	[sflag:s5] =	ssyncset.done $0x0  }
0xe8: {  	[sflag:s5] =	ssyncadd.s32 $0xFFFFC800  }
0xe9: {  	_ =	swait.ge [sflag:s5], $0x3800  }
0xea: {  	[sflag:s5] =	ssyncset.done $0x0  }
0xeb: {  	[sflag:s5] =	ssyncadd.s32 $0xFFFFC800  }
0xec: {  	_ =	swait.ge [sflag:s5], $0x3800  }
0xed: {  	[sflag:s5] =	ssyncset.done $0x0  }
0xee: {  	[sflag:s5] =	ssyncadd.s32 $0xFFFFC800  }
0xef: {  	_ =	swait.ge [sflag:s5], $0x3800  }
0xf0: {  	[sflag:s5] =	ssyncset.done $0x0  }
0xf1: {  	s26 =	simm.s32 $0x230;
	[sflag:s5] =	ssyncadd.s32 $0xFFFFC800  }
0xf2: {  	[tilespmem:s9], [sflag:$0x2] =	stream.indirect.gather [hbm4b:s4+s15], $0x80, s26, s15, $0xb8;
	[tilespmem:$0x1CD00] =	vst v63  }
0xf3: {  	_ = 	snop  }
0xf4: {  	[tilespmem:s10], [sflag:$0x2] =	stream.indirect.gather [hbm4b:s4+s15], $0x80, s20, s15, $0xb8;
	[tilespmem:$0x1CD00] =	vst v63  }
0xf5: {  	_ = 	snop  }
0xf6: {  	[tilespmem:s7], [sflag:$0x2] =	stream.indirect.gather [hbm4b:s3+s15], $0x80, s26, s15, $0xb8;
	[tilespmem:$0x1CD00] =	vst v63  }
0xf7: {  	_ = 	snop  }
0xf8: {  	[tilespmem:s8], [sflag:$0x2] =	stream.indirect.gather [hbm4b:s3+s15], $0x80, s20, s15, $0xb8;
	[tilespmem:$0x1CD00] =	vst v63  }
0xf9: {  	_ =	swait.ge [sflag:s6], $0x3800  }
0xfa: {  	[sflag:s6] =	ssyncset.done $0x0  }
0xfb: {  	[sflag:s6] =	ssyncadd.s32 $0xFFFFC800  }
0xfc: {  	_ =	swait.ge [sflag:s6], $0x3800  }
0xfd: {  	[sflag:s6] =	ssyncset.done $0x0  }
0xfe: {  	[sflag:s6] =	ssyncadd.s32 $0xFFFFC800  }
0xff: {  	_ =	swait.ge [sflag:s6], $0x3800  }
0x100: {  	[sflag:s6] =	ssyncset.done $0x0  }
0x101: {  	[sflag:s6] =	ssyncadd.s32 $0xFFFFC800  }
0x102: {  	_ =	swait.ge [sflag:s6], $0x3800  }
0x103: {  	[sflag:s6] =	ssyncset.done $0x0  }
0x104: {  	s26 =	rddreg [dreg:$0x18];
	[sflag:s6] =	ssyncadd.s32 $0xFFFFC800  }
0x105: {  	[hbm4b:s26+s2] =	stream.linear.scatter [tilespmem:s14], [sflag:$0x1], $0x3800, $0x38;
	[tilespmem:$0x1CD00] =	vst v63  }
0x106: {  	s28 =	rddreg [dreg:$0x19]  }
0x107: {  	[hbm4b:s28+s2] =	stream.linear.scatter [tilespmem:s13], [sflag:$0x1], $0x3800, $0x38;
	[tilespmem:$0x1CD00] =	vst v63  }
0x108: {  	s26 =	rddreg [dreg:$0x1a]  }
0x109: {  	[hbm4b:s26+s2] =	stream.linear.scatter [tilespmem:s11], [sflag:$0x1], $0x3800, $0x38;
	[tilespmem:$0x1CD00] =	vst v63  }
0x10a: {  	s28 =	rddreg [dreg:$0x1b]  }
0x10b: {  	[hbm4b:s28+s2] =	stream.linear.scatter [tilespmem:s12], [sflag:$0x1], $0x3800, $0x38;
	[tilespmem:$0x1CD00] =	vst v63  }
0x10c: {  	_ =	swait.ge [sflag:s6], $0x3800  }
0x10d: {  	[sflag:s6] =	ssyncset.done $0x0  }
0x10e: {  	[sflag:s6] =	ssyncadd.s32 $0xFFFFC800  }
0x10f: {  	_ =	swait.ge [sflag:s6], $0x3800  }
0x110: {  	[sflag:s6] =	ssyncset.done $0x0  }
0x111: {  	[sflag:s6] =	ssyncadd.s32 $0xFFFFC800  }
0x112: {  	_ =	swait.ge [sflag:s6], $0x3800  }
0x113: {  	[sflag:s6] =	ssyncset.done $0x0  }
0x114: {  	[sflag:s6] =	ssyncadd.s32 $0xFFFFC800  }
0x115: {  	_ =	swait.ge [sflag:s6], $0x3800  }
0x116: {  	[sflag:s6] =	ssyncset.done $0x0  }
0x117: {  	s26 =	simm.s32 $0x2A0;
	[sflag:s6] =	ssyncadd.s32 $0xFFFFC800  }
0x118: {  	[tilespmem:s14], [sflag:$0x1] =	stream.indirect.gather [hbm4b:s4+s15], $0x80, s26, s15, $0xb8;
	[tilespmem:$0x1CD00] =	vst v63  }
0x119: {  	_ = 	snop  }
0x11a: {  	[tilespmem:s13], [sflag:$0x1] =	stream.indirect.gather [hbm4b:s4+s15], $0x80, s18, s15, $0xb8;
	[tilespmem:$0x1CD00] =	vst v63  }
0x11b: {  	_ = 	snop  }
0x11c: {  	[tilespmem:s11], [sflag:$0x1] =	stream.indirect.gather [hbm4b:s3+s15], $0x80, s26, s15, $0xb8;
	[tilespmem:$0x1CD00] =	vst v63  }
0x11d: {  	_ = 	snop  }
0x11e: {  	[tilespmem:s12], [sflag:$0x1] =	stream.indirect.gather [hbm4b:s3+s15], $0x80, s18, s15, $0xb8;
	[tilespmem:$0x1CD00] =	vst v63  }
0x11f: {  	_ =	swait.ge [sflag:s5], $0x3800  }
0x120: {  	[sflag:s5] =	ssyncset.done $0x0  }
0x121: {  	[sflag:s5] =	ssyncadd.s32 $0xFFFFC800  }
0x122: {  	_ =	swait.ge [sflag:s5], $0x3800  }
0x123: {  	[sflag:s5] =	ssyncset.done $0x0  }
0x124: {  	[sflag:s5] =	ssyncadd.s32 $0xFFFFC800  }
0x125: {  	_ =	swait.ge [sflag:s5], $0x3800  }
0x126: {  	[sflag:s5] =	ssyncset.done $0x0  }
0x127: {  	[sflag:s5] =	ssyncadd.s32 $0xFFFFC800  }
0x128: {  	_ =	swait.ge [sflag:s5], $0x3800  }
0x129: {  	[sflag:s5] =	ssyncset.done $0x0  }
0x12a: {  	s26 =	rddreg [dreg:$0x1c];
	[sflag:s5] =	ssyncadd.s32 $0xFFFFC800  }
0x12b: {  	[hbm4b:s26+s2] =	stream.linear.scatter [tilespmem:s9], [sflag:$0x2], $0x3800, $0x38;
	[tilespmem:$0x1CD00] =	vst v63  }
0x12c: {  	s28 =	rddreg [dreg:$0x1d]  }
0x12d: {  	[hbm4b:s28+s2] =	stream.linear.scatter [tilespmem:s10], [sflag:$0x2], $0x3800, $0x38;
	[tilespmem:$0x1CD00] =	vst v63  }
0x12e: {  	s26 =	rddreg [dreg:$0x1e]  }
0x12f: {  	[hbm4b:s26+s2] =	stream.linear.scatter [tilespmem:s7], [sflag:$0x2], $0x3800, $0x38;
	[tilespmem:$0x1CD00] =	vst v63  }
0x130: {  	s28 =	rddreg [dreg:$0x1f]  }
0x131: {  	[hbm4b:s28+s2] =	stream.linear.scatter [tilespmem:s8], [sflag:$0x2], $0x3800, $0x38;
	[tilespmem:$0x1CD00] =	vst v63  }
0x132: {  	_ =	swait.ge [sflag:s5], $0x3800  }
0x133: {  	[sflag:s5] =	ssyncset.done $0x0  }
0x134: {  	[sflag:s5] =	ssyncadd.s32 $0xFFFFC800  }
0x135: {  	_ =	swait.ge [sflag:s5], $0x3800  }
0x136: {  	[sflag:s5] =	ssyncset.done $0x0  }
0x137: {  	[sflag:s5] =	ssyncadd.s32 $0xFFFFC800  }
0x138: {  	_ =	swait.ge [sflag:s5], $0x3800  }
0x139: {  	[sflag:s5] =	ssyncset.done $0x0  }
0x13a: {  	[sflag:s5] =	ssyncadd.s32 $0xFFFFC800  }
0x13b: {  	_ =	swait.ge [sflag:s5], $0x3800  }
0x13c: {  	[sflag:s5] =	ssyncset.done $0x0  }
0x13d: {  	s26 =	simm.s32 $0x310;
	[sflag:s5] =	ssyncadd.s32 $0xFFFFC800  }
0x13e: {  	[tilespmem:s9], [sflag:$0x2] =	stream.indirect.gather [hbm4b:s4+s15], $0x80, s26, s15, $0xb8;
	[tilespmem:$0x1CD00] =	vst v63  }
0x13f: {  	_ = 	snop  }
0x140: {  	[tilespmem:s10], [sflag:$0x2] =	stream.indirect.gather [hbm4b:s4+s15], $0x80, s16, s15, $0xb8;
	[tilespmem:$0x1CD00] =	vst v63  }
0x141: {  	_ = 	snop  }
0x142: {  	[tilespmem:s7], [sflag:$0x2] =	stream.indirect.gather [hbm4b:s3+s15], $0x80, s26, s15, $0xb8;
	[tilespmem:$0x1CD00] =	vst v63  }
0x143: {  	_ = 	snop  }
0x144: {  	[tilespmem:s8], [sflag:$0x2] =	stream.indirect.gather [hbm4b:s3+s15], $0x80, s16, s15, $0xb8;
	[tilespmem:$0x1CD00] =	vst v63  }
0x145: {  	_ =	swait.ge [sflag:s6], $0x3800  }
0x146: {  	[sflag:s6] =	ssyncset.done $0x0  }
0x147: {  	[sflag:s6] =	ssyncadd.s32 $0xFFFFC800  }
0x148: {  	_ =	swait.ge [sflag:s6], $0x3800  }
0x149: {  	[sflag:s6] =	ssyncset.done $0x0  }
0x14a: {  	[sflag:s6] =	ssyncadd.s32 $0xFFFFC800  }
0x14b: {  	_ =	swait.ge [sflag:s6], $0x3800  }
0x14c: {  	[sflag:s6] =	ssyncset.done $0x0  }
0x14d: {  	[sflag:s6] =	ssyncadd.s32 $0xFFFFC800  }
0x14e: {  	_ =	swait.ge [sflag:s6], $0x3800  }
0x14f: {  	s26 =	sld [smem:$0x7DE]  }
0x150: {  	[sflag:s6] =	ssyncset.done $0x0  }
0x151: {  	s28 =	sld [smem:$0x7DF];
	[sflag:s6] =	ssyncadd.s32 $0xFFFFC800  }
0x152: {  	[hbm4b:s26+s2] =	stream.linear.scatter [tilespmem:s14], [sflag:$0x1], $0x3800, $0x38;
	[tilespmem:$0x1CD00] =	vst v63  }
0x153: {  	s26 =	sld [smem:$0x7E0]  }
0x154: {  	[hbm4b:s28+s2] =	stream.linear.scatter [tilespmem:s13], [sflag:$0x1], $0x3800, $0x38;
	[tilespmem:$0x1CD00] =	vst v63  }
0x155: {  	s28 =	sld [smem:$0x7E1]  }
0x156: {  	[hbm4b:s26+s2] =	stream.linear.scatter [tilespmem:s11], [sflag:$0x1], $0x3800, $0x38;
	[tilespmem:$0x1CD00] =	vst v63  }
0x157: {  	_ = 	snop  }
0x158: {  	[hbm4b:s28+s2] =	stream.linear.scatter [tilespmem:s12], [sflag:$0x1], $0x3800, $0x38;
	[tilespmem:$0x1CD00] =	vst v63  }
0x159: {  	_ =	swait.ge [sflag:s6], $0x3800  }
0x15a: {  	[sflag:s6] =	ssyncset.done $0x0  }
0x15b: {  	[sflag:s6] =	ssyncadd.s32 $0xFFFFC800  }
0x15c: {  	_ =	swait.ge [sflag:s6], $0x3800  }
0x15d: {  	[sflag:s6] =	ssyncset.done $0x0  }
0x15e: {  	[sflag:s6] =	ssyncadd.s32 $0xFFFFC800  }
0x15f: {  	_ =	swait.ge [sflag:s6], $0x3800  }
0x160: {  	[sflag:s6] =	ssyncset.done $0x0  }
0x161: {  	[sflag:s6] =	ssyncadd.s32 $0xFFFFC800  }
0x162: {  	_ =	swait.ge [sflag:s6], $0x3800  }
0x163: {  	[sflag:s6] =	ssyncset.done $0x0  }
0x164: {  	s26 =	simm.s32 $0x380;
	[sflag:s6] =	ssyncadd.s32 $0xFFFFC800  }
0x165: {  	[tilespmem:s14], [sflag:$0x1] =	stream.indirect.gather [hbm4b:s4+s15], $0x80, s26, s15, $0xb8;
	[tilespmem:$0x1CD00] =	vst v63  }
0x166: {  	_ = 	snop  }
0x167: {  	[tilespmem:s13], [sflag:$0x1] =	stream.indirect.gather [hbm4b:s4+s15], $0x80, s25, s15, $0xb8;
	[tilespmem:$0x1CD00] =	vst v63  }
0x168: {  	_ = 	snop  }
0x169: {  	[tilespmem:s11], [sflag:$0x1] =	stream.indirect.gather [hbm4b:s3+s15], $0x80, s26, s15, $0xb8;
	[tilespmem:$0x1CD00] =	vst v63  }
0x16a: {  	_ = 	snop  }
0x16b: {  	[tilespmem:s12], [sflag:$0x1] =	stream.indirect.gather [hbm4b:s3+s15], $0x80, s25, s15, $0xb8;
	[tilespmem:$0x1CD00] =	vst v63  }
0x16c: {  	_ =	swait.ge [sflag:s5], $0x3800  }
0x16d: {  	[sflag:s5] =	ssyncset.done $0x0  }
0x16e: {  	[sflag:s5] =	ssyncadd.s32 $0xFFFFC800  }
0x16f: {  	_ =	swait.ge [sflag:s5], $0x3800  }
0x170: {  	[sflag:s5] =	ssyncset.done $0x0  }
0x171: {  	[sflag:s5] =	ssyncadd.s32 $0xFFFFC800  }
0x172: {  	_ =	swait.ge [sflag:s5], $0x3800  }
0x173: {  	[sflag:s5] =	ssyncset.done $0x0  }
0x174: {  	[sflag:s5] =	ssyncadd.s32 $0xFFFFC800  }
0x175: {  	_ =	swait.ge [sflag:s5], $0x3800  }
0x176: {  	s26 =	sld [smem:$0x7E2]  }
0x177: {  	[sflag:s5] =	ssyncset.done $0x0  }
0x178: {  	s28 =	sld [smem:$0x7E3];
	[sflag:s5] =	ssyncadd.s32 $0xFFFFC800  }
0x179: {  	[hbm4b:s26+s2] =	stream.linear.scatter [tilespmem:s9], [sflag:$0x2], $0x3800, $0x38;
	[tilespmem:$0x1CD00] =	vst v63  }
0x17a: {  	s26 =	sld [smem:$0x7E4]  }
0x17b: {  	[hbm4b:s28+s2] =	stream.linear.scatter [tilespmem:s10], [sflag:$0x2], $0x3800, $0x38;
	[tilespmem:$0x1CD00] =	vst v63  }
0x17c: {  	s28 =	sld [smem:$0x7E5]  }
0x17d: {  	[hbm4b:s26+s2] =	stream.linear.scatter [tilespmem:s7], [sflag:$0x2], $0x3800, $0x38;
	[tilespmem:$0x1CD00] =	vst v63  }
0x17e: {  	_ = 	snop  }
0x17f: {  	[hbm4b:s28+s2] =	stream.linear.scatter [tilespmem:s8], [sflag:$0x2], $0x3800, $0x38;
	[tilespmem:$0x1CD00] =	vst v63  }
0x180: {  	_ =	swait.ge [sflag:s5], $0x3800  }
0x181: {  	[sflag:s5] =	ssyncset.done $0x0  }
0x182: {  	[sflag:s5] =	ssyncadd.s32 $0xFFFFC800  }
0x183: {  	_ =	swait.ge [sflag:s5], $0x3800  }
0x184: {  	[sflag:s5] =	ssyncset.done $0x0  }
0x185: {  	[sflag:s5] =	ssyncadd.s32 $0xFFFFC800  }
0x186: {  	_ =	swait.ge [sflag:s5], $0x3800  }
0x187: {  	[sflag:s5] =	ssyncset.done $0x0  }
0x188: {  	[sflag:s5] =	ssyncadd.s32 $0xFFFFC800  }
0x189: {  	_ =	swait.ge [sflag:s5], $0x3800  }
0x18a: {  	[sflag:s5] =	ssyncset.done $0x0  }
0x18b: {  	s26 =	simm.s32 $0x3F0;
	[sflag:s5] =	ssyncadd.s32 $0xFFFFC800  }
0x18c: {  	[tilespmem:s9], [sflag:$0x2] =	stream.indirect.gather [hbm4b:s4+s15], $0x80, s26, s15, $0xb8;
	[tilespmem:$0x1CD00] =	vst v63  }
0x18d: {  	_ = 	snop  }
0x18e: {  	[tilespmem:s10], [sflag:$0x2] =	stream.indirect.gather [hbm4b:s4+s15], $0x80, s21, s15, $0xb8;
	[tilespmem:$0x1CD00] =	vst v63  }
0x18f: {  	_ = 	snop  }
0x190: {  	[tilespmem:s7], [sflag:$0x2] =	stream.indirect.gather [hbm4b:s3+s15], $0x80, s26, s15, $0xb8;
	[tilespmem:$0x1CD00] =	vst v63  }
0x191: {  	_ = 	snop  }
0x192: {  	[tilespmem:s8], [sflag:$0x2] =	stream.indirect.gather [hbm4b:s3+s15], $0x80, s21, s15, $0xb8;
	[tilespmem:$0x1CD00] =	vst v63  }
0x193: {  	_ =	swait.ge [sflag:s6], $0x3800  }
0x194: {  	[sflag:s6] =	ssyncset.done $0x0  }
0x195: {  	[sflag:s6] =	ssyncadd.s32 $0xFFFFC800  }
0x196: {  	_ =	swait.ge [sflag:s6], $0x3800  }
0x197: {  	[sflag:s6] =	ssyncset.done $0x0  }
0x198: {  	[sflag:s6] =	ssyncadd.s32 $0xFFFFC800  }
0x199: {  	_ =	swait.ge [sflag:s6], $0x3800  }
0x19a: {  	[sflag:s6] =	ssyncset.done $0x0  }
0x19b: {  	[sflag:s6] =	ssyncadd.s32 $0xFFFFC800  }
0x19c: {  	_ =	swait.ge [sflag:s6], $0x3800  }
0x19d: {  	s26 =	sld [smem:$0x7E6]  }
0x19e: {  	[sflag:s6] =	ssyncset.done $0x0  }
0x19f: {  	s28 =	sld [smem:$0x7E7];
	[sflag:s6] =	ssyncadd.s32 $0xFFFFC800  }
0x1a0: {  	[hbm4b:s26+s2] =	stream.linear.scatter [tilespmem:s14], [sflag:$0x1], $0x3800, $0x38;
	[tilespmem:$0x1CD00] =	vst v63  }
0x1a1: {  	s26 =	sld [smem:$0x7E8]  }
0x1a2: {  	[hbm4b:s28+s2] =	stream.linear.scatter [tilespmem:s13], [sflag:$0x1], $0x3800, $0x38;
	[tilespmem:$0x1CD00] =	vst v63  }
0x1a3: {  	s28 =	sld [smem:$0x7E9]  }
0x1a4: {  	[hbm4b:s26+s2] =	stream.linear.scatter [tilespmem:s11], [sflag:$0x1], $0x3800, $0x38;
	[tilespmem:$0x1CD00] =	vst v63  }
0x1a5: {  	_ = 	snop  }
0x1a6: {  	[hbm4b:s28+s2] =	stream.linear.scatter [tilespmem:s12], [sflag:$0x1], $0x3800, $0x38;
	[tilespmem:$0x1CD00] =	vst v63  }
0x1a7: {  	_ =	swait.ge [sflag:s6], $0x3800  }
0x1a8: {  	[sflag:s6] =	ssyncset.done $0x0  }
0x1a9: {  	[sflag:s6] =	ssyncadd.s32 $0xFFFFC800  }
0x1aa: {  	_ =	swait.ge [sflag:s6], $0x3800  }
0x1ab: {  	[sflag:s6] =	ssyncset.done $0x0  }
0x1ac: {  	[sflag:s6] =	ssyncadd.s32 $0xFFFFC800  }
0x1ad: {  	_ =	swait.ge [sflag:s6], $0x3800  }
0x1ae: {  	[sflag:s6] =	ssyncset.done $0x0  }
0x1af: {  	[sflag:s6] =	ssyncadd.s32 $0xFFFFC800  }
0x1b0: {  	_ =	swait.ge [sflag:s6], $0x3800  }
0x1b1: {  	[sflag:s6] =	ssyncset.done $0x0  }
0x1b2: {  	s26 =	simm.s32 $0x460;
	[sflag:s6] =	ssyncadd.s32 $0xFFFFC800  }
0x1b3: {  	[tilespmem:s14], [sflag:$0x1] =	stream.indirect.gather [hbm4b:s4+s15], $0x80, s26, s15, $0xb8;
	[tilespmem:$0x1CD00] =	vst v63  }
0x1b4: {  	_ = 	snop  }
0x1b5: {  	[tilespmem:s13], [sflag:$0x1] =	stream.indirect.gather [hbm4b:s4+s15], $0x80, s19, s15, $0xb8;
	[tilespmem:$0x1CD00] =	vst v63  }
0x1b6: {  	_ = 	snop  }
0x1b7: {  	[tilespmem:s11], [sflag:$0x1] =	stream.indirect.gather [hbm4b:s3+s15], $0x80, s26, s15, $0xb8;
	[tilespmem:$0x1CD00] =	vst v63  }
0x1b8: {  	_ = 	snop  }
0x1b9: {  	[tilespmem:s12], [sflag:$0x1] =	stream.indirect.gather [hbm4b:s3+s15], $0x80, s19, s15, $0xb8;
	[tilespmem:$0x1CD00] =	vst v63  }
0x1ba: {  	_ =	swait.ge [sflag:s5], $0x3800  }
0x1bb: {  	[sflag:s5] =	ssyncset.done $0x0  }
0x1bc: {  	[sflag:s5] =	ssyncadd.s32 $0xFFFFC800  }
0x1bd: {  	_ =	swait.ge [sflag:s5], $0x3800  }
0x1be: {  	[sflag:s5] =	ssyncset.done $0x0  }
0x1bf: {  	[sflag:s5] =	ssyncadd.s32 $0xFFFFC800  }
0x1c0: {  	_ =	swait.ge [sflag:s5], $0x3800  }
0x1c1: {  	[sflag:s5] =	ssyncset.done $0x0  }
0x1c2: {  	[sflag:s5] =	ssyncadd.s32 $0xFFFFC800  }
0x1c3: {  	_ =	swait.ge [sflag:s5], $0x3800  }
0x1c4: {  	s26 =	sld [smem:$0x7EA]  }
0x1c5: {  	[sflag:s5] =	ssyncset.done $0x0  }
0x1c6: {  	s28 =	sld [smem:$0x7EB];
	[sflag:s5] =	ssyncadd.s32 $0xFFFFC800  }
0x1c7: {  	[hbm4b:s26+s2] =	stream.linear.scatter [tilespmem:s9], [sflag:$0x2], $0x3800, $0x38;
	[tilespmem:$0x1CD00] =	vst v63  }
0x1c8: {  	s26 =	sld [smem:$0x7EC]  }
0x1c9: {  	[hbm4b:s28+s2] =	stream.linear.scatter [tilespmem:s10], [sflag:$0x2], $0x3800, $0x38;
	[tilespmem:$0x1CD00] =	vst v63  }
0x1ca: {  	s28 =	sld [smem:$0x7ED]  }
0x1cb: {  	[hbm4b:s26+s2] =	stream.linear.scatter [tilespmem:s7], [sflag:$0x2], $0x3800, $0x38;
	[tilespmem:$0x1CD00] =	vst v63  }
0x1cc: {  	_ = 	snop  }
0x1cd: {  	[hbm4b:s28+s2] =	stream.linear.scatter [tilespmem:s8], [sflag:$0x2], $0x3800, $0x38;
	[tilespmem:$0x1CD00] =	vst v63  }
0x1ce: {  	_ =	swait.ge [sflag:s5], $0x3800  }
0x1cf: {  	[sflag:s5] =	ssyncset.done $0x0  }
0x1d0: {  	[sflag:s5] =	ssyncadd.s32 $0xFFFFC800  }
0x1d1: {  	_ =	swait.ge [sflag:s5], $0x3800  }
0x1d2: {  	[sflag:s5] =	ssyncset.done $0x0  }
0x1d3: {  	[sflag:s5] =	ssyncadd.s32 $0xFFFFC800  }
0x1d4: {  	_ =	swait.ge [sflag:s5], $0x3800  }
0x1d5: {  	[sflag:s5] =	ssyncset.done $0x0  }
0x1d6: {  	[sflag:s5] =	ssyncadd.s32 $0xFFFFC800  }
0x1d7: {  	_ =	swait.ge [sflag:s5], $0x3800  }
0x1d8: {  	[sflag:s5] =	ssyncset.done $0x0  }
0x1d9: {  	s26 =	simm.s32 $0x4D0;
	[sflag:s5] =	ssyncadd.s32 $0xFFFFC800  }
0x1da: {  	[tilespmem:s9], [sflag:$0x2] =	stream.indirect.gather [hbm4b:s4+s15], $0x80, s26, s15, $0xb8;
	[tilespmem:$0x1CD00] =	vst v63  }
0x1db: {  	_ = 	snop  }
0x1dc: {  	[tilespmem:s10], [sflag:$0x2] =	stream.indirect.gather [hbm4b:s4+s15], $0x80, s17, s15, $0xb8;
	[tilespmem:$0x1CD00] =	vst v63  }
0x1dd: {  	_ = 	snop  }
0x1de: {  	[tilespmem:s7], [sflag:$0x2] =	stream.indirect.gather [hbm4b:s3+s15], $0x80, s26, s15, $0xb8;
	[tilespmem:$0x1CD00] =	vst v63  }
0x1df: {  	_ = 	snop  }
0x1e0: {  	[tilespmem:s8], [sflag:$0x2] =	stream.indirect.gather [hbm4b:s3+s15], $0x80, s17, s15, $0xb8;
	[tilespmem:$0x1CD00] =	vst v63  }
0x1e1: {  	_ =	swait.ge [sflag:s6], $0x3800  }
0x1e2: {  	[sflag:s6] =	ssyncset.done $0x0  }
0x1e3: {  	[sflag:s6] =	ssyncadd.s32 $0xFFFFC800  }
0x1e4: {  	_ =	swait.ge [sflag:s6], $0x3800  }
0x1e5: {  	[sflag:s6] =	ssyncset.done $0x0  }
0x1e6: {  	[sflag:s6] =	ssyncadd.s32 $0xFFFFC800  }
0x1e7: {  	_ =	swait.ge [sflag:s6], $0x3800  }
0x1e8: {  	[sflag:s6] =	ssyncset.done $0x0  }
0x1e9: {  	[sflag:s6] =	ssyncadd.s32 $0xFFFFC800  }
0x1ea: {  	_ =	swait.ge [sflag:s6], $0x3800  }
0x1eb: {  	s26 =	sld [smem:$0x7EE]  }
0x1ec: {  	[sflag:s6] =	ssyncset.done $0x0  }
0x1ed: {  	s28 =	sld [smem:$0x7EF];
	[sflag:s6] =	ssyncadd.s32 $0xFFFFC800  }
0x1ee: {  	[hbm4b:s26+s2] =	stream.linear.scatter [tilespmem:s14], [sflag:$0x1], $0x3800, $0x38;
	[tilespmem:$0x1CD00] =	vst v63  }
0x1ef: {  	s26 =	sld [smem:$0x7F0]  }
0x1f0: {  	[hbm4b:s28+s2] =	stream.linear.scatter [tilespmem:s13], [sflag:$0x1], $0x3800, $0x38;
	[tilespmem:$0x1CD00] =	vst v63  }
0x1f1: {  	s28 =	sld [smem:$0x7F1]  }
0x1f2: {  	[hbm4b:s26+s2] =	stream.linear.scatter [tilespmem:s11], [sflag:$0x1], $0x3800, $0x38;
	[tilespmem:$0x1CD00] =	vst v63  }
0x1f3: {  	_ = 	snop  }
0x1f4: {  	[hbm4b:s28+s2] =	stream.linear.scatter [tilespmem:s12], [sflag:$0x1], $0x3800, $0x38;
	[tilespmem:$0x1CD00] =	vst v63  }
0x1f5: {  	_ =	swait.ge [sflag:s6], $0x3800  }
0x1f6: {  	[sflag:s6] =	ssyncset.done $0x0  }
0x1f7: {  	[sflag:s6] =	ssyncadd.s32 $0xFFFFC800  }
0x1f8: {  	_ =	swait.ge [sflag:s6], $0x3800  }
0x1f9: {  	[sflag:s6] =	ssyncset.done $0x0  }
0x1fa: {  	[sflag:s6] =	ssyncadd.s32 $0xFFFFC800  }
0x1fb: {  	_ =	swait.ge [sflag:s6], $0x3800  }
0x1fc: {  	[sflag:s6] =	ssyncset.done $0x0  }
0x1fd: {  	[sflag:s6] =	ssyncadd.s32 $0xFFFFC800  }
0x1fe: {  	_ =	swait.ge [sflag:s6], $0x3800  }
0x1ff: {  	[sflag:s6] =	ssyncset.done $0x0  }
0x200: {  	[sflag:s6] =	ssyncadd.s32 $0xFFFFC800  }
0x201: {  	[tilespmem:s14], [sflag:$0x1] =	stream.indirect.gather [hbm4b:s4+s15], $0x80, s31, s15, $0xb8;
	[tilespmem:$0x1CD00] =	vst v63  }
0x202: {  	_ = 	snop  }
0x203: {  	[tilespmem:s13], [sflag:$0x1] =	stream.indirect.gather [hbm4b:s4+s15], $0x80, s0, s15, $0xb8;
	[tilespmem:$0x1CD00] =	vst v63  }
0x204: {  	_ = 	snop  }
0x205: {  	[tilespmem:s11], [sflag:$0x1] =	stream.indirect.gather [hbm4b:s3+s15], $0x80, s31, s15, $0xb8;
	[tilespmem:$0x1CD00] =	vst v63  }
0x206: {  	_ = 	snop  }
0x207: {  	[tilespmem:s12], [sflag:$0x1] =	stream.indirect.gather [hbm4b:s3+s15], $0x80, s0, s15, $0xb8;
	[tilespmem:$0x1CD00] =	vst v63  }
0x208: {  	_ =	swait.ge [sflag:s5], $0x3800  }
0x209: {  	[sflag:s5] =	ssyncset.done $0x0  }
0x20a: {  	[sflag:s5] =	ssyncadd.s32 $0xFFFFC800  }
0x20b: {  	_ =	swait.ge [sflag:s5], $0x3800  }
0x20c: {  	[sflag:s5] =	ssyncset.done $0x0  }
0x20d: {  	[sflag:s5] =	ssyncadd.s32 $0xFFFFC800  }
0x20e: {  	_ =	swait.ge [sflag:s5], $0x3800  }
0x20f: {  	[sflag:s5] =	ssyncset.done $0x0  }
0x210: {  	[sflag:s5] =	ssyncadd.s32 $0xFFFFC800  }
0x211: {  	_ =	swait.ge [sflag:s5], $0x3800  }
0x212: {  	s26 =	sld [smem:$0x7F2]  }
0x213: {  	[sflag:s5] =	ssyncset.done $0x0  }
0x214: {  	s28 =	sld [smem:$0x7F3];
	[sflag:s5] =	ssyncadd.s32 $0xFFFFC800  }
0x215: {  	[hbm4b:s26+s2] =	stream.linear.scatter [tilespmem:s9], [sflag:$0x2], $0x3800, $0x38;
	[tilespmem:$0x1CD00] =	vst v63  }
0x216: {  	s26 =	sld [smem:$0x7F4]  }
0x217: {  	[hbm4b:s28+s2] =	stream.linear.scatter [tilespmem:s10], [sflag:$0x2], $0x3800, $0x38;
	[tilespmem:$0x1CD00] =	vst v63  }
0x218: {  	s28 =	sld [smem:$0x7F5]  }
0x219: {  	[hbm4b:s26+s2] =	stream.linear.scatter [tilespmem:s7], [sflag:$0x2], $0x3800, $0x38;
	[tilespmem:$0x1CD00] =	vst v63  }
0x21a: {  	_ = 	snop  }
0x21b: {  	[hbm4b:s28+s2] =	stream.linear.scatter [tilespmem:s8], [sflag:$0x2], $0x3800, $0x38;
	[tilespmem:$0x1CD00] =	vst v63  }
0x21c: {  	_ =	swait.ge [sflag:s5], $0x3800  }
0x21d: {  	[sflag:s5] =	ssyncset.done $0x0  }
0x21e: {  	[sflag:s5] =	ssyncadd.s32 $0xFFFFC800  }
0x21f: {  	_ =	swait.ge [sflag:s5], $0x3800  }
0x220: {  	[sflag:s5] =	ssyncset.done $0x0  }
0x221: {  	[sflag:s5] =	ssyncadd.s32 $0xFFFFC800  }
0x222: {  	_ =	swait.ge [sflag:s5], $0x3800  }
0x223: {  	[sflag:s5] =	ssyncset.done $0x0  }
0x224: {  	[sflag:s5] =	ssyncadd.s32 $0xFFFFC800  }
0x225: {  	_ =	swait.ge [sflag:s5], $0x3800  }
0x226: {  	[sflag:s5] =	ssyncset.done $0x0  }
0x227: {  	[sflag:s5] =	ssyncadd.s32 $0xFFFFC800  }
0x228: {  	[tilespmem:s9], [sflag:$0x2] =	stream.indirect.gather [hbm4b:s4+s15], $0x80, s30, s15, $0xb8;
	[tilespmem:$0x1CD00] =	vst v63  }
0x229: {  	_ = 	snop  }
0x22a: {  	[tilespmem:s10], [sflag:$0x2] =	stream.indirect.gather [hbm4b:s4+s15], $0x80, s1, s15, $0xb8;
	[tilespmem:$0x1CD00] =	vst v63  }
0x22b: {  	_ = 	snop  }
0x22c: {  	[tilespmem:s7], [sflag:$0x2] =	stream.indirect.gather [hbm4b:s3+s15], $0x80, s30, s15, $0xb8;
	[tilespmem:$0x1CD00] =	vst v63  }
0x22d: {  	_ = 	snop  }
0x22e: {  	[tilespmem:s8], [sflag:$0x2] =	stream.indirect.gather [hbm4b:s3+s15], $0x80, s1, s15, $0xb8;
	[tilespmem:$0x1CD00] =	vst v63  }
0x22f: {  	_ =	swait.ge [sflag:s6], $0x3800  }
0x230: {  	[sflag:s6] =	ssyncset.done $0x0  }
0x231: {  	[sflag:s6] =	ssyncadd.s32 $0xFFFFC800  }
0x232: {  	_ =	swait.ge [sflag:s6], $0x3800  }
0x233: {  	[sflag:s6] =	ssyncset.done $0x0  }
0x234: {  	[sflag:s6] =	ssyncadd.s32 $0xFFFFC800  }
0x235: {  	_ =	swait.ge [sflag:s6], $0x3800  }
0x236: {  	[sflag:s6] =	ssyncset.done $0x0  }
0x237: {  	[sflag:s6] =	ssyncadd.s32 $0xFFFFC800  }
0x238: {  	_ =	swait.ge [sflag:s6], $0x3800  }
0x239: {  	s26 =	sld [smem:$0x7F6]  }
0x23a: {  	[sflag:s6] =	ssyncset.done $0x0  }
0x23b: {  	s28 =	sld [smem:$0x7F7];
	[sflag:s6] =	ssyncadd.s32 $0xFFFFC800  }
0x23c: {  	[hbm4b:s26+s2] =	stream.linear.scatter [tilespmem:s14], [sflag:$0x1], $0x3800, $0x38;
	[tilespmem:$0x1CD00] =	vst v63  }
0x23d: {  	s26 =	sld [smem:$0x7F8]  }
0x23e: {  	[hbm4b:s28+s2] =	stream.linear.scatter [tilespmem:s13], [sflag:$0x1], $0x3800, $0x38;
	[tilespmem:$0x1CD00] =	vst v63  }
0x23f: {  	s28 =	sld [smem:$0x7F9]  }
0x240: {  	[hbm4b:s26+s2] =	stream.linear.scatter [tilespmem:s11], [sflag:$0x1], $0x3800, $0x38;
	[tilespmem:$0x1CD00] =	vst v63  }
0x241: {  	_ = 	snop  }
0x242: {  	[hbm4b:s28+s2] =	stream.linear.scatter [tilespmem:s12], [sflag:$0x1], $0x3800, $0x38;
	[tilespmem:$0x1CD00] =	vst v63  }
0x243: {  	_ =	swait.ge [sflag:s5], $0x3800  }
0x244: {  	[sflag:s5] =	ssyncset.done $0x0  }
0x245: {  	[sflag:s5] =	ssyncadd.s32 $0xFFFFC800  }
0x246: {  	_ =	swait.ge [sflag:s5], $0x3800  }
0x247: {  	[sflag:s5] =	ssyncset.done $0x0  }
0x248: {  	[sflag:s5] =	ssyncadd.s32 $0xFFFFC800  }
0x249: {  	_ =	swait.ge [sflag:s5], $0x3800  }
0x24a: {  	[sflag:s5] =	ssyncset.done $0x0  }
0x24b: {  	[sflag:s5] =	ssyncadd.s32 $0xFFFFC800  }
0x24c: {  	_ =	swait.ge [sflag:s5], $0x3800  }
0x24d: {  	s26 =	sld [smem:$0x7FA]  }
0x24e: {  	[sflag:s5] =	ssyncset.done $0x0  }
0x24f: {  	s28 =	sld [smem:$0x7FB];
	[sflag:s5] =	ssyncadd.s32 $0xFFFFC800  }
0x250: {  	[hbm4b:s26+s2] =	stream.linear.scatter [tilespmem:s9], [sflag:$0x2], $0x3800, $0x38;
	[tilespmem:$0x1CD00] =	vst v63  }
0x251: {  	s26 =	sld [smem:$0x7FC]  }
0x252: {  	[hbm4b:s28+s2] =	stream.linear.scatter [tilespmem:s10], [sflag:$0x2], $0x3800, $0x38;
	[tilespmem:$0x1CD00] =	vst v63  }
0x253: {  	s28 =	sld [smem:$0x7FD]  }
0x254: {  	[hbm4b:s26+s2] =	stream.linear.scatter [tilespmem:s7], [sflag:$0x2], $0x3800, $0x38;
	[tilespmem:$0x1CD00] =	vst v63  }
0x255: {  	_ = 	snop  }
0x256: {  	[hbm4b:s28+s2] =	stream.linear.scatter [tilespmem:s8], [sflag:$0x2], $0x3800, $0x38;
	[tilespmem:$0x1CD00] =	vst v63  }
0x257: {  	_ =	swait.ge [sflag:s6], $0x3800  }
0x258: {  	[sflag:s6] =	ssyncset.done $0x0  }
0x259: {  	[sflag:s6] =	ssyncadd.s32 $0xFFFFC800  }
0x25a: {  	_ =	swait.ge [sflag:s6], $0x3800  }
0x25b: {  	[sflag:s6] =	ssyncset.done $0x0  }
0x25c: {  	[sflag:s6] =	ssyncadd.s32 $0xFFFFC800  }
0x25d: {  	_ =	swait.ge [sflag:s6], $0x3800  }
0x25e: {  	[sflag:s6] =	ssyncset.done $0x0  }
0x25f: {  	[sflag:s6] =	ssyncadd.s32 $0xFFFFC800  }
0x260: {  	_ =	swait.ge [sflag:s6], $0x3800  }
0x261: {  	[sflag:s6] =	ssyncset.done $0x0  }
0x262: {  	[sflag:s6] =	ssyncadd.s32 $0xFFFFC800  }
0x263: {  	_ =	swait.ge [sflag:s5], $0x3800  }
0x264: {  	[sflag:s5] =	ssyncset.done $0x0  }
0x265: {  	[sflag:s5] =	ssyncadd.s32 $0xFFFFC800  }
0x266: {  	_ =	swait.ge [sflag:s5], $0x3800  }
0x267: {  	[sflag:s5] =	ssyncset.done $0x0  }
0x268: {  	p1 =	sne.s32 s29, $0x1;
	[sflag:s5] =	ssyncadd.s32 $0xFFFFC800  }
.Ltmp1:
0x269: {  	_ =	swait.ge [sflag:s5], $0x3800;
	(pc) =	sbr.rel @!p1 .LBB2_2-.Ltmp1, $4  }
0x26a: {  	[sflag:s5] =	ssyncset.done $0x0  }
0x26b: {  	[sflag:s5] =	ssyncadd.s32 $0xFFFFC800  }
0x26c: {  	p0 =	por $0x1, $0x1;
	s22 =	simm.s32 $0x6F0;
	_ =	swait.ge [sflag:s5], $0x3800  }
0x26d: {  	s26 =	sadd.s32 $0xFFFFFFFF, s29;
	s28 =	rddreg [dreg:$0x6];
	[sflag:s5] =	ssyncset.done $0x0  }
.LBB2_3:
0x26e: {  	[sflag:s5] =	ssyncadd.s32 $0xFFFFC800  }
0x26f: {  	[tilespmem:s2], [sflag:$0x3] =	stream.linear.gather [hbm4b:s28+s2], $0x620, $0x38;
	[tilespmem:$0x1CD00] =	vst v63  }
0x270: {  	_ =	swait.ge [sflag:s24], $0x620  }
0x271: {  	[sflag:s24] =	ssyncset.done $0x0  }
0x272: {  	s28 =	rddreg [dreg:$0x7];
	[sflag:s24] =	ssyncadd.s32 $0xFFFFF9E0  }
0x273: {  	[tilespmem:s23], [sflag:$0x3] =	stream.linear.gather [hbm4b:s28+s2], $0x620, $0x38;
	[tilespmem:$0x1CD00] =	vst v63  }
0x274: {  	_ =	swait.ge [sflag:s24], $0x620  }
0x275: {  	[sflag:s24] =	ssyncset.done $0x0  }
0x276: {  	[sflag:s24] =	ssyncadd.s32 $0xFFFFF9E0  }
0x277: {  	[tilespmem:s14], [sflag:$0x1] =	stream.indirect.gather [hbm4b:s4+s15], $0x80, s2, s15, $0xb8;
	[tilespmem:$0x1CD00] =	vst v63  }
0x278: {  	_ = 	snop  }
0x279: {  	[tilespmem:s13], [sflag:$0x1] =	stream.indirect.gather [hbm4b:s4+s15], $0x80, s23, s15, $0xb8;
	[tilespmem:$0x1CD00] =	vst v63  }
0x27a: {  	_ = 	snop  }
0x27b: {  	[tilespmem:s11], [sflag:$0x1] =	stream.indirect.gather [hbm4b:s3+s15], $0x80, s2, s15, $0xb8;
	[tilespmem:$0x1CD00] =	vst v63  }
0x27c: {  	_ = 	snop  }
0x27d: {  	[tilespmem:s12], [sflag:$0x1] =	stream.indirect.gather [hbm4b:s3+s15], $0x80, s23, s15, $0xb8;
	[tilespmem:$0x1CD00] =	vst v63  }
0x27e: {  	_ = 	snop  }
0x27f: {  	[tilespmem:s9], [sflag:$0x2] =	stream.indirect.gather [hbm4b:s4+s15], $0x80, s15, s15, $0xb8;
	[tilespmem:$0x1CD00] =	vst v63  }
0x280: {  	_ = 	snop  }
0x281: {  	[tilespmem:s10], [sflag:$0x2] =	stream.indirect.gather [hbm4b:s4+s15], $0x80, s22, s15, $0xb8;
	[tilespmem:$0x1CD00] =	vst v63  }
0x282: {  	_ = 	snop  }
0x283: {  	[tilespmem:s7], [sflag:$0x2] =	stream.indirect.gather [hbm4b:s3+s15], $0x80, s15, s15, $0xb8;
	[tilespmem:$0x1CD00] =	vst v63  }
0x284: {  	_ = 	snop  }
0x285: {  	[tilespmem:s8], [sflag:$0x2] =	stream.indirect.gather [hbm4b:s3+s15], $0x80, s22, s15, $0xb8;
	[tilespmem:$0x1CD00] =	vst v63  }
0x286: {  	_ =	swait.ge [sflag:s6], $0x3800  }
0x287: {  	[sflag:s6] =	ssyncset.done $0x0  }
0x288: {  	[sflag:s6] =	ssyncadd.s32 $0xFFFFC800  }
0x289: {  	_ =	swait.ge [sflag:s6], $0x3800  }
0x28a: {  	[sflag:s6] =	ssyncset.done $0x0  }
0x28b: {  	[sflag:s6] =	ssyncadd.s32 $0xFFFFC800  }
0x28c: {  	_ =	swait.ge [sflag:s6], $0x3800  }
0x28d: {  	[sflag:s6] =	ssyncset.done $0x0  }
0x28e: {  	[sflag:s6] =	ssyncadd.s32 $0xFFFFC800  }
0x28f: {  	_ =	swait.ge [sflag:s6], $0x3800  }
0x290: {  	[sflag:s6] =	ssyncset.done $0x0  }
0x291: {  	s28 =	rddreg [dreg:$0x8];
	[sflag:s6] =	ssyncadd.s32 $0xFFFFC800  }
0x292: {  	[hbm4b:s28+s2] =	stream.linear.scatter [tilespmem:s14], [sflag:$0x1], $0x3800, $0x38;
	[tilespmem:$0x1CD00] =	vst v63  }
0x293: {  	s29 =	rddreg [dreg:$0x9]  }
0x294: {  	[hbm4b:s29+s2] =	stream.linear.scatter [tilespmem:s13], [sflag:$0x1], $0x3800, $0x38;
	[tilespmem:$0x1CD00] =	vst v63  }
0x295: {  	s28 =	rddreg [dreg:$0xa]  }
0x296: {  	[hbm4b:s28+s2] =	stream.linear.scatter [tilespmem:s11], [sflag:$0x1], $0x3800, $0x38;
	[tilespmem:$0x1CD00] =	vst v63  }
0x297: {  	s29 =	rddreg [dreg:$0xb]  }
0x298: {  	[hbm4b:s29+s2] =	stream.linear.scatter [tilespmem:s12], [sflag:$0x1], $0x3800, $0x38;
	[tilespmem:$0x1CD00] =	vst v63  }
0x299: {  	_ =	swait.ge [sflag:s6], $0x3800  }
0x29a: {  	[sflag:s6] =	ssyncset.done $0x0  }
0x29b: {  	[sflag:s6] =	ssyncadd.s32 $0xFFFFC800  }
0x29c: {  	_ =	swait.ge [sflag:s6], $0x3800  }
0x29d: {  	[sflag:s6] =	ssyncset.done $0x0  }
0x29e: {  	[sflag:s6] =	ssyncadd.s32 $0xFFFFC800  }
0x29f: {  	_ =	swait.ge [sflag:s6], $0x3800  }
0x2a0: {  	[sflag:s6] =	ssyncset.done $0x0  }
0x2a1: {  	[sflag:s6] =	ssyncadd.s32 $0xFFFFC800  }
0x2a2: {  	_ =	swait.ge [sflag:s6], $0x3800  }
0x2a3: {  	[sflag:s6] =	ssyncset.done $0x0  }
0x2a4: {  	s28 =	simm.s32 $0xE0;
	[sflag:s6] =	ssyncadd.s32 $0xFFFFC800  }
0x2a5: {  	[tilespmem:s14], [sflag:$0x1] =	stream.indirect.gather [hbm4b:s4+s15], $0x80, s28, s15, $0xb8;
	[tilespmem:$0x1CD00] =	vst v63  }
0x2a6: {  	s29 =	simm.s32 $0x760  }
0x2a7: {  	[tilespmem:s13], [sflag:$0x1] =	stream.indirect.gather [hbm4b:s4+s15], $0x80, s29, s15, $0xb8;
	[tilespmem:$0x1CD00] =	vst v63  }
0x2a8: {  	_ = 	snop  }
0x2a9: {  	[tilespmem:s11], [sflag:$0x1] =	stream.indirect.gather [hbm4b:s3+s15], $0x80, s28, s15, $0xb8;
	[tilespmem:$0x1CD00] =	vst v63  }
0x2aa: {  	_ = 	snop  }
0x2ab: {  	[tilespmem:s12], [sflag:$0x1] =	stream.indirect.gather [hbm4b:s3+s15], $0x80, s29, s15, $0xb8;
	[tilespmem:$0x1CD00] =	vst v63  }
0x2ac: {  	_ =	swait.ge [sflag:s5], $0x3800  }
0x2ad: {  	[sflag:s5] =	ssyncset.done $0x0  }
0x2ae: {  	[sflag:s5] =	ssyncadd.s32 $0xFFFFC800  }
0x2af: {  	_ =	swait.ge [sflag:s5], $0x3800  }
0x2b0: {  	[sflag:s5] =	ssyncset.done $0x0  }
0x2b1: {  	[sflag:s5] =	ssyncadd.s32 $0xFFFFC800  }
0x2b2: {  	_ =	swait.ge [sflag:s5], $0x3800  }
0x2b3: {  	[sflag:s5] =	ssyncset.done $0x0  }
0x2b4: {  	[sflag:s5] =	ssyncadd.s32 $0xFFFFC800  }
0x2b5: {  	_ =	swait.ge [sflag:s5], $0x3800  }
0x2b6: {  	[sflag:s5] =	ssyncset.done $0x0  }
0x2b7: {  	s28 =	rddreg [dreg:$0xc];
	[sflag:s5] =	ssyncadd.s32 $0xFFFFC800  }
0x2b8: {  	[hbm4b:s28+s2] =	stream.linear.scatter [tilespmem:s9], [sflag:$0x2], $0x3800, $0x38;
	[tilespmem:$0x1CD00] =	vst v63  }
0x2b9: {  	s29 =	rddreg [dreg:$0xd]  }
0x2ba: {  	[hbm4b:s29+s2] =	stream.linear.scatter [tilespmem:s10], [sflag:$0x2], $0x3800, $0x38;
	[tilespmem:$0x1CD00] =	vst v63  }
0x2bb: {  	s28 =	rddreg [dreg:$0xe]  }
0x2bc: {  	[hbm4b:s28+s2] =	stream.linear.scatter [tilespmem:s7], [sflag:$0x2], $0x3800, $0x38;
	[tilespmem:$0x1CD00] =	vst v63  }
0x2bd: {  	s29 =	rddreg [dreg:$0xf]  }
0x2be: {  	[hbm4b:s29+s2] =	stream.linear.scatter [tilespmem:s8], [sflag:$0x2], $0x3800, $0x38;
	[tilespmem:$0x1CD00] =	vst v63  }
0x2bf: {  	_ =	swait.ge [sflag:s5], $0x3800  }
0x2c0: {  	[sflag:s5] =	ssyncset.done $0x0  }
0x2c1: {  	[sflag:s5] =	ssyncadd.s32 $0xFFFFC800  }
0x2c2: {  	_ =	swait.ge [sflag:s5], $0x3800  }
0x2c3: {  	[sflag:s5] =	ssyncset.done $0x0  }
0x2c4: {  	[sflag:s5] =	ssyncadd.s32 $0xFFFFC800  }
0x2c5: {  	_ =	swait.ge [sflag:s5], $0x3800  }
0x2c6: {  	[sflag:s5] =	ssyncset.done $0x0  }
0x2c7: {  	[sflag:s5] =	ssyncadd.s32 $0xFFFFC800  }
0x2c8: {  	_ =	swait.ge [sflag:s5], $0x3800  }
0x2c9: {  	[sflag:s5] =	ssyncset.done $0x0  }
0x2ca: {  	s28 =	simm.s32 $0x150;
	[sflag:s5] =	ssyncadd.s32 $0xFFFFC800  }
0x2cb: {  	[tilespmem:s9], [sflag:$0x2] =	stream.indirect.gather [hbm4b:s4+s15], $0x80, s28, s15, $0xb8;
	[tilespmem:$0x1CD00] =	vst v63  }
0x2cc: {  	s29 =	simm.s32 $0x7D0  }
0x2cd: {  	[tilespmem:s10], [sflag:$0x2] =	stream.indirect.gather [hbm4b:s4+s15], $0x80, s29, s15, $0xb8;
	[tilespmem:$0x1CD00] =	vst v63  }
0x2ce: {  	_ = 	snop  }
0x2cf: {  	[tilespmem:s7], [sflag:$0x2] =	stream.indirect.gather [hbm4b:s3+s15], $0x80, s28, s15, $0xb8;
	[tilespmem:$0x1CD00] =	vst v63  }
0x2d0: {  	_ = 	snop  }
0x2d1: {  	[tilespmem:s8], [sflag:$0x2] =	stream.indirect.gather [hbm4b:s3+s15], $0x80, s29, s15, $0xb8;
	[tilespmem:$0x1CD00] =	vst v63  }
0x2d2: {  	_ =	swait.ge [sflag:s6], $0x3800  }
0x2d3: {  	[sflag:s6] =	ssyncset.done $0x0  }
0x2d4: {  	[sflag:s6] =	ssyncadd.s32 $0xFFFFC800  }
0x2d5: {  	_ =	swait.ge [sflag:s6], $0x3800  }
0x2d6: {  	[sflag:s6] =	ssyncset.done $0x0  }
0x2d7: {  	[sflag:s6] =	ssyncadd.s32 $0xFFFFC800  }
0x2d8: {  	_ =	swait.ge [sflag:s6], $0x3800  }
0x2d9: {  	[sflag:s6] =	ssyncset.done $0x0  }
0x2da: {  	[sflag:s6] =	ssyncadd.s32 $0xFFFFC800  }
0x2db: {  	_ =	swait.ge [sflag:s6], $0x3800  }
0x2dc: {  	[sflag:s6] =	ssyncset.done $0x0  }
0x2dd: {  	s28 =	rddreg [dreg:$0x10];
	[sflag:s6] =	ssyncadd.s32 $0xFFFFC800  }
0x2de: {  	[hbm4b:s28+s2] =	stream.linear.scatter [tilespmem:s14], [sflag:$0x1], $0x3800, $0x38;
	[tilespmem:$0x1CD00] =	vst v63  }
0x2df: {  	s29 =	rddreg [dreg:$0x11]  }
0x2e0: {  	[hbm4b:s29+s2] =	stream.linear.scatter [tilespmem:s13], [sflag:$0x1], $0x3800, $0x38;
	[tilespmem:$0x1CD00] =	vst v63  }
0x2e1: {  	s28 =	rddreg [dreg:$0x12]  }
0x2e2: {  	[hbm4b:s28+s2] =	stream.linear.scatter [tilespmem:s11], [sflag:$0x1], $0x3800, $0x38;
	[tilespmem:$0x1CD00] =	vst v63  }
0x2e3: {  	s29 =	rddreg [dreg:$0x13]  }
0x2e4: {  	[hbm4b:s29+s2] =	stream.linear.scatter [tilespmem:s12], [sflag:$0x1], $0x3800, $0x38;
	[tilespmem:$0x1CD00] =	vst v63  }
0x2e5: {  	_ =	swait.ge [sflag:s6], $0x3800  }
0x2e6: {  	[sflag:s6] =	ssyncset.done $0x0  }
0x2e7: {  	[sflag:s6] =	ssyncadd.s32 $0xFFFFC800  }
0x2e8: {  	_ =	swait.ge [sflag:s6], $0x3800  }
0x2e9: {  	[sflag:s6] =	ssyncset.done $0x0  }
0x2ea: {  	[sflag:s6] =	ssyncadd.s32 $0xFFFFC800  }
0x2eb: {  	_ =	swait.ge [sflag:s6], $0x3800  }
0x2ec: {  	[sflag:s6] =	ssyncset.done $0x0  }
0x2ed: {  	[sflag:s6] =	ssyncadd.s32 $0xFFFFC800  }
0x2ee: {  	_ =	swait.ge [sflag:s6], $0x3800  }
0x2ef: {  	[sflag:s6] =	ssyncset.done $0x0  }
0x2f0: {  	s28 =	simm.s32 $0x1C0;
	[sflag:s6] =	ssyncadd.s32 $0xFFFFC800  }
0x2f1: {  	[tilespmem:s14], [sflag:$0x1] =	stream.indirect.gather [hbm4b:s4+s15], $0x80, s28, s15, $0xb8;
	[tilespmem:$0x1CD00] =	vst v63  }
0x2f2: {  	s29 =	simm.s32 $0x840  }
0x2f3: {  	[tilespmem:s13], [sflag:$0x1] =	stream.indirect.gather [hbm4b:s4+s15], $0x80, s29, s15, $0xb8;
	[tilespmem:$0x1CD00] =	vst v63  }
0x2f4: {  	_ = 	snop  }
0x2f5: {  	[tilespmem:s11], [sflag:$0x1] =	stream.indirect.gather [hbm4b:s3+s15], $0x80, s28, s15, $0xb8;
	[tilespmem:$0x1CD00] =	vst v63  }
0x2f6: {  	_ = 	snop  }
0x2f7: {  	[tilespmem:s12], [sflag:$0x1] =	stream.indirect.gather [hbm4b:s3+s15], $0x80, s29, s15, $0xb8;
	[tilespmem:$0x1CD00] =	vst v63  }
0x2f8: {  	_ =	swait.ge [sflag:s5], $0x3800  }
0x2f9: {  	[sflag:s5] =	ssyncset.done $0x0  }
0x2fa: {  	[sflag:s5] =	ssyncadd.s32 $0xFFFFC800  }
0x2fb: {  	_ =	swait.ge [sflag:s5], $0x3800  }
0x2fc: {  	[sflag:s5] =	ssyncset.done $0x0  }
0x2fd: {  	[sflag:s5] =	ssyncadd.s32 $0xFFFFC800  }
0x2fe: {  	_ =	swait.ge [sflag:s5], $0x3800  }
0x2ff: {  	[sflag:s5] =	ssyncset.done $0x0  }
0x300: {  	[sflag:s5] =	ssyncadd.s32 $0xFFFFC800  }
0x301: {  	_ =	swait.ge [sflag:s5], $0x3800  }
0x302: {  	[sflag:s5] =	ssyncset.done $0x0  }
0x303: {  	s28 =	rddreg [dreg:$0x14];
	[sflag:s5] =	ssyncadd.s32 $0xFFFFC800  }
0x304: {  	[hbm4b:s28+s2] =	stream.linear.scatter [tilespmem:s9], [sflag:$0x2], $0x3800, $0x38;
	[tilespmem:$0x1CD00] =	vst v63  }
0x305: {  	s29 =	rddreg [dreg:$0x15]  }
0x306: {  	[hbm4b:s29+s2] =	stream.linear.scatter [tilespmem:s10], [sflag:$0x2], $0x3800, $0x38;
	[tilespmem:$0x1CD00] =	vst v63  }
0x307: {  	s28 =	rddreg [dreg:$0x16]  }
0x308: {  	[hbm4b:s28+s2] =	stream.linear.scatter [tilespmem:s7], [sflag:$0x2], $0x3800, $0x38;
	[tilespmem:$0x1CD00] =	vst v63  }
0x309: {  	s29 =	rddreg [dreg:$0x17]  }
0x30a: {  	[hbm4b:s29+s2] =	stream.linear.scatter [tilespmem:s8], [sflag:$0x2], $0x3800, $0x38;
	[tilespmem:$0x1CD00] =	vst v63  }
0x30b: {  	_ =	swait.ge [sflag:s5], $0x3800  }
0x30c: {  	[sflag:s5] =	ssyncset.done $0x0  }
0x30d: {  	[sflag:s5] =	ssyncadd.s32 $0xFFFFC800  }
0x30e: {  	_ =	swait.ge [sflag:s5], $0x3800  }
0x30f: {  	[sflag:s5] =	ssyncset.done $0x0  }
0x310: {  	[sflag:s5] =	ssyncadd.s32 $0xFFFFC800  }
0x311: {  	_ =	swait.ge [sflag:s5], $0x3800  }
0x312: {  	[sflag:s5] =	ssyncset.done $0x0  }
0x313: {  	[sflag:s5] =	ssyncadd.s32 $0xFFFFC800  }
0x314: {  	_ =	swait.ge [sflag:s5], $0x3800  }
0x315: {  	[sflag:s5] =	ssyncset.done $0x0  }
0x316: {  	s28 =	simm.s32 $0x230;
	[sflag:s5] =	ssyncadd.s32 $0xFFFFC800  }
0x317: {  	[tilespmem:s9], [sflag:$0x2] =	stream.indirect.gather [hbm4b:s4+s15], $0x80, s28, s15, $0xb8;
	[tilespmem:$0x1CD00] =	vst v63  }
0x318: {  	_ = 	snop  }
0x319: {  	[tilespmem:s10], [sflag:$0x2] =	stream.indirect.gather [hbm4b:s4+s15], $0x80, s20, s15, $0xb8;
	[tilespmem:$0x1CD00] =	vst v63  }
0x31a: {  	_ = 	snop  }
0x31b: {  	[tilespmem:s7], [sflag:$0x2] =	stream.indirect.gather [hbm4b:s3+s15], $0x80, s28, s15, $0xb8;
	[tilespmem:$0x1CD00] =	vst v63  }
0x31c: {  	_ = 	snop  }
0x31d: {  	[tilespmem:s8], [sflag:$0x2] =	stream.indirect.gather [hbm4b:s3+s15], $0x80, s20, s15, $0xb8;
	[tilespmem:$0x1CD00] =	vst v63  }
0x31e: {  	_ =	swait.ge [sflag:s6], $0x3800  }
0x31f: {  	[sflag:s6] =	ssyncset.done $0x0  }
0x320: {  	[sflag:s6] =	ssyncadd.s32 $0xFFFFC800  }
0x321: {  	_ =	swait.ge [sflag:s6], $0x3800  }
0x322: {  	[sflag:s6] =	ssyncset.done $0x0  }
0x323: {  	[sflag:s6] =	ssyncadd.s32 $0xFFFFC800  }
0x324: {  	_ =	swait.ge [sflag:s6], $0x3800  }
0x325: {  	[sflag:s6] =	ssyncset.done $0x0  }
0x326: {  	[sflag:s6] =	ssyncadd.s32 $0xFFFFC800  }
0x327: {  	_ =	swait.ge [sflag:s6], $0x3800  }
0x328: {  	[sflag:s6] =	ssyncset.done $0x0  }
0x329: {  	s28 =	rddreg [dreg:$0x18];
	[sflag:s6] =	ssyncadd.s32 $0xFFFFC800  }
0x32a: {  	[hbm4b:s28+s2] =	stream.linear.scatter [tilespmem:s14], [sflag:$0x1], $0x3800, $0x38;
	[tilespmem:$0x1CD00] =	vst v63  }
0x32b: {  	s29 =	rddreg [dreg:$0x19]  }
0x32c: {  	[hbm4b:s29+s2] =	stream.linear.scatter [tilespmem:s13], [sflag:$0x1], $0x3800, $0x38;
	[tilespmem:$0x1CD00] =	vst v63  }
0x32d: {  	s28 =	rddreg [dreg:$0x1a]  }
0x32e: {  	[hbm4b:s28+s2] =	stream.linear.scatter [tilespmem:s11], [sflag:$0x1], $0x3800, $0x38;
	[tilespmem:$0x1CD00] =	vst v63  }
0x32f: {  	s29 =	rddreg [dreg:$0x1b]  }
0x330: {  	[hbm4b:s29+s2] =	stream.linear.scatter [tilespmem:s12], [sflag:$0x1], $0x3800, $0x38;
	[tilespmem:$0x1CD00] =	vst v63  }
0x331: {  	_ =	swait.ge [sflag:s6], $0x3800  }
0x332: {  	[sflag:s6] =	ssyncset.done $0x0  }
0x333: {  	[sflag:s6] =	ssyncadd.s32 $0xFFFFC800  }
0x334: {  	_ =	swait.ge [sflag:s6], $0x3800  }
0x335: {  	[sflag:s6] =	ssyncset.done $0x0  }
0x336: {  	[sflag:s6] =	ssyncadd.s32 $0xFFFFC800  }
0x337: {  	_ =	swait.ge [sflag:s6], $0x3800  }
0x338: {  	[sflag:s6] =	ssyncset.done $0x0  }
0x339: {  	[sflag:s6] =	ssyncadd.s32 $0xFFFFC800  }
0x33a: {  	_ =	swait.ge [sflag:s6], $0x3800  }
0x33b: {  	[sflag:s6] =	ssyncset.done $0x0  }
0x33c: {  	s28 =	simm.s32 $0x2A0;
	[sflag:s6] =	ssyncadd.s32 $0xFFFFC800  }
0x33d: {  	[tilespmem:s14], [sflag:$0x1] =	stream.indirect.gather [hbm4b:s4+s15], $0x80, s28, s15, $0xb8;
	[tilespmem:$0x1CD00] =	vst v63  }
0x33e: {  	_ = 	snop  }
0x33f: {  	[tilespmem:s13], [sflag:$0x1] =	stream.indirect.gather [hbm4b:s4+s15], $0x80, s18, s15, $0xb8;
	[tilespmem:$0x1CD00] =	vst v63  }
0x340: {  	_ = 	snop  }
0x341: {  	[tilespmem:s11], [sflag:$0x1] =	stream.indirect.gather [hbm4b:s3+s15], $0x80, s28, s15, $0xb8;
	[tilespmem:$0x1CD00] =	vst v63  }
0x342: {  	_ = 	snop  }
0x343: {  	[tilespmem:s12], [sflag:$0x1] =	stream.indirect.gather [hbm4b:s3+s15], $0x80, s18, s15, $0xb8;
	[tilespmem:$0x1CD00] =	vst v63  }
0x344: {  	_ =	swait.ge [sflag:s5], $0x3800  }
0x345: {  	[sflag:s5] =	ssyncset.done $0x0  }
0x346: {  	[sflag:s5] =	ssyncadd.s32 $0xFFFFC800  }
0x347: {  	_ =	swait.ge [sflag:s5], $0x3800  }
0x348: {  	[sflag:s5] =	ssyncset.done $0x0  }
0x349: {  	[sflag:s5] =	ssyncadd.s32 $0xFFFFC800  }
0x34a: {  	_ =	swait.ge [sflag:s5], $0x3800  }
0x34b: {  	[sflag:s5] =	ssyncset.done $0x0  }
0x34c: {  	[sflag:s5] =	ssyncadd.s32 $0xFFFFC800  }
0x34d: {  	_ =	swait.ge [sflag:s5], $0x3800  }
0x34e: {  	[sflag:s5] =	ssyncset.done $0x0  }
0x34f: {  	s28 =	rddreg [dreg:$0x1c];
	[sflag:s5] =	ssyncadd.s32 $0xFFFFC800  }
0x350: {  	[hbm4b:s28+s2] =	stream.linear.scatter [tilespmem:s9], [sflag:$0x2], $0x3800, $0x38;
	[tilespmem:$0x1CD00] =	vst v63  }
0x351: {  	s29 =	rddreg [dreg:$0x1d]  }
0x352: {  	[hbm4b:s29+s2] =	stream.linear.scatter [tilespmem:s10], [sflag:$0x2], $0x3800, $0x38;
	[tilespmem:$0x1CD00] =	vst v63  }
0x353: {  	s28 =	rddreg [dreg:$0x1e]  }
0x354: {  	[hbm4b:s28+s2] =	stream.linear.scatter [tilespmem:s7], [sflag:$0x2], $0x3800, $0x38;
	[tilespmem:$0x1CD00] =	vst v63  }
0x355: {  	s29 =	rddreg [dreg:$0x1f]  }
0x356: {  	[hbm4b:s29+s2] =	stream.linear.scatter [tilespmem:s8], [sflag:$0x2], $0x3800, $0x38;
	[tilespmem:$0x1CD00] =	vst v63  }
0x357: {  	_ =	swait.ge [sflag:s5], $0x3800  }
0x358: {  	[sflag:s5] =	ssyncset.done $0x0  }
0x359: {  	[sflag:s5] =	ssyncadd.s32 $0xFFFFC800  }
0x35a: {  	_ =	swait.ge [sflag:s5], $0x3800  }
0x35b: {  	[sflag:s5] =	ssyncset.done $0x0  }
0x35c: {  	[sflag:s5] =	ssyncadd.s32 $0xFFFFC800  }
0x35d: {  	_ =	swait.ge [sflag:s5], $0x3800  }
0x35e: {  	[sflag:s5] =	ssyncset.done $0x0  }
0x35f: {  	[sflag:s5] =	ssyncadd.s32 $0xFFFFC800  }
0x360: {  	_ =	swait.ge [sflag:s5], $0x3800  }
0x361: {  	[sflag:s5] =	ssyncset.done $0x0  }
0x362: {  	s28 =	simm.s32 $0x310;
	[sflag:s5] =	ssyncadd.s32 $0xFFFFC800  }
0x363: {  	[tilespmem:s9], [sflag:$0x2] =	stream.indirect.gather [hbm4b:s4+s15], $0x80, s28, s15, $0xb8;
	[tilespmem:$0x1CD00] =	vst v63  }
0x364: {  	_ = 	snop  }
0x365: {  	[tilespmem:s10], [sflag:$0x2] =	stream.indirect.gather [hbm4b:s4+s15], $0x80, s16, s15, $0xb8;
	[tilespmem:$0x1CD00] =	vst v63  }
0x366: {  	_ = 	snop  }
0x367: {  	[tilespmem:s7], [sflag:$0x2] =	stream.indirect.gather [hbm4b:s3+s15], $0x80, s28, s15, $0xb8;
	[tilespmem:$0x1CD00] =	vst v63  }
0x368: {  	_ = 	snop  }
0x369: {  	[tilespmem:s8], [sflag:$0x2] =	stream.indirect.gather [hbm4b:s3+s15], $0x80, s16, s15, $0xb8;
	[tilespmem:$0x1CD00] =	vst v63  }
0x36a: {  	_ =	swait.ge [sflag:s6], $0x3800  }
0x36b: {  	[sflag:s6] =	ssyncset.done $0x0  }
0x36c: {  	[sflag:s6] =	ssyncadd.s32 $0xFFFFC800  }
0x36d: {  	_ =	swait.ge [sflag:s6], $0x3800  }
0x36e: {  	[sflag:s6] =	ssyncset.done $0x0  }
0x36f: {  	[sflag:s6] =	ssyncadd.s32 $0xFFFFC800  }
0x370: {  	_ =	swait.ge [sflag:s6], $0x3800  }
0x371: {  	[sflag:s6] =	ssyncset.done $0x0  }
0x372: {  	[sflag:s6] =	ssyncadd.s32 $0xFFFFC800  }
0x373: {  	_ =	swait.ge [sflag:s6], $0x3800  }
0x374: {  	s28 =	sld [smem:$0x7DE]  }
0x375: {  	[sflag:s6] =	ssyncset.done $0x0  }
0x376: {  	s29 =	sld [smem:$0x7DF];
	[sflag:s6] =	ssyncadd.s32 $0xFFFFC800  }
0x377: {  	[hbm4b:s28+s2] =	stream.linear.scatter [tilespmem:s14], [sflag:$0x1], $0x3800, $0x38;
	[tilespmem:$0x1CD00] =	vst v63  }
0x378: {  	s28 =	sld [smem:$0x7E0]  }
0x379: {  	[hbm4b:s29+s2] =	stream.linear.scatter [tilespmem:s13], [sflag:$0x1], $0x3800, $0x38;
	[tilespmem:$0x1CD00] =	vst v63  }
0x37a: {  	s29 =	sld [smem:$0x7E1]  }
0x37b: {  	[hbm4b:s28+s2] =	stream.linear.scatter [tilespmem:s11], [sflag:$0x1], $0x3800, $0x38;
	[tilespmem:$0x1CD00] =	vst v63  }
0x37c: {  	_ = 	snop  }
0x37d: {  	[hbm4b:s29+s2] =	stream.linear.scatter [tilespmem:s12], [sflag:$0x1], $0x3800, $0x38;
	[tilespmem:$0x1CD00] =	vst v63  }
0x37e: {  	_ =	swait.ge [sflag:s6], $0x3800  }
0x37f: {  	[sflag:s6] =	ssyncset.done $0x0  }
0x380: {  	[sflag:s6] =	ssyncadd.s32 $0xFFFFC800  }
0x381: {  	_ =	swait.ge [sflag:s6], $0x3800  }
0x382: {  	[sflag:s6] =	ssyncset.done $0x0  }
0x383: {  	[sflag:s6] =	ssyncadd.s32 $0xFFFFC800  }
0x384: {  	_ =	swait.ge [sflag:s6], $0x3800  }
0x385: {  	[sflag:s6] =	ssyncset.done $0x0  }
0x386: {  	[sflag:s6] =	ssyncadd.s32 $0xFFFFC800  }
0x387: {  	_ =	swait.ge [sflag:s6], $0x3800  }
0x388: {  	[sflag:s6] =	ssyncset.done $0x0  }
0x389: {  	s28 =	simm.s32 $0x380;
	[sflag:s6] =	ssyncadd.s32 $0xFFFFC800  }
0x38a: {  	[tilespmem:s14], [sflag:$0x1] =	stream.indirect.gather [hbm4b:s4+s15], $0x80, s28, s15, $0xb8;
	[tilespmem:$0x1CD00] =	vst v63  }
0x38b: {  	_ = 	snop  }
0x38c: {  	[tilespmem:s13], [sflag:$0x1] =	stream.indirect.gather [hbm4b:s4+s15], $0x80, s25, s15, $0xb8;
	[tilespmem:$0x1CD00] =	vst v63  }
0x38d: {  	_ = 	snop  }
0x38e: {  	[tilespmem:s11], [sflag:$0x1] =	stream.indirect.gather [hbm4b:s3+s15], $0x80, s28, s15, $0xb8;
	[tilespmem:$0x1CD00] =	vst v63  }
0x38f: {  	_ = 	snop  }
0x390: {  	[tilespmem:s12], [sflag:$0x1] =	stream.indirect.gather [hbm4b:s3+s15], $0x80, s25, s15, $0xb8;
	[tilespmem:$0x1CD00] =	vst v63  }
0x391: {  	_ =	swait.ge [sflag:s5], $0x3800  }
0x392: {  	[sflag:s5] =	ssyncset.done $0x0  }
0x393: {  	[sflag:s5] =	ssyncadd.s32 $0xFFFFC800  }
0x394: {  	_ =	swait.ge [sflag:s5], $0x3800  }
0x395: {  	[sflag:s5] =	ssyncset.done $0x0  }
0x396: {  	[sflag:s5] =	ssyncadd.s32 $0xFFFFC800  }
0x397: {  	_ =	swait.ge [sflag:s5], $0x3800  }
0x398: {  	[sflag:s5] =	ssyncset.done $0x0  }
0x399: {  	[sflag:s5] =	ssyncadd.s32 $0xFFFFC800  }
0x39a: {  	_ =	swait.ge [sflag:s5], $0x3800  }
0x39b: {  	s28 =	sld [smem:$0x7E2]  }
0x39c: {  	[sflag:s5] =	ssyncset.done $0x0  }
0x39d: {  	s29 =	sld [smem:$0x7E3];
	[sflag:s5] =	ssyncadd.s32 $0xFFFFC800  }
0x39e: {  	[hbm4b:s28+s2] =	stream.linear.scatter [tilespmem:s9], [sflag:$0x2], $0x3800, $0x38;
	[tilespmem:$0x1CD00] =	vst v63  }
0x39f: {  	s28 =	sld [smem:$0x7E4]  }
0x3a0: {  	[hbm4b:s29+s2] =	stream.linear.scatter [tilespmem:s10], [sflag:$0x2], $0x3800, $0x38;
	[tilespmem:$0x1CD00] =	vst v63  }
0x3a1: {  	s29 =	sld [smem:$0x7E5]  }
0x3a2: {  	[hbm4b:s28+s2] =	stream.linear.scatter [tilespmem:s7], [sflag:$0x2], $0x3800, $0x38;
	[tilespmem:$0x1CD00] =	vst v63  }
0x3a3: {  	_ = 	snop  }
0x3a4: {  	[hbm4b:s29+s2] =	stream.linear.scatter [tilespmem:s8], [sflag:$0x2], $0x3800, $0x38;
	[tilespmem:$0x1CD00] =	vst v63  }
0x3a5: {  	_ =	swait.ge [sflag:s5], $0x3800  }
0x3a6: {  	[sflag:s5] =	ssyncset.done $0x0  }
0x3a7: {  	[sflag:s5] =	ssyncadd.s32 $0xFFFFC800  }
0x3a8: {  	_ =	swait.ge [sflag:s5], $0x3800  }
0x3a9: {  	[sflag:s5] =	ssyncset.done $0x0  }
0x3aa: {  	[sflag:s5] =	ssyncadd.s32 $0xFFFFC800  }
0x3ab: {  	_ =	swait.ge [sflag:s5], $0x3800  }
0x3ac: {  	[sflag:s5] =	ssyncset.done $0x0  }
0x3ad: {  	[sflag:s5] =	ssyncadd.s32 $0xFFFFC800  }
0x3ae: {  	_ =	swait.ge [sflag:s5], $0x3800  }
0x3af: {  	[sflag:s5] =	ssyncset.done $0x0  }
0x3b0: {  	s28 =	simm.s32 $0x3F0;
	[sflag:s5] =	ssyncadd.s32 $0xFFFFC800  }
0x3b1: {  	[tilespmem:s9], [sflag:$0x2] =	stream.indirect.gather [hbm4b:s4+s15], $0x80, s28, s15, $0xb8;
	[tilespmem:$0x1CD00] =	vst v63  }
0x3b2: {  	_ = 	snop  }
0x3b3: {  	[tilespmem:s10], [sflag:$0x2] =	stream.indirect.gather [hbm4b:s4+s15], $0x80, s21, s15, $0xb8;
	[tilespmem:$0x1CD00] =	vst v63  }
0x3b4: {  	_ = 	snop  }
0x3b5: {  	[tilespmem:s7], [sflag:$0x2] =	stream.indirect.gather [hbm4b:s3+s15], $0x80, s28, s15, $0xb8;
	[tilespmem:$0x1CD00] =	vst v63  }
0x3b6: {  	_ = 	snop  }
0x3b7: {  	[tilespmem:s8], [sflag:$0x2] =	stream.indirect.gather [hbm4b:s3+s15], $0x80, s21, s15, $0xb8;
	[tilespmem:$0x1CD00] =	vst v63  }
0x3b8: {  	_ =	swait.ge [sflag:s6], $0x3800  }
0x3b9: {  	[sflag:s6] =	ssyncset.done $0x0  }
0x3ba: {  	[sflag:s6] =	ssyncadd.s32 $0xFFFFC800  }
0x3bb: {  	_ =	swait.ge [sflag:s6], $0x3800  }
0x3bc: {  	[sflag:s6] =	ssyncset.done $0x0  }
0x3bd: {  	[sflag:s6] =	ssyncadd.s32 $0xFFFFC800  }
0x3be: {  	_ =	swait.ge [sflag:s6], $0x3800  }
0x3bf: {  	[sflag:s6] =	ssyncset.done $0x0  }
0x3c0: {  	[sflag:s6] =	ssyncadd.s32 $0xFFFFC800  }
0x3c1: {  	_ =	swait.ge [sflag:s6], $0x3800  }
0x3c2: {  	s28 =	sld [smem:$0x7E6]  }
0x3c3: {  	[sflag:s6] =	ssyncset.done $0x0  }
0x3c4: {  	s29 =	sld [smem:$0x7E7];
	[sflag:s6] =	ssyncadd.s32 $0xFFFFC800  }
0x3c5: {  	[hbm4b:s28+s2] =	stream.linear.scatter [tilespmem:s14], [sflag:$0x1], $0x3800, $0x38;
	[tilespmem:$0x1CD00] =	vst v63  }
0x3c6: {  	s28 =	sld [smem:$0x7E8]  }
0x3c7: {  	[hbm4b:s29+s2] =	stream.linear.scatter [tilespmem:s13], [sflag:$0x1], $0x3800, $0x38;
	[tilespmem:$0x1CD00] =	vst v63  }
0x3c8: {  	s29 =	sld [smem:$0x7E9]  }
0x3c9: {  	[hbm4b:s28+s2] =	stream.linear.scatter [tilespmem:s11], [sflag:$0x1], $0x3800, $0x38;
	[tilespmem:$0x1CD00] =	vst v63  }
0x3ca: {  	_ = 	snop  }
0x3cb: {  	[hbm4b:s29+s2] =	stream.linear.scatter [tilespmem:s12], [sflag:$0x1], $0x3800, $0x38;
	[tilespmem:$0x1CD00] =	vst v63  }
0x3cc: {  	_ =	swait.ge [sflag:s6], $0x3800  }
0x3cd: {  	[sflag:s6] =	ssyncset.done $0x0  }
0x3ce: {  	[sflag:s6] =	ssyncadd.s32 $0xFFFFC800  }
0x3cf: {  	_ =	swait.ge [sflag:s6], $0x3800  }
0x3d0: {  	[sflag:s6] =	ssyncset.done $0x0  }
0x3d1: {  	[sflag:s6] =	ssyncadd.s32 $0xFFFFC800  }
0x3d2: {  	_ =	swait.ge [sflag:s6], $0x3800  }
0x3d3: {  	[sflag:s6] =	ssyncset.done $0x0  }
0x3d4: {  	[sflag:s6] =	ssyncadd.s32 $0xFFFFC800  }
0x3d5: {  	_ =	swait.ge [sflag:s6], $0x3800  }
0x3d6: {  	[sflag:s6] =	ssyncset.done $0x0  }
0x3d7: {  	s28 =	simm.s32 $0x460;
	[sflag:s6] =	ssyncadd.s32 $0xFFFFC800  }
0x3d8: {  	[tilespmem:s14], [sflag:$0x1] =	stream.indirect.gather [hbm4b:s4+s15], $0x80, s28, s15, $0xb8;
	[tilespmem:$0x1CD00] =	vst v63  }
0x3d9: {  	_ = 	snop  }
0x3da: {  	[tilespmem:s13], [sflag:$0x1] =	stream.indirect.gather [hbm4b:s4+s15], $0x80, s19, s15, $0xb8;
	[tilespmem:$0x1CD00] =	vst v63  }
0x3db: {  	_ = 	snop  }
0x3dc: {  	[tilespmem:s11], [sflag:$0x1] =	stream.indirect.gather [hbm4b:s3+s15], $0x80, s28, s15, $0xb8;
	[tilespmem:$0x1CD00] =	vst v63  }
0x3dd: {  	_ = 	snop  }
0x3de: {  	[tilespmem:s12], [sflag:$0x1] =	stream.indirect.gather [hbm4b:s3+s15], $0x80, s19, s15, $0xb8;
	[tilespmem:$0x1CD00] =	vst v63  }
0x3df: {  	_ =	swait.ge [sflag:s5], $0x3800  }
0x3e0: {  	[sflag:s5] =	ssyncset.done $0x0  }
0x3e1: {  	[sflag:s5] =	ssyncadd.s32 $0xFFFFC800  }
0x3e2: {  	_ =	swait.ge [sflag:s5], $0x3800  }
0x3e3: {  	[sflag:s5] =	ssyncset.done $0x0  }
0x3e4: {  	[sflag:s5] =	ssyncadd.s32 $0xFFFFC800  }
0x3e5: {  	_ =	swait.ge [sflag:s5], $0x3800  }
0x3e6: {  	[sflag:s5] =	ssyncset.done $0x0  }
0x3e7: {  	[sflag:s5] =	ssyncadd.s32 $0xFFFFC800  }
0x3e8: {  	_ =	swait.ge [sflag:s5], $0x3800  }
0x3e9: {  	s28 =	sld [smem:$0x7EA]  }
0x3ea: {  	[sflag:s5] =	ssyncset.done $0x0  }
0x3eb: {  	s29 =	sld [smem:$0x7EB];
	[sflag:s5] =	ssyncadd.s32 $0xFFFFC800  }
0x3ec: {  	[hbm4b:s28+s2] =	stream.linear.scatter [tilespmem:s9], [sflag:$0x2], $0x3800, $0x38;
	[tilespmem:$0x1CD00] =	vst v63  }
0x3ed: {  	s28 =	sld [smem:$0x7EC]  }
0x3ee: {  	[hbm4b:s29+s2] =	stream.linear.scatter [tilespmem:s10], [sflag:$0x2], $0x3800, $0x38;
	[tilespmem:$0x1CD00] =	vst v63  }
0x3ef: {  	s29 =	sld [smem:$0x7ED]  }
0x3f0: {  	[hbm4b:s28+s2] =	stream.linear.scatter [tilespmem:s7], [sflag:$0x2], $0x3800, $0x38;
	[tilespmem:$0x1CD00] =	vst v63  }
0x3f1: {  	_ = 	snop  }
0x3f2: {  	[hbm4b:s29+s2] =	stream.linear.scatter [tilespmem:s8], [sflag:$0x2], $0x3800, $0x38;
	[tilespmem:$0x1CD00] =	vst v63  }
0x3f3: {  	_ =	swait.ge [sflag:s5], $0x3800  }
0x3f4: {  	[sflag:s5] =	ssyncset.done $0x0  }
0x3f5: {  	[sflag:s5] =	ssyncadd.s32 $0xFFFFC800  }
0x3f6: {  	_ =	swait.ge [sflag:s5], $0x3800  }
0x3f7: {  	[sflag:s5] =	ssyncset.done $0x0  }
0x3f8: {  	[sflag:s5] =	ssyncadd.s32 $0xFFFFC800  }
0x3f9: {  	_ =	swait.ge [sflag:s5], $0x3800  }
0x3fa: {  	[sflag:s5] =	ssyncset.done $0x0  }
0x3fb: {  	[sflag:s5] =	ssyncadd.s32 $0xFFFFC800  }
0x3fc: {  	_ =	swait.ge [sflag:s5], $0x3800  }
0x3fd: {  	[sflag:s5] =	ssyncset.done $0x0  }
0x3fe: {  	s28 =	simm.s32 $0x4D0;
	[sflag:s5] =	ssyncadd.s32 $0xFFFFC800  }
0x3ff: {  	[tilespmem:s9], [sflag:$0x2] =	stream.indirect.gather [hbm4b:s4+s15], $0x80, s28, s15, $0xb8;
	[tilespmem:$0x1CD00] =	vst v63  }
0x400: {  	_ = 	snop  }
0x401: {  	[tilespmem:s10], [sflag:$0x2] =	stream.indirect.gather [hbm4b:s4+s15], $0x80, s17, s15, $0xb8;
	[tilespmem:$0x1CD00] =	vst v63  }
0x402: {  	_ = 	snop  }
0x403: {  	[tilespmem:s7], [sflag:$0x2] =	stream.indirect.gather [hbm4b:s3+s15], $0x80, s28, s15, $0xb8;
	[tilespmem:$0x1CD00] =	vst v63  }
0x404: {  	_ = 	snop  }
0x405: {  	[tilespmem:s8], [sflag:$0x2] =	stream.indirect.gather [hbm4b:s3+s15], $0x80, s17, s15, $0xb8;
	[tilespmem:$0x1CD00] =	vst v63  }
0x406: {  	_ =	swait.ge [sflag:s6], $0x3800  }
0x407: {  	[sflag:s6] =	ssyncset.done $0x0  }
0x408: {  	[sflag:s6] =	ssyncadd.s32 $0xFFFFC800  }
0x409: {  	_ =	swait.ge [sflag:s6], $0x3800  }
0x40a: {  	[sflag:s6] =	ssyncset.done $0x0  }
0x40b: {  	[sflag:s6] =	ssyncadd.s32 $0xFFFFC800  }
0x40c: {  	_ =	swait.ge [sflag:s6], $0x3800  }
0x40d: {  	[sflag:s6] =	ssyncset.done $0x0  }
0x40e: {  	[sflag:s6] =	ssyncadd.s32 $0xFFFFC800  }
0x40f: {  	_ =	swait.ge [sflag:s6], $0x3800  }
0x410: {  	s28 =	sld [smem:$0x7EE]  }
0x411: {  	[sflag:s6] =	ssyncset.done $0x0  }
0x412: {  	s29 =	sld [smem:$0x7EF];
	[sflag:s6] =	ssyncadd.s32 $0xFFFFC800  }
0x413: {  	[hbm4b:s28+s2] =	stream.linear.scatter [tilespmem:s14], [sflag:$0x1], $0x3800, $0x38;
	[tilespmem:$0x1CD00] =	vst v63  }
0x414: {  	s28 =	sld [smem:$0x7F0]  }
0x415: {  	[hbm4b:s29+s2] =	stream.linear.scatter [tilespmem:s13], [sflag:$0x1], $0x3800, $0x38;
	[tilespmem:$0x1CD00] =	vst v63  }
0x416: {  	s29 =	sld [smem:$0x7F1]  }
0x417: {  	[hbm4b:s28+s2] =	stream.linear.scatter [tilespmem:s11], [sflag:$0x1], $0x3800, $0x38;
	[tilespmem:$0x1CD00] =	vst v63  }
0x418: {  	_ = 	snop  }
0x419: {  	[hbm4b:s29+s2] =	stream.linear.scatter [tilespmem:s12], [sflag:$0x1], $0x3800, $0x38;
	[tilespmem:$0x1CD00] =	vst v63  }
0x41a: {  	_ =	swait.ge [sflag:s6], $0x3800  }
0x41b: {  	[sflag:s6] =	ssyncset.done $0x0  }
0x41c: {  	[sflag:s6] =	ssyncadd.s32 $0xFFFFC800  }
0x41d: {  	_ =	swait.ge [sflag:s6], $0x3800  }
0x41e: {  	[sflag:s6] =	ssyncset.done $0x0  }
0x41f: {  	[sflag:s6] =	ssyncadd.s32 $0xFFFFC800  }
0x420: {  	_ =	swait.ge [sflag:s6], $0x3800  }
0x421: {  	[sflag:s6] =	ssyncset.done $0x0  }
0x422: {  	[sflag:s6] =	ssyncadd.s32 $0xFFFFC800  }
0x423: {  	_ =	swait.ge [sflag:s6], $0x3800  }
0x424: {  	[sflag:s6] =	ssyncset.done $0x0  }
0x425: {  	[sflag:s6] =	ssyncadd.s32 $0xFFFFC800  }
0x426: {  	[tilespmem:s14], [sflag:$0x1] =	stream.indirect.gather [hbm4b:s4+s15], $0x80, s31, s15, $0xb8;
	[tilespmem:$0x1CD00] =	vst v63  }
0x427: {  	_ = 	snop  }
0x428: {  	[tilespmem:s13], [sflag:$0x1] =	stream.indirect.gather [hbm4b:s4+s15], $0x80, s0, s15, $0xb8;
	[tilespmem:$0x1CD00] =	vst v63  }
0x429: {  	_ = 	snop  }
0x42a: {  	[tilespmem:s11], [sflag:$0x1] =	stream.indirect.gather [hbm4b:s3+s15], $0x80, s31, s15, $0xb8;
	[tilespmem:$0x1CD00] =	vst v63  }
0x42b: {  	_ = 	snop  }
0x42c: {  	[tilespmem:s12], [sflag:$0x1] =	stream.indirect.gather [hbm4b:s3+s15], $0x80, s0, s15, $0xb8;
	[tilespmem:$0x1CD00] =	vst v63  }
0x42d: {  	_ =	swait.ge [sflag:s5], $0x3800  }
0x42e: {  	[sflag:s5] =	ssyncset.done $0x0  }
0x42f: {  	[sflag:s5] =	ssyncadd.s32 $0xFFFFC800  }
0x430: {  	_ =	swait.ge [sflag:s5], $0x3800  }
0x431: {  	[sflag:s5] =	ssyncset.done $0x0  }
0x432: {  	[sflag:s5] =	ssyncadd.s32 $0xFFFFC800  }
0x433: {  	_ =	swait.ge [sflag:s5], $0x3800  }
0x434: {  	[sflag:s5] =	ssyncset.done $0x0  }
0x435: {  	[sflag:s5] =	ssyncadd.s32 $0xFFFFC800  }
0x436: {  	_ =	swait.ge [sflag:s5], $0x3800  }
0x437: {  	s28 =	sld [smem:$0x7F2]  }
0x438: {  	[sflag:s5] =	ssyncset.done $0x0  }
0x439: {  	s29 =	sld [smem:$0x7F3];
	[sflag:s5] =	ssyncadd.s32 $0xFFFFC800  }
0x43a: {  	[hbm4b:s28+s2] =	stream.linear.scatter [tilespmem:s9], [sflag:$0x2], $0x3800, $0x38;
	[tilespmem:$0x1CD00] =	vst v63  }
0x43b: {  	s28 =	sld [smem:$0x7F4]  }
0x43c: {  	[hbm4b:s29+s2] =	stream.linear.scatter [tilespmem:s10], [sflag:$0x2], $0x3800, $0x38;
	[tilespmem:$0x1CD00] =	vst v63  }
0x43d: {  	s29 =	sld [smem:$0x7F5]  }
0x43e: {  	[hbm4b:s28+s2] =	stream.linear.scatter [tilespmem:s7], [sflag:$0x2], $0x3800, $0x38;
	[tilespmem:$0x1CD00] =	vst v63  }
0x43f: {  	_ = 	snop  }
0x440: {  	[hbm4b:s29+s2] =	stream.linear.scatter [tilespmem:s8], [sflag:$0x2], $0x3800, $0x38;
	[tilespmem:$0x1CD00] =	vst v63  }
0x441: {  	_ =	swait.ge [sflag:s5], $0x3800  }
0x442: {  	[sflag:s5] =	ssyncset.done $0x0  }
0x443: {  	[sflag:s5] =	ssyncadd.s32 $0xFFFFC800  }
0x444: {  	_ =	swait.ge [sflag:s5], $0x3800  }
0x445: {  	[sflag:s5] =	ssyncset.done $0x0  }
0x446: {  	[sflag:s5] =	ssyncadd.s32 $0xFFFFC800  }
0x447: {  	_ =	swait.ge [sflag:s5], $0x3800  }
0x448: {  	[sflag:s5] =	ssyncset.done $0x0  }
0x449: {  	[sflag:s5] =	ssyncadd.s32 $0xFFFFC800  }
0x44a: {  	_ =	swait.ge [sflag:s5], $0x3800  }
0x44b: {  	[sflag:s5] =	ssyncset.done $0x0  }
0x44c: {  	[sflag:s5] =	ssyncadd.s32 $0xFFFFC800  }
0x44d: {  	[tilespmem:s9], [sflag:$0x2] =	stream.indirect.gather [hbm4b:s4+s15], $0x80, s30, s15, $0xb8;
	[tilespmem:$0x1CD00] =	vst v63  }
0x44e: {  	_ = 	snop  }
0x44f: {  	[tilespmem:s10], [sflag:$0x2] =	stream.indirect.gather [hbm4b:s4+s15], $0x80, s1, s15, $0xb8;
	[tilespmem:$0x1CD00] =	vst v63  }
0x450: {  	_ = 	snop  }
0x451: {  	[tilespmem:s7], [sflag:$0x2] =	stream.indirect.gather [hbm4b:s3+s15], $0x80, s30, s15, $0xb8;
	[tilespmem:$0x1CD00] =	vst v63  }
0x452: {  	_ = 	snop  }
0x453: {  	[tilespmem:s8], [sflag:$0x2] =	stream.indirect.gather [hbm4b:s3+s15], $0x80, s1, s15, $0xb8;
	[tilespmem:$0x1CD00] =	vst v63  }
0x454: {  	_ =	swait.ge [sflag:s6], $0x3800  }
0x455: {  	[sflag:s6] =	ssyncset.done $0x0  }
0x456: {  	[sflag:s6] =	ssyncadd.s32 $0xFFFFC800  }
0x457: {  	_ =	swait.ge [sflag:s6], $0x3800  }
0x458: {  	[sflag:s6] =	ssyncset.done $0x0  }
0x459: {  	[sflag:s6] =	ssyncadd.s32 $0xFFFFC800  }
0x45a: {  	_ =	swait.ge [sflag:s6], $0x3800  }
0x45b: {  	[sflag:s6] =	ssyncset.done $0x0  }
0x45c: {  	[sflag:s6] =	ssyncadd.s32 $0xFFFFC800  }
0x45d: {  	_ =	swait.ge [sflag:s6], $0x3800  }
0x45e: {  	s28 =	sld [smem:$0x7F6]  }
0x45f: {  	[sflag:s6] =	ssyncset.done $0x0  }
0x460: {  	s29 =	sld [smem:$0x7F7];
	[sflag:s6] =	ssyncadd.s32 $0xFFFFC800  }
0x461: {  	[hbm4b:s28+s2] =	stream.linear.scatter [tilespmem:s14], [sflag:$0x1], $0x3800, $0x38;
	[tilespmem:$0x1CD00] =	vst v63  }
0x462: {  	s28 =	sld [smem:$0x7F8]  }
0x463: {  	[hbm4b:s29+s2] =	stream.linear.scatter [tilespmem:s13], [sflag:$0x1], $0x3800, $0x38;
	[tilespmem:$0x1CD00] =	vst v63  }
0x464: {  	s29 =	sld [smem:$0x7F9]  }
0x465: {  	[hbm4b:s28+s2] =	stream.linear.scatter [tilespmem:s11], [sflag:$0x1], $0x3800, $0x38;
	[tilespmem:$0x1CD00] =	vst v63  }
0x466: {  	_ = 	snop  }
0x467: {  	[hbm4b:s29+s2] =	stream.linear.scatter [tilespmem:s12], [sflag:$0x1], $0x3800, $0x38;
	[tilespmem:$0x1CD00] =	vst v63  }
0x468: {  	_ =	swait.ge [sflag:s5], $0x3800  }
0x469: {  	[sflag:s5] =	ssyncset.done $0x0  }
0x46a: {  	[sflag:s5] =	ssyncadd.s32 $0xFFFFC800  }
0x46b: {  	_ =	swait.ge [sflag:s5], $0x3800  }
0x46c: {  	[sflag:s5] =	ssyncset.done $0x0  }
0x46d: {  	[sflag:s5] =	ssyncadd.s32 $0xFFFFC800  }
0x46e: {  	_ =	swait.ge [sflag:s5], $0x3800  }
0x46f: {  	[sflag:s5] =	ssyncset.done $0x0  }
0x470: {  	[sflag:s5] =	ssyncadd.s32 $0xFFFFC800  }
0x471: {  	_ =	swait.ge [sflag:s5], $0x3800  }
0x472: {  	s28 =	sld [smem:$0x7FA]  }
0x473: {  	[sflag:s5] =	ssyncset.done $0x0  }
0x474: {  	s29 =	sld [smem:$0x7FB];
	[sflag:s5] =	ssyncadd.s32 $0xFFFFC800  }
0x475: {  	[hbm4b:s28+s2] =	stream.linear.scatter [tilespmem:s9], [sflag:$0x2], $0x3800, $0x38;
	[tilespmem:$0x1CD00] =	vst v63  }
0x476: {  	s28 =	sld [smem:$0x7FC]  }
0x477: {  	[hbm4b:s29+s2] =	stream.linear.scatter [tilespmem:s10], [sflag:$0x2], $0x3800, $0x38;
	[tilespmem:$0x1CD00] =	vst v63  }
0x478: {  	s29 =	sld [smem:$0x7FD]  }
0x479: {  	[hbm4b:s28+s2] =	stream.linear.scatter [tilespmem:s7], [sflag:$0x2], $0x3800, $0x38;
	[tilespmem:$0x1CD00] =	vst v63  }
0x47a: {  	_ = 	snop  }
0x47b: {  	[hbm4b:s29+s2] =	stream.linear.scatter [tilespmem:s8], [sflag:$0x2], $0x3800, $0x38;
	[tilespmem:$0x1CD00] =	vst v63  }
0x47c: {  	_ =	swait.ge [sflag:s6], $0x3800  }
0x47d: {  	[sflag:s6] =	ssyncset.done $0x0  }
0x47e: {  	[sflag:s6] =	ssyncadd.s32 $0xFFFFC800  }
0x47f: {  	_ =	swait.ge [sflag:s6], $0x3800  }
0x480: {  	[sflag:s6] =	ssyncset.done $0x0  }
0x481: {  	[sflag:s6] =	ssyncadd.s32 $0xFFFFC800  }
0x482: {  	_ =	swait.ge [sflag:s6], $0x3800  }
0x483: {  	[sflag:s6] =	ssyncset.done $0x0  }
0x484: {  	[sflag:s6] =	ssyncadd.s32 $0xFFFFC800  }
0x485: {  	_ =	swait.ge [sflag:s6], $0x3800  }
0x486: {  	[sflag:s6] =	ssyncset.done $0x0  }
0x487: {  	[sflag:s6] =	ssyncadd.s32 $0xFFFFC800  }
0x488: {  	_ =	swait.ge [sflag:s5], $0x3800  }
0x489: {  	[sflag:s5] =	ssyncset.done $0x0  }
0x48a: {  	[sflag:s5] =	ssyncadd.s32 $0xFFFFC800  }
0x48b: {  	_ =	swait.ge [sflag:s5], $0x3800  }
0x48c: {  	[sflag:s5] =	ssyncset.done $0x0  }
0x48d: {  	p1 =	sne.s32 s26, $0x1;
	[sflag:s5] =	ssyncadd.s32 $0xFFFFC800  }
.Ltmp2:
0x48e: {  	_ =	swait.ge [sflag:s5], $0x3800;
	(pc) =	sbr.rel @p1 .LBB2_3-.Ltmp2, $4  }
0x48f: {  	[sflag:s5] =	ssyncset.done $0x0  }
0x490: {  	[sflag:s5] =	ssyncadd.s32 $0xFFFFC800  }
0x491: {  	_ =	swait.ge [sflag:s5], $0x3800  }
0x492: {  	s26 =	sadd.s32 $0xFFFFFFFF, s26;
	s28 =	rddreg [dreg:$0x6];
	[sflag:s5] =	ssyncset.done $0x0  }
0x493: {  	s29 =	stileid.u32  }
.LBB2_5:
0x494: {  	[sflag:s5] =	ssyncadd.s32 @p0 $0xFFFFC800  }
0x495: {  	[tilespmem:s2], [sflag:$0x3] =	stream.linear.gather [hbm4b:s28+s2], $0x620, $0x38;
	[tilespmem:$0x1CD00] =	vst v63  }
0x496: {  	_ =	swait.ge [sflag:s24], $0x620  }
0x497: {  	[sflag:s24] =	ssyncset.done $0x0  }
0x498: {  	s26 =	rddreg [dreg:$0x7];
	[sflag:s24] =	ssyncadd.s32 $0xFFFFF9E0  }
0x499: {  	[tilespmem:s23], [sflag:$0x3] =	stream.linear.gather [hbm4b:s26+s2], $0x620, $0x38;
	[tilespmem:$0x1CD00] =	vst v63  }
0x49a: {  	_ =	swait.ge [sflag:s24], $0x620  }
0x49b: {  	[sflag:s24] =	ssyncset.done $0x0  }
0x49c: {  	[sflag:s24] =	ssyncadd.s32 $0xFFFFF9E0  }
0x49d: {  	[tilespmem:s14], [sflag:$0x1] =	stream.indirect.gather [hbm4b:s4+s15], $0x80, s2, s15, $0xb8;
	[tilespmem:$0x1CD00] =	vst v63  }
0x49e: {  	_ = 	snop  }
0x49f: {  	[tilespmem:s13], [sflag:$0x1] =	stream.indirect.gather [hbm4b:s4+s15], $0x80, s23, s15, $0xb8;
	[tilespmem:$0x1CD00] =	vst v63  }
0x4a0: {  	_ = 	snop  }
0x4a1: {  	[tilespmem:s11], [sflag:$0x1] =	stream.indirect.gather [hbm4b:s3+s15], $0x80, s2, s15, $0xb8;
	[tilespmem:$0x1CD00] =	vst v63  }
0x4a2: {  	_ = 	snop  }
0x4a3: {  	[tilespmem:s12], [sflag:$0x1] =	stream.indirect.gather [hbm4b:s3+s15], $0x80, s23, s15, $0xb8;
	[tilespmem:$0x1CD00] =	vst v63  }
0x4a4: {  	_ = 	snop  }
0x4a5: {  	[tilespmem:s9], [sflag:$0x2] =	stream.indirect.gather [hbm4b:s4+s15], $0x80, s15, s15, $0xb8;
	[tilespmem:$0x1CD00] =	vst v63  }
0x4a6: {  	s0 =	simm.s32 $0x6F0  }
0x4a7: {  	[tilespmem:s10], [sflag:$0x2] =	stream.indirect.gather [hbm4b:s4+s15], $0x80, s0, s15, $0xb8;
	[tilespmem:$0x1CD00] =	vst v63  }
0x4a8: {  	_ = 	snop  }
0x4a9: {  	[tilespmem:s7], [sflag:$0x2] =	stream.indirect.gather [hbm4b:s3+s15], $0x80, s15, s15, $0xb8;
	[tilespmem:$0x1CD00] =	vst v63  }
0x4aa: {  	_ = 	snop  }
0x4ab: {  	[tilespmem:s8], [sflag:$0x2] =	stream.indirect.gather [hbm4b:s3+s15], $0x80, s0, s15, $0xb8;
	[tilespmem:$0x1CD00] =	vst v63  }
0x4ac: {  	_ =	swait.ge [sflag:s6], $0x3800  }
0x4ad: {  	[sflag:s6] =	ssyncset.done $0x0  }
0x4ae: {  	[sflag:s6] =	ssyncadd.s32 $0xFFFFC800  }
0x4af: {  	_ =	swait.ge [sflag:s6], $0x3800  }
0x4b0: {  	[sflag:s6] =	ssyncset.done $0x0  }
0x4b1: {  	[sflag:s6] =	ssyncadd.s32 $0xFFFFC800  }
0x4b2: {  	_ =	swait.ge [sflag:s6], $0x3800  }
0x4b3: {  	[sflag:s6] =	ssyncset.done $0x0  }
0x4b4: {  	[sflag:s6] =	ssyncadd.s32 $0xFFFFC800  }
0x4b5: {  	_ =	swait.ge [sflag:s6], $0x3800  }
0x4b6: {  	[sflag:s6] =	ssyncset.done $0x0  }
0x4b7: {  	s0 =	rddreg [dreg:$0x8];
	[sflag:s6] =	ssyncadd.s32 $0xFFFFC800  }
0x4b8: {  	[hbm4b:s0+s2] =	stream.linear.scatter [tilespmem:s14], [sflag:$0x1], $0x3800, $0x38;
	[tilespmem:$0x1CD00] =	vst v63  }
0x4b9: {  	s1 =	rddreg [dreg:$0x9]  }
0x4ba: {  	[hbm4b:s1+s2] =	stream.linear.scatter [tilespmem:s13], [sflag:$0x1], $0x3800, $0x38;
	[tilespmem:$0x1CD00] =	vst v63  }
0x4bb: {  	s16 =	rddreg [dreg:$0xa]  }
0x4bc: {  	[hbm4b:s16+s2] =	stream.linear.scatter [tilespmem:s11], [sflag:$0x1], $0x3800, $0x38;
	[tilespmem:$0x1CD00] =	vst v63  }
0x4bd: {  	s17 =	rddreg [dreg:$0xb]  }
0x4be: {  	[hbm4b:s17+s2] =	stream.linear.scatter [tilespmem:s12], [sflag:$0x1], $0x3800, $0x38;
	[tilespmem:$0x1CD00] =	vst v63  }
0x4bf: {  	_ =	swait.ge [sflag:s6], $0x3800  }
0x4c0: {  	[sflag:s6] =	ssyncset.done $0x0  }
0x4c1: {  	[sflag:s6] =	ssyncadd.s32 $0xFFFFC800  }
0x4c2: {  	_ =	swait.ge [sflag:s6], $0x3800  }
0x4c3: {  	[sflag:s6] =	ssyncset.done $0x0  }
0x4c4: {  	[sflag:s6] =	ssyncadd.s32 $0xFFFFC800  }
0x4c5: {  	_ =	swait.ge [sflag:s6], $0x3800  }
0x4c6: {  	[sflag:s6] =	ssyncset.done $0x0  }
0x4c7: {  	[sflag:s6] =	ssyncadd.s32 $0xFFFFC800  }
0x4c8: {  	_ =	swait.ge [sflag:s6], $0x3800  }
0x4c9: {  	[sflag:s6] =	ssyncset.done $0x0  }
0x4ca: {  	s18 =	simm.s32 $0xE0;
	[sflag:s6] =	ssyncadd.s32 $0xFFFFC800  }
0x4cb: {  	[tilespmem:s14], [sflag:$0x1] =	stream.indirect.gather [hbm4b:s4+s15], $0x80, s18, s15, $0xb8;
	[tilespmem:$0x1CD00] =	vst v63  }
0x4cc: {  	s1 =	simm.s32 $0x760  }
0x4cd: {  	[tilespmem:s13], [sflag:$0x1] =	stream.indirect.gather [hbm4b:s4+s15], $0x80, s1, s15, $0xb8;
	[tilespmem:$0x1CD00] =	vst v63  }
0x4ce: {  	_ = 	snop  }
0x4cf: {  	[tilespmem:s11], [sflag:$0x1] =	stream.indirect.gather [hbm4b:s3+s15], $0x80, s18, s15, $0xb8;
	[tilespmem:$0x1CD00] =	vst v63  }
0x4d0: {  	_ = 	snop  }
0x4d1: {  	[tilespmem:s12], [sflag:$0x1] =	stream.indirect.gather [hbm4b:s3+s15], $0x80, s1, s15, $0xb8;
	[tilespmem:$0x1CD00] =	vst v63  }
0x4d2: {  	_ =	swait.ge [sflag:s5], $0x3800  }
0x4d3: {  	[sflag:s5] =	ssyncset.done $0x0  }
0x4d4: {  	[sflag:s5] =	ssyncadd.s32 $0xFFFFC800  }
0x4d5: {  	_ =	swait.ge [sflag:s5], $0x3800  }
0x4d6: {  	[sflag:s5] =	ssyncset.done $0x0  }
0x4d7: {  	[sflag:s5] =	ssyncadd.s32 $0xFFFFC800  }
0x4d8: {  	_ =	swait.ge [sflag:s5], $0x3800  }
0x4d9: {  	[sflag:s5] =	ssyncset.done $0x0  }
0x4da: {  	[sflag:s5] =	ssyncadd.s32 $0xFFFFC800  }
0x4db: {  	_ =	swait.ge [sflag:s5], $0x3800  }
0x4dc: {  	[sflag:s5] =	ssyncset.done $0x0  }
0x4dd: {  	s21 =	rddreg [dreg:$0xc];
	[sflag:s5] =	ssyncadd.s32 $0xFFFFC800  }
0x4de: {  	[hbm4b:s21+s2] =	stream.linear.scatter [tilespmem:s9], [sflag:$0x2], $0x3800, $0x38;
	[tilespmem:$0x1CD00] =	vst v63  }
0x4df: {  	s22 =	rddreg [dreg:$0xd]  }
0x4e0: {  	[hbm4b:s22+s2] =	stream.linear.scatter [tilespmem:s10], [sflag:$0x2], $0x3800, $0x38;
	[tilespmem:$0x1CD00] =	vst v63  }
0x4e1: {  	s19 =	rddreg [dreg:$0xe]  }
0x4e2: {  	[hbm4b:s19+s2] =	stream.linear.scatter [tilespmem:s7], [sflag:$0x2], $0x3800, $0x38;
	[tilespmem:$0x1CD00] =	vst v63  }
0x4e3: {  	s20 =	rddreg [dreg:$0xf]  }
0x4e4: {  	[hbm4b:s20+s2] =	stream.linear.scatter [tilespmem:s8], [sflag:$0x2], $0x3800, $0x38;
	[tilespmem:$0x1CD00] =	vst v63  }
0x4e5: {  	_ =	swait.ge [sflag:s5], $0x3800  }
0x4e6: {  	[sflag:s5] =	ssyncset.done $0x0  }
0x4e7: {  	[sflag:s5] =	ssyncadd.s32 $0xFFFFC800  }
0x4e8: {  	_ =	swait.ge [sflag:s5], $0x3800  }
0x4e9: {  	[sflag:s5] =	ssyncset.done $0x0  }
0x4ea: {  	[sflag:s5] =	ssyncadd.s32 $0xFFFFC800  }
0x4eb: {  	_ =	swait.ge [sflag:s5], $0x3800  }
0x4ec: {  	[sflag:s5] =	ssyncset.done $0x0  }
0x4ed: {  	[sflag:s5] =	ssyncadd.s32 $0xFFFFC800  }
0x4ee: {  	_ =	swait.ge [sflag:s5], $0x3800  }
0x4ef: {  	[sflag:s5] =	ssyncset.done $0x0  }
0x4f0: {  	s23 =	simm.s32 $0x150;
	[sflag:s5] =	ssyncadd.s32 $0xFFFFC800  }
0x4f1: {  	[tilespmem:s9], [sflag:$0x2] =	stream.indirect.gather [hbm4b:s4+s15], $0x80, s23, s15, $0xb8;
	[tilespmem:$0x1CD00] =	vst v63  }
0x4f2: {  	s24 =	simm.s32 $0x7D0  }
0x4f3: {  	[tilespmem:s10], [sflag:$0x2] =	stream.indirect.gather [hbm4b:s4+s15], $0x80, s24, s15, $0xb8;
	[tilespmem:$0x1CD00] =	vst v63  }
0x4f4: {  	_ = 	snop  }
0x4f5: {  	[tilespmem:s7], [sflag:$0x2] =	stream.indirect.gather [hbm4b:s3+s15], $0x80, s23, s15, $0xb8;
	[tilespmem:$0x1CD00] =	vst v63  }
0x4f6: {  	_ = 	snop  }
0x4f7: {  	[tilespmem:s8], [sflag:$0x2] =	stream.indirect.gather [hbm4b:s3+s15], $0x80, s24, s15, $0xb8;
	[tilespmem:$0x1CD00] =	vst v63  }
0x4f8: {  	_ =	swait.ge [sflag:s6], $0x3800  }
0x4f9: {  	[sflag:s6] =	ssyncset.done $0x0  }
0x4fa: {  	[sflag:s6] =	ssyncadd.s32 $0xFFFFC800  }
0x4fb: {  	_ =	swait.ge [sflag:s6], $0x3800  }
0x4fc: {  	[sflag:s6] =	ssyncset.done $0x0  }
0x4fd: {  	[sflag:s6] =	ssyncadd.s32 $0xFFFFC800  }
0x4fe: {  	_ =	swait.ge [sflag:s6], $0x3800  }
0x4ff: {  	[sflag:s6] =	ssyncset.done $0x0  }
0x500: {  	[sflag:s6] =	ssyncadd.s32 $0xFFFFC800  }
0x501: {  	_ =	swait.ge [sflag:s6], $0x3800  }
0x502: {  	[sflag:s6] =	ssyncset.done $0x0  }
0x503: {  	s19 =	rddreg [dreg:$0x10];
	[sflag:s6] =	ssyncadd.s32 $0xFFFFC800  }
0x504: {  	[hbm4b:s19+s2] =	stream.linear.scatter [tilespmem:s14], [sflag:$0x1], $0x3800, $0x38;
	[tilespmem:$0x1CD00] =	vst v63  }
0x505: {  	s20 =	rddreg [dreg:$0x11]  }
0x506: {  	[hbm4b:s20+s2] =	stream.linear.scatter [tilespmem:s13], [sflag:$0x1], $0x3800, $0x38;
	[tilespmem:$0x1CD00] =	vst v63  }
0x507: {  	s25 =	rddreg [dreg:$0x12]  }
0x508: {  	[hbm4b:s25+s2] =	stream.linear.scatter [tilespmem:s11], [sflag:$0x1], $0x3800, $0x38;
	[tilespmem:$0x1CD00] =	vst v63  }
0x509: {  	s26 =	rddreg [dreg:$0x13]  }
0x50a: {  	[hbm4b:s26+s2] =	stream.linear.scatter [tilespmem:s12], [sflag:$0x1], $0x3800, $0x38;
	[tilespmem:$0x1CD00] =	vst v63  }
0x50b: {  	_ =	swait.ge [sflag:s6], $0x3800  }
0x50c: {  	[sflag:s6] =	ssyncset.done $0x0  }
0x50d: {  	[sflag:s6] =	ssyncadd.s32 $0xFFFFC800  }
0x50e: {  	_ =	swait.ge [sflag:s6], $0x3800  }
0x50f: {  	[sflag:s6] =	ssyncset.done $0x0  }
0x510: {  	[sflag:s6] =	ssyncadd.s32 $0xFFFFC800  }
0x511: {  	_ =	swait.ge [sflag:s6], $0x3800  }
0x512: {  	[sflag:s6] =	ssyncset.done $0x0  }
0x513: {  	[sflag:s6] =	ssyncadd.s32 $0xFFFFC800  }
0x514: {  	_ =	swait.ge [sflag:s6], $0x3800  }
0x515: {  	[sflag:s6] =	ssyncset.done $0x0  }
0x516: {  	s28 =	simm.s32 $0x1C0;
	[sflag:s6] =	ssyncadd.s32 $0xFFFFC800  }
0x517: {  	[tilespmem:s14], [sflag:$0x1] =	stream.indirect.gather [hbm4b:s4+s15], $0x80, s28, s15, $0xb8;
	[tilespmem:$0x1CD00] =	vst v63  }
0x518: {  	s30 =	simm.s32 $0x840  }
0x519: {  	[tilespmem:s13], [sflag:$0x1] =	stream.indirect.gather [hbm4b:s4+s15], $0x80, s30, s15, $0xb8;
	[tilespmem:$0x1CD00] =	vst v63  }
0x51a: {  	_ = 	snop  }
0x51b: {  	[tilespmem:s11], [sflag:$0x1] =	stream.indirect.gather [hbm4b:s3+s15], $0x80, s28, s15, $0xb8;
	[tilespmem:$0x1CD00] =	vst v63  }
0x51c: {  	_ = 	snop  }
0x51d: {  	[tilespmem:s12], [sflag:$0x1] =	stream.indirect.gather [hbm4b:s3+s15], $0x80, s30, s15, $0xb8;
	[tilespmem:$0x1CD00] =	vst v63  }
0x51e: {  	_ =	swait.ge [sflag:s5], $0x3800  }
0x51f: {  	[sflag:s5] =	ssyncset.done $0x0  }
0x520: {  	[sflag:s5] =	ssyncadd.s32 $0xFFFFC800  }
0x521: {  	_ =	swait.ge [sflag:s5], $0x3800  }
0x522: {  	[sflag:s5] =	ssyncset.done $0x0  }
0x523: {  	[sflag:s5] =	ssyncadd.s32 $0xFFFFC800  }
0x524: {  	_ =	swait.ge [sflag:s5], $0x3800  }
0x525: {  	[sflag:s5] =	ssyncset.done $0x0  }
0x526: {  	[sflag:s5] =	ssyncadd.s32 $0xFFFFC800  }
0x527: {  	_ =	swait.ge [sflag:s5], $0x3800  }
0x528: {  	[sflag:s5] =	ssyncset.done $0x0  }
0x529: {  	s17 =	rddreg [dreg:$0x14];
	[sflag:s5] =	ssyncadd.s32 $0xFFFFC800  }
0x52a: {  	[hbm4b:s17+s2] =	stream.linear.scatter [tilespmem:s9], [sflag:$0x2], $0x3800, $0x38;
	[tilespmem:$0x1CD00] =	vst v63  }
0x52b: {  	s18 =	rddreg [dreg:$0x15]  }
0x52c: {  	[hbm4b:s18+s2] =	stream.linear.scatter [tilespmem:s10], [sflag:$0x2], $0x3800, $0x38;
	[tilespmem:$0x1CD00] =	vst v63  }
0x52d: {  	s31 =	rddreg [dreg:$0x16]  }
0x52e: {  	[hbm4b:s31+s2] =	stream.linear.scatter [tilespmem:s7], [sflag:$0x2], $0x3800, $0x38;
	[tilespmem:$0x1CD00] =	vst v63  }
0x52f: {  	s0 =	rddreg [dreg:$0x17]  }
0x530: {  	[hbm4b:s0+s2] =	stream.linear.scatter [tilespmem:s8], [sflag:$0x2], $0x3800, $0x38;
	[tilespmem:$0x1CD00] =	vst v63  }
0x531: {  	_ =	swait.ge [sflag:s5], $0x3800  }
0x532: {  	[sflag:s5] =	ssyncset.done $0x0  }
0x533: {  	[sflag:s5] =	ssyncadd.s32 $0xFFFFC800  }
0x534: {  	_ =	swait.ge [sflag:s5], $0x3800  }
0x535: {  	[sflag:s5] =	ssyncset.done $0x0  }
0x536: {  	[sflag:s5] =	ssyncadd.s32 $0xFFFFC800  }
0x537: {  	_ =	swait.ge [sflag:s5], $0x3800  }
0x538: {  	[sflag:s5] =	ssyncset.done $0x0  }
0x539: {  	[sflag:s5] =	ssyncadd.s32 $0xFFFFC800  }
0x53a: {  	_ =	swait.ge [sflag:s5], $0x3800  }
0x53b: {  	[sflag:s5] =	ssyncset.done $0x0  }
0x53c: {  	s1 =	simm.s32 $0x230;
	[sflag:s5] =	ssyncadd.s32 $0xFFFFC800  }
0x53d: {  	[tilespmem:s9], [sflag:$0x2] =	stream.indirect.gather [hbm4b:s4+s15], $0x80, s1, s15, $0xb8;
	[tilespmem:$0x1CD00] =	vst v63  }
0x53e: {  	s16 =	simm.s32 $0x8B0  }
0x53f: {  	[tilespmem:s10], [sflag:$0x2] =	stream.indirect.gather [hbm4b:s4+s15], $0x80, s16, s15, $0xb8;
	[tilespmem:$0x1CD00] =	vst v63  }
0x540: {  	_ = 	snop  }
0x541: {  	[tilespmem:s7], [sflag:$0x2] =	stream.indirect.gather [hbm4b:s3+s15], $0x80, s1, s15, $0xb8;
	[tilespmem:$0x1CD00] =	vst v63  }
0x542: {  	_ = 	snop  }
0x543: {  	[tilespmem:s8], [sflag:$0x2] =	stream.indirect.gather [hbm4b:s3+s15], $0x80, s16, s15, $0xb8;
	[tilespmem:$0x1CD00] =	vst v63  }
0x544: {  	_ =	swait.ge [sflag:s6], $0x3800  }
0x545: {  	[sflag:s6] =	ssyncset.done $0x0  }
0x546: {  	[sflag:s6] =	ssyncadd.s32 $0xFFFFC800  }
0x547: {  	_ =	swait.ge [sflag:s6], $0x3800  }
0x548: {  	[sflag:s6] =	ssyncset.done $0x0  }
0x549: {  	[sflag:s6] =	ssyncadd.s32 $0xFFFFC800  }
0x54a: {  	_ =	swait.ge [sflag:s6], $0x3800  }
0x54b: {  	[sflag:s6] =	ssyncset.done $0x0  }
0x54c: {  	[sflag:s6] =	ssyncadd.s32 $0xFFFFC800  }
0x54d: {  	_ =	swait.ge [sflag:s6], $0x3800  }
0x54e: {  	[sflag:s6] =	ssyncset.done $0x0  }
0x54f: {  	s17 =	rddreg [dreg:$0x18];
	[sflag:s6] =	ssyncadd.s32 $0xFFFFC800  }
0x550: {  	[hbm4b:s17+s2] =	stream.linear.scatter [tilespmem:s14], [sflag:$0x1], $0x3800, $0x38;
	[tilespmem:$0x1CD00] =	vst v63  }
0x551: {  	s16 =	rddreg [dreg:$0x19]  }
0x552: {  	[hbm4b:s16+s2] =	stream.linear.scatter [tilespmem:s13], [sflag:$0x1], $0x3800, $0x38;
	[tilespmem:$0x1CD00] =	vst v63  }
0x553: {  	s18 =	rddreg [dreg:$0x1a]  }
0x554: {  	[hbm4b:s18+s2] =	stream.linear.scatter [tilespmem:s11], [sflag:$0x1], $0x3800, $0x38;
	[tilespmem:$0x1CD00] =	vst v63  }
0x555: {  	s19 =	rddreg [dreg:$0x1b]  }
0x556: {  	[hbm4b:s19+s2] =	stream.linear.scatter [tilespmem:s12], [sflag:$0x1], $0x3800, $0x38;
	[tilespmem:$0x1CD00] =	vst v63  }
0x557: {  	_ =	swait.ge [sflag:s6], $0x3800  }
0x558: {  	[sflag:s6] =	ssyncset.done $0x0  }
0x559: {  	[sflag:s6] =	ssyncadd.s32 $0xFFFFC800  }
0x55a: {  	_ =	swait.ge [sflag:s6], $0x3800  }
0x55b: {  	[sflag:s6] =	ssyncset.done $0x0  }
0x55c: {  	[sflag:s6] =	ssyncadd.s32 $0xFFFFC800  }
0x55d: {  	_ =	swait.ge [sflag:s6], $0x3800  }
0x55e: {  	[sflag:s6] =	ssyncset.done $0x0  }
0x55f: {  	[sflag:s6] =	ssyncadd.s32 $0xFFFFC800  }
0x560: {  	_ =	swait.ge [sflag:s6], $0x3800  }
0x561: {  	[sflag:s6] =	ssyncset.done $0x0  }
0x562: {  	s20 =	simm.s32 $0x2A0;
	[sflag:s6] =	ssyncadd.s32 $0xFFFFC800  }
0x563: {  	[tilespmem:s14], [sflag:$0x1] =	stream.indirect.gather [hbm4b:s4+s15], $0x80, s20, s15, $0xb8;
	[tilespmem:$0x1CD00] =	vst v63  }
0x564: {  	s21 =	simm.s32 $0x920  }
0x565: {  	[tilespmem:s13], [sflag:$0x1] =	stream.indirect.gather [hbm4b:s4+s15], $0x80, s21, s15, $0xb8;
	[tilespmem:$0x1CD00] =	vst v63  }
0x566: {  	_ = 	snop  }
0x567: {  	[tilespmem:s11], [sflag:$0x1] =	stream.indirect.gather [hbm4b:s3+s15], $0x80, s20, s15, $0xb8;
	[tilespmem:$0x1CD00] =	vst v63  }
0x568: {  	_ = 	snop  }
0x569: {  	[tilespmem:s12], [sflag:$0x1] =	stream.indirect.gather [hbm4b:s3+s15], $0x80, s21, s15, $0xb8;
	[tilespmem:$0x1CD00] =	vst v63  }
0x56a: {  	_ =	swait.ge [sflag:s5], $0x3800  }
0x56b: {  	[sflag:s5] =	ssyncset.done $0x0  }
0x56c: {  	[sflag:s5] =	ssyncadd.s32 $0xFFFFC800  }
0x56d: {  	_ =	swait.ge [sflag:s5], $0x3800  }
0x56e: {  	[sflag:s5] =	ssyncset.done $0x0  }
0x56f: {  	[sflag:s5] =	ssyncadd.s32 $0xFFFFC800  }
0x570: {  	_ =	swait.ge [sflag:s5], $0x3800  }
0x571: {  	[sflag:s5] =	ssyncset.done $0x0  }
0x572: {  	[sflag:s5] =	ssyncadd.s32 $0xFFFFC800  }
0x573: {  	_ =	swait.ge [sflag:s5], $0x3800  }
0x574: {  	[sflag:s5] =	ssyncset.done $0x0  }
0x575: {  	s22 =	rddreg [dreg:$0x1c];
	[sflag:s5] =	ssyncadd.s32 $0xFFFFC800  }
0x576: {  	[hbm4b:s22+s2] =	stream.linear.scatter [tilespmem:s9], [sflag:$0x2], $0x3800, $0x38;
	[tilespmem:$0x1CD00] =	vst v63  }
0x577: {  	s23 =	rddreg [dreg:$0x1d]  }
0x578: {  	[hbm4b:s23+s2] =	stream.linear.scatter [tilespmem:s10], [sflag:$0x2], $0x3800, $0x38;
	[tilespmem:$0x1CD00] =	vst v63  }
0x579: {  	s24 =	rddreg [dreg:$0x1e]  }
0x57a: {  	[hbm4b:s24+s2] =	stream.linear.scatter [tilespmem:s7], [sflag:$0x2], $0x3800, $0x38;
	[tilespmem:$0x1CD00] =	vst v63  }
0x57b: {  	s25 =	rddreg [dreg:$0x1f]  }
0x57c: {  	[hbm4b:s25+s2] =	stream.linear.scatter [tilespmem:s8], [sflag:$0x2], $0x3800, $0x38;
	[tilespmem:$0x1CD00] =	vst v63  }
0x57d: {  	_ =	swait.ge [sflag:s5], $0x3800  }
0x57e: {  	[sflag:s5] =	ssyncset.done $0x0  }
0x57f: {  	[sflag:s5] =	ssyncadd.s32 $0xFFFFC800  }
0x580: {  	_ =	swait.ge [sflag:s5], $0x3800  }
0x581: {  	[sflag:s5] =	ssyncset.done $0x0  }
0x582: {  	[sflag:s5] =	ssyncadd.s32 $0xFFFFC800  }
0x583: {  	_ =	swait.ge [sflag:s5], $0x3800  }
0x584: {  	[sflag:s5] =	ssyncset.done $0x0  }
0x585: {  	[sflag:s5] =	ssyncadd.s32 $0xFFFFC800  }
0x586: {  	_ =	swait.ge [sflag:s5], $0x3800  }
0x587: {  	[sflag:s5] =	ssyncset.done $0x0  }
0x588: {  	s26 =	simm.s32 $0x310;
	[sflag:s5] =	ssyncadd.s32 $0xFFFFC800  }
0x589: {  	[tilespmem:s9], [sflag:$0x2] =	stream.indirect.gather [hbm4b:s4+s15], $0x80, s26, s15, $0xb8;
	[tilespmem:$0x1CD00] =	vst v63  }
0x58a: {  	s28 =	simm.s32 $0x990  }
0x58b: {  	[tilespmem:s10], [sflag:$0x2] =	stream.indirect.gather [hbm4b:s4+s15], $0x80, s28, s15, $0xb8;
	[tilespmem:$0x1CD00] =	vst v63  }
0x58c: {  	_ = 	snop  }
0x58d: {  	[tilespmem:s7], [sflag:$0x2] =	stream.indirect.gather [hbm4b:s3+s15], $0x80, s26, s15, $0xb8;
	[tilespmem:$0x1CD00] =	vst v63  }
0x58e: {  	_ = 	snop  }
0x58f: {  	[tilespmem:s8], [sflag:$0x2] =	stream.indirect.gather [hbm4b:s3+s15], $0x80, s28, s15, $0xb8;
	[tilespmem:$0x1CD00] =	vst v63  }
0x590: {  	_ =	swait.ge [sflag:s6], $0x3800  }
0x591: {  	[sflag:s6] =	ssyncset.done $0x0  }
0x592: {  	[sflag:s6] =	ssyncadd.s32 $0xFFFFC800  }
0x593: {  	_ =	swait.ge [sflag:s6], $0x3800  }
0x594: {  	[sflag:s6] =	ssyncset.done $0x0  }
0x595: {  	[sflag:s6] =	ssyncadd.s32 $0xFFFFC800  }
0x596: {  	_ =	swait.ge [sflag:s6], $0x3800  }
0x597: {  	[sflag:s6] =	ssyncset.done $0x0  }
0x598: {  	[sflag:s6] =	ssyncadd.s32 $0xFFFFC800  }
0x599: {  	_ =	swait.ge [sflag:s6], $0x3800  }
0x59a: {  	s30 =	sld [smem:$0x7DE]  }
0x59b: {  	[sflag:s6] =	ssyncset.done $0x0  }
0x59c: {  	s31 =	sld [smem:$0x7DF];
	[sflag:s6] =	ssyncadd.s32 $0xFFFFC800  }
0x59d: {  	[hbm4b:s30+s2] =	stream.linear.scatter [tilespmem:s14], [sflag:$0x1], $0x3800, $0x38;
	[tilespmem:$0x1CD00] =	vst v63  }
0x59e: {  	s16 =	sld [smem:$0x7E0]  }
0x59f: {  	[hbm4b:s31+s2] =	stream.linear.scatter [tilespmem:s13], [sflag:$0x1], $0x3800, $0x38;
	[tilespmem:$0x1CD00] =	vst v63  }
0x5a0: {  	s17 =	sld [smem:$0x7E1]  }
0x5a1: {  	[hbm4b:s16+s2] =	stream.linear.scatter [tilespmem:s11], [sflag:$0x1], $0x3800, $0x38;
	[tilespmem:$0x1CD00] =	vst v63  }
0x5a2: {  	_ = 	snop  }
0x5a3: {  	[hbm4b:s17+s2] =	stream.linear.scatter [tilespmem:s12], [sflag:$0x1], $0x3800, $0x38;
	[tilespmem:$0x1CD00] =	vst v63  }
0x5a4: {  	_ =	swait.ge [sflag:s6], $0x3800  }
0x5a5: {  	[sflag:s6] =	ssyncset.done $0x0  }
0x5a6: {  	[sflag:s6] =	ssyncadd.s32 $0xFFFFC800  }
0x5a7: {  	_ =	swait.ge [sflag:s6], $0x3800  }
0x5a8: {  	[sflag:s6] =	ssyncset.done $0x0  }
0x5a9: {  	[sflag:s6] =	ssyncadd.s32 $0xFFFFC800  }
0x5aa: {  	_ =	swait.ge [sflag:s6], $0x3800  }
0x5ab: {  	[sflag:s6] =	ssyncset.done $0x0  }
0x5ac: {  	[sflag:s6] =	ssyncadd.s32 $0xFFFFC800  }
0x5ad: {  	_ =	swait.ge [sflag:s6], $0x3800  }
0x5ae: {  	[sflag:s6] =	ssyncset.done $0x0  }
0x5af: {  	s18 =	simm.s32 $0x380;
	[sflag:s6] =	ssyncadd.s32 $0xFFFFC800  }
0x5b0: {  	[tilespmem:s14], [sflag:$0x1] =	stream.indirect.gather [hbm4b:s4+s15], $0x80, s18, s15, $0xb8;
	[tilespmem:$0x1CD00] =	vst v63  }
0x5b1: {  	s19 =	simm.s32 $0xA00  }
0x5b2: {  	[tilespmem:s13], [sflag:$0x1] =	stream.indirect.gather [hbm4b:s4+s15], $0x80, s19, s15, $0xb8;
	[tilespmem:$0x1CD00] =	vst v63  }
0x5b3: {  	_ = 	snop  }
0x5b4: {  	[tilespmem:s11], [sflag:$0x1] =	stream.indirect.gather [hbm4b:s3+s15], $0x80, s18, s15, $0xb8;
	[tilespmem:$0x1CD00] =	vst v63  }
0x5b5: {  	_ = 	snop  }
0x5b6: {  	[tilespmem:s12], [sflag:$0x1] =	stream.indirect.gather [hbm4b:s3+s15], $0x80, s19, s15, $0xb8;
	[tilespmem:$0x1CD00] =	vst v63  }
0x5b7: {  	_ =	swait.ge [sflag:s5], $0x3800  }
0x5b8: {  	[sflag:s5] =	ssyncset.done $0x0  }
0x5b9: {  	[sflag:s5] =	ssyncadd.s32 $0xFFFFC800  }
0x5ba: {  	_ =	swait.ge [sflag:s5], $0x3800  }
0x5bb: {  	[sflag:s5] =	ssyncset.done $0x0  }
0x5bc: {  	[sflag:s5] =	ssyncadd.s32 $0xFFFFC800  }
0x5bd: {  	_ =	swait.ge [sflag:s5], $0x3800  }
0x5be: {  	[sflag:s5] =	ssyncset.done $0x0  }
0x5bf: {  	[sflag:s5] =	ssyncadd.s32 $0xFFFFC800  }
0x5c0: {  	_ =	swait.ge [sflag:s5], $0x3800  }
0x5c1: {  	s20 =	sld [smem:$0x7E2]  }
0x5c2: {  	[sflag:s5] =	ssyncset.done $0x0  }
0x5c3: {  	s21 =	sld [smem:$0x7E3];
	[sflag:s5] =	ssyncadd.s32 $0xFFFFC800  }
0x5c4: {  	[hbm4b:s20+s2] =	stream.linear.scatter [tilespmem:s9], [sflag:$0x2], $0x3800, $0x38;
	[tilespmem:$0x1CD00] =	vst v63  }
0x5c5: {  	s22 =	sld [smem:$0x7E4]  }
0x5c6: {  	[hbm4b:s21+s2] =	stream.linear.scatter [tilespmem:s10], [sflag:$0x2], $0x3800, $0x38;
	[tilespmem:$0x1CD00] =	vst v63  }
0x5c7: {  	s23 =	sld [smem:$0x7E5]  }
0x5c8: {  	[hbm4b:s22+s2] =	stream.linear.scatter [tilespmem:s7], [sflag:$0x2], $0x3800, $0x38;
	[tilespmem:$0x1CD00] =	vst v63  }
0x5c9: {  	_ = 	snop  }
0x5ca: {  	[hbm4b:s23+s2] =	stream.linear.scatter [tilespmem:s8], [sflag:$0x2], $0x3800, $0x38;
	[tilespmem:$0x1CD00] =	vst v63  }
0x5cb: {  	_ =	swait.ge [sflag:s5], $0x3800  }
0x5cc: {  	[sflag:s5] =	ssyncset.done $0x0  }
0x5cd: {  	[sflag:s5] =	ssyncadd.s32 $0xFFFFC800  }
0x5ce: {  	_ =	swait.ge [sflag:s5], $0x3800  }
0x5cf: {  	[sflag:s5] =	ssyncset.done $0x0  }
0x5d0: {  	[sflag:s5] =	ssyncadd.s32 $0xFFFFC800  }
0x5d1: {  	_ =	swait.ge [sflag:s5], $0x3800  }
0x5d2: {  	[sflag:s5] =	ssyncset.done $0x0  }
0x5d3: {  	[sflag:s5] =	ssyncadd.s32 $0xFFFFC800  }
0x5d4: {  	_ =	swait.ge [sflag:s5], $0x3800  }
0x5d5: {  	[sflag:s5] =	ssyncset.done $0x0  }
0x5d6: {  	s24 =	simm.s32 $0x3F0;
	[sflag:s5] =	ssyncadd.s32 $0xFFFFC800  }
0x5d7: {  	[tilespmem:s9], [sflag:$0x2] =	stream.indirect.gather [hbm4b:s4+s15], $0x80, s24, s15, $0xb8;
	[tilespmem:$0x1CD00] =	vst v63  }
0x5d8: {  	s25 =	simm.s32 $0xA70  }
0x5d9: {  	[tilespmem:s10], [sflag:$0x2] =	stream.indirect.gather [hbm4b:s4+s15], $0x80, s25, s15, $0xb8;
	[tilespmem:$0x1CD00] =	vst v63  }
0x5da: {  	_ = 	snop  }
0x5db: {  	[tilespmem:s7], [sflag:$0x2] =	stream.indirect.gather [hbm4b:s3+s15], $0x80, s24, s15, $0xb8;
	[tilespmem:$0x1CD00] =	vst v63  }
0x5dc: {  	_ = 	snop  }
0x5dd: {  	[tilespmem:s8], [sflag:$0x2] =	stream.indirect.gather [hbm4b:s3+s15], $0x80, s25, s15, $0xb8;
	[tilespmem:$0x1CD00] =	vst v63  }
0x5de: {  	_ =	swait.ge [sflag:s6], $0x3800  }
0x5df: {  	[sflag:s6] =	ssyncset.done $0x0  }
0x5e0: {  	[sflag:s6] =	ssyncadd.s32 $0xFFFFC800  }
0x5e1: {  	_ =	swait.ge [sflag:s6], $0x3800  }
0x5e2: {  	[sflag:s6] =	ssyncset.done $0x0  }
0x5e3: {  	[sflag:s6] =	ssyncadd.s32 $0xFFFFC800  }
0x5e4: {  	_ =	swait.ge [sflag:s6], $0x3800  }
0x5e5: {  	[sflag:s6] =	ssyncset.done $0x0  }
0x5e6: {  	[sflag:s6] =	ssyncadd.s32 $0xFFFFC800  }
0x5e7: {  	_ =	swait.ge [sflag:s6], $0x3800  }
0x5e8: {  	s26 =	sld [smem:$0x7E6]  }
0x5e9: {  	[sflag:s6] =	ssyncset.done $0x0  }
0x5ea: {  	s28 =	sld [smem:$0x7E7];
	[sflag:s6] =	ssyncadd.s32 $0xFFFFC800  }
0x5eb: {  	[hbm4b:s26+s2] =	stream.linear.scatter [tilespmem:s14], [sflag:$0x1], $0x3800, $0x38;
	[tilespmem:$0x1CD00] =	vst v63  }
0x5ec: {  	s30 =	sld [smem:$0x7E8]  }
0x5ed: {  	[hbm4b:s28+s2] =	stream.linear.scatter [tilespmem:s13], [sflag:$0x1], $0x3800, $0x38;
	[tilespmem:$0x1CD00] =	vst v63  }
0x5ee: {  	s31 =	sld [smem:$0x7E9]  }
0x5ef: {  	[hbm4b:s30+s2] =	stream.linear.scatter [tilespmem:s11], [sflag:$0x1], $0x3800, $0x38;
	[tilespmem:$0x1CD00] =	vst v63  }
0x5f0: {  	_ = 	snop  }
0x5f1: {  	[hbm4b:s31+s2] =	stream.linear.scatter [tilespmem:s12], [sflag:$0x1], $0x3800, $0x38;
	[tilespmem:$0x1CD00] =	vst v63  }
0x5f2: {  	_ =	swait.ge [sflag:s6], $0x3800  }
0x5f3: {  	[sflag:s6] =	ssyncset.done $0x0  }
0x5f4: {  	[sflag:s6] =	ssyncadd.s32 $0xFFFFC800  }
0x5f5: {  	_ =	swait.ge [sflag:s6], $0x3800  }
0x5f6: {  	[sflag:s6] =	ssyncset.done $0x0  }
0x5f7: {  	[sflag:s6] =	ssyncadd.s32 $0xFFFFC800  }
0x5f8: {  	_ =	swait.ge [sflag:s6], $0x3800  }
0x5f9: {  	[sflag:s6] =	ssyncset.done $0x0  }
0x5fa: {  	[sflag:s6] =	ssyncadd.s32 $0xFFFFC800  }
0x5fb: {  	_ =	swait.ge [sflag:s6], $0x3800  }
0x5fc: {  	[sflag:s6] =	ssyncset.done $0x0  }
0x5fd: {  	s16 =	simm.s32 $0x460;
	[sflag:s6] =	ssyncadd.s32 $0xFFFFC800  }
0x5fe: {  	[tilespmem:s14], [sflag:$0x1] =	stream.indirect.gather [hbm4b:s4+s15], $0x80, s16, s15, $0xb8;
	[tilespmem:$0x1CD00] =	vst v63  }
0x5ff: {  	s17 =	simm.s32 $0xAE0  }
0x600: {  	[tilespmem:s13], [sflag:$0x1] =	stream.indirect.gather [hbm4b:s4+s15], $0x80, s17, s15, $0xb8;
	[tilespmem:$0x1CD00] =	vst v63  }
0x601: {  	_ = 	snop  }
0x602: {  	[tilespmem:s11], [sflag:$0x1] =	stream.indirect.gather [hbm4b:s3+s15], $0x80, s16, s15, $0xb8;
	[tilespmem:$0x1CD00] =	vst v63  }
0x603: {  	_ = 	snop  }
0x604: {  	[tilespmem:s12], [sflag:$0x1] =	stream.indirect.gather [hbm4b:s3+s15], $0x80, s17, s15, $0xb8;
	[tilespmem:$0x1CD00] =	vst v63  }
0x605: {  	_ =	swait.ge [sflag:s5], $0x3800  }
0x606: {  	[sflag:s5] =	ssyncset.done $0x0  }
0x607: {  	[sflag:s5] =	ssyncadd.s32 $0xFFFFC800  }
0x608: {  	_ =	swait.ge [sflag:s5], $0x3800  }
0x609: {  	[sflag:s5] =	ssyncset.done $0x0  }
0x60a: {  	[sflag:s5] =	ssyncadd.s32 $0xFFFFC800  }
0x60b: {  	_ =	swait.ge [sflag:s5], $0x3800  }
0x60c: {  	[sflag:s5] =	ssyncset.done $0x0  }
0x60d: {  	[sflag:s5] =	ssyncadd.s32 $0xFFFFC800  }
0x60e: {  	_ =	swait.ge [sflag:s5], $0x3800  }
0x60f: {  	s18 =	sld [smem:$0x7EA]  }
0x610: {  	[sflag:s5] =	ssyncset.done $0x0  }
0x611: {  	s19 =	sld [smem:$0x7EB];
	[sflag:s5] =	ssyncadd.s32 $0xFFFFC800  }
0x612: {  	[hbm4b:s18+s2] =	stream.linear.scatter [tilespmem:s9], [sflag:$0x2], $0x3800, $0x38;
	[tilespmem:$0x1CD00] =	vst v63  }
0x613: {  	s20 =	sld [smem:$0x7EC]  }
0x614: {  	[hbm4b:s19+s2] =	stream.linear.scatter [tilespmem:s10], [sflag:$0x2], $0x3800, $0x38;
	[tilespmem:$0x1CD00] =	vst v63  }
0x615: {  	s21 =	sld [smem:$0x7ED]  }
0x616: {  	[hbm4b:s20+s2] =	stream.linear.scatter [tilespmem:s7], [sflag:$0x2], $0x3800, $0x38;
	[tilespmem:$0x1CD00] =	vst v63  }
0x617: {  	_ = 	snop  }
0x618: {  	[hbm4b:s21+s2] =	stream.linear.scatter [tilespmem:s8], [sflag:$0x2], $0x3800, $0x38;
	[tilespmem:$0x1CD00] =	vst v63  }
0x619: {  	_ =	swait.ge [sflag:s5], $0x3800  }
0x61a: {  	[sflag:s5] =	ssyncset.done $0x0  }
0x61b: {  	[sflag:s5] =	ssyncadd.s32 $0xFFFFC800  }
0x61c: {  	_ =	swait.ge [sflag:s5], $0x3800  }
0x61d: {  	[sflag:s5] =	ssyncset.done $0x0  }
0x61e: {  	[sflag:s5] =	ssyncadd.s32 $0xFFFFC800  }
0x61f: {  	_ =	swait.ge [sflag:s5], $0x3800  }
0x620: {  	[sflag:s5] =	ssyncset.done $0x0  }
0x621: {  	[sflag:s5] =	ssyncadd.s32 $0xFFFFC800  }
0x622: {  	_ =	swait.ge [sflag:s5], $0x3800  }
0x623: {  	[sflag:s5] =	ssyncset.done $0x0  }
0x624: {  	s22 =	simm.s32 $0x4D0;
	[sflag:s5] =	ssyncadd.s32 $0xFFFFC800  }
0x625: {  	[tilespmem:s9], [sflag:$0x2] =	stream.indirect.gather [hbm4b:s4+s15], $0x80, s22, s15, $0xb8;
	[tilespmem:$0x1CD00] =	vst v63  }
0x626: {  	s23 =	simm.s32 $0xB50  }
0x627: {  	[tilespmem:s10], [sflag:$0x2] =	stream.indirect.gather [hbm4b:s4+s15], $0x80, s23, s15, $0xb8;
	[tilespmem:$0x1CD00] =	vst v63  }
0x628: {  	_ = 	snop  }
0x629: {  	[tilespmem:s7], [sflag:$0x2] =	stream.indirect.gather [hbm4b:s3+s15], $0x80, s22, s15, $0xb8;
	[tilespmem:$0x1CD00] =	vst v63  }
0x62a: {  	_ = 	snop  }
0x62b: {  	[tilespmem:s8], [sflag:$0x2] =	stream.indirect.gather [hbm4b:s3+s15], $0x80, s23, s15, $0xb8;
	[tilespmem:$0x1CD00] =	vst v63  }
0x62c: {  	_ =	swait.ge [sflag:s6], $0x3800  }
0x62d: {  	[sflag:s6] =	ssyncset.done $0x0  }
0x62e: {  	[sflag:s6] =	ssyncadd.s32 $0xFFFFC800  }
0x62f: {  	_ =	swait.ge [sflag:s6], $0x3800  }
0x630: {  	[sflag:s6] =	ssyncset.done $0x0  }
0x631: {  	[sflag:s6] =	ssyncadd.s32 $0xFFFFC800  }
0x632: {  	_ =	swait.ge [sflag:s6], $0x3800  }
0x633: {  	[sflag:s6] =	ssyncset.done $0x0  }
0x634: {  	[sflag:s6] =	ssyncadd.s32 $0xFFFFC800  }
0x635: {  	_ =	swait.ge [sflag:s6], $0x3800  }
0x636: {  	s24 =	sld [smem:$0x7EE]  }
0x637: {  	[sflag:s6] =	ssyncset.done $0x0  }
0x638: {  	s25 =	sld [smem:$0x7EF];
	[sflag:s6] =	ssyncadd.s32 $0xFFFFC800  }
0x639: {  	[hbm4b:s24+s2] =	stream.linear.scatter [tilespmem:s14], [sflag:$0x1], $0x3800, $0x38;
	[tilespmem:$0x1CD00] =	vst v63  }
0x63a: {  	s26 =	sld [smem:$0x7F0]  }
0x63b: {  	[hbm4b:s25+s2] =	stream.linear.scatter [tilespmem:s13], [sflag:$0x1], $0x3800, $0x38;
	[tilespmem:$0x1CD00] =	vst v63  }
0x63c: {  	s28 =	sld [smem:$0x7F1]  }
0x63d: {  	[hbm4b:s26+s2] =	stream.linear.scatter [tilespmem:s11], [sflag:$0x1], $0x3800, $0x38;
	[tilespmem:$0x1CD00] =	vst v63  }
0x63e: {  	_ = 	snop  }
0x63f: {  	[hbm4b:s28+s2] =	stream.linear.scatter [tilespmem:s12], [sflag:$0x1], $0x3800, $0x38;
	[tilespmem:$0x1CD00] =	vst v63  }
0x640: {  	_ =	swait.ge [sflag:s6], $0x3800  }
0x641: {  	[sflag:s6] =	ssyncset.done $0x0  }
0x642: {  	[sflag:s6] =	ssyncadd.s32 $0xFFFFC800  }
0x643: {  	_ =	swait.ge [sflag:s6], $0x3800  }
0x644: {  	[sflag:s6] =	ssyncset.done $0x0  }
0x645: {  	[sflag:s6] =	ssyncadd.s32 $0xFFFFC800  }
0x646: {  	_ =	swait.ge [sflag:s6], $0x3800  }
0x647: {  	[sflag:s6] =	ssyncset.done $0x0  }
0x648: {  	[sflag:s6] =	ssyncadd.s32 $0xFFFFC800  }
0x649: {  	_ =	swait.ge [sflag:s6], $0x3800  }
0x64a: {  	[sflag:s6] =	ssyncset.done $0x0  }
0x64b: {  	s30 =	simm.s32 $0x540;
	[sflag:s6] =	ssyncadd.s32 $0xFFFFC800  }
0x64c: {  	[tilespmem:s14], [sflag:$0x1] =	stream.indirect.gather [hbm4b:s4+s15], $0x80, s30, s15, $0xb8;
	[tilespmem:$0x1CD00] =	vst v63  }
0x64d: {  	s31 =	simm.s32 $0xBC0  }
0x64e: {  	[tilespmem:s13], [sflag:$0x1] =	stream.indirect.gather [hbm4b:s4+s15], $0x80, s31, s15, $0xb8;
	[tilespmem:$0x1CD00] =	vst v63  }
0x64f: {  	_ = 	snop  }
0x650: {  	[tilespmem:s11], [sflag:$0x1] =	stream.indirect.gather [hbm4b:s3+s15], $0x80, s30, s15, $0xb8;
	[tilespmem:$0x1CD00] =	vst v63  }
0x651: {  	_ = 	snop  }
0x652: {  	[tilespmem:s12], [sflag:$0x1] =	stream.indirect.gather [hbm4b:s3+s15], $0x80, s31, s15, $0xb8;
	[tilespmem:$0x1CD00] =	vst v63  }
0x653: {  	_ =	swait.ge [sflag:s5], $0x3800  }
0x654: {  	[sflag:s5] =	ssyncset.done $0x0  }
0x655: {  	[sflag:s5] =	ssyncadd.s32 $0xFFFFC800  }
0x656: {  	_ =	swait.ge [sflag:s5], $0x3800  }
0x657: {  	[sflag:s5] =	ssyncset.done $0x0  }
0x658: {  	[sflag:s5] =	ssyncadd.s32 $0xFFFFC800  }
0x659: {  	_ =	swait.ge [sflag:s5], $0x3800  }
0x65a: {  	[sflag:s5] =	ssyncset.done $0x0  }
0x65b: {  	[sflag:s5] =	ssyncadd.s32 $0xFFFFC800  }
0x65c: {  	_ =	swait.ge [sflag:s5], $0x3800  }
0x65d: {  	s16 =	sld [smem:$0x7F2]  }
0x65e: {  	[sflag:s5] =	ssyncset.done $0x0  }
0x65f: {  	s17 =	sld [smem:$0x7F3];
	[sflag:s5] =	ssyncadd.s32 $0xFFFFC800  }
0x660: {  	[hbm4b:s16+s2] =	stream.linear.scatter [tilespmem:s9], [sflag:$0x2], $0x3800, $0x38;
	[tilespmem:$0x1CD00] =	vst v63  }
0x661: {  	s18 =	sld [smem:$0x7F4]  }
0x662: {  	[hbm4b:s17+s2] =	stream.linear.scatter [tilespmem:s10], [sflag:$0x2], $0x3800, $0x38;
	[tilespmem:$0x1CD00] =	vst v63  }
0x663: {  	s19 =	sld [smem:$0x7F5]  }
0x664: {  	[hbm4b:s18+s2] =	stream.linear.scatter [tilespmem:s7], [sflag:$0x2], $0x3800, $0x38;
	[tilespmem:$0x1CD00] =	vst v63  }
0x665: {  	_ = 	snop  }
0x666: {  	[hbm4b:s19+s2] =	stream.linear.scatter [tilespmem:s8], [sflag:$0x2], $0x3800, $0x38;
	[tilespmem:$0x1CD00] =	vst v63  }
0x667: {  	_ =	swait.ge [sflag:s5], $0x3800  }
0x668: {  	[sflag:s5] =	ssyncset.done $0x0  }
0x669: {  	[sflag:s5] =	ssyncadd.s32 $0xFFFFC800  }
0x66a: {  	_ =	swait.ge [sflag:s5], $0x3800  }
0x66b: {  	[sflag:s5] =	ssyncset.done $0x0  }
0x66c: {  	[sflag:s5] =	ssyncadd.s32 $0xFFFFC800  }
0x66d: {  	_ =	swait.ge [sflag:s5], $0x3800  }
0x66e: {  	[sflag:s5] =	ssyncset.done $0x0  }
0x66f: {  	[sflag:s5] =	ssyncadd.s32 $0xFFFFC800  }
0x670: {  	_ =	swait.ge [sflag:s5], $0x3800  }
0x671: {  	[sflag:s5] =	ssyncset.done $0x0  }
0x672: {  	s20 =	simm.s32 $0x5B0;
	[sflag:s5] =	ssyncadd.s32 $0xFFFFC800  }
0x673: {  	[tilespmem:s9], [sflag:$0x2] =	stream.indirect.gather [hbm4b:s4+s15], $0x80, s20, s15, $0xb8;
	[tilespmem:$0x1CD00] =	vst v63  }
0x674: {  	s21 =	simm.s32 $0xC30  }
0x675: {  	[tilespmem:s10], [sflag:$0x2] =	stream.indirect.gather [hbm4b:s4+s15], $0x80, s21, s15, $0xb8;
	[tilespmem:$0x1CD00] =	vst v63  }
0x676: {  	_ = 	snop  }
0x677: {  	[tilespmem:s7], [sflag:$0x2] =	stream.indirect.gather [hbm4b:s3+s15], $0x80, s20, s15, $0xb8;
	[tilespmem:$0x1CD00] =	vst v63  }
0x678: {  	_ = 	snop  }
0x679: {  	[tilespmem:s8], [sflag:$0x2] =	stream.indirect.gather [hbm4b:s3+s15], $0x80, s21, s15, $0xb8;
	[tilespmem:$0x1CD00] =	vst v63  }
0x67a: {  	_ =	swait.ge [sflag:s6], $0x3800  }
0x67b: {  	[sflag:s6] =	ssyncset.done $0x0  }
0x67c: {  	[sflag:s6] =	ssyncadd.s32 $0xFFFFC800  }
0x67d: {  	_ =	swait.ge [sflag:s6], $0x3800  }
0x67e: {  	[sflag:s6] =	ssyncset.done $0x0  }
0x67f: {  	[sflag:s6] =	ssyncadd.s32 $0xFFFFC800  }
0x680: {  	_ =	swait.ge [sflag:s6], $0x3800  }
0x681: {  	[sflag:s6] =	ssyncset.done $0x0  }
0x682: {  	[sflag:s6] =	ssyncadd.s32 $0xFFFFC800  }
0x683: {  	_ =	swait.ge [sflag:s6], $0x3800  }
0x684: {  	s22 =	sld [smem:$0x7F6]  }
0x685: {  	[sflag:s6] =	ssyncset.done $0x0  }
0x686: {  	s23 =	sld [smem:$0x7F7];
	[sflag:s6] =	ssyncadd.s32 $0xFFFFC800  }
0x687: {  	[hbm4b:s22+s2] =	stream.linear.scatter [tilespmem:s14], [sflag:$0x1], $0x3800, $0x38;
	[tilespmem:$0x1CD00] =	vst v63  }
0x688: {  	s24 =	sld [smem:$0x7F8]  }
0x689: {  	[hbm4b:s23+s2] =	stream.linear.scatter [tilespmem:s13], [sflag:$0x1], $0x3800, $0x38;
	[tilespmem:$0x1CD00] =	vst v63  }
0x68a: {  	s25 =	sld [smem:$0x7F9]  }
0x68b: {  	[hbm4b:s24+s2] =	stream.linear.scatter [tilespmem:s11], [sflag:$0x1], $0x3800, $0x38;
	[tilespmem:$0x1CD00] =	vst v63  }
0x68c: {  	_ = 	snop  }
0x68d: {  	[hbm4b:s25+s2] =	stream.linear.scatter [tilespmem:s12], [sflag:$0x1], $0x3800, $0x38;
	[tilespmem:$0x1CD00] =	vst v63  }
0x68e: {  	_ =	swait.ge [sflag:s5], $0x3800  }
0x68f: {  	[sflag:s5] =	ssyncset.done $0x0  }
0x690: {  	[sflag:s5] =	ssyncadd.s32 $0xFFFFC800  }
0x691: {  	_ =	swait.ge [sflag:s5], $0x3800  }
0x692: {  	[sflag:s5] =	ssyncset.done $0x0  }
0x693: {  	[sflag:s5] =	ssyncadd.s32 $0xFFFFC800  }
0x694: {  	_ =	swait.ge [sflag:s5], $0x3800  }
0x695: {  	[sflag:s5] =	ssyncset.done $0x0  }
0x696: {  	[sflag:s5] =	ssyncadd.s32 $0xFFFFC800  }
0x697: {  	_ =	swait.ge [sflag:s5], $0x3800  }
0x698: {  	s26 =	sld [smem:$0x7FA]  }
0x699: {  	[sflag:s5] =	ssyncset.done $0x0  }
0x69a: {  	s28 =	sld [smem:$0x7FB];
	[sflag:s5] =	ssyncadd.s32 $0xFFFFC800  }
0x69b: {  	[hbm4b:s26+s2] =	stream.linear.scatter [tilespmem:s9], [sflag:$0x2], $0x3800, $0x38;
	[tilespmem:$0x1CD00] =	vst v63  }
0x69c: {  	s30 =	sld [smem:$0x7FC]  }
0x69d: {  	[hbm4b:s28+s2] =	stream.linear.scatter [tilespmem:s10], [sflag:$0x2], $0x3800, $0x38;
	[tilespmem:$0x1CD00] =	vst v63  }
0x69e: {  	s31 =	sld [smem:$0x7FD]  }
0x69f: {  	[hbm4b:s30+s2] =	stream.linear.scatter [tilespmem:s7], [sflag:$0x2], $0x3800, $0x38;
	[tilespmem:$0x1CD00] =	vst v63  }
0x6a0: {  	_ = 	snop  }
0x6a1: {  	[hbm4b:s31+s2] =	stream.linear.scatter [tilespmem:s8], [sflag:$0x2], $0x3800, $0x38;
	[tilespmem:$0x1CD00] =	vst v63  }
0x6a2: {  	_ =	swait.ge [sflag:s6], $0x3800  }
0x6a3: {  	[sflag:s6] =	ssyncset.done $0x0  }
0x6a4: {  	[sflag:s6] =	ssyncadd.s32 $0xFFFFC800  }
0x6a5: {  	_ =	swait.ge [sflag:s6], $0x3800  }
0x6a6: {  	[sflag:s6] =	ssyncset.done $0x0  }
0x6a7: {  	[sflag:s6] =	ssyncadd.s32 $0xFFFFC800  }
0x6a8: {  	_ =	swait.ge [sflag:s6], $0x3800  }
0x6a9: {  	[sflag:s6] =	ssyncset.done $0x0  }
0x6aa: {  	[sflag:s6] =	ssyncadd.s32 $0xFFFFC800  }
0x6ab: {  	_ =	swait.ge [sflag:s6], $0x3800  }
0x6ac: {  	[sflag:s6] =	ssyncset.done $0x0  }
0x6ad: {  	[sflag:s6] =	ssyncadd.s32 $0xFFFFC800  }
0x6ae: {  	_ =	swait.ge [sflag:s5], $0x3800  }
0x6af: {  	[sflag:s5] =	ssyncset.done $0x0  }
0x6b0: {  	[sflag:s5] =	ssyncadd.s32 $0xFFFFC800  }
0x6b1: {  	_ =	swait.ge [sflag:s5], $0x3800  }
0x6b2: {  	[sflag:s5] =	ssyncset.done $0x0  }
0x6b3: {  	[sflag:s5] =	ssyncadd.s32 $0xFFFFC800  }
0x6b4: {  	_ =	swait.ge [sflag:s5], $0x3800  }
0x6b5: {  	[sflag:s5] =	ssyncset.done $0x0  }
0x6b6: {  	[sflag:s5] =	ssyncadd.s32 $0xFFFFC800  }
0x6b7: {  	_ =	swait.ge [sflag:s5], $0x3800  }
0x6b8: {  	[sflag:s5] =	ssyncset.done $0x0  }
0x6b9: {  	[sflag:s5] =	ssyncadd.s32 $0xFFFFC800  }
0x6ba: {  	_ =	sfence.sel $0x180000  }
0x6bb: {  	[bflag:$0x0] =	sbarrier.arrive $0xFFFF  }
0x6bc: {  	_ =	strace $0x90000047  }
0x6bd: {  	[bflag:$0x2] =	sbarrier.arrive $0xFFFF  }
0x6be: {  	p0 =	sne.s32 s29, $0x0;
	s0 =	rddreg [dreg:$0x5]  }
0x6bf: {  	s0 =	sadd.s32 @!p0 $0x100000, s0  }
0x6c0: {  	[sflag:s0] =	ssyncadd.tile.s32 @!p0 $0x1;
	_ =	shalt  }
.LBB2_2:
.Ltmp3:
0x6c1: {  	(pc) =	sbr.rel .LBB2_5-.Ltmp3, $2  }
0x6c2: {  	_ =	sdelay $0x2  }
0x6c3: {  	s29 =	stileid.u32  }
.Lfunc_end2:
_tile_overlayer_lowered:
.L_overlay_start_2:
0x6c4: {  	(tag) =	ssettag $0x2  }
0x6c5: {  	s0 =	rddreg [dreg:$0x0];
	s2 =	stileid.u32  }
0x6c6: {  	s1 =	rddreg [dreg:$0x1];
	p0 =	sne.s32 s2, $0x0  }
0x6c7: {  	s3 =	rddreg [dreg:$0x2];
	[bflag:$0x3] =	sbarrier.arrive $0xFFFF;
	s2 =	simm.s32 @!p0 $0x1C03  }
0x6c8: {  	[timem:s3], [sflag:s2] =	dma.local @!p0 [hbm:s0], s1  }
0x6c9: {  	s0 =	simm.s32 @!p0 $0x3  }
0x6ca: {  	_ =	swait.ge @!p0 [sflag:s0], s1  }
0x6cb: {  	s1 =	ssub.s32 @!p0 $0x0, s1;
	[sflag:s0] =	ssyncset.done @!p0 $0x0  }
0x6cc: {  	[sflag:s0] =	ssyncadd.s32 @!p0 s1  }
0x6cd: {  	[bflag:$0x3] =	sbarrier.arrive $0xFFFF  }
0x6ce: {  	_ =	shalt  }

</sc_bundles>
